<compile_context>
chip_gen: v7x
topology: tpu7x:2x2x1
jax: 0.10.2.dev20260603
libtpu: 0.0.44.dev20260713+nightly
codegen_flags: <defaults>
</compile_context>

<pallas_src>
import functools

import jax
import jax.numpy as jnp
from jax import lax
from jax.experimental import pallas as pl
from jax.experimental.pallas import tpu as pltpu
from jax.experimental.pallas import tpu_sc as plsc

_ROWS = 16384
_SEQ = 200
_D = 128
_N = _ROWS * _SEQ
_NC = 2
_NS = 16
_NW = _NC * _NS
_PER_W = _N // _NW
_CH = 400
_NBUF = 2
_NROUND = _PER_W // (_NBUF * _CH)

_mesh = plsc.VectorSubcoreMesh(core_axis_name="c", subcore_axis_name="s")


@functools.partial(
    pl.kernel,
    out_type=jax.ShapeDtypeStruct((_N, _D), jnp.float32),
    mesh=_mesh,
    scratch_types=(
        [pltpu.VMEM((2, _D), jnp.float32)]
        + [pltpu.VMEM((_CH,), jnp.int32) for _ in range(_NBUF)]
        + [pltpu.VMEM((_CH, _D), jnp.float32) for _ in range(_NBUF)]
        + [pltpu.SemaphoreType.DMA for _ in range(3 * _NBUF)]
    ),
)
def _sc_embed(pos_hbm, w_hbm, out_hbm, w_v, *bufs):
    pos_bufs = bufs[:_NBUF]
    out_bufs = bufs[_NBUF:2 * _NBUF]
    psems = bufs[2 * _NBUF:3 * _NBUF]
    osems = bufs[3 * _NBUF:]

    wid = lax.axis_index("s") * _NC + lax.axis_index("c")
    base = wid * _PER_W

    pltpu.sync_copy(w_hbm, w_v)
    w0 = [w_v[0, pl.ds(k * 16, 16)] for k in range(8)]
    df = [w_v[1, pl.ds(k * 16, 16)] - w0[k] for k in range(8)]

    def pos_copy(c, buf, sem):
        return pltpu.make_async_copy(
            pos_hbm.at[pl.ds(base + c * _CH, _CH)], buf, sem)

    _HH = _CH // 2

    def out_copy(c, buf, sem, h):
        return pltpu.make_async_copy(
            buf.at[pl.ds(h * _HH, _HH)],
            out_hbm.at[pl.ds(base + c * _CH + h * _HH, _HH)], sem)

    def compute(pos_b, out_b):
        def grp(g, carry):
            jbase = g * 16
            pv = pos_b[pl.ds(jbase, 16)].astype(jnp.float32)
            for l in range(16):
                pf = pv[l]
                for k in range(8):
                    out_b[jbase + l, pl.ds(k * 16, 16)] = w0[k] + pf * df[k]
            return carry
        lax.fori_loop(0, _CH // 16, grp, 0)

    for b in range(_NBUF):
        pos_copy(b, pos_bufs[b], psems[b]).start()

    def rnd(i, carry):
        cbase = i * _NBUF
        for b in range(_NBUF):
            c = cbase + b
            pos_copy(c, pos_bufs[b], psems[b]).wait()

            @pl.when(i > 0)
            def _():
                for h in range(2):
                    out_copy(c - _NBUF, out_bufs[b], osems[2 * b + h], h).wait()

            compute(pos_bufs[b], out_bufs[b])
            for h in range(2):
                out_copy(c, out_bufs[b], osems[2 * b + h], h).start()

            @pl.when(i < _NROUND - 1)
            def _():
                pos_copy(c + _NBUF, pos_bufs[b], psems[b]).start()
        return carry

    lax.fori_loop(0, _NROUND, rnd, 0)
    for b in range(_NBUF):
        for h in range(2):
            out_copy((_NROUND - 1) * _NBUF + b, out_bufs[b],
                     osems[2 * b + h], h).wait()


def kernel(pos, seg_embd_weight):
    pos_flat = pos.astype(jnp.int32).reshape(_N)
    out = _sc_embed(pos_flat, seg_embd_weight)
    return out.reshape(_ROWS, _SEQ, _D)

# --- scband reference (transcript-rebuilt; emitter-appended) ---
"""Pipeline reference for scband-segemnt-embedding-31903017074803 (READ-ONLY COPY).

The authoritative reference and input builder live on the scoring server;
editing this copy changes nothing except your own understanding.
"""

import jax, jax.numpy as jnp
import numpy as np


def setup_inputs(seed: int = 0) -> dict:
    key = jax.random.key(seed)
    k_pos, k_tab = jax.random.split(key)
    pos = jax.random.randint(k_pos, (16384, 200), 0, 2, dtype=jnp.int64)
    seg_embd_weight = jax.random.normal(k_tab, (2, 128), dtype=jnp.float32)
    return {"pos": pos, "seg_embd_weight": seg_embd_weight}


def reference(pos, seg_embd_weight):
    # nn.Embedding lookup: gather rows of the table by index
    return jnp.take(seg_embd_weight, pos, axis=0)

if __name__ == "__main__":
    import jax
    _d = setup_inputs()
    print(jax.jit(kernel)(*tuple(_d.values())))

</pallas_src>

<mosaic_0001>
#map = affine_map<(d0, d1) -> (0)>
#map1 = affine_map<(d0, d1) -> (0, 0)>
module attributes {stable_mosaic.version = 14 : i64} {
  func.func @_sc_embed(%arg0: i32, %arg1: i32, %arg2: memref<3276800xi32, #tpu.memory_space<hbm>>, %arg3: memref<2x128xf32, #tpu.memory_space<hbm>>, %arg4: memref<3276800x128xf32, #tpu.memory_space<hbm>>, %arg5: memref<2x128xf32, #tpu.memory_space<vmem>>, %arg6: memref<400xi32, #tpu.memory_space<vmem>>, %arg7: memref<400xi32, #tpu.memory_space<vmem>>, %arg8: memref<400x128xf32, #tpu.memory_space<vmem>>, %arg9: memref<400x128xf32, #tpu.memory_space<vmem>>, %arg10: memref<!tpu.dma_semaphore, #tpu.memory_space<semaphore_mem>>, %arg11: memref<!tpu.dma_semaphore, #tpu.memory_space<semaphore_mem>>, %arg12: memref<!tpu.dma_semaphore, #tpu.memory_space<semaphore_mem>>, %arg13: memref<!tpu.dma_semaphore, #tpu.memory_space<semaphore_mem>>, %arg14: memref<!tpu.dma_semaphore, #tpu.memory_space<semaphore_mem>>, %arg15: memref<!tpu.dma_semaphore, #tpu.memory_space<semaphore_mem>>) attributes {dimension_semantics = [#tpu.dimension_semantics<core_parallel>, #tpu.dimension_semantics<subcore_parallel>], iteration_bounds = array<i64: 2, 16>, scalar_prefetch = 0 : i64, scratch_operands = 11 : i64, tpu.core_type = #tpu.core_type<sc_vector_subcore>, window_params = [{transform_indices = #map}, {transform_indices = #map1}, {transform_indices = #map1}]} {
    %mul3A = arith.constant 2 : i32
    %mul3A_0 = arith.muli %arg1, %mul3A : i32
    %add3A = arith.addi %mul3A_0, %arg0 : i32
    %mul3A_1 = arith.constant 102400 : i32
    %mul3A_2 = arith.muli %add3A, %mul3A_1 : i32
    "tpu.region"() ({
      %run_scoped3A = tpu.sem_alloc : memref<!tpu.dma_semaphore, #tpu.memory_space<semaphore_mem>>
      tpu.enqueue_dma source(%arg3 : memref<2x128xf32, #tpu.memory_space<hbm>>) target(%arg5 : memref<2x128xf32, #tpu.memory_space<vmem>>) target_semaphore(%run_scoped3A : memref<!tpu.dma_semaphore, #tpu.memory_space<semaphore_mem>>)
      tpu.wait_dma2 semaphore(%run_scoped3A : memref<!tpu.dma_semaphore, #tpu.memory_space<semaphore_mem>>) src(%arg3 : memref<2x128xf32, #tpu.memory_space<hbm>>) dst(%arg5 : memref<2x128xf32, #tpu.memory_space<vmem>>)
      tpu.yield
    }) : () -> ()
    %get3A = arith.constant 0 : i32
    %get3A_3 = arith.index_cast %get3A : i32 to index
    %get3A_4 = arith.constant 0 : index
    %get3A_5 = tpu.vector_load %arg5[%get3A_3, %get3A_4] {strides = array<i32>} : memref<2x128xf32, #tpu.memory_space<vmem>>, vector<1x16xf32>,
    %get3A_6 = vector.shape_cast %get3A_5 : vector<1x16xf32> to vector<16xf32>
    %get3A_7 = arith.constant 0 : i32
    %get3A_8 = arith.index_cast %get3A_7 : i32 to index
    %get3A_9 = arith.constant 16 : index
    %get3A_10 = tpu.vector_load %arg5[%get3A_8, %get3A_9] {strides = array<i32>} : memref<2x128xf32, #tpu.memory_space<vmem>>, vector<1x16xf32>,
    %get3A_11 = vector.shape_cast %get3A_10 : vector<1x16xf32> to vector<16xf32>
    %get3A_12 = arith.constant 0 : i32
    %get3A_13 = arith.index_cast %get3A_12 : i32 to index
    %get3A_14 = arith.constant 32 : index
    %get3A_15 = tpu.vector_load %arg5[%get3A_13, %get3A_14] {strides = array<i32>} : memref<2x128xf32, #tpu.memory_space<vmem>>, vector<1x16xf32>,
    %get3A_16 = vector.shape_cast %get3A_15 : vector<1x16xf32> to vector<16xf32>
    %get3A_17 = arith.constant 0 : i32
    %get3A_18 = arith.index_cast %get3A_17 : i32 to index
    %get3A_19 = arith.constant 48 : index
    %get3A_20 = tpu.vector_load %arg5[%get3A_18, %get3A_19] {strides = array<i32>} : memref<2x128xf32, #tpu.memory_space<vmem>>, vector<1x16xf32>,
    %get3A_21 = vector.shape_cast %get3A_20 : vector<1x16xf32> to vector<16xf32>
    %get3A_22 = arith.constant 0 : i32
    %get3A_23 = arith.index_cast %get3A_22 : i32 to index
    %get3A_24 = arith.constant 64 : index
    %get3A_25 = tpu.vector_load %arg5[%get3A_23, %get3A_24] {strides = array<i32>} : memref<2x128xf32, #tpu.memory_space<vmem>>, vector<1x16xf32>,
    %get3A_26 = vector.shape_cast %get3A_25 : vector<1x16xf32> to vector<16xf32>
    %get3A_27 = arith.constant 0 : i32
    %get3A_28 = arith.index_cast %get3A_27 : i32 to index
    %get3A_29 = arith.constant 80 : index
    %get3A_30 = tpu.vector_load %arg5[%get3A_28, %get3A_29] {strides = array<i32>} : memref<2x128xf32, #tpu.memory_space<vmem>>, vector<1x16xf32>,
    %get3A_31 = vector.shape_cast %get3A_30 : vector<1x16xf32> to vector<16xf32>
    %get3A_32 = arith.constant 0 : i32
    %get3A_33 = arith.index_cast %get3A_32 : i32 to index
    %get3A_34 = arith.constant 96 : index
    %get3A_35 = tpu.vector_load %arg5[%get3A_33, %get3A_34] {strides = array<i32>} : memref<2x128xf32, #tpu.memory_space<vmem>>, vector<1x16xf32>,
    %get3A_36 = vector.shape_cast %get3A_35 : vector<1x16xf32> to vector<16xf32>
    %get3A_37 = arith.constant 0 : i32
    %get3A_38 = arith.index_cast %get3A_37 : i32 to index
    %get3A_39 = arith.constant 112 : index
    %get3A_40 = tpu.vector_load %arg5[%get3A_38, %get3A_39] {strides = array<i32>} : memref<2x128xf32, #tpu.memory_space<vmem>>, vector<1x16xf32>,
    %get3A_41 = vector.shape_cast %get3A_40 : vector<1x16xf32> to vector<16xf32>
    %get3A_42 = arith.constant 1 : i32
    %get3A_43 = arith.index_cast %get3A_42 : i32 to index
    %get3A_44 = arith.constant 0 : index
    %get3A_45 = tpu.vector_load %arg5[%get3A_43, %get3A_44] {strides = array<i32>} : memref<2x128xf32, #tpu.memory_space<vmem>>, vector<1x16xf32>,
    %get3A_46 = vector.shape_cast %get3A_45 : vector<1x16xf32> to vector<16xf32>
    %sub3A = arith.subf %get3A_46, %get3A_6 : vector<16xf32>
    %get3A_47 = arith.constant 1 : i32
    %get3A_48 = arith.index_cast %get3A_47 : i32 to index
    %get3A_49 = arith.constant 16 : index
    %get3A_50 = tpu.vector_load %arg5[%get3A_48, %get3A_49] {strides = array<i32>} : memref<2x128xf32, #tpu.memory_space<vmem>>, vector<1x16xf32>,
    %get3A_51 = vector.shape_cast %get3A_50 : vector<1x16xf32> to vector<16xf32>
    %sub3A_52 = arith.subf %get3A_51, %get3A_11 : vector<16xf32>
    %get3A_53 = arith.constant 1 : i32
    %get3A_54 = arith.index_cast %get3A_53 : i32 to index
    %get3A_55 = arith.constant 32 : index
    %get3A_56 = tpu.vector_load %arg5[%get3A_54, %get3A_55] {strides = array<i32>} : memref<2x128xf32, #tpu.memory_space<vmem>>, vector<1x16xf32>,
    %get3A_57 = vector.shape_cast %get3A_56 : vector<1x16xf32> to vector<16xf32>
    %sub3A_58 = arith.subf %get3A_57, %get3A_16 : vector<16xf32>
    %get3A_59 = arith.constant 1 : i32
    %get3A_60 = arith.index_cast %get3A_59 : i32 to index
    %get3A_61 = arith.constant 48 : index
    %get3A_62 = tpu.vector_load %arg5[%get3A_60, %get3A_61] {strides = array<i32>} : memref<2x128xf32, #tpu.memory_space<vmem>>, vector<1x16xf32>,
    %get3A_63 = vector.shape_cast %get3A_62 : vector<1x16xf32> to vector<16xf32>
    %sub3A_64 = arith.subf %get3A_63, %get3A_21 : vector<16xf32>
    %get3A_65 = arith.constant 1 : i32
    %get3A_66 = arith.index_cast %get3A_65 : i32 to index
    %get3A_67 = arith.constant 64 : index
    %get3A_68 = tpu.vector_load %arg5[%get3A_66, %get3A_67] {strides = array<i32>} : memref<2x128xf32, #tpu.memory_space<vmem>>, vector<1x16xf32>,
    %get3A_69 = vector.shape_cast %get3A_68 : vector<1x16xf32> to vector<16xf32>
    %sub3A_70 = arith.subf %get3A_69, %get3A_26 : vector<16xf32>
    %get3A_71 = arith.constant 1 : i32
    %get3A_72 = arith.index_cast %get3A_71 : i32 to index
    %get3A_73 = arith.constant 80 : index
    %get3A_74 = tpu.vector_load %arg5[%get3A_72, %get3A_73] {strides = array<i32>} : memref<2x128xf32, #tpu.memory_space<vmem>>, vector<1x16xf32>,
    %get3A_75 = vector.shape_cast %get3A_74 : vector<1x16xf32> to vector<16xf32>
    %sub3A_76 = arith.subf %get3A_75, %get3A_31 : vector<16xf32>
    %get3A_77 = arith.constant 1 : i32
    %get3A_78 = arith.index_cast %get3A_77 : i32 to index
    %get3A_79 = arith.constant 96 : index
    %get3A_80 = tpu.vector_load %arg5[%get3A_78, %get3A_79] {strides = array<i32>} : memref<2x128xf32, #tpu.memory_space<vmem>>, vector<1x16xf32>,
    %get3A_81 = vector.shape_cast %get3A_80 : vector<1x16xf32> to vector<16xf32>
    %sub3A_82 = arith.subf %get3A_81, %get3A_36 : vector<16xf32>
    %get3A_83 = arith.constant 1 : i32
    %get3A_84 = arith.index_cast %get3A_83 : i32 to index
    %get3A_85 = arith.constant 112 : index
    %get3A_86 = tpu.vector_load %arg5[%get3A_84, %get3A_85] {strides = array<i32>} : memref<2x128xf32, #tpu.memory_space<vmem>>, vector<1x16xf32>,
    %get3A_87 = vector.shape_cast %get3A_86 : vector<1x16xf32> to vector<16xf32>
    %sub3A_88 = arith.subf %get3A_87, %get3A_41 : vector<16xf32>
    %add3A_89 = arith.constant 0 : i32
    %add3A_90 = arith.addi %mul3A_2, %add3A_89 : i32
    %dma_start3A = tpu.memref_slice %arg2[%add3A_90] : memref<3276800xi32, #tpu.memory_space<hbm>> -> memref<400xi32, #tpu.memory_space<hbm>>
    %dma_start3A_91 = tpu.memref_slice %arg2[%add3A_90] : memref<3276800xi32, #tpu.memory_space<hbm>> -> memref<400xi32, #tpu.memory_space<hbm>>
    tpu.enqueue_dma source(%dma_start3A_91 : memref<400xi32, #tpu.memory_space<hbm>>) target(%arg6 : memref<400xi32, #tpu.memory_space<vmem>>) target_semaphore(%arg10 : memref<!tpu.dma_semaphore, #tpu.memory_space<semaphore_mem>>)
    %add3A_92 = arith.constant 400 : i32
    %add3A_93 = arith.addi %mul3A_2, %add3A_92 : i32
    %dma_start3A_94 = tpu.memref_slice %arg2[%add3A_93] : memref<3276800xi32, #tpu.memory_space<hbm>> -> memref<400xi32, #tpu.memory_space<hbm>>
    %dma_start3A_95 = tpu.memref_slice %arg2[%add3A_93] : memref<3276800xi32, #tpu.memory_space<hbm>> -> memref<400xi32, #tpu.memory_space<hbm>>
    tpu.enqueue_dma source(%dma_start3A_95 : memref<400xi32, #tpu.memory_space<hbm>>) target(%arg7 : memref<400xi32, #tpu.memory_space<vmem>>) target_semaphore(%arg11 : memref<!tpu.dma_semaphore, #tpu.memory_space<semaphore_mem>>)
    %scan3A = arith.constant 0 : i32
    %scan3A_96 = arith.constant 0 : i32
    %scan3A_97 = arith.constant 128 : i32
    %scan3A_98 = arith.addi %scan3A_96, %scan3A_97 : i32
    %scan3A_99 = arith.constant 1 : i32
    scf.for %scan3A_156 = %scan3A_96 to %scan3A_98 step %scan3A_99  : i32 {
      %mul3A_157 = arith.constant 2 : i32
      %mul3A_158 = arith.muli %scan3A_156, %mul3A_157 : i32
      %add3A_159 = arith.constant 0 : i32
      %add3A_160 = arith.addi %mul3A_158, %add3A_159 : i32
      %mul3A_161 = arith.constant 400 : i32
      %mul3A_162 = arith.muli %add3A_160, %mul3A_161 : i32
      %add3A_163 = arith.addi %mul3A_2, %mul3A_162 : i32
      %dma_wait3A_164 = tpu.memref_slice %arg2[%add3A_163] : memref<3276800xi32, #tpu.memory_space<hbm>> -> memref<400xi32, #tpu.memory_space<hbm>>
      %dma_wait3A_165 = tpu.memref_slice %arg2[%add3A_163] : memref<3276800xi32, #tpu.memory_space<hbm>> -> memref<400xi32, #tpu.memory_space<hbm>>
      tpu.wait_dma2 semaphore(%arg10 : memref<!tpu.dma_semaphore, #tpu.memory_space<semaphore_mem>>) src(%dma_wait3A_165 : memref<400xi32, #tpu.memory_space<hbm>>) dst(%arg6 : memref<400xi32, #tpu.memory_space<vmem>>)
      %gt3A = arith.constant 0 : i32
      %gt3A_166 = arith.cmpi sgt, %scan3A_156, %gt3A : i32
      %convert_element_type3A = arith.extui %gt3A_166 : i1 to i32
      %cond3A = arith.constant 0 : i32
      %cond3A_167 = arith.cmpi ne, %convert_element_type3A, %cond3A : i32
      scf.if %cond3A_167 {
        %sub3A_261 = arith.constant 2 : i32
        %sub3A_262 = arith.subi %add3A_160, %sub3A_261 : i32
        %mul3A_263 = arith.constant 400 : i32
        %mul3A_264 = arith.muli %sub3A_262, %mul3A_263 : i32
        %add3A_265 = arith.addi %mul3A_2, %mul3A_264 : i32
        %add3A_266 = arith.constant 0 : i32
        %add3A_267 = arith.addi %add3A_265, %add3A_266 : i32
        %dma_wait3A_268 = arith.constant 0 : i32
        %dma_wait3A_269 = arith.constant 0 : i32
        %dma_wait3A_270 = tpu.memref_slice %arg8[%dma_wait3A_268, %dma_wait3A_269] : memref<400x128xf32, #tpu.memory_space<vmem>> -> memref<200x128xf32, #tpu.memory_space<vmem>>
        %dma_wait3A_271 = arith.constant 0 : i32
        %dma_wait3A_272 = tpu.memref_slice %arg4[%add3A_267, %dma_wait3A_271] : memref<3276800x128xf32, #tpu.memory_space<hbm>> -> memref<200x128xf32, #tpu.memory_space<hbm>>
        %dma_wait3A_273 = arith.constant 0 : i32
        %dma_wait3A_274 = tpu.memref_slice %arg4[%add3A_267, %dma_wait3A_273] : memref<3276800x128xf32, #tpu.memory_space<hbm>> -> memref<200x128xf32, #tpu.memory_space<hbm>>
        %dma_wait3A_275 = arith.constant 0 : i32
        %dma_wait3A_276 = arith.constant 0 : i32
        %dma_wait3A_277 = tpu.memref_slice %arg8[%dma_wait3A_275, %dma_wait3A_276] : memref<400x128xf32, #tpu.memory_space<vmem>> -> memref<200x128xf32, #tpu.memory_space<vmem>>
        tpu.wait_dma2 semaphore(%arg12 : memref<!tpu.dma_semaphore, #tpu.memory_space<semaphore_mem>>) src(%dma_wait3A_277 : memref<200x128xf32, #tpu.memory_space<vmem>>) dst(%dma_wait3A_274 : memref<200x128xf32, #tpu.memory_space<hbm>>)
        %sub3A_278 = arith.constant 2 : i32
        %sub3A_279 = arith.subi %add3A_160, %sub3A_278 : i32
        %mul3A_280 = arith.constant 400 : i32
        %mul3A_281 = arith.muli %sub3A_279, %mul3A_280 : i32
        %add3A_282 = arith.addi %mul3A_2, %mul3A_281 : i32
        %add3A_283 = arith.constant 200 : i32
        %add3A_284 = arith.addi %add3A_282, %add3A_283 : i32
        %dma_wait3A_285 = arith.constant 200 : i32
        %dma_wait3A_286 = arith.constant 0 : i32
        %dma_wait3A_287 = tpu.memref_slice %arg8[%dma_wait3A_285, %dma_wait3A_286] : memref<400x128xf32, #tpu.memory_space<vmem>> -> memref<200x128xf32, #tpu.memory_space<vmem>>
        %dma_wait3A_288 = arith.constant 0 : i32
        %dma_wait3A_289 = tpu.memref_slice %arg4[%add3A_284, %dma_wait3A_288] : memref<3276800x128xf32, #tpu.memory_space<hbm>> -> memref<200x128xf32, #tpu.memory_space<hbm>>
        %dma_wait3A_290 = arith.constant 0 : i32
        %dma_wait3A_291 = tpu.memref_slice %arg4[%add3A_284, %dma_wait3A_290] : memref<3276800x128xf32, #tpu.memory_space<hbm>> -> memref<200x128xf32, #tpu.memory_space<hbm>>
        %dma_wait3A_292 = arith.constant 200 : i32
        %dma_wait3A_293 = arith.constant 0 : i32
        %dma_wait3A_294 = tpu.memref_slice %arg8[%dma_wait3A_292, %dma_wait3A_293] : memref<400x128xf32, #tpu.memory_space<vmem>> -> memref<200x128xf32, #tpu.memory_space<vmem>>
        tpu.wait_dma2 semaphore(%arg13 : memref<!tpu.dma_semaphore, #tpu.memory_space<semaphore_mem>>) src(%dma_wait3A_294 : memref<200x128xf32, #tpu.memory_space<vmem>>) dst(%dma_wait3A_291 : memref<200x128xf32, #tpu.memory_space<hbm>>)
      } else {
      }
      %scan3A_168 = arith.constant 0 : i32
      %scan3A_169 = arith.constant 0 : i32
      %scan3A_170 = arith.constant 25 : i32
      %scan3A_171 = arith.addi %scan3A_169, %scan3A_170 : i32
      %scan3A_172 = arith.constant 1 : i32
      scf.for %scan3A_261 = %scan3A_169 to %scan3A_171 step %scan3A_172  : i32 {
        %mul3A_262 = arith.constant 16 : i32
        %mul3A_263 = arith.muli %scan3A_261, %mul3A_262 : i32
        %get3A_264 = arith.index_cast %mul3A_263 : i32 to index
        %get3A_265 = tpu.vector_load %arg6[%get3A_264] {strides = array<i32>} : memref<400xi32, #tpu.memory_space<vmem>>, vector<16xi32>,
        %get3A_266 = vector.shape_cast %get3A_265 : vector<16xi32> to vector<16xi32>
        %convert_element_type3A_267 = arith.sitofp %get3A_266 : vector<16xi32> to vector<16xf32>
        %slice3A = vector.extract_strided_slice %convert_element_type3A_267 {offsets = [0], sizes = [1], strides = [1]} : vector<16xf32> to vector<1xf32>
        %squeeze3A = vector.extract %slice3A[0] : f32 from vector<1xf32>
        %mul3A_268 = vector.broadcast %squeeze3A : f32 to vector<16xf32>
        %mul3A_269 = arith.mulf %mul3A_268, %sub3A : vector<16xf32>
        %add3A_270 = arith.addf %get3A_6, %mul3A_269 : vector<16xf32>
        %add3A_271 = arith.constant 0 : i32
        %add3A_272 = arith.addi %mul3A_263, %add3A_271 : i32
        %swap3A = arith.index_cast %add3A_272 : i32 to index
        %swap3A_273 = arith.constant 0 : index
        %swap3A_274 = tpu.vector_load %arg8[%swap3A, %swap3A_273] {strides = array<i32>} : memref<400x128xf32, #tpu.memory_space<vmem>>, vector<1x16xf32>,
        %swap3A_275 = vector.shape_cast %swap3A_274 : vector<1x16xf32> to vector<16xf32>
        %swap3A_276 = vector.shape_cast %add3A_270 : vector<16xf32> to vector<1x16xf32>
        tpu.vector_store %arg8[%swap3A, %swap3A_273], %swap3A_276 {strides = array<i32>} : memref<400x128xf32, #tpu.memory_space<vmem>>, vector<1x16xf32>,
        %mul3A_277 = vector.broadcast %squeeze3A : f32 to vector<16xf32>
        %mul3A_278 = arith.mulf %mul3A_277, %sub3A_52 : vector<16xf32>
        %add3A_279 = arith.addf %get3A_11, %mul3A_278 : vector<16xf32>
        %add3A_280 = arith.constant 0 : i32
        %add3A_281 = arith.addi %mul3A_263, %add3A_280 : i32
        %swap3A_282 = arith.index_cast %add3A_281 : i32 to index
        %swap3A_283 = arith.constant 16 : index
        %swap3A_284 = tpu.vector_load %arg8[%swap3A_282, %swap3A_283] {strides = array<i32>} : memref<400x128xf32, #tpu.memory_space<vmem>>, vector<1x16xf32>,
        %swap3A_285 = vector.shape_cast %swap3A_284 : vector<1x16xf32> to vector<16xf32>
        %swap3A_286 = vector.shape_cast %add3A_279 : vector<16xf32> to vector<1x16xf32>
        tpu.vector_store %arg8[%swap3A_282, %swap3A_283], %swap3A_286 {strides = array<i32>} : memref<400x128xf32, #tpu.memory_space<vmem>>, vector<1x16xf32>,
        %mul3A_287 = vector.broadcast %squeeze3A : f32 to vector<16xf32>
        %mul3A_288 = arith.mulf %mul3A_287, %sub3A_58 : vector<16xf32>
        %add3A_289 = arith.addf %get3A_16, %mul3A_288 : vector<16xf32>
        %add3A_290 = arith.constant 0 : i32
        %add3A_291 = arith.addi %mul3A_263, %add3A_290 : i32
        %swap3A_292 = arith.index_cast %add3A_291 : i32 to index
        %swap3A_293 = arith.constant 32 : index
        %swap3A_294 = tpu.vector_load %arg8[%swap3A_292, %swap3A_293] {strides = array<i32>} : memref<400x128xf32, #tpu.memory_space<vmem>>, vector<1x16xf32>,
        %swap3A_295 = vector.shape_cast %swap3A_294 : vector<1x16xf32> to vector<16xf32>
        %swap3A_296 = vector.shape_cast %add3A_289 : vector<16xf32> to vector<1x16xf32>
        tpu.vector_store %arg8[%swap3A_292, %swap3A_293], %swap3A_296 {strides = array<i32>} : memref<400x128xf32, #tpu.memory_space<vmem>>, vector<1x16xf32>,
        %mul3A_297 = vector.broadcast %squeeze3A : f32 to vector<16xf32>
        %mul3A_298 = arith.mulf %mul3A_297, %sub3A_64 : vector<16xf32>
        %add3A_299 = arith.addf %get3A_21, %mul3A_298 : vector<16xf32>
        %add3A_300 = arith.constant 0 : i32
        %add3A_301 = arith.addi %mul3A_263, %add3A_300 : i32
        %swap3A_302 = arith.index_cast %add3A_301 : i32 to index
        %swap3A_303 = arith.constant 48 : index
        %swap3A_304 = tpu.vector_load %arg8[%swap3A_302, %swap3A_303] {strides = array<i32>} : memref<400x128xf32, #tpu.memory_space<vmem>>, vector<1x16xf32>,
        %swap3A_305 = vector.shape_cast %swap3A_304 : vector<1x16xf32> to vector<16xf32>
        %swap3A_306 = vector.shape_cast %add3A_299 : vector<16xf32> to vector<1x16xf32>
        tpu.vector_store %arg8[%swap3A_302, %swap3A_303], %swap3A_306 {strides = array<i32>} : memref<400x128xf32, #tpu.memory_space<vmem>>, vector<1x16xf32>,
        %mul3A_307 = vector.broadcast %squeeze3A : f32 to vector<16xf32>
        %mul3A_308 = arith.mulf %mul3A_307, %sub3A_70 : vector<16xf32>
        %add3A_309 = arith.addf %get3A_26, %mul3A_308 : vector<16xf32>
        %add3A_310 = arith.constant 0 : i32
        %add3A_311 = arith.addi %mul3A_263, %add3A_310 : i32
        %swap3A_312 = arith.index_cast %add3A_311 : i32 to index
        %swap3A_313 = arith.constant 64 : index
        %swap3A_314 = tpu.vector_load %arg8[%swap3A_312, %swap3A_313] {strides = array<i32>} : memref<400x128xf32, #tpu.memory_space<vmem>>, vector<1x16xf32>,
        %swap3A_315 = vector.shape_cast %swap3A_314 : vector<1x16xf32> to vector<16xf32>
        %swap3A_316 = vector.shape_cast %add3A_309 : vector<16xf32> to vector<1x16xf32>
        tpu.vector_store %arg8[%swap3A_312, %swap3A_313], %swap3A_316 {strides = array<i32>} : memref<400x128xf32, #tpu.memory_space<vmem>>, vector<1x16xf32>,
        %mul3A_317 = vector.broadcast %squeeze3A : f32 to vector<16xf32>
        %mul3A_318 = arith.mulf %mul3A_317, %sub3A_76 : vector<16xf32>
        %add3A_319 = arith.addf %get3A_31, %mul3A_318 : vector<16xf32>
        %add3A_320 = arith.constant 0 : i32
        %add3A_321 = arith.addi %mul3A_263, %add3A_320 : i32
        %swap3A_322 = arith.index_cast %add3A_321 : i32 to index
        %swap3A_323 = arith.constant 80 : index
        %swap3A_324 = tpu.vector_load %arg8[%swap3A_322, %swap3A_323] {strides = array<i32>} : memref<400x128xf32, #tpu.memory_space<vmem>>, vector<1x16xf32>,
        %swap3A_325 = vector.shape_cast %swap3A_324 : vector<1x16xf32> to vector<16xf32>
        %swap3A_326 = vector.shape_cast %add3A_319 : vector<16xf32> to vector<1x16xf32>
        tpu.vector_store %arg8[%swap3A_322, %swap3A_323], %swap3A_326 {strides = array<i32>} : memref<400x128xf32, #tpu.memory_space<vmem>>, vector<1x16xf32>,
        %mul3A_327 = vector.broadcast %squeeze3A : f32 to vector<16xf32>
        %mul3A_328 = arith.mulf %mul3A_327, %sub3A_82 : vector<16xf32>
        %add3A_329 = arith.addf %get3A_36, %mul3A_328 : vector<16xf32>
        %add3A_330 = arith.constant 0 : i32
        %add3A_331 = arith.addi %mul3A_263, %add3A_330 : i32
        %swap3A_332 = arith.index_cast %add3A_331 : i32 to index
        %swap3A_333 = arith.constant 96 : index
        %swap3A_334 = tpu.vector_load %arg8[%swap3A_332, %swap3A_333] {strides = array<i32>} : memref<400x128xf32, #tpu.memory_space<vmem>>, vector<1x16xf32>,
        %swap3A_335 = vector.shape_cast %swap3A_334 : vector<1x16xf32> to vector<16xf32>
        %swap3A_336 = vector.shape_cast %add3A_329 : vector<16xf32> to vector<1x16xf32>
        tpu.vector_store %arg8[%swap3A_332, %swap3A_333], %swap3A_336 {strides = array<i32>} : memref<400x128xf32, #tpu.memory_space<vmem>>, vector<1x16xf32>,
        %mul3A_337 = vector.broadcast %squeeze3A : f32 to vector<16xf32>
        %mul3A_338 = arith.mulf %mul3A_337, %sub3A_88 : vector<16xf32>
        %add3A_339 = arith.addf %get3A_41, %mul3A_338 : vector<16xf32>
        %add3A_340 = arith.constant 0 : i32
        %add3A_341 = arith.addi %mul3A_263, %add3A_340 : i32
        %swap3A_342 = arith.index_cast %add3A_341 : i32 to index
        %swap3A_343 = arith.constant 112 : index
        %swap3A_344 = tpu.vector_load %arg8[%swap3A_342, %swap3A_343] {strides = array<i32>} : memref<400x128xf32, #tpu.memory_space<vmem>>, vector<1x16xf32>,
        %swap3A_345 = vector.shape_cast %swap3A_344 : vector<1x16xf32> to vector<16xf32>
        %swap3A_346 = vector.shape_cast %add3A_339 : vector<16xf32> to vector<1x16xf32>
        tpu.vector_store %arg8[%swap3A_342, %swap3A_343], %swap3A_346 {strides = array<i32>} : memref<400x128xf32, #tpu.memory_space<vmem>>, vector<1x16xf32>,
        %slice3A_347 = vector.extract_strided_slice %convert_element_type3A_267 {offsets = [1], sizes = [1], strides = [1]} : vector<16xf32> to vector<1xf32>
        %squeeze3A_348 = vector.extract %slice3A_347[0] : f32 from vector<1xf32>
        %mul3A_349 = vector.broadcast %squeeze3A_348 : f32 to vector<16xf32>
        %mul3A_350 = arith.mulf %mul3A_349, %sub3A : vector<16xf32>
        %add3A_351 = arith.addf %get3A_6, %mul3A_350 : vector<16xf32>
        %add3A_352 = arith.constant 1 : i32
        %add3A_353 = arith.addi %mul3A_263, %add3A_352 : i32
        %swap3A_354 = arith.index_cast %add3A_353 : i32 to index
        %swap3A_355 = arith.constant 0 : index
        %swap3A_356 = tpu.vector_load %arg8[%swap3A_354, %swap3A_355] {strides = array<i32>} : memref<400x128xf32, #tpu.memory_space<vmem>>, vector<1x16xf32>,
        %swap3A_357 = vector.shape_cast %swap3A_356 : vector<1x16xf32> to vector<16xf32>
        %swap3A_358 = vector.shape_cast %add3A_351 : vector<16xf32> to vector<1x16xf32>
        tpu.vector_store %arg8[%swap3A_354, %swap3A_355], %swap3A_358 {strides = array<i32>} : memref<400x128xf32, #tpu.memory_space<vmem>>, vector<1x16xf32>,
        %mul3A_359 = vector.broadcast %squeeze3A_348 : f32 to vector<16xf32>
        %mul3A_360 = arith.mulf %mul3A_359, %sub3A_52 : vector<16xf32>
        %add3A_361 = arith.addf %get3A_11, %mul3A_360 : vector<16xf32>
        %add3A_362 = arith.constant 1 : i32
        %add3A_363 = arith.addi %mul3A_263, %add3A_362 : i32
        %swap3A_364 = arith.index_cast %add3A_363 : i32 to index
        %swap3A_365 = arith.constant 16 : index
        %swap3A_366 = tpu.vector_load %arg8[%swap3A_364, %swap3A_365] {strides = array<i32>} : memref<400x128xf32, #tpu.memory_space<vmem>>, vector<1x16xf32>,
        %swap3A_367 = vector.shape_cast %swap3A_366 : vector<1x16xf32> to vector<16xf32>
        %swap3A_368 = vector.shape_cast %add3A_361 : vector<16xf32> to vector<1x16xf32>
        tpu.vector_store %arg8[%swap3A_364, %swap3A_365], %swap3A_368 {strides = array<i32>} : memref<400x128xf32, #tpu.memory_space<vmem>>, vector<1x16xf32>,
        %mul3A_369 = vector.broadcast %squeeze3A_348 : f32 to vector<16xf32>
        %mul3A_370 = arith.mulf %mul3A_369, %sub3A_58 : vector<16xf32>
        %add3A_371 = arith.addf %get3A_16, %mul3A_370 : vector<16xf32>
        %add3A_372 = arith.constant 1 : i32
        %add3A_373 = arith.addi %mul3A_263, %add3A_372 : i32
        %swap3A_374 = arith.index_cast %add3A_373 : i32 to index
        %swap3A_375 = arith.constant 32 : index
        %swap3A_376 = tpu.vector_load %arg8[%swap3A_374, %swap3A_375] {strides = array<i32>} : memref<400x128xf32, #tpu.memory_space<vmem>>, vector<1x16xf32>,
        %swap3A_377 = vector.shape_cast %swap3A_376 : vector<1x16xf32> to vector<16xf32>
        %swap3A_378 = vector.shape_cast %add3A_371 : vector<16xf32> to vector<1x16xf32>
        tpu.vector_store %arg8[%swap3A_374, %swap3A_375], %swap3A_378 {strides = array<i32>} : memref<400x128xf32, #tpu.memory_space<vmem>>, vector<1x16xf32>,
        %mul3A_379 = vector.broadcast %squeeze3A_348 : f32 to vector<16xf32>
        %mul3A_380 = arith.mulf %mul3A_379, %sub3A_64 : vector<16xf32>
        %add3A_381 = arith.addf %get3A_21, %mul3A_380 : vector<16xf32>
        %add3A_382 = arith.constant 1 : i32
        %add3A_383 = arith.addi %mul3A_263, %add3A_382 : i32
        %swap3A_384 = arith.index_cast %add3A_383 : i32 to index
        %swap3A_385 = arith.constant 48 : index
        %swap3A_386 = tpu.vector_load %arg8[%swap3A_384, %swap3A_385] {strides = array<i32>} : memref<400x128xf32, #tpu.memory_space<vmem>>, vector<1x16xf32>,
        %swap3A_387 = vector.shape_cast %swap3A_386 : vector<1x16xf32> to vector<16xf32>
        %swap3A_388 = vector.shape_cast %add3A_381 : vector<16xf32> to vector<1x16xf32>
        tpu.vector_store %arg8[%swap3A_384, %swap3A_385], %swap3A_388 {strides = array<i32>} : memref<400x128xf32, #tpu.memory_space<vmem>>, vector<1x16xf32>,
        %mul3A_389 = vector.broadcast %squeeze3A_348 : f32 to vector<16xf32>
        %mul3A_390 = arith.mulf %mul3A_389, %sub3A_70 : vector<16xf32>
        %add3A_391 = arith.addf %get3A_26, %mul3A_390 : vector<16xf32>
        %add3A_392 = arith.constant 1 : i32
        %add3A_393 = arith.addi %mul3A_263, %add3A_392 : i32
        %swap3A_394 = arith.index_cast %add3A_393 : i32 to index
        %swap3A_395 = arith.constant 64 : index
        %swap3A_396 = tpu.vector_load %arg8[%swap3A_394, %swap3A_395] {strides = array<i32>} : memref<400x128xf32, #tpu.memory_space<vmem>>, vector<1x16xf32>,
        %swap3A_397 = vector.shape_cast %swap3A_396 : vector<1x16xf32> to vector<16xf32>
        %swap3A_398 = vector.shape_cast %add3A_391 : vector<16xf32> to vector<1x16xf32>
        tpu.vector_store %arg8[%swap3A_394, %swap3A_395], %swap3A_398 {strides = array<i32>} : memref<400x128xf32, #tpu.memory_space<vmem>>, vector<1x16xf32>,
        %mul3A_399 = vector.broadcast %squeeze3A_348 : f32 to vector<16xf32>
        %mul3A_400 = arith.mulf %mul3A_399, %sub3A_76 : vector<16xf32>
        %add3A_401 = arith.addf %get3A_31, %mul3A_400 : vector<16xf32>
        %add3A_402 = arith.constant 1 : i32
        %add3A_403 = arith.addi %mul3A_263, %add3A_402 : i32
        %swap3A_404 = arith.index_cast %add3A_403 : i32 to index
        %swap3A_405 = arith.constant 80 : index
        %swap3A_406 = tpu.vector_load %arg8[%swap3A_404, %swap3A_405] {strides = array<i32>} : memref<400x128xf32, #tpu.memory_space<vmem>>, vector<1x16xf32>,
        %swap3A_407 = vector.shape_cast %swap3A_406 : vector<1x16xf32> to vector<16xf32>
        %swap3A_408 = vector.shape_cast %add3A_401 : vector<16xf32> to vector<1x16xf32>
        tpu.vector_store %arg8[%swap3A_404, %swap3A_405], %swap3A_408 {strides = array<i32>} : memref<400x128xf32, #tpu.memory_space<vmem>>, vector<1x16xf32>,
        %mul3A_409 = vector.broadcast %squeeze3A_348 : f32 to vector<16xf32>
        %mul3A_410 = arith.mulf %mul3A_409, %sub3A_82 : vector<16xf32>
        %add3A_411 = arith.addf %get3A_36, %mul3A_410 : vector<16xf32>
        %add3A_412 = arith.constant 1 : i32
        %add3A_413 = arith.addi %mul3A_263, %add3A_412 : i32
        %swap3A_414 = arith.index_cast %add3A_413 : i32 to index
        %swap3A_415 = arith.constant 96 : index
        %swap3A_416 = tpu.vector_load %arg8[%swap3A_414, %swap3A_415] {strides = array<i32>} : memref<400x128xf32, #tpu.memory_space<vmem>>, vector<1x16xf32>,
        %swap3A_417 = vector.shape_cast %swap3A_416 : vector<1x16xf32> to vector<16xf32>
        %swap3A_418 = vector.shape_cast %add3A_411 : vector<16xf32> to vector<1x16xf32>
        tpu.vector_store %arg8[%swap3A_414, %swap3A_415], %swap3A_418 {strides = array<i32>} : memref<400x128xf32, #tpu.memory_space<vmem>>, vector<1x16xf32>,
        %mul3A_419 = vector.broadcast %squeeze3A_348 : f32 to vector<16xf32>
        %mul3A_420 = arith.mulf %mul3A_419, %sub3A_88 : vector<16xf32>
        %add3A_421 = arith.addf %get3A_41, %mul3A_420 : vector<16xf32>
        %add3A_422 = arith.constant 1 : i32
        %add3A_423 = arith.addi %mul3A_263, %add3A_422 : i32
        %swap3A_424 = arith.index_cast %add3A_423 : i32 to index
        %swap3A_425 = arith.constant 112 : index
        %swap3A_426 = tpu.vector_load %arg8[%swap3A_424, %swap3A_425] {strides = array<i32>} : memref<400x128xf32, #tpu.memory_space<vmem>>, vector<1x16xf32>,
        %swap3A_427 = vector.shape_cast %swap3A_426 : vector<1x16xf32> to vector<16xf32>
        %swap3A_428 = vector.shape_cast %add3A_421 : vector<16xf32> to vector<1x16xf32>
        tpu.vector_store %arg8[%swap3A_424, %swap3A_425], %swap3A_428 {strides = array<i32>} : memref<400x128xf32, #tpu.memory_space<vmem>>, vector<1x16xf32>,
        %slice3A_429 = vector.extract_strided_slice %convert_element_type3A_267 {offsets = [2], sizes = [1], strides = [1]} : vector<16xf32> to vector<1xf32>
        %squeeze3A_430 = vector.extract %slice3A_429[0] : f32 from vector<1xf32>
        %mul3A_431 = vector.broadcast %squeeze3A_430 : f32 to vector<16xf32>
        %mul3A_432 = arith.mulf %mul3A_431, %sub3A : vector<16xf32>
        %add3A_433 = arith.addf %get3A_6, %mul3A_432 : vector<16xf32>
        %add3A_434 = arith.constant 2 : i32
        %add3A_435 = arith.addi %mul3A_263, %add3A_434 : i32
        %swap3A_436 = arith.index_cast %add3A_435 : i32 to index
        %swap3A_437 = arith.constant 0 : index
        %swap3A_438 = tpu.vector_load %arg8[%swap3A_436, %swap3A_437] {strides = array<i32>} : memref<400x128xf32, #tpu.memory_space<vmem>>, vector<1x16xf32>,
        %swap3A_439 = vector.shape_cast %swap3A_438 : vector<1x16xf32> to vector<16xf32>
        %swap3A_440 = vector.shape_cast %add3A_433 : vector<16xf32> to vector<1x16xf32>
        tpu.vector_store %arg8[%swap3A_436, %swap3A_437], %swap3A_440 {strides = array<i32>} : memref<400x128xf32, #tpu.memory_space<vmem>>, vector<1x16xf32>,
        %mul3A_441 = vector.broadcast %squeeze3A_430 : f32 to vector<16xf32>
        %mul3A_442 = arith.mulf %mul3A_441, %sub3A_52 : vector<16xf32>
        %add3A_443 = arith.addf %get3A_11, %mul3A_442 : vector<16xf32>
        %add3A_444 = arith.constant 2 : i32
        %add3A_445 = arith.addi %mul3A_263, %add3A_444 : i32
        %swap3A_446 = arith.index_cast %add3A_445 : i32 to index
        %swap3A_447 = arith.constant 16 : index
        %swap3A_448 = tpu.vector_load %arg8[%swap3A_446, %swap3A_447] {strides = array<i32>} : memref<400x128xf32, #tpu.memory_space<vmem>>, vector<1x16xf32>,
        %swap3A_449 = vector.shape_cast %swap3A_448 : vector<1x16xf32> to vector<16xf32>
        %swap3A_450 = vector.shape_cast %add3A_443 : vector<16xf32> to vector<1x16xf32>
        tpu.vector_store %arg8[%swap3A_446, %swap3A_447], %swap3A_450 {strides = array<i32>} : memref<400x128xf32, #tpu.memory_space<vmem>>, vector<1x16xf32>,
        %mul3A_451 = vector.broadcast %squeeze3A_430 : f32 to vector<16xf32>
        %mul3A_452 = arith.mulf %mul3A_451, %sub3A_58 : vector<16xf32>
        %add3A_453 = arith.addf %get3A_16, %mul3A_452 : vector<16xf32>
        %add3A_454 = arith.constant 2 : i32
        %add3A_455 = arith.addi %mul3A_263, %add3A_454 : i32
        %swap3A_456 = arith.index_cast %add3A_455 : i32 to index
        %swap3A_457 = arith.constant 32 : index
        %swap3A_458 = tpu.vector_load %arg8[%swap3A_456, %swap3A_457] {strides = array<i32>} : memref<400x128xf32, #tpu.memory_space<vmem>>, vector<1x16xf32>,
        %swap3A_459 = vector.shape_cast %swap3A_458 : vector<1x16xf32> to vector<16xf32>
        %swap3A_460 = vector.shape_cast %add3A_453 : vector<16xf32> to vector<1x16xf32>
        tpu.vector_store %arg8[%swap3A_456, %swap3A_457], %swap3A_460 {strides = array<i32>} : memref<400x128xf32, #tpu.memory_space<vmem>>, vector<1x16xf32>,
        %mul3A_461 = vector.broadcast %squeeze3A_430 : f32 to vector<16xf32>
        %mul3A_462 = arith.mulf %mul3A_461, %sub3A_64 : vector<16xf32>
        %add3A_463 = arith.addf %get3A_21, %mul3A_462 : vector<16xf32>
        %add3A_464 = arith.constant 2 : i32
        %add3A_465 = arith.addi %mul3A_263, %add3A_464 : i32
        %swap3A_466 = arith.index_cast %add3A_465 : i32 to index
        %swap3A_467 = arith.constant 48 : index
        %swap3A_468 = tpu.vector_load %arg8[%swap3A_466, %swap3A_467] {strides = array<i32>} : memref<400x128xf32, #tpu.memory_space<vmem>>, vector<1x16xf32>,
        %swap3A_469 = vector.shape_cast %swap3A_468 : vector<1x16xf32> to vector<16xf32>
        %swap3A_470 = vector.shape_cast %add3A_463 : vector<16xf32> to vector<1x16xf32>
        tpu.vector_store %arg8[%swap3A_466, %swap3A_467], %swap3A_470 {strides = array<i32>} : memref<400x128xf32, #tpu.memory_space<vmem>>, vector<1x16xf32>,
        %mul3A_471 = vector.broadcast %squeeze3A_430 : f32 to vector<16xf32>
        %mul3A_472 = arith.mulf %mul3A_471, %sub3A_70 : vector<16xf32>
        %add3A_473 = arith.addf %get3A_26, %mul3A_472 : vector<16xf32>
        %add3A_474 = arith.constant 2 : i32
        %add3A_475 = arith.addi %mul3A_263, %add3A_474 : i32
        %swap3A_476 = arith.index_cast %add3A_475 : i32 to index
        %swap3A_477 = arith.constant 64 : index
        %swap3A_478 = tpu.vector_load %arg8[%swap3A_476, %swap3A_477] {strides = array<i32>} : memref<400x128xf32, #tpu.memory_space<vmem>>, vector<1x16xf32>,
        %swap3A_479 = vector.shape_cast %swap3A_478 : vector<1x16xf32> to vector<16xf32>
        %swap3A_480 = vector.shape_cast %add3A_473 : vector<16xf32> to vector<1x16xf32>
        tpu.vector_store %arg8[%swap3A_476, %swap3A_477], %swap3A_480 {strides = array<i32>} : memref<400x128xf32, #tpu.memory_space<vmem>>, vector<1x16xf32>,
        %mul3A_481 = vector.broadcast %squeeze3A_430 : f32 to vector<16xf32>
        %mul3A_482 = arith.mulf %mul3A_481, %sub3A_76 : vector<16xf32>
        %add3A_483 = arith.addf %get3A_31, %mul3A_482 : vector<16xf32>
        %add3A_484 = arith.constant 2 : i32
        %add3A_485 = arith.addi %mul3A_263, %add3A_484 : i32
        %swap3A_486 = arith.index_cast %add3A_485 : i32 to index
        %swap3A_487 = arith.constant 80 : index
        %swap3A_488 = tpu.vector_load %arg8[%swap3A_486, %swap3A_487] {strides = array<i32>} : memref<400x128xf32, #tpu.memory_space<vmem>>, vector<1x16xf32>,
        %swap3A_489 = vector.shape_cast %swap3A_488 : vector<1x16xf32> to vector<16xf32>
        %swap3A_490 = vector.shape_cast %add3A_483 : vector<16xf32> to vector<1x16xf32>
        tpu.vector_store %arg8[%swap3A_486, %swap3A_487], %swap3A_490 {strides = array<i32>} : memref<400x128xf32, #tpu.memory_space<vmem>>, vector<1x16xf32>,
        %mul3A_491 = vector.broadcast %squeeze3A_430 : f32 to vector<16xf32>
        %mul3A_492 = arith.mulf %mul3A_491, %sub3A_82 : vector<16xf32>
        %add3A_493 = arith.addf %get3A_36, %mul3A_492 : vector<16xf32>
        %add3A_494 = arith.constant 2 : i32
        %add3A_495 = arith.addi %mul3A_263, %add3A_494 : i32
        %swap3A_496 = arith.index_cast %add3A_495 : i32 to index
        %swap3A_497 = arith.constant 96 : index
        %swap3A_498 = tpu.vector_load %arg8[%swap3A_496, %swap3A_497] {strides = array<i32>} : memref<400x128xf32, #tpu.memory_space<vmem>>, vector<1x16xf32>,
        %swap3A_499 = vector.shape_cast %swap3A_498 : vector<1x16xf32> to vector<16xf32>
        %swap3A_500 = vector.shape_cast %add3A_493 : vector<16xf32> to vector<1x16xf32>
        tpu.vector_store %arg8[%swap3A_496, %swap3A_497], %swap3A_500 {strides = array<i32>} : memref<400x128xf32, #tpu.memory_space<vmem>>, vector<1x16xf32>,
        %mul3A_501 = vector.broadcast %squeeze3A_430 : f32 to vector<16xf32>
        %mul3A_502 = arith.mulf %mul3A_501, %sub3A_88 : vector<16xf32>
        %add3A_503 = arith.addf %get3A_41, %mul3A_502 : vector<16xf32>
        %add3A_504 = arith.constant 2 : i32
        %add3A_505 = arith.addi %mul3A_263, %add3A_504 : i32
        %swap3A_506 = arith.index_cast %add3A_505 : i32 to index
        %swap3A_507 = arith.constant 112 : index
        %swap3A_508 = tpu.vector_load %arg8[%swap3A_506, %swap3A_507] {strides = array<i32>} : memref<400x128xf32, #tpu.memory_space<vmem>>, vector<1x16xf32>,
        %swap3A_509 = vector.shape_cast %swap3A_508 : vector<1x16xf32> to vector<16xf32>
        %swap3A_510 = vector.shape_cast %add3A_503 : vector<16xf32> to vector<1x16xf32>
        tpu.vector_store %arg8[%swap3A_506, %swap3A_507], %swap3A_510 {strides = array<i32>} : memref<400x128xf32, #tpu.memory_space<vmem>>, vector<1x16xf32>,
        %slice3A_511 = vector.extract_strided_slice %convert_element_type3A_267 {offsets = [3], sizes = [1], strides = [1]} : vector<16xf32> to vector<1xf32>
        %squeeze3A_512 = vector.extract %slice3A_511[0] : f32 from vector<1xf32>
        %mul3A_513 = vector.broadcast %squeeze3A_512 : f32 to vector<16xf32>
        %mul3A_514 = arith.mulf %mul3A_513, %sub3A : vector<16xf32>
        %add3A_515 = arith.addf %get3A_6, %mul3A_514 : vector<16xf32>
        %add3A_516 = arith.constant 3 : i32
        %add3A_517 = arith.addi %mul3A_263, %add3A_516 : i32
        %swap3A_518 = arith.index_cast %add3A_517 : i32 to index
        %swap3A_519 = arith.constant 0 : index
        %swap3A_520 = tpu.vector_load %arg8[%swap3A_518, %swap3A_519] {strides = array<i32>} : memref<400x128xf32, #tpu.memory_space<vmem>>, vector<1x16xf32>,
        %swap3A_521 = vector.shape_cast %swap3A_520 : vector<1x16xf32> to vector<16xf32>
        %swap3A_522 = vector.shape_cast %add3A_515 : vector<16xf32> to vector<1x16xf32>
        tpu.vector_store %arg8[%swap3A_518, %swap3A_519], %swap3A_522 {strides = array<i32>} : memref<400x128xf32, #tpu.memory_space<vmem>>, vector<1x16xf32>,
        %mul3A_523 = vector.broadcast %squeeze3A_512 : f32 to vector<16xf32>
        %mul3A_524 = arith.mulf %mul3A_523, %sub3A_52 : vector<16xf32>
        %add3A_525 = arith.addf %get3A_11, %mul3A_524 : vector<16xf32>
        %add3A_526 = arith.constant 3 : i32
        %add3A_527 = arith.addi %mul3A_263, %add3A_526 : i32
        %swap3A_528 = arith.index_cast %add3A_527 : i32 to index
        %swap3A_529 = arith.constant 16 : index
        %swap3A_530 = tpu.vector_load %arg8[%swap3A_528, %swap3A_529] {strides = array<i32>} : memref<400x128xf32, #tpu.memory_space<vmem>>, vector<1x16xf32>,
        %swap3A_531 = vector.shape_cast %swap3A_530 : vector<1x16xf32> to vector<16xf32>
        %swap3A_532 = vector.shape_cast %add3A_525 : vector<16xf32> to vector<1x16xf32>
        tpu.vector_store %arg8[%swap3A_528, %swap3A_529], %swap3A_532 {strides = array<i32>} : memref<400x128xf32, #tpu.memory_space<vmem>>, vector<1x16xf32>,
        %mul3A_533 = vector.broadcast %squeeze3A_512 : f32 to vector<16xf32>
        %mul3A_534 = arith.mulf %mul3A_533, %sub3A_58 : vector<16xf32>
        %add3A_535 = arith.addf %get3A_16, %mul3A_534 : vector<16xf32>
        %add3A_536 = arith.constant 3 : i32
        %add3A_537 = arith.addi %mul3A_263, %add3A_536 : i32
        %swap3A_538 = arith.index_cast %add3A_537 : i32 to index
        %swap3A_539 = arith.constant 32 : index
        %swap3A_540 = tpu.vector_load %arg8[%swap3A_538, %swap3A_539] {strides = array<i32>} : memref<400x128xf32, #tpu.memory_space<vmem>>, vector<1x16xf32>,
        %swap3A_541 = vector.shape_cast %swap3A_540 : vector<1x16xf32> to vector<16xf32>
        %swap3A_542 = vector.shape_cast %add3A_535 : vector<16xf32> to vector<1x16xf32>
        tpu.vector_store %arg8[%swap3A_538, %swap3A_539], %swap3A_542 {strides = array<i32>} : memref<400x128xf32, #tpu.memory_space<vmem>>, vector<1x16xf32>,
        %mul3A_543 = vector.broadcast %squeeze3A_512 : f32 to vector<16xf32>
        %mul3A_544 = arith.mulf %mul3A_543, %sub3A_64 : vector<16xf32>
        %add3A_545 = arith.addf %get3A_21, %mul3A_544 : vector<16xf32>
        %add3A_546 = arith.constant 3 : i32
        %add3A_547 = arith.addi %mul3A_263, %add3A_546 : i32
        %swap3A_548 = arith.index_cast %add3A_547 : i32 to index
        %swap3A_549 = arith.constant 48 : index
        %swap3A_550 = tpu.vector_load %arg8[%swap3A_548, %swap3A_549] {strides = array<i32>} : memref<400x128xf32, #tpu.memory_space<vmem>>, vector<1x16xf32>,
        %swap3A_551 = vector.shape_cast %swap3A_550 : vector<1x16xf32> to vector<16xf32>
        %swap3A_552 = vector.shape_cast %add3A_545 : vector<16xf32> to vector<1x16xf32>
        tpu.vector_store %arg8[%swap3A_548, %swap3A_549], %swap3A_552 {strides = array<i32>} : memref<400x128xf32, #tpu.memory_space<vmem>>, vector<1x16xf32>,
        %mul3A_553 = vector.broadcast %squeeze3A_512 : f32 to vector<16xf32>
        %mul3A_554 = arith.mulf %mul3A_553, %sub3A_70 : vector<16xf32>
        %add3A_555 = arith.addf %get3A_26, %mul3A_554 : vector<16xf32>
        %add3A_556 = arith.constant 3 : i32
        %add3A_557 = arith.addi %mul3A_263, %add3A_556 : i32
        %swap3A_558 = arith.index_cast %add3A_557 : i32 to index
        %swap3A_559 = arith.constant 64 : index
        %swap3A_560 = tpu.vector_load %arg8[%swap3A_558, %swap3A_559] {strides = array<i32>} : memref<400x128xf32, #tpu.memory_space<vmem>>, vector<1x16xf32>,
        %swap3A_561 = vector.shape_cast %swap3A_560 : vector<1x16xf32> to vector<16xf32>
        %swap3A_562 = vector.shape_cast %add3A_555 : vector<16xf32> to vector<1x16xf32>
        tpu.vector_store %arg8[%swap3A_558, %swap3A_559], %swap3A_562 {strides = array<i32>} : memref<400x128xf32, #tpu.memory_space<vmem>>, vector<1x16xf32>,
        %mul3A_563 = vector.broadcast %squeeze3A_512 : f32 to vector<16xf32>
        %mul3A_564 = arith.mulf %mul3A_563, %sub3A_76 : vector<16xf32>
        %add3A_565 = arith.addf %get3A_31, %mul3A_564 : vector<16xf32>
        %add3A_566 = arith.constant 3 : i32
        %add3A_567 = arith.addi %mul3A_263, %add3A_566 : i32
        %swap3A_568 = arith.index_cast %add3A_567 : i32 to index
        %swap3A_569 = arith.constant 80 : index
        %swap3A_570 = tpu.vector_load %arg8[%swap3A_568, %swap3A_569] {strides = array<i32>} : memref<400x128xf32, #tpu.memory_space<vmem>>, vector<1x16xf32>,
        %swap3A_571 = vector.shape_cast %swap3A_570 : vector<1x16xf32> to vector<16xf32>
        %swap3A_572 = vector.shape_cast %add3A_565 : vector<16xf32> to vector<1x16xf32>
        tpu.vector_store %arg8[%swap3A_568, %swap3A_569], %swap3A_572 {strides = array<i32>} : memref<400x128xf32, #tpu.memory_space<vmem>>, vector<1x16xf32>,
        %mul3A_573 = vector.broadcast %squeeze3A_512 : f32 to vector<16xf32>
        %mul3A_574 = arith.mulf %mul3A_573, %sub3A_82 : vector<16xf32>
        %add3A_575 = arith.addf %get3A_36, %mul3A_574 : vector<16xf32>
        %add3A_576 = arith.constant 3 : i32
        %add3A_577 = arith.addi %mul3A_263, %add3A_576 : i32
        %swap3A_578 = arith.index_cast %add3A_577 : i32 to index
        %swap3A_579 = arith.constant 96 : index
        %swap3A_580 = tpu.vector_load %arg8[%swap3A_578, %swap3A_579] {strides = array<i32>} : memref<400x128xf32, #tpu.memory_space<vmem>>, vector<1x16xf32>,
        %swap3A_581 = vector.shape_cast %swap3A_580 : vector<1x16xf32> to vector<16xf32>
        %swap3A_582 = vector.shape_cast %add3A_575 : vector<16xf32> to vector<1x16xf32>
        tpu.vector_store %arg8[%swap3A_578, %swap3A_579], %swap3A_582 {strides = array<i32>} : memref<400x128xf32, #tpu.memory_space<vmem>>, vector<1x16xf32>,
        %mul3A_583 = vector.broadcast %squeeze3A_512 : f32 to vector<16xf32>
        %mul3A_584 = arith.mulf %mul3A_583, %sub3A_88 : vector<16xf32>
        %add3A_585 = arith.addf %get3A_41, %mul3A_584 : vector<16xf32>
        %add3A_586 = arith.constant 3 : i32
        %add3A_587 = arith.addi %mul3A_263, %add3A_586 : i32
        %swap3A_588 = arith.index_cast %add3A_587 : i32 to index
        %swap3A_589 = arith.constant 112 : index
        %swap3A_590 = tpu.vector_load %arg8[%swap3A_588, %swap3A_589] {strides = array<i32>} : memref<400x128xf32, #tpu.memory_space<vmem>>, vector<1x16xf32>,
        %swap3A_591 = vector.shape_cast %swap3A_590 : vector<1x16xf32> to vector<16xf32>
        %swap3A_592 = vector.shape_cast %add3A_585 : vector<16xf32> to vector<1x16xf32>
        tpu.vector_store %arg8[%swap3A_588, %swap3A_589], %swap3A_592 {strides = array<i32>} : memref<400x128xf32, #tpu.memory_space<vmem>>, vector<1x16xf32>,
        %slice3A_593 = vector.extract_strided_slice %convert_element_type3A_267 {offsets = [4], sizes = [1], strides = [1]} : vector<16xf32> to vector<1xf32>
        %squeeze3A_594 = vector.extract %slice3A_593[0] : f32 from vector<1xf32>
        %mul3A_595 = vector.broadcast %squeeze3A_594 : f32 to vector<16xf32>
        %mul3A_596 = arith.mulf %mul3A_595, %sub3A : vector<16xf32>
        %add3A_597 = arith.addf %get3A_6, %mul3A_596 : vector<16xf32>
        %add3A_598 = arith.constant 4 : i32
        %add3A_599 = arith.addi %mul3A_263, %add3A_598 : i32
        %swap3A_600 = arith.index_cast %add3A_599 : i32 to index
        %swap3A_601 = arith.constant 0 : index
        %swap3A_602 = tpu.vector_load %arg8[%swap3A_600, %swap3A_601] {strides = array<i32>} : memref<400x128xf32, #tpu.memory_space<vmem>>, vector<1x16xf32>,
        %swap3A_603 = vector.shape_cast %swap3A_602 : vector<1x16xf32> to vector<16xf32>
        %swap3A_604 = vector.shape_cast %add3A_597 : vector<16xf32> to vector<1x16xf32>
        tpu.vector_store %arg8[%swap3A_600, %swap3A_601], %swap3A_604 {strides = array<i32>} : memref<400x128xf32, #tpu.memory_space<vmem>>, vector<1x16xf32>,
        %mul3A_605 = vector.broadcast %squeeze3A_594 : f32 to vector<16xf32>
        %mul3A_606 = arith.mulf %mul3A_605, %sub3A_52 : vector<16xf32>
        %add3A_607 = arith.addf %get3A_11, %mul3A_606 : vector<16xf32>
        %add3A_608 = arith.constant 4 : i32
        %add3A_609 = arith.addi %mul3A_263, %add3A_608 : i32
        %swap3A_610 = arith.index_cast %add3A_609 : i32 to index
        %swap3A_611 = arith.constant 16 : index
        %swap3A_612 = tpu.vector_load %arg8[%swap3A_610, %swap3A_611] {strides = array<i32>} : memref<400x128xf32, #tpu.memory_space<vmem>>, vector<1x16xf32>,
        %swap3A_613 = vector.shape_cast %swap3A_612 : vector<1x16xf32> to vector<16xf32>
        %swap3A_614 = vector.shape_cast %add3A_607 : vector<16xf32> to vector<1x16xf32>
        tpu.vector_store %arg8[%swap3A_610, %swap3A_611], %swap3A_614 {strides = array<i32>} : memref<400x128xf32, #tpu.memory_space<vmem>>, vector<1x16xf32>,
        %mul3A_615 = vector.broadcast %squeeze3A_594 : f32 to vector<16xf32>
        %mul3A_616 = arith.mulf %mul3A_615, %sub3A_58 : vector<16xf32>
        %add3A_617 = arith.addf %get3A_16, %mul3A_616 : vector<16xf32>
        %add3A_618 = arith.constant 4 : i32
        %add3A_619 = arith.addi %mul3A_263, %add3A_618 : i32
        %swap3A_620 = arith.index_cast %add3A_619 : i32 to index
        %swap3A_621 = arith.constant 32 : index
        %swap3A_622 = tpu.vector_load %arg8[%swap3A_620, %swap3A_621] {strides = array<i32>} : memref<400x128xf32, #tpu.memory_space<vmem>>, vector<1x16xf32>,
        %swap3A_623 = vector.shape_cast %swap3A_622 : vector<1x16xf32> to vector<16xf32>
        %swap3A_624 = vector.shape_cast %add3A_617 : vector<16xf32> to vector<1x16xf32>
        tpu.vector_store %arg8[%swap3A_620, %swap3A_621], %swap3A_624 {strides = array<i32>} : memref<400x128xf32, #tpu.memory_space<vmem>>, vector<1x16xf32>,
        %mul3A_625 = vector.broadcast %squeeze3A_594 : f32 to vector<16xf32>
        %mul3A_626 = arith.mulf %mul3A_625, %sub3A_64 : vector<16xf32>
        %add3A_627 = arith.addf %get3A_21, %mul3A_626 : vector<16xf32>
        %add3A_628 = arith.constant 4 : i32
        %add3A_629 = arith.addi %mul3A_263, %add3A_628 : i32
        %swap3A_630 = arith.index_cast %add3A_629 : i32 to index
        %swap3A_631 = arith.constant 48 : index
        %swap3A_632 = tpu.vector_load %arg8[%swap3A_630, %swap3A_631] {strides = array<i32>} : memref<400x128xf32, #tpu.memory_space<vmem>>, vector<1x16xf32>,
        %swap3A_633 = vector.shape_cast %swap3A_632 : vector<1x16xf32> to vector<16xf32>
        %swap3A_634 = vector.shape_cast %add3A_627 : vector<16xf32> to vector<1x16xf32>
        tpu.vector_store %arg8[%swap3A_630, %swap3A_631], %swap3A_634 {strides = array<i32>} : memref<400x128xf32, #tpu.memory_space<vmem>>, vector<1x16xf32>,
        %mul3A_635 = vector.broadcast %squeeze3A_594 : f32 to vector<16xf32>
        %mul3A_636 = arith.mulf %mul3A_635, %sub3A_70 : vector<16xf32>
        %add3A_637 = arith.addf %get3A_26, %mul3A_636 : vector<16xf32>
        %add3A_638 = arith.constant 4 : i32
        %add3A_639 = arith.addi %mul3A_263, %add3A_638 : i32
        %swap3A_640 = arith.index_cast %add3A_639 : i32 to index
        %swap3A_641 = arith.constant 64 : index
        %swap3A_642 = tpu.vector_load %arg8[%swap3A_640, %swap3A_641] {strides = array<i32>} : memref<400x128xf32, #tpu.memory_space<vmem>>, vector<1x16xf32>,
        %swap3A_643 = vector.shape_cast %swap3A_642 : vector<1x16xf32> to vector<16xf32>
        %swap3A_644 = vector.shape_cast %add3A_637 : vector<16xf32> to vector<1x16xf32>
        tpu.vector_store %arg8[%swap3A_640, %swap3A_641], %swap3A_644 {strides = array<i32>} : memref<400x128xf32, #tpu.memory_space<vmem>>, vector<1x16xf32>,
        %mul3A_645 = vector.broadcast %squeeze3A_594 : f32 to vector<16xf32>
        %mul3A_646 = arith.mulf %mul3A_645, %sub3A_76 : vector<16xf32>
        %add3A_647 = arith.addf %get3A_31, %mul3A_646 : vector<16xf32>
        %add3A_648 = arith.constant 4 : i32
        %add3A_649 = arith.addi %mul3A_263, %add3A_648 : i32
        %swap3A_650 = arith.index_cast %add3A_649 : i32 to index
        %swap3A_651 = arith.constant 80 : index
        %swap3A_652 = tpu.vector_load %arg8[%swap3A_650, %swap3A_651] {strides = array<i32>} : memref<400x128xf32, #tpu.memory_space<vmem>>, vector<1x16xf32>,
        %swap3A_653 = vector.shape_cast %swap3A_652 : vector<1x16xf32> to vector<16xf32>
        %swap3A_654 = vector.shape_cast %add3A_647 : vector<16xf32> to vector<1x16xf32>
        tpu.vector_store %arg8[%swap3A_650, %swap3A_651], %swap3A_654 {strides = array<i32>} : memref<400x128xf32, #tpu.memory_space<vmem>>, vector<1x16xf32>,
        %mul3A_655 = vector.broadcast %squeeze3A_594 : f32 to vector<16xf32>
        %mul3A_656 = arith.mulf %mul3A_655, %sub3A_82 : vector<16xf32>
        %add3A_657 = arith.addf %get3A_36, %mul3A_656 : vector<16xf32>
        %add3A_658 = arith.constant 4 : i32
        %add3A_659 = arith.addi %mul3A_263, %add3A_658 : i32
        %swap3A_660 = arith.index_cast %add3A_659 : i32 to index
        %swap3A_661 = arith.constant 96 : index
        %swap3A_662 = tpu.vector_load %arg8[%swap3A_660, %swap3A_661] {strides = array<i32>} : memref<400x128xf32, #tpu.memory_space<vmem>>, vector<1x16xf32>,
        %swap3A_663 = vector.shape_cast %swap3A_662 : vector<1x16xf32> to vector<16xf32>
        %swap3A_664 = vector.shape_cast %add3A_657 : vector<16xf32> to vector<1x16xf32>
        tpu.vector_store %arg8[%swap3A_660, %swap3A_661], %swap3A_664 {strides = array<i32>} : memref<400x128xf32, #tpu.memory_space<vmem>>, vector<1x16xf32>,
        %mul3A_665 = vector.broadcast %squeeze3A_594 : f32 to vector<16xf32>
        %mul3A_666 = arith.mulf %mul3A_665, %sub3A_88 : vector<16xf32>
        %add3A_667 = arith.addf %get3A_41, %mul3A_666 : vector<16xf32>
        %add3A_668 = arith.constant 4 : i32
        %add3A_669 = arith.addi %mul3A_263, %add3A_668 : i32
        %swap3A_670 = arith.index_cast %add3A_669 : i32 to index
        %swap3A_671 = arith.constant 112 : index
        %swap3A_672 = tpu.vector_load %arg8[%swap3A_670, %swap3A_671] {strides = array<i32>} : memref<400x128xf32, #tpu.memory_space<vmem>>, vector<1x16xf32>,
        %swap3A_673 = vector.shape_cast %swap3A_672 : vector<1x16xf32> to vector<16xf32>
        %swap3A_674 = vector.shape_cast %add3A_667 : vector<16xf32> to vector<1x16xf32>
        tpu.vector_store %arg8[%swap3A_670, %swap3A_671], %swap3A_674 {strides = array<i32>} : memref<400x128xf32, #tpu.memory_space<vmem>>, vector<1x16xf32>,
        %slice3A_675 = vector.extract_strided_slice %convert_element_type3A_267 {offsets = [5], sizes = [1], strides = [1]} : vector<16xf32> to vector<1xf32>
        %squeeze3A_676 = vector.extract %slice3A_675[0] : f32 from vector<1xf32>
        %mul3A_677 = vector.broadcast %squeeze3A_676 : f32 to vector<16xf32>
        %mul3A_678 = arith.mulf %mul3A_677, %sub3A : vector<16xf32>
        %add3A_679 = arith.addf %get3A_6, %mul3A_678 : vector<16xf32>
        %add3A_680 = arith.constant 5 : i32
        %add3A_681 = arith.addi %mul3A_263, %add3A_680 : i32
        %swap3A_682 = arith.index_cast %add3A_681 : i32 to index
        %swap3A_683 = arith.constant 0 : index
        %swap3A_684 = tpu.vector_load %arg8[%swap3A_682, %swap3A_683] {strides = array<i32>} : memref<400x128xf32, #tpu.memory_space<vmem>>, vector<1x16xf32>,
        %swap3A_685 = vector.shape_cast %swap3A_684 : vector<1x16xf32> to vector<16xf32>
        %swap3A_686 = vector.shape_cast %add3A_679 : vector<16xf32> to vector<1x16xf32>
        tpu.vector_store %arg8[%swap3A_682, %swap3A_683], %swap3A_686 {strides = array<i32>} : memref<400x128xf32, #tpu.memory_space<vmem>>, vector<1x16xf32>,
        %mul3A_687 = vector.broadcast %squeeze3A_676 : f32 to vector<16xf32>
        %mul3A_688 = arith.mulf %mul3A_687, %sub3A_52 : vector<16xf32>
        %add3A_689 = arith.addf %get3A_11, %mul3A_688 : vector<16xf32>
        %add3A_690 = arith.constant 5 : i32
        %add3A_691 = arith.addi %mul3A_263, %add3A_690 : i32
        %swap3A_692 = arith.index_cast %add3A_691 : i32 to index
        %swap3A_693 = arith.constant 16 : index
        %swap3A_694 = tpu.vector_load %arg8[%swap3A_692, %swap3A_693] {strides = array<i32>} : memref<400x128xf32, #tpu.memory_space<vmem>>, vector<1x16xf32>,
        %swap3A_695 = vector.shape_cast %swap3A_694 : vector<1x16xf32> to vector<16xf32>
        %swap3A_696 = vector.shape_cast %add3A_689 : vector<16xf32> to vector<1x16xf32>
        tpu.vector_store %arg8[%swap3A_692, %swap3A_693], %swap3A_696 {strides = array<i32>} : memref<400x128xf32, #tpu.memory_space<vmem>>, vector<1x16xf32>,
        %mul3A_697 = vector.broadcast %squeeze3A_676 : f32 to vector<16xf32>
        %mul3A_698 = arith.mulf %mul3A_697, %sub3A_58 : vector<16xf32>
        %add3A_699 = arith.addf %get3A_16, %mul3A_698 : vector<16xf32>
        %add3A_700 = arith.constant 5 : i32
        %add3A_701 = arith.addi %mul3A_263, %add3A_700 : i32
        %swap3A_702 = arith.index_cast %add3A_701 : i32 to index
        %swap3A_703 = arith.constant 32 : index
        %swap3A_704 = tpu.vector_load %arg8[%swap3A_702, %swap3A_703] {strides = array<i32>} : memref<400x128xf32, #tpu.memory_space<vmem>>, vector<1x16xf32>,
        %swap3A_705 = vector.shape_cast %swap3A_704 : vector<1x16xf32> to vector<16xf32>
        %swap3A_706 = vector.shape_cast %add3A_699 : vector<16xf32> to vector<1x16xf32>
        tpu.vector_store %arg8[%swap3A_702, %swap3A_703], %swap3A_706 {strides = array<i32>} : memref<400x128xf32, #tpu.memory_space<vmem>>, vector<1x16xf32>,
        %mul3A_707 = vector.broadcast %squeeze3A_676 : f32 to vector<16xf32>
        %mul3A_708 = arith.mulf %mul3A_707, %sub3A_64 : vector<16xf32>
        %add3A_709 = arith.addf %get3A_21, %mul3A_708 : vector<16xf32>
        %add3A_710 = arith.constant 5 : i32
        %add3A_711 = arith.addi %mul3A_263, %add3A_710 : i32
        %swap3A_712 = arith.index_cast %add3A_711 : i32 to index
        %swap3A_713 = arith.constant 48 : index
        %swap3A_714 = tpu.vector_load %arg8[%swap3A_712, %swap3A_713] {strides = array<i32>} : memref<400x128xf32, #tpu.memory_space<vmem>>, vector<1x16xf32>,
        %swap3A_715 = vector.shape_cast %swap3A_714 : vector<1x16xf32> to vector<16xf32>
        %swap3A_716 = vector.shape_cast %add3A_709 : vector<16xf32> to vector<1x16xf32>
        tpu.vector_store %arg8[%swap3A_712, %swap3A_713], %swap3A_716 {strides = array<i32>} : memref<400x128xf32, #tpu.memory_space<vmem>>, vector<1x16xf32>,
        %mul3A_717 = vector.broadcast %squeeze3A_676 : f32 to vector<16xf32>
        %mul3A_718 = arith.mulf %mul3A_717, %sub3A_70 : vector<16xf32>
        %add3A_719 = arith.addf %get3A_26, %mul3A_718 : vector<16xf32>
        %add3A_720 = arith.constant 5 : i32
        %add3A_721 = arith.addi %mul3A_263, %add3A_720 : i32
        %swap3A_722 = arith.index_cast %add3A_721 : i32 to index
        %swap3A_723 = arith.constant 64 : index
        %swap3A_724 = tpu.vector_load %arg8[%swap3A_722, %swap3A_723] {strides = array<i32>} : memref<400x128xf32, #tpu.memory_space<vmem>>, vector<1x16xf32>,
        %swap3A_725 = vector.shape_cast %swap3A_724 : vector<1x16xf32> to vector<16xf32>
        %swap3A_726 = vector.shape_cast %add3A_719 : vector<16xf32> to vector<1x16xf32>
        tpu.vector_store %arg8[%swap3A_722, %swap3A_723], %swap3A_726 {strides = array<i32>} : memref<400x128xf32, #tpu.memory_space<vmem>>, vector<1x16xf32>,
        %mul3A_727 = vector.broadcast %squeeze3A_676 : f32 to vector<16xf32>
        %mul3A_728 = arith.mulf %mul3A_727, %sub3A_76 : vector<16xf32>
        %add3A_729 = arith.addf %get3A_31, %mul3A_728 : vector<16xf32>
        %add3A_730 = arith.constant 5 : i32
        %add3A_731 = arith.addi %mul3A_263, %add3A_730 : i32
        %swap3A_732 = arith.index_cast %add3A_731 : i32 to index
        %swap3A_733 = arith.constant 80 : index
        %swap3A_734 = tpu.vector_load %arg8[%swap3A_732, %swap3A_733] {strides = array<i32>} : memref<400x128xf32, #tpu.memory_space<vmem>>, vector<1x16xf32>,
        %swap3A_735 = vector.shape_cast %swap3A_734 : vector<1x16xf32> to vector<16xf32>
        %swap3A_736 = vector.shape_cast %add3A_729 : vector<16xf32> to vector<1x16xf32>
        tpu.vector_store %arg8[%swap3A_732, %swap3A_733], %swap3A_736 {strides = array<i32>} : memref<400x128xf32, #tpu.memory_space<vmem>>, vector<1x16xf32>,
        %mul3A_737 = vector.broadcast %squeeze3A_676 : f32 to vector<16xf32>
        %mul3A_738 = arith.mulf %mul3A_737, %sub3A_82 : vector<16xf32>
        %add3A_739 = arith.addf %get3A_36, %mul3A_738 : vector<16xf32>
        %add3A_740 = arith.constant 5 : i32
        %add3A_741 = arith.addi %mul3A_263, %add3A_740 : i32
        %swap3A_742 = arith.index_cast %add3A_741 : i32 to index
        %swap3A_743 = arith.constant 96 : index
        %swap3A_744 = tpu.vector_load %arg8[%swap3A_742, %swap3A_743] {strides = array<i32>} : memref<400x128xf32, #tpu.memory_space<vmem>>, vector<1x16xf32>,
        %swap3A_745 = vector.shape_cast %swap3A_744 : vector<1x16xf32> to vector<16xf32>
        %swap3A_746 = vector.shape_cast %add3A_739 : vector<16xf32> to vector<1x16xf32>
        tpu.vector_store %arg8[%swap3A_742, %swap3A_743], %swap3A_746 {strides = array<i32>} : memref<400x128xf32, #tpu.memory_space<vmem>>, vector<1x16xf32>,
        %mul3A_747 = vector.broadcast %squeeze3A_676 : f32 to vector<16xf32>
        %mul3A_748 = arith.mulf %mul3A_747, %sub3A_88 : vector<16xf32>
        %add3A_749 = arith.addf %get3A_41, %mul3A_748 : vector<16xf32>
        %add3A_750 = arith.constant 5 : i32
        %add3A_751 = arith.addi %mul3A_263, %add3A_750 : i32
        %swap3A_752 = arith.index_cast %add3A_751 : i32 to index
        %swap3A_753 = arith.constant 112 : index
        %swap3A_754 = tpu.vector_load %arg8[%swap3A_752, %swap3A_753] {strides = array<i32>} : memref<400x128xf32, #tpu.memory_space<vmem>>, vector<1x16xf32>,
        %swap3A_755 = vector.shape_cast %swap3A_754 : vector<1x16xf32> to vector<16xf32>
        %swap3A_756 = vector.shape_cast %add3A_749 : vector<16xf32> to vector<1x16xf32>
        tpu.vector_store %arg8[%swap3A_752, %swap3A_753], %swap3A_756 {strides = array<i32>} : memref<400x128xf32, #tpu.memory_space<vmem>>, vector<1x16xf32>,
        %slice3A_757 = vector.extract_strided_slice %convert_element_type3A_267 {offsets = [6], sizes = [1], strides = [1]} : vector<16xf32> to vector<1xf32>
        %squeeze3A_758 = vector.extract %slice3A_757[0] : f32 from vector<1xf32>
        %mul3A_759 = vector.broadcast %squeeze3A_758 : f32 to vector<16xf32>
        %mul3A_760 = arith.mulf %mul3A_759, %sub3A : vector<16xf32>
        %add3A_761 = arith.addf %get3A_6, %mul3A_760 : vector<16xf32>
        %add3A_762 = arith.constant 6 : i32
        %add3A_763 = arith.addi %mul3A_263, %add3A_762 : i32
        %swap3A_764 = arith.index_cast %add3A_763 : i32 to index
        %swap3A_765 = arith.constant 0 : index
        %swap3A_766 = tpu.vector_load %arg8[%swap3A_764, %swap3A_765] {strides = array<i32>} : memref<400x128xf32, #tpu.memory_space<vmem>>, vector<1x16xf32>,
        %swap3A_767 = vector.shape_cast %swap3A_766 : vector<1x16xf32> to vector<16xf32>
        %swap3A_768 = vector.shape_cast %add3A_761 : vector<16xf32> to vector<1x16xf32>
        tpu.vector_store %arg8[%swap3A_764, %swap3A_765], %swap3A_768 {strides = array<i32>} : memref<400x128xf32, #tpu.memory_space<vmem>>, vector<1x16xf32>,
        %mul3A_769 = vector.broadcast %squeeze3A_758 : f32 to vector<16xf32>
        %mul3A_770 = arith.mulf %mul3A_769, %sub3A_52 : vector<16xf32>
        %add3A_771 = arith.addf %get3A_11, %mul3A_770 : vector<16xf32>
        %add3A_772 = arith.constant 6 : i32
        %add3A_773 = arith.addi %mul3A_263, %add3A_772 : i32
        %swap3A_774 = arith.index_cast %add3A_773 : i32 to index
        %swap3A_775 = arith.constant 16 : index
        %swap3A_776 = tpu.vector_load %arg8[%swap3A_774, %swap3A_775] {strides = array<i32>} : memref<400x128xf32, #tpu.memory_space<vmem>>, vector<1x16xf32>,
        %swap3A_777 = vector.shape_cast %swap3A_776 : vector<1x16xf32> to vector<16xf32>
        %swap3A_778 = vector.shape_cast %add3A_771 : vector<16xf32> to vector<1x16xf32>
        tpu.vector_store %arg8[%swap3A_774, %swap3A_775], %swap3A_778 {strides = array<i32>} : memref<400x128xf32, #tpu.memory_space<vmem>>, vector<1x16xf32>,
        %mul3A_779 = vector.broadcast %squeeze3A_758 : f32 to vector<16xf32>
        %mul3A_780 = arith.mulf %mul3A_779, %sub3A_58 : vector<16xf32>
        %add3A_781 = arith.addf %get3A_16, %mul3A_780 : vector<16xf32>
        %add3A_782 = arith.constant 6 : i32
        %add3A_783 = arith.addi %mul3A_263, %add3A_782 : i32
        %swap3A_784 = arith.index_cast %add3A_783 : i32 to index
        %swap3A_785 = arith.constant 32 : index
        %swap3A_786 = tpu.vector_load %arg8[%swap3A_784, %swap3A_785] {strides = array<i32>} : memref<400x128xf32, #tpu.memory_space<vmem>>, vector<1x16xf32>,
        %swap3A_787 = vector.shape_cast %swap3A_786 : vector<1x16xf32> to vector<16xf32>
        %swap3A_788 = vector.shape_cast %add3A_781 : vector<16xf32> to vector<1x16xf32>
        tpu.vector_store %arg8[%swap3A_784, %swap3A_785], %swap3A_788 {strides = array<i32>} : memref<400x128xf32, #tpu.memory_space<vmem>>, vector<1x16xf32>,
        %mul3A_789 = vector.broadcast %squeeze3A_758 : f32 to vector<16xf32>
        %mul3A_790 = arith.mulf %mul3A_789, %sub3A_64 : vector<16xf32>
        %add3A_791 = arith.addf %get3A_21, %mul3A_790 : vector<16xf32>
        %add3A_792 = arith.constant 6 : i32
        %add3A_793 = arith.addi %mul3A_263, %add3A_792 : i32
        %swap3A_794 = arith.index_cast %add3A_793 : i32 to index
        %swap3A_795 = arith.constant 48 : index
        %swap3A_796 = tpu.vector_load %arg8[%swap3A_794, %swap3A_795] {strides = array<i32>} : memref<400x128xf32, #tpu.memory_space<vmem>>, vector<1x16xf32>,
        %swap3A_797 = vector.shape_cast %swap3A_796 : vector<1x16xf32> to vector<16xf32>
        %swap3A_798 = vector.shape_cast %add3A_791 : vector<16xf32> to vector<1x16xf32>
        tpu.vector_store %arg8[%swap3A_794, %swap3A_795], %swap3A_798 {strides = array<i32>} : memref<400x128xf32, #tpu.memory_space<vmem>>, vector<1x16xf32>,
        %mul3A_799 = vector.broadcast %squeeze3A_758 : f32 to vector<16xf32>
        %mul3A_800 = arith.mulf %mul3A_799, %sub3A_70 : vector<16xf32>
        %add3A_801 = arith.addf %get3A_26, %mul3A_800 : vector<16xf32>
        %add3A_802 = arith.constant 6 : i32
        %add3A_803 = arith.addi %mul3A_263, %add3A_802 : i32
        %swap3A_804 = arith.index_cast %add3A_803 : i32 to index
        %swap3A_805 = arith.constant 64 : index
        %swap3A_806 = tpu.vector_load %arg8[%swap3A_804, %swap3A_805] {strides = array<i32>} : memref<400x128xf32, #tpu.memory_space<vmem>>, vector<1x16xf32>,
        %swap3A_807 = vector.shape_cast %swap3A_806 : vector<1x16xf32> to vector<16xf32>
        %swap3A_808 = vector.shape_cast %add3A_801 : vector<16xf32> to vector<1x16xf32>
        tpu.vector_store %arg8[%swap3A_804, %swap3A_805], %swap3A_808 {strides = array<i32>} : memref<400x128xf32, #tpu.memory_space<vmem>>, vector<1x16xf32>,
        %mul3A_809 = vector.broadcast %squeeze3A_758 : f32 to vector<16xf32>
        %mul3A_810 = arith.mulf %mul3A_809, %sub3A_76 : vector<16xf32>
        %add3A_811 = arith.addf %get3A_31, %mul3A_810 : vector<16xf32>
        %add3A_812 = arith.constant 6 : i32
        %add3A_813 = arith.addi %mul3A_263, %add3A_812 : i32
        %swap3A_814 = arith.index_cast %add3A_813 : i32 to index
        %swap3A_815 = arith.constant 80 : index
        %swap3A_816 = tpu.vector_load %arg8[%swap3A_814, %swap3A_815] {strides = array<i32>} : memref<400x128xf32, #tpu.memory_space<vmem>>, vector<1x16xf32>,
        %swap3A_817 = vector.shape_cast %swap3A_816 : vector<1x16xf32> to vector<16xf32>
        %swap3A_818 = vector.shape_cast %add3A_811 : vector<16xf32> to vector<1x16xf32>
        tpu.vector_store %arg8[%swap3A_814, %swap3A_815], %swap3A_818 {strides = array<i32>} : memref<400x128xf32, #tpu.memory_space<vmem>>, vector<1x16xf32>,
        %mul3A_819 = vector.broadcast %squeeze3A_758 : f32 to vector<16xf32>
        %mul3A_820 = arith.mulf %mul3A_819, %sub3A_82 : vector<16xf32>
        %add3A_821 = arith.addf %get3A_36, %mul3A_820 : vector<16xf32>
        %add3A_822 = arith.constant 6 : i32
        %add3A_823 = arith.addi %mul3A_263, %add3A_822 : i32
        %swap3A_824 = arith.index_cast %add3A_823 : i32 to index
        %swap3A_825 = arith.constant 96 : index
        %swap3A_826 = tpu.vector_load %arg8[%swap3A_824, %swap3A_825] {strides = array<i32>} : memref<400x128xf32, #tpu.memory_space<vmem>>, vector<1x16xf32>,
        %swap3A_827 = vector.shape_cast %swap3A_826 : vector<1x16xf32> to vector<16xf32>
        %swap3A_828 = vector.shape_cast %add3A_821 : vector<16xf32> to vector<1x16xf32>
        tpu.vector_store %arg8[%swap3A_824, %swap3A_825], %swap3A_828 {strides = array<i32>} : memref<400x128xf32, #tpu.memory_space<vmem>>, vector<1x16xf32>,
        %mul3A_829 = vector.broadcast %squeeze3A_758 : f32 to vector<16xf32>
        %mul3A_830 = arith.mulf %mul3A_829, %sub3A_88 : vector<16xf32>
        %add3A_831 = arith.addf %get3A_41, %mul3A_830 : vector<16xf32>
        %add3A_832 = arith.constant 6 : i32
        %add3A_833 = arith.addi %mul3A_263, %add3A_832 : i32
        %swap3A_834 = arith.index_cast %add3A_833 : i32 to index
        %swap3A_835 = arith.constant 112 : index
        %swap3A_836 = tpu.vector_load %arg8[%swap3A_834, %swap3A_835] {strides = array<i32>} : memref<400x128xf32, #tpu.memory_space<vmem>>, vector<1x16xf32>,
        %swap3A_837 = vector.shape_cast %swap3A_836 : vector<1x16xf32> to vector<16xf32>
        %swap3A_838 = vector.shape_cast %add3A_831 : vector<16xf32> to vector<1x16xf32>
        tpu.vector_store %arg8[%swap3A_834, %swap3A_835], %swap3A_838 {strides = array<i32>} : memref<400x128xf32, #tpu.memory_space<vmem>>, vector<1x16xf32>,
        %slice3A_839 = vector.extract_strided_slice %convert_element_type3A_267 {offsets = [7], sizes = [1], strides = [1]} : vector<16xf32> to vector<1xf32>
        %squeeze3A_840 = vector.extract %slice3A_839[0] : f32 from vector<1xf32>
        %mul3A_841 = vector.broadcast %squeeze3A_840 : f32 to vector<16xf32>
        %mul3A_842 = arith.mulf %mul3A_841, %sub3A : vector<16xf32>
        %add3A_843 = arith.addf %get3A_6, %mul3A_842 : vector<16xf32>
        %add3A_844 = arith.constant 7 : i32
        %add3A_845 = arith.addi %mul3A_263, %add3A_844 : i32
        %swap3A_846 = arith.index_cast %add3A_845 : i32 to index
        %swap3A_847 = arith.constant 0 : index
        %swap3A_848 = tpu.vector_load %arg8[%swap3A_846, %swap3A_847] {strides = array<i32>} : memref<400x128xf32, #tpu.memory_space<vmem>>, vector<1x16xf32>,
        %swap3A_849 = vector.shape_cast %swap3A_848 : vector<1x16xf32> to vector<16xf32>
        %swap3A_850 = vector.shape_cast %add3A_843 : vector<16xf32> to vector<1x16xf32>
        tpu.vector_store %arg8[%swap3A_846, %swap3A_847], %swap3A_850 {strides = array<i32>} : memref<400x128xf32, #tpu.memory_space<vmem>>, vector<1x16xf32>,
        %mul3A_851 = vector.broadcast %squeeze3A_840 : f32 to vector<16xf32>
        %mul3A_852 = arith.mulf %mul3A_851, %sub3A_52 : vector<16xf32>
        %add3A_853 = arith.addf %get3A_11, %mul3A_852 : vector<16xf32>
        %add3A_854 = arith.constant 7 : i32
        %add3A_855 = arith.addi %mul3A_263, %add3A_854 : i32
        %swap3A_856 = arith.index_cast %add3A_855 : i32 to index
        %swap3A_857 = arith.constant 16 : index
        %swap3A_858 = tpu.vector_load %arg8[%swap3A_856, %swap3A_857] {strides = array<i32>} : memref<400x128xf32, #tpu.memory_space<vmem>>, vector<1x16xf32>,
        %swap3A_859 = vector.shape_cast %swap3A_858 : vector<1x16xf32> to vector<16xf32>
        %swap3A_860 = vector.shape_cast %add3A_853 : vector<16xf32> to vector<1x16xf32>
        tpu.vector_store %arg8[%swap3A_856, %swap3A_857], %swap3A_860 {strides = array<i32>} : memref<400x128xf32, #tpu.memory_space<vmem>>, vector<1x16xf32>,
        %mul3A_861 = vector.broadcast %squeeze3A_840 : f32 to vector<16xf32>
        %mul3A_862 = arith.mulf %mul3A_861, %sub3A_58 : vector<16xf32>
        %add3A_863 = arith.addf %get3A_16, %mul3A_862 : vector<16xf32>
        %add3A_864 = arith.constant 7 : i32
        %add3A_865 = arith.addi %mul3A_263, %add3A_864 : i32
        %swap3A_866 = arith.index_cast %add3A_865 : i32 to index
        %swap3A_867 = arith.constant 32 : index
        %swap3A_868 = tpu.vector_load %arg8[%swap3A_866, %swap3A_867] {strides = array<i32>} : memref<400x128xf32, #tpu.memory_space<vmem>>, vector<1x16xf32>,
        %swap3A_869 = vector.shape_cast %swap3A_868 : vector<1x16xf32> to vector<16xf32>
        %swap3A_870 = vector.shape_cast %add3A_863 : vector<16xf32> to vector<1x16xf32>
        tpu.vector_store %arg8[%swap3A_866, %swap3A_867], %swap3A_870 {strides = array<i32>} : memref<400x128xf32, #tpu.memory_space<vmem>>, vector<1x16xf32>,
        %mul3A_871 = vector.broadcast %squeeze3A_840 : f32 to vector<16xf32>
        %mul3A_872 = arith.mulf %mul3A_871, %sub3A_64 : vector<16xf32>
        %add3A_873 = arith.addf %get3A_21, %mul3A_872 : vector<16xf32>
        %add3A_874 = arith.constant 7 : i32
        %add3A_875 = arith.addi %mul3A_263, %add3A_874 : i32
        %swap3A_876 = arith.index_cast %add3A_875 : i32 to index
        %swap3A_877 = arith.constant 48 : index
        %swap3A_878 = tpu.vector_load %arg8[%swap3A_876, %swap3A_877] {strides = array<i32>} : memref<400x128xf32, #tpu.memory_space<vmem>>, vector<1x16xf32>,
        %swap3A_879 = vector.shape_cast %swap3A_878 : vector<1x16xf32> to vector<16xf32>
        %swap3A_880 = vector.shape_cast %add3A_873 : vector<16xf32> to vector<1x16xf32>
        tpu.vector_store %arg8[%swap3A_876, %swap3A_877], %swap3A_880 {strides = array<i32>} : memref<400x128xf32, #tpu.memory_space<vmem>>, vector<1x16xf32>,
        %mul3A_881 = vector.broadcast %squeeze3A_840 : f32 to vector<16xf32>
        %mul3A_882 = arith.mulf %mul3A_881, %sub3A_70 : vector<16xf32>
        %add3A_883 = arith.addf %get3A_26, %mul3A_882 : vector<16xf32>
        %add3A_884 = arith.constant 7 : i32
        %add3A_885 = arith.addi %mul3A_263, %add3A_884 : i32
        %swap3A_886 = arith.index_cast %add3A_885 : i32 to index
        %swap3A_887 = arith.constant 64 : index
        %swap3A_888 = tpu.vector_load %arg8[%swap3A_886, %swap3A_887] {strides = array<i32>} : memref<400x128xf32, #tpu.memory_space<vmem>>, vector<1x16xf32>,
        %swap3A_889 = vector.shape_cast %swap3A_888 : vector<1x16xf32> to vector<16xf32>
        %swap3A_890 = vector.shape_cast %add3A_883 : vector<16xf32> to vector<1x16xf32>
        tpu.vector_store %arg8[%swap3A_886, %swap3A_887], %swap3A_890 {strides = array<i32>} : memref<400x128xf32, #tpu.memory_space<vmem>>, vector<1x16xf32>,
        %mul3A_891 = vector.broadcast %squeeze3A_840 : f32 to vector<16xf32>
        %mul3A_892 = arith.mulf %mul3A_891, %sub3A_76 : vector<16xf32>
        %add3A_893 = arith.addf %get3A_31, %mul3A_892 : vector<16xf32>
        %add3A_894 = arith.constant 7 : i32
        %add3A_895 = arith.addi %mul3A_263, %add3A_894 : i32
        %swap3A_896 = arith.index_cast %add3A_895 : i32 to index
        %swap3A_897 = arith.constant 80 : index
        %swap3A_898 = tpu.vector_load %arg8[%swap3A_896, %swap3A_897] {strides = array<i32>} : memref<400x128xf32, #tpu.memory_space<vmem>>, vector<1x16xf32>,
        %swap3A_899 = vector.shape_cast %swap3A_898 : vector<1x16xf32> to vector<16xf32>
        %swap3A_900 = vector.shape_cast %add3A_893 : vector<16xf32> to vector<1x16xf32>
        tpu.vector_store %arg8[%swap3A_896, %swap3A_897], %swap3A_900 {strides = array<i32>} : memref<400x128xf32, #tpu.memory_space<vmem>>, vector<1x16xf32>,
        %mul3A_901 = vector.broadcast %squeeze3A_840 : f32 to vector<16xf32>
        %mul3A_902 = arith.mulf %mul3A_901, %sub3A_82 : vector<16xf32>
        %add3A_903 = arith.addf %get3A_36, %mul3A_902 : vector<16xf32>
        %add3A_904 = arith.constant 7 : i32
        %add3A_905 = arith.addi %mul3A_263, %add3A_904 : i32
        %swap3A_906 = arith.index_cast %add3A_905 : i32 to index
        %swap3A_907 = arith.constant 96 : index
        %swap3A_908 = tpu.vector_load %arg8[%swap3A_906, %swap3A_907] {strides = array<i32>} : memref<400x128xf32, #tpu.memory_space<vmem>>, vector<1x16xf32>,
        %swap3A_909 = vector.shape_cast %swap3A_908 : vector<1x16xf32> to vector<16xf32>
        %swap3A_910 = vector.shape_cast %add3A_903 : vector<16xf32> to vector<1x16xf32>
        tpu.vector_store %arg8[%swap3A_906, %swap3A_907], %swap3A_910 {strides = array<i32>} : memref<400x128xf32, #tpu.memory_space<vmem>>, vector<1x16xf32>,
        %mul3A_911 = vector.broadcast %squeeze3A_840 : f32 to vector<16xf32>
        %mul3A_912 = arith.mulf %mul3A_911, %sub3A_88 : vector<16xf32>
        %add3A_913 = arith.addf %get3A_41, %mul3A_912 : vector<16xf32>
        %add3A_914 = arith.constant 7 : i32
        %add3A_915 = arith.addi %mul3A_263, %add3A_914 : i32
        %swap3A_916 = arith.index_cast %add3A_915 : i32 to index
        %swap3A_917 = arith.constant 112 : index
        %swap3A_918 = tpu.vector_load %arg8[%swap3A_916, %swap3A_917] {strides = array<i32>} : memref<400x128xf32, #tpu.memory_space<vmem>>, vector<1x16xf32>,
        %swap3A_919 = vector.shape_cast %swap3A_918 : vector<1x16xf32> to vector<16xf32>
        %swap3A_920 = vector.shape_cast %add3A_913 : vector<16xf32> to vector<1x16xf32>
        tpu.vector_store %arg8[%swap3A_916, %swap3A_917], %swap3A_920 {strides = array<i32>} : memref<400x128xf32, #tpu.memory_space<vmem>>, vector<1x16xf32>,
        %slice3A_921 = vector.extract_strided_slice %convert_element_type3A_267 {offsets = [8], sizes = [1], strides = [1]} : vector<16xf32> to vector<1xf32>
        %squeeze3A_922 = vector.extract %slice3A_921[0] : f32 from vector<1xf32>
        %mul3A_923 = vector.broadcast %squeeze3A_922 : f32 to vector<16xf32>
        %mul3A_924 = arith.mulf %mul3A_923, %sub3A : vector<16xf32>
        %add3A_925 = arith.addf %get3A_6, %mul3A_924 : vector<16xf32>
        %add3A_926 = arith.constant 8 : i32
        %add3A_927 = arith.addi %mul3A_263, %add3A_926 : i32
        %swap3A_928 = arith.index_cast %add3A_927 : i32 to index
        %swap3A_929 = arith.constant 0 : index
        %swap3A_930 = tpu.vector_load %arg8[%swap3A_928, %swap3A_929] {strides = array<i32>} : memref<400x128xf32, #tpu.memory_space<vmem>>, vector<1x16xf32>,
        %swap3A_931 = vector.shape_cast %swap3A_930 : vector<1x16xf32> to vector<16xf32>
        %swap3A_932 = vector.shape_cast %add3A_925 : vector<16xf32> to vector<1x16xf32>
        tpu.vector_store %arg8[%swap3A_928, %swap3A_929], %swap3A_932 {strides = array<i32>} : memref<400x128xf32, #tpu.memory_space<vmem>>, vector<1x16xf32>,
        %mul3A_933 = vector.broadcast %squeeze3A_922 : f32 to vector<16xf32>
        %mul3A_934 = arith.mulf %mul3A_933, %sub3A_52 : vector<16xf32>
        %add3A_935 = arith.addf %get3A_11, %mul3A_934 : vector<16xf32>
        %add3A_936 = arith.constant 8 : i32
        %add3A_937 = arith.addi %mul3A_263, %add3A_936 : i32
        %swap3A_938 = arith.index_cast %add3A_937 : i32 to index
        %swap3A_939 = arith.constant 16 : index
        %swap3A_940 = tpu.vector_load %arg8[%swap3A_938, %swap3A_939] {strides = array<i32>} : memref<400x128xf32, #tpu.memory_space<vmem>>, vector<1x16xf32>,
        %swap3A_941 = vector.shape_cast %swap3A_940 : vector<1x16xf32> to vector<16xf32>
        %swap3A_942 = vector.shape_cast %add3A_935 : vector<16xf32> to vector<1x16xf32>
        tpu.vector_store %arg8[%swap3A_938, %swap3A_939], %swap3A_942 {strides = array<i32>} : memref<400x128xf32, #tpu.memory_space<vmem>>, vector<1x16xf32>,
        %mul3A_943 = vector.broadcast %squeeze3A_922 : f32 to vector<16xf32>
        %mul3A_944 = arith.mulf %mul3A_943, %sub3A_58 : vector<16xf32>
        %add3A_945 = arith.addf %get3A_16, %mul3A_944 : vector<16xf32>
        %add3A_946 = arith.constant 8 : i32
        %add3A_947 = arith.addi %mul3A_263, %add3A_946 : i32
        %swap3A_948 = arith.index_cast %add3A_947 : i32 to index
        %swap3A_949 = arith.constant 32 : index
        %swap3A_950 = tpu.vector_load %arg8[%swap3A_948, %swap3A_949] {strides = array<i32>} : memref<400x128xf32, #tpu.memory_space<vmem>>, vector<1x16xf32>,
        %swap3A_951 = vector.shape_cast %swap3A_950 : vector<1x16xf32> to vector<16xf32>
        %swap3A_952 = vector.shape_cast %add3A_945 : vector<16xf32> to vector<1x16xf32>
        tpu.vector_store %arg8[%swap3A_948, %swap3A_949], %swap3A_952 {strides = array<i32>} : memref<400x128xf32, #tpu.memory_space<vmem>>, vector<1x16xf32>,
        %mul3A_953 = vector.broadcast %squeeze3A_922 : f32 to vector<16xf32>
        %mul3A_954 = arith.mulf %mul3A_953, %sub3A_64 : vector<16xf32>
        %add3A_955 = arith.addf %get3A_21, %mul3A_954 : vector<16xf32>
        %add3A_956 = arith.constant 8 : i32
        %add3A_957 = arith.addi %mul3A_263, %add3A_956 : i32
        %swap3A_958 = arith.index_cast %add3A_957 : i32 to index
        %swap3A_959 = arith.constant 48 : index
        %swap3A_960 = tpu.vector_load %arg8[%swap3A_958, %swap3A_959] {strides = array<i32>} : memref<400x128xf32, #tpu.memory_space<vmem>>, vector<1x16xf32>,
        %swap3A_961 = vector.shape_cast %swap3A_960 : vector<1x16xf32> to vector<16xf32>
        %swap3A_962 = vector.shape_cast %add3A_955 : vector<16xf32> to vector<1x16xf32>
        tpu.vector_store %arg8[%swap3A_958, %swap3A_959], %swap3A_962 {strides = array<i32>} : memref<400x128xf32, #tpu.memory_space<vmem>>, vector<1x16xf32>,
        %mul3A_963 = vector.broadcast %squeeze3A_922 : f32 to vector<16xf32>
        %mul3A_964 = arith.mulf %mul3A_963, %sub3A_70 : vector<16xf32>
        %add3A_965 = arith.addf %get3A_26, %mul3A_964 : vector<16xf32>
        %add3A_966 = arith.constant 8 : i32
        %add3A_967 = arith.addi %mul3A_263, %add3A_966 : i32
        %swap3A_968 = arith.index_cast %add3A_967 : i32 to index
        %swap3A_969 = arith.constant 64 : index
        %swap3A_970 = tpu.vector_load %arg8[%swap3A_968, %swap3A_969] {strides = array<i32>} : memref<400x128xf32, #tpu.memory_space<vmem>>, vector<1x16xf32>,
        %swap3A_971 = vector.shape_cast %swap3A_970 : vector<1x16xf32> to vector<16xf32>
        %swap3A_972 = vector.shape_cast %add3A_965 : vector<16xf32> to vector<1x16xf32>
        tpu.vector_store %arg8[%swap3A_968, %swap3A_969], %swap3A_972 {strides = array<i32>} : memref<400x128xf32, #tpu.memory_space<vmem>>, vector<1x16xf32>,
        %mul3A_973 = vector.broadcast %squeeze3A_922 : f32 to vector<16xf32>
        %mul3A_974 = arith.mulf %mul3A_973, %sub3A_76 : vector<16xf32>
        %add3A_975 = arith.addf %get3A_31, %mul3A_974 : vector<16xf32>
        %add3A_976 = arith.constant 8 : i32
        %add3A_977 = arith.addi %mul3A_263, %add3A_976 : i32
        %swap3A_978 = arith.index_cast %add3A_977 : i32 to index
        %swap3A_979 = arith.constant 80 : index
        %swap3A_980 = tpu.vector_load %arg8[%swap3A_978, %swap3A_979] {strides = array<i32>} : memref<400x128xf32, #tpu.memory_space<vmem>>, vector<1x16xf32>,
        %swap3A_981 = vector.shape_cast %swap3A_980 : vector<1x16xf32> to vector<16xf32>
        %swap3A_982 = vector.shape_cast %add3A_975 : vector<16xf32> to vector<1x16xf32>
        tpu.vector_store %arg8[%swap3A_978, %swap3A_979], %swap3A_982 {strides = array<i32>} : memref<400x128xf32, #tpu.memory_space<vmem>>, vector<1x16xf32>,
        %mul3A_983 = vector.broadcast %squeeze3A_922 : f32 to vector<16xf32>
        %mul3A_984 = arith.mulf %mul3A_983, %sub3A_82 : vector<16xf32>
        %add3A_985 = arith.addf %get3A_36, %mul3A_984 : vector<16xf32>
        %add3A_986 = arith.constant 8 : i32
        %add3A_987 = arith.addi %mul3A_263, %add3A_986 : i32
        %swap3A_988 = arith.index_cast %add3A_987 : i32 to index
        %swap3A_989 = arith.constant 96 : index
        %swap3A_990 = tpu.vector_load %arg8[%swap3A_988, %swap3A_989] {strides = array<i32>} : memref<400x128xf32, #tpu.memory_space<vmem>>, vector<1x16xf32>,
        %swap3A_991 = vector.shape_cast %swap3A_990 : vector<1x16xf32> to vector<16xf32>
        %swap3A_992 = vector.shape_cast %add3A_985 : vector<16xf32> to vector<1x16xf32>
        tpu.vector_store %arg8[%swap3A_988, %swap3A_989], %swap3A_992 {strides = array<i32>} : memref<400x128xf32, #tpu.memory_space<vmem>>, vector<1x16xf32>,
        %mul3A_993 = vector.broadcast %squeeze3A_922 : f32 to vector<16xf32>
        %mul3A_994 = arith.mulf %mul3A_993, %sub3A_88 : vector<16xf32>
        %add3A_995 = arith.addf %get3A_41, %mul3A_994 : vector<16xf32>
        %add3A_996 = arith.constant 8 : i32
        %add3A_997 = arith.addi %mul3A_263, %add3A_996 : i32
        %swap3A_998 = arith.index_cast %add3A_997 : i32 to index
        %swap3A_999 = arith.constant 112 : index
        %swap3A_1000 = tpu.vector_load %arg8[%swap3A_998, %swap3A_999] {strides = array<i32>} : memref<400x128xf32, #tpu.memory_space<vmem>>, vector<1x16xf32>,
        %swap3A_1001 = vector.shape_cast %swap3A_1000 : vector<1x16xf32> to vector<16xf32>
        %swap3A_1002 = vector.shape_cast %add3A_995 : vector<16xf32> to vector<1x16xf32>
        tpu.vector_store %arg8[%swap3A_998, %swap3A_999], %swap3A_1002 {strides = array<i32>} : memref<400x128xf32, #tpu.memory_space<vmem>>, vector<1x16xf32>,
        %slice3A_1003 = vector.extract_strided_slice %convert_element_type3A_267 {offsets = [9], sizes = [1], strides = [1]} : vector<16xf32> to vector<1xf32>
        %squeeze3A_1004 = vector.extract %slice3A_1003[0] : f32 from vector<1xf32>
        %mul3A_1005 = vector.broadcast %squeeze3A_1004 : f32 to vector<16xf32>
        %mul3A_1006 = arith.mulf %mul3A_1005, %sub3A : vector<16xf32>
        %add3A_1007 = arith.addf %get3A_6, %mul3A_1006 : vector<16xf32>
        %add3A_1008 = arith.constant 9 : i32
        %add3A_1009 = arith.addi %mul3A_263, %add3A_1008 : i32
        %swap3A_1010 = arith.index_cast %add3A_1009 : i32 to index
        %swap3A_1011 = arith.constant 0 : index
        %swap3A_1012 = tpu.vector_load %arg8[%swap3A_1010, %swap3A_1011] {strides = array<i32>} : memref<400x128xf32, #tpu.memory_space<vmem>>, vector<1x16xf32>,
        %swap3A_1013 = vector.shape_cast %swap3A_1012 : vector<1x16xf32> to vector<16xf32>
        %swap3A_1014 = vector.shape_cast %add3A_1007 : vector<16xf32> to vector<1x16xf32>
        tpu.vector_store %arg8[%swap3A_1010, %swap3A_1011], %swap3A_1014 {strides = array<i32>} : memref<400x128xf32, #tpu.memory_space<vmem>>, vector<1x16xf32>,
        %mul3A_1015 = vector.broadcast %squeeze3A_1004 : f32 to vector<16xf32>
        %mul3A_1016 = arith.mulf %mul3A_1015, %sub3A_52 : vector<16xf32>
        %add3A_1017 = arith.addf %get3A_11, %mul3A_1016 : vector<16xf32>
        %add3A_1018 = arith.constant 9 : i32
        %add3A_1019 = arith.addi %mul3A_263, %add3A_1018 : i32
        %swap3A_1020 = arith.index_cast %add3A_1019 : i32 to index
        %swap3A_1021 = arith.constant 16 : index
        %swap3A_1022 = tpu.vector_load %arg8[%swap3A_1020, %swap3A_1021] {strides = array<i32>} : memref<400x128xf32, #tpu.memory_space<vmem>>, vector<1x16xf32>,
        %swap3A_1023 = vector.shape_cast %swap3A_1022 : vector<1x16xf32> to vector<16xf32>
        %swap3A_1024 = vector.shape_cast %add3A_1017 : vector<16xf32> to vector<1x16xf32>
        tpu.vector_store %arg8[%swap3A_1020, %swap3A_1021], %swap3A_1024 {strides = array<i32>} : memref<400x128xf32, #tpu.memory_space<vmem>>, vector<1x16xf32>,
        %mul3A_1025 = vector.broadcast %squeeze3A_1004 : f32 to vector<16xf32>
        %mul3A_1026 = arith.mulf %mul3A_1025, %sub3A_58 : vector<16xf32>
        %add3A_1027 = arith.addf %get3A_16, %mul3A_1026 : vector<16xf32>
        %add3A_1028 = arith.constant 9 : i32
        %add3A_1029 = arith.addi %mul3A_263, %add3A_1028 : i32
        %swap3A_1030 = arith.index_cast %add3A_1029 : i32 to index
        %swap3A_1031 = arith.constant 32 : index
        %swap3A_1032 = tpu.vector_load %arg8[%swap3A_1030, %swap3A_1031] {strides = array<i32>} : memref<400x128xf32, #tpu.memory_space<vmem>>, vector<1x16xf32>,
        %swap3A_1033 = vector.shape_cast %swap3A_1032 : vector<1x16xf32> to vector<16xf32>
        %swap3A_1034 = vector.shape_cast %add3A_1027 : vector<16xf32> to vector<1x16xf32>
        tpu.vector_store %arg8[%swap3A_1030, %swap3A_1031], %swap3A_1034 {strides = array<i32>} : memref<400x128xf32, #tpu.memory_space<vmem>>, vector<1x16xf32>,
        %mul3A_1035 = vector.broadcast %squeeze3A_1004 : f32 to vector<16xf32>
        %mul3A_1036 = arith.mulf %mul3A_1035, %sub3A_64 : vector<16xf32>
        %add3A_1037 = arith.addf %get3A_21, %mul3A_1036 : vector<16xf32>
        %add3A_1038 = arith.constant 9 : i32
        %add3A_1039 = arith.addi %mul3A_263, %add3A_1038 : i32
        %swap3A_1040 = arith.index_cast %add3A_1039 : i32 to index
        %swap3A_1041 = arith.constant 48 : index
        %swap3A_1042 = tpu.vector_load %arg8[%swap3A_1040, %swap3A_1041] {strides = array<i32>} : memref<400x128xf32, #tpu.memory_space<vmem>>, vector<1x16xf32>,
        %swap3A_1043 = vector.shape_cast %swap3A_1042 : vector<1x16xf32> to vector<16xf32>
        %swap3A_1044 = vector.shape_cast %add3A_1037 : vector<16xf32> to vector<1x16xf32>
        tpu.vector_store %arg8[%swap3A_1040, %swap3A_1041], %swap3A_1044 {strides = array<i32>} : memref<400x128xf32, #tpu.memory_space<vmem>>, vector<1x16xf32>,
        %mul3A_1045 = vector.broadcast %squeeze3A_1004 : f32 to vector<16xf32>
        %mul3A_1046 = arith.mulf %mul3A_1045, %sub3A_70 : vector<16xf32>
        %add3A_1047 = arith.addf %get3A_26, %mul3A_1046 : vector<16xf32>
        %add3A_1048 = arith.constant 9 : i32
        %add3A_1049 = arith.addi %mul3A_263, %add3A_1048 : i32
        %swap3A_1050 = arith.index_cast %add3A_1049 : i32 to index
        %swap3A_1051 = arith.constant 64 : index
        %swap3A_1052 = tpu.vector_load %arg8[%swap3A_1050, %swap3A_1051] {strides = array<i32>} : memref<400x128xf32, #tpu.memory_space<vmem>>, vector<1x16xf32>,
        %swap3A_1053 = vector.shape_cast %swap3A_1052 : vector<1x16xf32> to vector<16xf32>
        %swap3A_1054 = vector.shape_cast %add3A_1047 : vector<16xf32> to vector<1x16xf32>
        tpu.vector_store %arg8[%swap3A_1050, %swap3A_1051], %swap3A_1054 {strides = array<i32>} : memref<400x128xf32, #tpu.memory_space<vmem>>, vector<1x16xf32>,
        %mul3A_1055 = vector.broadcast %squeeze3A_1004 : f32 to vector<16xf32>
        %mul3A_1056 = arith.mulf %mul3A_1055, %sub3A_76 : vector<16xf32>
        %add3A_1057 = arith.addf %get3A_31, %mul3A_1056 : vector<16xf32>
        %add3A_1058 = arith.constant 9 : i32
        %add3A_1059 = arith.addi %mul3A_263, %add3A_1058 : i32
        %swap3A_1060 = arith.index_cast %add3A_1059 : i32 to index
        %swap3A_1061 = arith.constant 80 : index
        %swap3A_1062 = tpu.vector_load %arg8[%swap3A_1060, %swap3A_1061] {strides = array<i32>} : memref<400x128xf32, #tpu.memory_space<vmem>>, vector<1x16xf32>,
        %swap3A_1063 = vector.shape_cast %swap3A_1062 : vector<1x16xf32> to vector<16xf32>
        %swap3A_1064 = vector.shape_cast %add3A_1057 : vector<16xf32> to vector<1x16xf32>
        tpu.vector_store %arg8[%swap3A_1060, %swap3A_1061], %swap3A_1064 {strides = array<i32>} : memref<400x128xf32, #tpu.memory_space<vmem>>, vector<1x16xf32>,
        %mul3A_1065 = vector.broadcast %squeeze3A_1004 : f32 to vector<16xf32>
        %mul3A_1066 = arith.mulf %mul3A_1065, %sub3A_82 : vector<16xf32>
        %add3A_1067 = arith.addf %get3A_36, %mul3A_1066 : vector<16xf32>
        %add3A_1068 = arith.constant 9 : i32
        %add3A_1069 = arith.addi %mul3A_263, %add3A_1068 : i32
        %swap3A_1070 = arith.index_cast %add3A_1069 : i32 to index
        %swap3A_1071 = arith.constant 96 : index
        %swap3A_1072 = tpu.vector_load %arg8[%swap3A_1070, %swap3A_1071] {strides = array<i32>} : memref<400x128xf32, #tpu.memory_space<vmem>>, vector<1x16xf32>,
        %swap3A_1073 = vector.shape_cast %swap3A_1072 : vector<1x16xf32> to vector<16xf32>
        %swap3A_1074 = vector.shape_cast %add3A_1067 : vector<16xf32> to vector<1x16xf32>
        tpu.vector_store %arg8[%swap3A_1070, %swap3A_1071], %swap3A_1074 {strides = array<i32>} : memref<400x128xf32, #tpu.memory_space<vmem>>, vector<1x16xf32>,
        %mul3A_1075 = vector.broadcast %squeeze3A_1004 : f32 to vector<16xf32>
        %mul3A_1076 = arith.mulf %mul3A_1075, %sub3A_88 : vector<16xf32>
        %add3A_1077 = arith.addf %get3A_41, %mul3A_1076 : vector<16xf32>
        %add3A_1078 = arith.constant 9 : i32
        %add3A_1079 = arith.addi %mul3A_263, %add3A_1078 : i32
        %swap3A_1080 = arith.index_cast %add3A_1079 : i32 to index
        %swap3A_1081 = arith.constant 112 : index
        %swap3A_1082 = tpu.vector_load %arg8[%swap3A_1080, %swap3A_1081] {strides = array<i32>} : memref<400x128xf32, #tpu.memory_space<vmem>>, vector<1x16xf32>,
        %swap3A_1083 = vector.shape_cast %swap3A_1082 : vector<1x16xf32> to vector<16xf32>
        %swap3A_1084 = vector.shape_cast %add3A_1077 : vector<16xf32> to vector<1x16xf32>
        tpu.vector_store %arg8[%swap3A_1080, %swap3A_1081], %swap3A_1084 {strides = array<i32>} : memref<400x128xf32, #tpu.memory_space<vmem>>, vector<1x16xf32>,
        %slice3A_1085 = vector.extract_strided_slice %convert_element_type3A_267 {offsets = [10], sizes = [1], strides = [1]} : vector<16xf32> to vector<1xf32>
        %squeeze3A_1086 = vector.extract %slice3A_1085[0] : f32 from vector<1xf32>
        %mul3A_1087 = vector.broadcast %squeeze3A_1086 : f32 to vector<16xf32>
        %mul3A_1088 = arith.mulf %mul3A_1087, %sub3A : vector<16xf32>
        %add3A_1089 = arith.addf %get3A_6, %mul3A_1088 : vector<16xf32>
        %add3A_1090 = arith.constant 10 : i32
        %add3A_1091 = arith.addi %mul3A_263, %add3A_1090 : i32
        %swap3A_1092 = arith.index_cast %add3A_1091 : i32 to index
        %swap3A_1093 = arith.constant 0 : index
        %swap3A_1094 = tpu.vector_load %arg8[%swap3A_1092, %swap3A_1093] {strides = array<i32>} : memref<400x128xf32, #tpu.memory_space<vmem>>, vector<1x16xf32>,
        %swap3A_1095 = vector.shape_cast %swap3A_1094 : vector<1x16xf32> to vector<16xf32>
        %swap3A_1096 = vector.shape_cast %add3A_1089 : vector<16xf32> to vector<1x16xf32>
        tpu.vector_store %arg8[%swap3A_1092, %swap3A_1093], %swap3A_1096 {strides = array<i32>} : memref<400x128xf32, #tpu.memory_space<vmem>>, vector<1x16xf32>,
        %mul3A_1097 = vector.broadcast %squeeze3A_1086 : f32 to vector<16xf32>
        %mul3A_1098 = arith.mulf %mul3A_1097, %sub3A_52 : vector<16xf32>
        %add3A_1099 = arith.addf %get3A_11, %mul3A_1098 : vector<16xf32>
        %add3A_1100 = arith.constant 10 : i32
        %add3A_1101 = arith.addi %mul3A_263, %add3A_1100 : i32
        %swap3A_1102 = arith.index_cast %add3A_1101 : i32 to index
        %swap3A_1103 = arith.constant 16 : index
        %swap3A_1104 = tpu.vector_load %arg8[%swap3A_1102, %swap3A_1103] {strides = array<i32>} : memref<400x128xf32, #tpu.memory_space<vmem>>, vector<1x16xf32>,
        %swap3A_1105 = vector.shape_cast %swap3A_1104 : vector<1x16xf32> to vector<16xf32>
        %swap3A_1106 = vector.shape_cast %add3A_1099 : vector<16xf32> to vector<1x16xf32>
        tpu.vector_store %arg8[%swap3A_1102, %swap3A_1103], %swap3A_1106 {strides = array<i32>} : memref<400x128xf32, #tpu.memory_space<vmem>>, vector<1x16xf32>,
        %mul3A_1107 = vector.broadcast %squeeze3A_1086 : f32 to vector<16xf32>
        %mul3A_1108 = arith.mulf %mul3A_1107, %sub3A_58 : vector<16xf32>
        %add3A_1109 = arith.addf %get3A_16, %mul3A_1108 : vector<16xf32>
        %add3A_1110 = arith.constant 10 : i32
        %add3A_1111 = arith.addi %mul3A_263, %add3A_1110 : i32
        %swap3A_1112 = arith.index_cast %add3A_1111 : i32 to index
        %swap3A_1113 = arith.constant 32 : index
        %swap3A_1114 = tpu.vector_load %arg8[%swap3A_1112, %swap3A_1113] {strides = array<i32>} : memref<400x128xf32, #tpu.memory_space<vmem>>, vector<1x16xf32>,
        %swap3A_1115 = vector.shape_cast %swap3A_1114 : vector<1x16xf32> to vector<16xf32>
        %swap3A_1116 = vector.shape_cast %add3A_1109 : vector<16xf32> to vector<1x16xf32>
        tpu.vector_store %arg8[%swap3A_1112, %swap3A_1113], %swap3A_1116 {strides = array<i32>} : memref<400x128xf32, #tpu.memory_space<vmem>>, vector<1x16xf32>,
        %mul3A_1117 = vector.broadcast %squeeze3A_1086 : f32 to vector<16xf32>
        %mul3A_1118 = arith.mulf %mul3A_1117, %sub3A_64 : vector<16xf32>
        %add3A_1119 = arith.addf %get3A_21, %mul3A_1118 : vector<16xf32>
        %add3A_1120 = arith.constant 10 : i32
        %add3A_1121 = arith.addi %mul3A_263, %add3A_1120 : i32
        %swap3A_1122 = arith.index_cast %add3A_1121 : i32 to index
        %swap3A_1123 = arith.constant 48 : index
        %swap3A_1124 = tpu.vector_load %arg8[%swap3A_1122, %swap3A_1123] {strides = array<i32>} : memref<400x128xf32, #tpu.memory_space<vmem>>, vector<1x16xf32>,
        %swap3A_1125 = vector.shape_cast %swap3A_1124 : vector<1x16xf32> to vector<16xf32>
        %swap3A_1126 = vector.shape_cast %add3A_1119 : vector<16xf32> to vector<1x16xf32>
        tpu.vector_store %arg8[%swap3A_1122, %swap3A_1123], %swap3A_1126 {strides = array<i32>} : memref<400x128xf32, #tpu.memory_space<vmem>>, vector<1x16xf32>,
        %mul3A_1127 = vector.broadcast %squeeze3A_1086 : f32 to vector<16xf32>
        %mul3A_1128 = arith.mulf %mul3A_1127, %sub3A_70 : vector<16xf32>
        %add3A_1129 = arith.addf %get3A_26, %mul3A_1128 : vector<16xf32>
        %add3A_1130 = arith.constant 10 : i32
        %add3A_1131 = arith.addi %mul3A_263, %add3A_1130 : i32
        %swap3A_1132 = arith.index_cast %add3A_1131 : i32 to index
        %swap3A_1133 = arith.constant 64 : index
        %swap3A_1134 = tpu.vector_load %arg8[%swap3A_1132, %swap3A_1133] {strides = array<i32>} : memref<400x128xf32, #tpu.memory_space<vmem>>, vector<1x16xf32>,
        %swap3A_1135 = vector.shape_cast %swap3A_1134 : vector<1x16xf32> to vector<16xf32>
        %swap3A_1136 = vector.shape_cast %add3A_1129 : vector<16xf32> to vector<1x16xf32>
        tpu.vector_store %arg8[%swap3A_1132, %swap3A_1133], %swap3A_1136 {strides = array<i32>} : memref<400x128xf32, #tpu.memory_space<vmem>>, vector<1x16xf32>,
        %mul3A_1137 = vector.broadcast %squeeze3A_1086 : f32 to vector<16xf32>
        %mul3A_1138 = arith.mulf %mul3A_1137, %sub3A_76 : vector<16xf32>
        %add3A_1139 = arith.addf %get3A_31, %mul3A_1138 : vector<16xf32>
        %add3A_1140 = arith.constant 10 : i32
        %add3A_1141 = arith.addi %mul3A_263, %add3A_1140 : i32
        %swap3A_1142 = arith.index_cast %add3A_1141 : i32 to index
        %swap3A_1143 = arith.constant 80 : index
        %swap3A_1144 = tpu.vector_load %arg8[%swap3A_1142, %swap3A_1143] {strides = array<i32>} : memref<400x128xf32, #tpu.memory_space<vmem>>, vector<1x16xf32>,
        %swap3A_1145 = vector.shape_cast %swap3A_1144 : vector<1x16xf32> to vector<16xf32>
        %swap3A_1146 = vector.shape_cast %add3A_1139 : vector<16xf32> to vector<1x16xf32>
        tpu.vector_store %arg8[%swap3A_1142, %swap3A_1143], %swap3A_1146 {strides = array<i32>} : memref<400x128xf32, #tpu.memory_space<vmem>>, vector<1x16xf32>,
        %mul3A_1147 = vector.broadcast %squeeze3A_1086 : f32 to vector<16xf32>
        %mul3A_1148 = arith.mulf %mul3A_1147, %sub3A_82 : vector<16xf32>
        %add3A_1149 = arith.addf %get3A_36, %mul3A_1148 : vector<16xf32>
        %add3A_1150 = arith.constant 10 : i32
        %add3A_1151 = arith.addi %mul3A_263, %add3A_1150 : i32
        %swap3A_1152 = arith.index_cast %add3A_1151 : i32 to index
        %swap3A_1153 = arith.constant 96 : index
        %swap3A_1154 = tpu.vector_load %arg8[%swap3A_1152, %swap3A_1153] {strides = array<i32>} : memref<400x128xf32, #tpu.memory_space<vmem>>, vector<1x16xf32>,
        %swap3A_1155 = vector.shape_cast %swap3A_1154 : vector<1x16xf32> to vector<16xf32>
        %swap3A_1156 = vector.shape_cast %add3A_1149 : vector<16xf32> to vector<1x16xf32>
        tpu.vector_store %arg8[%swap3A_1152, %swap3A_1153], %swap3A_1156 {strides = array<i32>} : memref<400x128xf32, #tpu.memory_space<vmem>>, vector<1x16xf32>,
        %mul3A_1157 = vector.broadcast %squeeze3A_1086 : f32 to vector<16xf32>
        %mul3A_1158 = arith.mulf %mul3A_1157, %sub3A_88 : vector<16xf32>
        %add3A_1159 = arith.addf %get3A_41, %mul3A_1158 : vector<16xf32>
        %add3A_1160 = arith.constant 10 : i32
        %add3A_1161 = arith.addi %mul3A_263, %add3A_1160 : i32
        %swap3A_1162 = arith.index_cast %add3A_1161 : i32 to index
        %swap3A_1163 = arith.constant 112 : index
        %swap3A_1164 = tpu.vector_load %arg8[%swap3A_1162, %swap3A_1163] {strides = array<i32>} : memref<400x128xf32, #tpu.memory_space<vmem>>, vector<1x16xf32>,
        %swap3A_1165 = vector.shape_cast %swap3A_1164 : vector<1x16xf32> to vector<16xf32>
        %swap3A_1166 = vector.shape_cast %add3A_1159 : vector<16xf32> to vector<1x16xf32>
        tpu.vector_store %arg8[%swap3A_1162, %swap3A_1163], %swap3A_1166 {strides = array<i32>} : memref<400x128xf32, #tpu.memory_space<vmem>>, vector<1x16xf32>,
        %slice3A_1167 = vector.extract_strided_slice %convert_element_type3A_267 {offsets = [11], sizes = [1], strides = [1]} : vector<16xf32> to vector<1xf32>
        %squeeze3A_1168 = vector.extract %slice3A_1167[0] : f32 from vector<1xf32>
        %mul3A_1169 = vector.broadcast %squeeze3A_1168 : f32 to vector<16xf32>
        %mul3A_1170 = arith.mulf %mul3A_1169, %sub3A : vector<16xf32>
        %add3A_1171 = arith.addf %get3A_6, %mul3A_1170 : vector<16xf32>
        %add3A_1172 = arith.constant 11 : i32
        %add3A_1173 = arith.addi %mul3A_263, %add3A_1172 : i32
        %swap3A_1174 = arith.index_cast %add3A_1173 : i32 to index
        %swap3A_1175 = arith.constant 0 : index
        %swap3A_1176 = tpu.vector_load %arg8[%swap3A_1174, %swap3A_1175] {strides = array<i32>} : memref<400x128xf32, #tpu.memory_space<vmem>>, vector<1x16xf32>,
        %swap3A_1177 = vector.shape_cast %swap3A_1176 : vector<1x16xf32> to vector<16xf32>
        %swap3A_1178 = vector.shape_cast %add3A_1171 : vector<16xf32> to vector<1x16xf32>
        tpu.vector_store %arg8[%swap3A_1174, %swap3A_1175], %swap3A_1178 {strides = array<i32>} : memref<400x128xf32, #tpu.memory_space<vmem>>, vector<1x16xf32>,
        %mul3A_1179 = vector.broadcast %squeeze3A_1168 : f32 to vector<16xf32>
        %mul3A_1180 = arith.mulf %mul3A_1179, %sub3A_52 : vector<16xf32>
        %add3A_1181 = arith.addf %get3A_11, %mul3A_1180 : vector<16xf32>
        %add3A_1182 = arith.constant 11 : i32
        %add3A_1183 = arith.addi %mul3A_263, %add3A_1182 : i32
        %swap3A_1184 = arith.index_cast %add3A_1183 : i32 to index
        %swap3A_1185 = arith.constant 16 : index
        %swap3A_1186 = tpu.vector_load %arg8[%swap3A_1184, %swap3A_1185] {strides = array<i32>} : memref<400x128xf32, #tpu.memory_space<vmem>>, vector<1x16xf32>,
        %swap3A_1187 = vector.shape_cast %swap3A_1186 : vector<1x16xf32> to vector<16xf32>
        %swap3A_1188 = vector.shape_cast %add3A_1181 : vector<16xf32> to vector<1x16xf32>
        tpu.vector_store %arg8[%swap3A_1184, %swap3A_1185], %swap3A_1188 {strides = array<i32>} : memref<400x128xf32, #tpu.memory_space<vmem>>, vector<1x16xf32>,
        %mul3A_1189 = vector.broadcast %squeeze3A_1168 : f32 to vector<16xf32>
        %mul3A_1190 = arith.mulf %mul3A_1189, %sub3A_58 : vector<16xf32>
        %add3A_1191 = arith.addf %get3A_16, %mul3A_1190 : vector<16xf32>
        %add3A_1192 = arith.constant 11 : i32
        %add3A_1193 = arith.addi %mul3A_263, %add3A_1192 : i32
        %swap3A_1194 = arith.index_cast %add3A_1193 : i32 to index
        %swap3A_1195 = arith.constant 32 : index
        %swap3A_1196 = tpu.vector_load %arg8[%swap3A_1194, %swap3A_1195] {strides = array<i32>} : memref<400x128xf32, #tpu.memory_space<vmem>>, vector<1x16xf32>,
        %swap3A_1197 = vector.shape_cast %swap3A_1196 : vector<1x16xf32> to vector<16xf32>
        %swap3A_1198 = vector.shape_cast %add3A_1191 : vector<16xf32> to vector<1x16xf32>
        tpu.vector_store %arg8[%swap3A_1194, %swap3A_1195], %swap3A_1198 {strides = array<i32>} : memref<400x128xf32, #tpu.memory_space<vmem>>, vector<1x16xf32>,
        %mul3A_1199 = vector.broadcast %squeeze3A_1168 : f32 to vector<16xf32>
        %mul3A_1200 = arith.mulf %mul3A_1199, %sub3A_64 : vector<16xf32>
        %add3A_1201 = arith.addf %get3A_21, %mul3A_1200 : vector<16xf32>
        %add3A_1202 = arith.constant 11 : i32
        %add3A_1203 = arith.addi %mul3A_263, %add3A_1202 : i32
        %swap3A_1204 = arith.index_cast %add3A_1203 : i32 to index
        %swap3A_1205 = arith.constant 48 : index
        %swap3A_1206 = tpu.vector_load %arg8[%swap3A_1204, %swap3A_1205] {strides = array<i32>} : memref<400x128xf32, #tpu.memory_space<vmem>>, vector<1x16xf32>,
        %swap3A_1207 = vector.shape_cast %swap3A_1206 : vector<1x16xf32> to vector<16xf32>
        %swap3A_1208 = vector.shape_cast %add3A_1201 : vector<16xf32> to vector<1x16xf32>
        tpu.vector_store %arg8[%swap3A_1204, %swap3A_1205], %swap3A_1208 {strides = array<i32>} : memref<400x128xf32, #tpu.memory_space<vmem>>, vector<1x16xf32>,
        %mul3A_1209 = vector.broadcast %squeeze3A_1168 : f32 to vector<16xf32>
        %mul3A_1210 = arith.mulf %mul3A_1209, %sub3A_70 : vector<16xf32>
        %add3A_1211 = arith.addf %get3A_26, %mul3A_1210 : vector<16xf32>
        %add3A_1212 = arith.constant 11 : i32
        %add3A_1213 = arith.addi %mul3A_263, %add3A_1212 : i32
        %swap3A_1214 = arith.index_cast %add3A_1213 : i32 to index
        %swap3A_1215 = arith.constant 64 : index
        %swap3A_1216 = tpu.vector_load %arg8[%swap3A_1214, %swap3A_1215] {strides = array<i32>} : memref<400x128xf32, #tpu.memory_space<vmem>>, vector<1x16xf32>,
        %swap3A_1217 = vector.shape_cast %swap3A_1216 : vector<1x16xf32> to vector<16xf32>
        %swap3A_1218 = vector.shape_cast %add3A_1211 : vector<16xf32> to vector<1x16xf32>
        tpu.vector_store %arg8[%swap3A_1214, %swap3A_1215], %swap3A_1218 {strides = array<i32>} : memref<400x128xf32, #tpu.memory_space<vmem>>, vector<1x16xf32>,
        %mul3A_1219 = vector.broadcast %squeeze3A_1168 : f32 to vector<16xf32>
        %mul3A_1220 = arith.mulf %mul3A_1219, %sub3A_76 : vector<16xf32>
        %add3A_1221 = arith.addf %get3A_31, %mul3A_1220 : vector<16xf32>
        %add3A_1222 = arith.constant 11 : i32
        %add3A_1223 = arith.addi %mul3A_263, %add3A_1222 : i32
        %swap3A_1224 = arith.index_cast %add3A_1223 : i32 to index
        %swap3A_1225 = arith.constant 80 : index
        %swap3A_1226 = tpu.vector_load %arg8[%swap3A_1224, %swap3A_1225] {strides = array<i32>} : memref<400x128xf32, #tpu.memory_space<vmem>>, vector<1x16xf32>,
        %swap3A_1227 = vector.shape_cast %swap3A_1226 : vector<1x16xf32> to vector<16xf32>
        %swap3A_1228 = vector.shape_cast %add3A_1221 : vector<16xf32> to vector<1x16xf32>
        tpu.vector_store %arg8[%swap3A_1224, %swap3A_1225], %swap3A_1228 {strides = array<i32>} : memref<400x128xf32, #tpu.memory_space<vmem>>, vector<1x16xf32>,
        %mul3A_1229 = vector.broadcast %squeeze3A_1168 : f32 to vector<16xf32>
        %mul3A_1230 = arith.mulf %mul3A_1229, %sub3A_82 : vector<16xf32>
        %add3A_1231 = arith.addf %get3A_36, %mul3A_1230 : vector<16xf32>
        %add3A_1232 = arith.constant 11 : i32
        %add3A_1233 = arith.addi %mul3A_263, %add3A_1232 : i32
        %swap3A_1234 = arith.index_cast %add3A_1233 : i32 to index
        %swap3A_1235 = arith.constant 96 : index
        %swap3A_1236 = tpu.vector_load %arg8[%swap3A_1234, %swap3A_1235] {strides = array<i32>} : memref<400x128xf32, #tpu.memory_space<vmem>>, vector<1x16xf32>,
        %swap3A_1237 = vector.shape_cast %swap3A_1236 : vector<1x16xf32> to vector<16xf32>
        %swap3A_1238 = vector.shape_cast %add3A_1231 : vector<16xf32> to vector<1x16xf32>
        tpu.vector_store %arg8[%swap3A_1234, %swap3A_1235], %swap3A_1238 {strides = array<i32>} : memref<400x128xf32, #tpu.memory_space<vmem>>, vector<1x16xf32>,
        %mul3A_1239 = vector.broadcast %squeeze3A_1168 : f32 to vector<16xf32>
        %mul3A_1240 = arith.mulf %mul3A_1239, %sub3A_88 : vector<16xf32>
        %add3A_1241 = arith.addf %get3A_41, %mul3A_1240 : vector<16xf32>
        %add3A_1242 = arith.constant 11 : i32
        %add3A_1243 = arith.addi %mul3A_263, %add3A_1242 : i32
        %swap3A_1244 = arith.index_cast %add3A_1243 : i32 to index
        %swap3A_1245 = arith.constant 112 : index
        %swap3A_1246 = tpu.vector_load %arg8[%swap3A_1244, %swap3A_1245] {strides = array<i32>} : memref<400x128xf32, #tpu.memory_space<vmem>>, vector<1x16xf32>,
        %swap3A_1247 = vector.shape_cast %swap3A_1246 : vector<1x16xf32> to vector<16xf32>
        %swap3A_1248 = vector.shape_cast %add3A_1241 : vector<16xf32> to vector<1x16xf32>
        tpu.vector_store %arg8[%swap3A_1244, %swap3A_1245], %swap3A_1248 {strides = array<i32>} : memref<400x128xf32, #tpu.memory_space<vmem>>, vector<1x16xf32>,
        %slice3A_1249 = vector.extract_strided_slice %convert_element_type3A_267 {offsets = [12], sizes = [1], strides = [1]} : vector<16xf32> to vector<1xf32>
        %squeeze3A_1250 = vector.extract %slice3A_1249[0] : f32 from vector<1xf32>
        %mul3A_1251 = vector.broadcast %squeeze3A_1250 : f32 to vector<16xf32>
        %mul3A_1252 = arith.mulf %mul3A_1251, %sub3A : vector<16xf32>
        %add3A_1253 = arith.addf %get3A_6, %mul3A_1252 : vector<16xf32>
        %add3A_1254 = arith.constant 12 : i32
        %add3A_1255 = arith.addi %mul3A_263, %add3A_1254 : i32
        %swap3A_1256 = arith.index_cast %add3A_1255 : i32 to index
        %swap3A_1257 = arith.constant 0 : index
        %swap3A_1258 = tpu.vector_load %arg8[%swap3A_1256, %swap3A_1257] {strides = array<i32>} : memref<400x128xf32, #tpu.memory_space<vmem>>, vector<1x16xf32>,
        %swap3A_1259 = vector.shape_cast %swap3A_1258 : vector<1x16xf32> to vector<16xf32>
        %swap3A_1260 = vector.shape_cast %add3A_1253 : vector<16xf32> to vector<1x16xf32>
        tpu.vector_store %arg8[%swap3A_1256, %swap3A_1257], %swap3A_1260 {strides = array<i32>} : memref<400x128xf32, #tpu.memory_space<vmem>>, vector<1x16xf32>,
        %mul3A_1261 = vector.broadcast %squeeze3A_1250 : f32 to vector<16xf32>
        %mul3A_1262 = arith.mulf %mul3A_1261, %sub3A_52 : vector<16xf32>
        %add3A_1263 = arith.addf %get3A_11, %mul3A_1262 : vector<16xf32>
        %add3A_1264 = arith.constant 12 : i32
        %add3A_1265 = arith.addi %mul3A_263, %add3A_1264 : i32
        %swap3A_1266 = arith.index_cast %add3A_1265 : i32 to index
        %swap3A_1267 = arith.constant 16 : index
        %swap3A_1268 = tpu.vector_load %arg8[%swap3A_1266, %swap3A_1267] {strides = array<i32>} : memref<400x128xf32, #tpu.memory_space<vmem>>, vector<1x16xf32>,
        %swap3A_1269 = vector.shape_cast %swap3A_1268 : vector<1x16xf32> to vector<16xf32>
        %swap3A_1270 = vector.shape_cast %add3A_1263 : vector<16xf32> to vector<1x16xf32>
        tpu.vector_store %arg8[%swap3A_1266, %swap3A_1267], %swap3A_1270 {strides = array<i32>} : memref<400x128xf32, #tpu.memory_space<vmem>>, vector<1x16xf32>,
        %mul3A_1271 = vector.broadcast %squeeze3A_1250 : f32 to vector<16xf32>
        %mul3A_1272 = arith.mulf %mul3A_1271, %sub3A_58 : vector<16xf32>
        %add3A_1273 = arith.addf %get3A_16, %mul3A_1272 : vector<16xf32>
        %add3A_1274 = arith.constant 12 : i32
        %add3A_1275 = arith.addi %mul3A_263, %add3A_1274 : i32
        %swap3A_1276 = arith.index_cast %add3A_1275 : i32 to index
        %swap3A_1277 = arith.constant 32 : index
        %swap3A_1278 = tpu.vector_load %arg8[%swap3A_1276, %swap3A_1277] {strides = array<i32>} : memref<400x128xf32, #tpu.memory_space<vmem>>, vector<1x16xf32>,
        %swap3A_1279 = vector.shape_cast %swap3A_1278 : vector<1x16xf32> to vector<16xf32>
        %swap3A_1280 = vector.shape_cast %add3A_1273 : vector<16xf32> to vector<1x16xf32>
        tpu.vector_store %arg8[%swap3A_1276, %swap3A_1277], %swap3A_1280 {strides = array<i32>} : memref<400x128xf32, #tpu.memory_space<vmem>>, vector<1x16xf32>,
        %mul3A_1281 = vector.broadcast %squeeze3A_1250 : f32 to vector<16xf32>
        %mul3A_1282 = arith.mulf %mul3A_1281, %sub3A_64 : vector<16xf32>
        %add3A_1283 = arith.addf %get3A_21, %mul3A_1282 : vector<16xf32>
        %add3A_1284 = arith.constant 12 : i32
        %add3A_1285 = arith.addi %mul3A_263, %add3A_1284 : i32
        %swap3A_1286 = arith.index_cast %add3A_1285 : i32 to index
        %swap3A_1287 = arith.constant 48 : index
        %swap3A_1288 = tpu.vector_load %arg8[%swap3A_1286, %swap3A_1287] {strides = array<i32>} : memref<400x128xf32, #tpu.memory_space<vmem>>, vector<1x16xf32>,
        %swap3A_1289 = vector.shape_cast %swap3A_1288 : vector<1x16xf32> to vector<16xf32>
        %swap3A_1290 = vector.shape_cast %add3A_1283 : vector<16xf32> to vector<1x16xf32>
        tpu.vector_store %arg8[%swap3A_1286, %swap3A_1287], %swap3A_1290 {strides = array<i32>} : memref<400x128xf32, #tpu.memory_space<vmem>>, vector<1x16xf32>,
        %mul3A_1291 = vector.broadcast %squeeze3A_1250 : f32 to vector<16xf32>
        %mul3A_1292 = arith.mulf %mul3A_1291, %sub3A_70 : vector<16xf32>
        %add3A_1293 = arith.addf %get3A_26, %mul3A_1292 : vector<16xf32>
        %add3A_1294 = arith.constant 12 : i32
        %add3A_1295 = arith.addi %mul3A_263, %add3A_1294 : i32
        %swap3A_1296 = arith.index_cast %add3A_1295 : i32 to index
        %swap3A_1297 = arith.constant 64 : index
        %swap3A_1298 = tpu.vector_load %arg8[%swap3A_1296, %swap3A_1297] {strides = array<i32>} : memref<400x128xf32, #tpu.memory_space<vmem>>, vector<1x16xf32>,
        %swap3A_1299 = vector.shape_cast %swap3A_1298 : vector<1x16xf32> to vector<16xf32>
        %swap3A_1300 = vector.shape_cast %add3A_1293 : vector<16xf32> to vector<1x16xf32>
        tpu.vector_store %arg8[%swap3A_1296, %swap3A_1297], %swap3A_1300 {strides = array<i32>} : memref<400x128xf32, #tpu.memory_space<vmem>>, vector<1x16xf32>,
        %mul3A_1301 = vector.broadcast %squeeze3A_1250 : f32 to vector<16xf32>
        %mul3A_1302 = arith.mulf %mul3A_1301, %sub3A_76 : vector<16xf32>
        %add3A_1303 = arith.addf %get3A_31, %mul3A_1302 : vector<16xf32>
        %add3A_1304 = arith.constant 12 : i32
        %add3A_1305 = arith.addi %mul3A_263, %add3A_1304 : i32
        %swap3A_1306 = arith.index_cast %add3A_1305 : i32 to index
        %swap3A_1307 = arith.constant 80 : index
        %swap3A_1308 = tpu.vector_load %arg8[%swap3A_1306, %swap3A_1307] {strides = array<i32>} : memref<400x128xf32, #tpu.memory_space<vmem>>, vector<1x16xf32>,
        %swap3A_1309 = vector.shape_cast %swap3A_1308 : vector<1x16xf32> to vector<16xf32>
        %swap3A_1310 = vector.shape_cast %add3A_1303 : vector<16xf32> to vector<1x16xf32>
        tpu.vector_store %arg8[%swap3A_1306, %swap3A_1307], %swap3A_1310 {strides = array<i32>} : memref<400x128xf32, #tpu.memory_space<vmem>>, vector<1x16xf32>,
        %mul3A_1311 = vector.broadcast %squeeze3A_1250 : f32 to vector<16xf32>
        %mul3A_1312 = arith.mulf %mul3A_1311, %sub3A_82 : vector<16xf32>
        %add3A_1313 = arith.addf %get3A_36, %mul3A_1312 : vector<16xf32>
        %add3A_1314 = arith.constant 12 : i32
        %add3A_1315 = arith.addi %mul3A_263, %add3A_1314 : i32
        %swap3A_1316 = arith.index_cast %add3A_1315 : i32 to index
        %swap3A_1317 = arith.constant 96 : index
        %swap3A_1318 = tpu.vector_load %arg8[%swap3A_1316, %swap3A_1317] {strides = array<i32>} : memref<400x128xf32, #tpu.memory_space<vmem>>, vector<1x16xf32>,
        %swap3A_1319 = vector.shape_cast %swap3A_1318 : vector<1x16xf32> to vector<16xf32>
        %swap3A_1320 = vector.shape_cast %add3A_1313 : vector<16xf32> to vector<1x16xf32>
        tpu.vector_store %arg8[%swap3A_1316, %swap3A_1317], %swap3A_1320 {strides = array<i32>} : memref<400x128xf32, #tpu.memory_space<vmem>>, vector<1x16xf32>,
        %mul3A_1321 = vector.broadcast %squeeze3A_1250 : f32 to vector<16xf32>
        %mul3A_1322 = arith.mulf %mul3A_1321, %sub3A_88 : vector<16xf32>
        %add3A_1323 = arith.addf %get3A_41, %mul3A_1322 : vector<16xf32>
        %add3A_1324 = arith.constant 12 : i32
        %add3A_1325 = arith.addi %mul3A_263, %add3A_1324 : i32
        %swap3A_1326 = arith.index_cast %add3A_1325 : i32 to index
        %swap3A_1327 = arith.constant 112 : index
        %swap3A_1328 = tpu.vector_load %arg8[%swap3A_1326, %swap3A_1327] {strides = array<i32>} : memref<400x128xf32, #tpu.memory_space<vmem>>, vector<1x16xf32>,
        %swap3A_1329 = vector.shape_cast %swap3A_1328 : vector<1x16xf32> to vector<16xf32>
        %swap3A_1330 = vector.shape_cast %add3A_1323 : vector<16xf32> to vector<1x16xf32>
        tpu.vector_store %arg8[%swap3A_1326, %swap3A_1327], %swap3A_1330 {strides = array<i32>} : memref<400x128xf32, #tpu.memory_space<vmem>>, vector<1x16xf32>,
        %slice3A_1331 = vector.extract_strided_slice %convert_element_type3A_267 {offsets = [13], sizes = [1], strides = [1]} : vector<16xf32> to vector<1xf32>
        %squeeze3A_1332 = vector.extract %slice3A_1331[0] : f32 from vector<1xf32>
        %mul3A_1333 = vector.broadcast %squeeze3A_1332 : f32 to vector<16xf32>
        %mul3A_1334 = arith.mulf %mul3A_1333, %sub3A : vector<16xf32>
        %add3A_1335 = arith.addf %get3A_6, %mul3A_1334 : vector<16xf32>
        %add3A_1336 = arith.constant 13 : i32
        %add3A_1337 = arith.addi %mul3A_263, %add3A_1336 : i32
        %swap3A_1338 = arith.index_cast %add3A_1337 : i32 to index
        %swap3A_1339 = arith.constant 0 : index
        %swap3A_1340 = tpu.vector_load %arg8[%swap3A_1338, %swap3A_1339] {strides = array<i32>} : memref<400x128xf32, #tpu.memory_space<vmem>>, vector<1x16xf32>,
        %swap3A_1341 = vector.shape_cast %swap3A_1340 : vector<1x16xf32> to vector<16xf32>
        %swap3A_1342 = vector.shape_cast %add3A_1335 : vector<16xf32> to vector<1x16xf32>
        tpu.vector_store %arg8[%swap3A_1338, %swap3A_1339], %swap3A_1342 {strides = array<i32>} : memref<400x128xf32, #tpu.memory_space<vmem>>, vector<1x16xf32>,
        %mul3A_1343 = vector.broadcast %squeeze3A_1332 : f32 to vector<16xf32>
        %mul3A_1344 = arith.mulf %mul3A_1343, %sub3A_52 : vector<16xf32>
        %add3A_1345 = arith.addf %get3A_11, %mul3A_1344 : vector<16xf32>
        %add3A_1346 = arith.constant 13 : i32
        %add3A_1347 = arith.addi %mul3A_263, %add3A_1346 : i32
        %swap3A_1348 = arith.index_cast %add3A_1347 : i32 to index
        %swap3A_1349 = arith.constant 16 : index
        %swap3A_1350 = tpu.vector_load %arg8[%swap3A_1348, %swap3A_1349] {strides = array<i32>} : memref<400x128xf32, #tpu.memory_space<vmem>>, vector<1x16xf32>,
        %swap3A_1351 = vector.shape_cast %swap3A_1350 : vector<1x16xf32> to vector<16xf32>
        %swap3A_1352 = vector.shape_cast %add3A_1345 : vector<16xf32> to vector<1x16xf32>
        tpu.vector_store %arg8[%swap3A_1348, %swap3A_1349], %swap3A_1352 {strides = array<i32>} : memref<400x128xf32, #tpu.memory_space<vmem>>, vector<1x16xf32>,
        %mul3A_1353 = vector.broadcast %squeeze3A_1332 : f32 to vector<16xf32>
        %mul3A_1354 = arith.mulf %mul3A_1353, %sub3A_58 : vector<16xf32>
        %add3A_1355 = arith.addf %get3A_16, %mul3A_1354 : vector<16xf32>
        %add3A_1356 = arith.constant 13 : i32
        %add3A_1357 = arith.addi %mul3A_263, %add3A_1356 : i32
        %swap3A_1358 = arith.index_cast %add3A_1357 : i32 to index
        %swap3A_1359 = arith.constant 32 : index
        %swap3A_1360 = tpu.vector_load %arg8[%swap3A_1358, %swap3A_1359] {strides = array<i32>} : memref<400x128xf32, #tpu.memory_space<vmem>>, vector<1x16xf32>,
        %swap3A_1361 = vector.shape_cast %swap3A_1360 : vector<1x16xf32> to vector<16xf32>
        %swap3A_1362 = vector.shape_cast %add3A_1355 : vector<16xf32> to vector<1x16xf32>
        tpu.vector_store %arg8[%swap3A_1358, %swap3A_1359], %swap3A_1362 {strides = array<i32>} : memref<400x128xf32, #tpu.memory_space<vmem>>, vector<1x16xf32>,
        %mul3A_1363 = vector.broadcast %squeeze3A_1332 : f32 to vector<16xf32>
        %mul3A_1364 = arith.mulf %mul3A_1363, %sub3A_64 : vector<16xf32>
        %add3A_1365 = arith.addf %get3A_21, %mul3A_1364 : vector<16xf32>
        %add3A_1366 = arith.constant 13 : i32
        %add3A_1367 = arith.addi %mul3A_263, %add3A_1366 : i32
        %swap3A_1368 = arith.index_cast %add3A_1367 : i32 to index
        %swap3A_1369 = arith.constant 48 : index
        %swap3A_1370 = tpu.vector_load %arg8[%swap3A_1368, %swap3A_1369] {strides = array<i32>} : memref<400x128xf32, #tpu.memory_space<vmem>>, vector<1x16xf32>,
        %swap3A_1371 = vector.shape_cast %swap3A_1370 : vector<1x16xf32> to vector<16xf32>
        %swap3A_1372 = vector.shape_cast %add3A_1365 : vector<16xf32> to vector<1x16xf32>
        tpu.vector_store %arg8[%swap3A_1368, %swap3A_1369], %swap3A_1372 {strides = array<i32>} : memref<400x128xf32, #tpu.memory_space<vmem>>, vector<1x16xf32>,
        %mul3A_1373 = vector.broadcast %squeeze3A_1332 : f32 to vector<16xf32>
        %mul3A_1374 = arith.mulf %mul3A_1373, %sub3A_70 : vector<16xf32>
        %add3A_1375 = arith.addf %get3A_26, %mul3A_1374 : vector<16xf32>
        %add3A_1376 = arith.constant 13 : i32
        %add3A_1377 = arith.addi %mul3A_263, %add3A_1376 : i32
        %swap3A_1378 = arith.index_cast %add3A_1377 : i32 to index
        %swap3A_1379 = arith.constant 64 : index
        %swap3A_1380 = tpu.vector_load %arg8[%swap3A_1378, %swap3A_1379] {strides = array<i32>} : memref<400x128xf32, #tpu.memory_space<vmem>>, vector<1x16xf32>,
        %swap3A_1381 = vector.shape_cast %swap3A_1380 : vector<1x16xf32> to vector<16xf32>
        %swap3A_1382 = vector.shape_cast %add3A_1375 : vector<16xf32> to vector<1x16xf32>
        tpu.vector_store %arg8[%swap3A_1378, %swap3A_1379], %swap3A_1382 {strides = array<i32>} : memref<400x128xf32, #tpu.memory_space<vmem>>, vector<1x16xf32>,
        %mul3A_1383 = vector.broadcast %squeeze3A_1332 : f32 to vector<16xf32>
        %mul3A_1384 = arith.mulf %mul3A_1383, %sub3A_76 : vector<16xf32>
        %add3A_1385 = arith.addf %get3A_31, %mul3A_1384 : vector<16xf32>
        %add3A_1386 = arith.constant 13 : i32
        %add3A_1387 = arith.addi %mul3A_263, %add3A_1386 : i32
        %swap3A_1388 = arith.index_cast %add3A_1387 : i32 to index
        %swap3A_1389 = arith.constant 80 : index
        %swap3A_1390 = tpu.vector_load %arg8[%swap3A_1388, %swap3A_1389] {strides = array<i32>} : memref<400x128xf32, #tpu.memory_space<vmem>>, vector<1x16xf32>,
        %swap3A_1391 = vector.shape_cast %swap3A_1390 : vector<1x16xf32> to vector<16xf32>
        %swap3A_1392 = vector.shape_cast %add3A_1385 : vector<16xf32> to vector<1x16xf32>
        tpu.vector_store %arg8[%swap3A_1388, %swap3A_1389], %swap3A_1392 {strides = array<i32>} : memref<400x128xf32, #tpu.memory_space<vmem>>, vector<1x16xf32>,
        %mul3A_1393 = vector.broadcast %squeeze3A_1332 : f32 to vector<16xf32>
        %mul3A_1394 = arith.mulf %mul3A_1393, %sub3A_82 : vector<16xf32>
        %add3A_1395 = arith.addf %get3A_36, %mul3A_1394 : vector<16xf32>
        %add3A_1396 = arith.constant 13 : i32
        %add3A_1397 = arith.addi %mul3A_263, %add3A_1396 : i32
        %swap3A_1398 = arith.index_cast %add3A_1397 : i32 to index
        %swap3A_1399 = arith.constant 96 : index
        %swap3A_1400 = tpu.vector_load %arg8[%swap3A_1398, %swap3A_1399] {strides = array<i32>} : memref<400x128xf32, #tpu.memory_space<vmem>>, vector<1x16xf32>,
        %swap3A_1401 = vector.shape_cast %swap3A_1400 : vector<1x16xf32> to vector<16xf32>
        %swap3A_1402 = vector.shape_cast %add3A_1395 : vector<16xf32> to vector<1x16xf32>
        tpu.vector_store %arg8[%swap3A_1398, %swap3A_1399], %swap3A_1402 {strides = array<i32>} : memref<400x128xf32, #tpu.memory_space<vmem>>, vector<1x16xf32>,
        %mul3A_1403 = vector.broadcast %squeeze3A_1332 : f32 to vector<16xf32>
        %mul3A_1404 = arith.mulf %mul3A_1403, %sub3A_88 : vector<16xf32>
        %add3A_1405 = arith.addf %get3A_41, %mul3A_1404 : vector<16xf32>
        %add3A_1406 = arith.constant 13 : i32
        %add3A_1407 = arith.addi %mul3A_263, %add3A_1406 : i32
        %swap3A_1408 = arith.index_cast %add3A_1407 : i32 to index
        %swap3A_1409 = arith.constant 112 : index
        %swap3A_1410 = tpu.vector_load %arg8[%swap3A_1408, %swap3A_1409] {strides = array<i32>} : memref<400x128xf32, #tpu.memory_space<vmem>>, vector<1x16xf32>,
        %swap3A_1411 = vector.shape_cast %swap3A_1410 : vector<1x16xf32> to vector<16xf32>
        %swap3A_1412 = vector.shape_cast %add3A_1405 : vector<16xf32> to vector<1x16xf32>
        tpu.vector_store %arg8[%swap3A_1408, %swap3A_1409], %swap3A_1412 {strides = array<i32>} : memref<400x128xf32, #tpu.memory_space<vmem>>, vector<1x16xf32>,
        %slice3A_1413 = vector.extract_strided_slice %convert_element_type3A_267 {offsets = [14], sizes = [1], strides = [1]} : vector<16xf32> to vector<1xf32>
        %squeeze3A_1414 = vector.extract %slice3A_1413[0] : f32 from vector<1xf32>
        %mul3A_1415 = vector.broadcast %squeeze3A_1414 : f32 to vector<16xf32>
        %mul3A_1416 = arith.mulf %mul3A_1415, %sub3A : vector<16xf32>
        %add3A_1417 = arith.addf %get3A_6, %mul3A_1416 : vector<16xf32>
        %add3A_1418 = arith.constant 14 : i32
        %add3A_1419 = arith.addi %mul3A_263, %add3A_1418 : i32
        %swap3A_1420 = arith.index_cast %add3A_1419 : i32 to index
        %swap3A_1421 = arith.constant 0 : index
        %swap3A_1422 = tpu.vector_load %arg8[%swap3A_1420, %swap3A_1421] {strides = array<i32>} : memref<400x128xf32, #tpu.memory_space<vmem>>, vector<1x16xf32>,
        %swap3A_1423 = vector.shape_cast %swap3A_1422 : vector<1x16xf32> to vector<16xf32>
        %swap3A_1424 = vector.shape_cast %add3A_1417 : vector<16xf32> to vector<1x16xf32>
        tpu.vector_store %arg8[%swap3A_1420, %swap3A_1421], %swap3A_1424 {strides = array<i32>} : memref<400x128xf32, #tpu.memory_space<vmem>>, vector<1x16xf32>,
        %mul3A_1425 = vector.broadcast %squeeze3A_1414 : f32 to vector<16xf32>
        %mul3A_1426 = arith.mulf %mul3A_1425, %sub3A_52 : vector<16xf32>
        %add3A_1427 = arith.addf %get3A_11, %mul3A_1426 : vector<16xf32>
        %add3A_1428 = arith.constant 14 : i32
        %add3A_1429 = arith.addi %mul3A_263, %add3A_1428 : i32
        %swap3A_1430 = arith.index_cast %add3A_1429 : i32 to index
        %swap3A_1431 = arith.constant 16 : index
        %swap3A_1432 = tpu.vector_load %arg8[%swap3A_1430, %swap3A_1431] {strides = array<i32>} : memref<400x128xf32, #tpu.memory_space<vmem>>, vector<1x16xf32>,
        %swap3A_1433 = vector.shape_cast %swap3A_1432 : vector<1x16xf32> to vector<16xf32>
        %swap3A_1434 = vector.shape_cast %add3A_1427 : vector<16xf32> to vector<1x16xf32>
        tpu.vector_store %arg8[%swap3A_1430, %swap3A_1431], %swap3A_1434 {strides = array<i32>} : memref<400x128xf32, #tpu.memory_space<vmem>>, vector<1x16xf32>,
        %mul3A_1435 = vector.broadcast %squeeze3A_1414 : f32 to vector<16xf32>
        %mul3A_1436 = arith.mulf %mul3A_1435, %sub3A_58 : vector<16xf32>
        %add3A_1437 = arith.addf %get3A_16, %mul3A_1436 : vector<16xf32>
        %add3A_1438 = arith.constant 14 : i32
        %add3A_1439 = arith.addi %mul3A_263, %add3A_1438 : i32
        %swap3A_1440 = arith.index_cast %add3A_1439 : i32 to index
        %swap3A_1441 = arith.constant 32 : index
        %swap3A_1442 = tpu.vector_load %arg8[%swap3A_1440, %swap3A_1441] {strides = array<i32>} : memref<400x128xf32, #tpu.memory_space<vmem>>, vector<1x16xf32>,
        %swap3A_1443 = vector.shape_cast %swap3A_1442 : vector<1x16xf32> to vector<16xf32>
        %swap3A_1444 = vector.shape_cast %add3A_1437 : vector<16xf32> to vector<1x16xf32>
        tpu.vector_store %arg8[%swap3A_1440, %swap3A_1441], %swap3A_1444 {strides = array<i32>} : memref<400x128xf32, #tpu.memory_space<vmem>>, vector<1x16xf32>,
        %mul3A_1445 = vector.broadcast %squeeze3A_1414 : f32 to vector<16xf32>
        %mul3A_1446 = arith.mulf %mul3A_1445, %sub3A_64 : vector<16xf32>
        %add3A_1447 = arith.addf %get3A_21, %mul3A_1446 : vector<16xf32>
        %add3A_1448 = arith.constant 14 : i32
        %add3A_1449 = arith.addi %mul3A_263, %add3A_1448 : i32
        %swap3A_1450 = arith.index_cast %add3A_1449 : i32 to index
        %swap3A_1451 = arith.constant 48 : index
        %swap3A_1452 = tpu.vector_load %arg8[%swap3A_1450, %swap3A_1451] {strides = array<i32>} : memref<400x128xf32, #tpu.memory_space<vmem>>, vector<1x16xf32>,
        %swap3A_1453 = vector.shape_cast %swap3A_1452 : vector<1x16xf32> to vector<16xf32>
        %swap3A_1454 = vector.shape_cast %add3A_1447 : vector<16xf32> to vector<1x16xf32>
        tpu.vector_store %arg8[%swap3A_1450, %swap3A_1451], %swap3A_1454 {strides = array<i32>} : memref<400x128xf32, #tpu.memory_space<vmem>>, vector<1x16xf32>,
        %mul3A_1455 = vector.broadcast %squeeze3A_1414 : f32 to vector<16xf32>
        %mul3A_1456 = arith.mulf %mul3A_1455, %sub3A_70 : vector<16xf32>
        %add3A_1457 = arith.addf %get3A_26, %mul3A_1456 : vector<16xf32>
        %add3A_1458 = arith.constant 14 : i32
        %add3A_1459 = arith.addi %mul3A_263, %add3A_1458 : i32
        %swap3A_1460 = arith.index_cast %add3A_1459 : i32 to index
        %swap3A_1461 = arith.constant 64 : index
        %swap3A_1462 = tpu.vector_load %arg8[%swap3A_1460, %swap3A_1461] {strides = array<i32>} : memref<400x128xf32, #tpu.memory_space<vmem>>, vector<1x16xf32>,
        %swap3A_1463 = vector.shape_cast %swap3A_1462 : vector<1x16xf32> to vector<16xf32>
        %swap3A_1464 = vector.shape_cast %add3A_1457 : vector<16xf32> to vector<1x16xf32>
        tpu.vector_store %arg8[%swap3A_1460, %swap3A_1461], %swap3A_1464 {strides = array<i32>} : memref<400x128xf32, #tpu.memory_space<vmem>>, vector<1x16xf32>,
        %mul3A_1465 = vector.broadcast %squeeze3A_1414 : f32 to vector<16xf32>
        %mul3A_1466 = arith.mulf %mul3A_1465, %sub3A_76 : vector<16xf32>
        %add3A_1467 = arith.addf %get3A_31, %mul3A_1466 : vector<16xf32>
        %add3A_1468 = arith.constant 14 : i32
        %add3A_1469 = arith.addi %mul3A_263, %add3A_1468 : i32
        %swap3A_1470 = arith.index_cast %add3A_1469 : i32 to index
        %swap3A_1471 = arith.constant 80 : index
        %swap3A_1472 = tpu.vector_load %arg8[%swap3A_1470, %swap3A_1471] {strides = array<i32>} : memref<400x128xf32, #tpu.memory_space<vmem>>, vector<1x16xf32>,
        %swap3A_1473 = vector.shape_cast %swap3A_1472 : vector<1x16xf32> to vector<16xf32>
        %swap3A_1474 = vector.shape_cast %add3A_1467 : vector<16xf32> to vector<1x16xf32>
        tpu.vector_store %arg8[%swap3A_1470, %swap3A_1471], %swap3A_1474 {strides = array<i32>} : memref<400x128xf32, #tpu.memory_space<vmem>>, vector<1x16xf32>,
        %mul3A_1475 = vector.broadcast %squeeze3A_1414 : f32 to vector<16xf32>
        %mul3A_1476 = arith.mulf %mul3A_1475, %sub3A_82 : vector<16xf32>
        %add3A_1477 = arith.addf %get3A_36, %mul3A_1476 : vector<16xf32>
        %add3A_1478 = arith.constant 14 : i32
        %add3A_1479 = arith.addi %mul3A_263, %add3A_1478 : i32
        %swap3A_1480 = arith.index_cast %add3A_1479 : i32 to index
        %swap3A_1481 = arith.constant 96 : index
        %swap3A_1482 = tpu.vector_load %arg8[%swap3A_1480, %swap3A_1481] {strides = array<i32>} : memref<400x128xf32, #tpu.memory_space<vmem>>, vector<1x16xf32>,
        %swap3A_1483 = vector.shape_cast %swap3A_1482 : vector<1x16xf32> to vector<16xf32>
        %swap3A_1484 = vector.shape_cast %add3A_1477 : vector<16xf32> to vector<1x16xf32>
        tpu.vector_store %arg8[%swap3A_1480, %swap3A_1481], %swap3A_1484 {strides = array<i32>} : memref<400x128xf32, #tpu.memory_space<vmem>>, vector<1x16xf32>,
        %mul3A_1485 = vector.broadcast %squeeze3A_1414 : f32 to vector<16xf32>
        %mul3A_1486 = arith.mulf %mul3A_1485, %sub3A_88 : vector<16xf32>
        %add3A_1487 = arith.addf %get3A_41, %mul3A_1486 : vector<16xf32>
        %add3A_1488 = arith.constant 14 : i32
        %add3A_1489 = arith.addi %mul3A_263, %add3A_1488 : i32
        %swap3A_1490 = arith.index_cast %add3A_1489 : i32 to index
        %swap3A_1491 = arith.constant 112 : index
        %swap3A_1492 = tpu.vector_load %arg8[%swap3A_1490, %swap3A_1491] {strides = array<i32>} : memref<400x128xf32, #tpu.memory_space<vmem>>, vector<1x16xf32>,
        %swap3A_1493 = vector.shape_cast %swap3A_1492 : vector<1x16xf32> to vector<16xf32>
        %swap3A_1494 = vector.shape_cast %add3A_1487 : vector<16xf32> to vector<1x16xf32>
        tpu.vector_store %arg8[%swap3A_1490, %swap3A_1491], %swap3A_1494 {strides = array<i32>} : memref<400x128xf32, #tpu.memory_space<vmem>>, vector<1x16xf32>,
        %slice3A_1495 = vector.extract_strided_slice %convert_element_type3A_267 {offsets = [15], sizes = [1], strides = [1]} : vector<16xf32> to vector<1xf32>
        %squeeze3A_1496 = vector.extract %slice3A_1495[0] : f32 from vector<1xf32>
        %mul3A_1497 = vector.broadcast %squeeze3A_1496 : f32 to vector<16xf32>
        %mul3A_1498 = arith.mulf %mul3A_1497, %sub3A : vector<16xf32>
        %add3A_1499 = arith.addf %get3A_6, %mul3A_1498 : vector<16xf32>
        %add3A_1500 = arith.constant 15 : i32
        %add3A_1501 = arith.addi %mul3A_263, %add3A_1500 : i32
        %swap3A_1502 = arith.index_cast %add3A_1501 : i32 to index
        %swap3A_1503 = arith.constant 0 : index
        %swap3A_1504 = tpu.vector_load %arg8[%swap3A_1502, %swap3A_1503] {strides = array<i32>} : memref<400x128xf32, #tpu.memory_space<vmem>>, vector<1x16xf32>,
        %swap3A_1505 = vector.shape_cast %swap3A_1504 : vector<1x16xf32> to vector<16xf32>
        %swap3A_1506 = vector.shape_cast %add3A_1499 : vector<16xf32> to vector<1x16xf32>
        tpu.vector_store %arg8[%swap3A_1502, %swap3A_1503], %swap3A_1506 {strides = array<i32>} : memref<400x128xf32, #tpu.memory_space<vmem>>, vector<1x16xf32>,
        %mul3A_1507 = vector.broadcast %squeeze3A_1496 : f32 to vector<16xf32>
        %mul3A_1508 = arith.mulf %mul3A_1507, %sub3A_52 : vector<16xf32>
        %add3A_1509 = arith.addf %get3A_11, %mul3A_1508 : vector<16xf32>
        %add3A_1510 = arith.constant 15 : i32
        %add3A_1511 = arith.addi %mul3A_263, %add3A_1510 : i32
        %swap3A_1512 = arith.index_cast %add3A_1511 : i32 to index
        %swap3A_1513 = arith.constant 16 : index
        %swap3A_1514 = tpu.vector_load %arg8[%swap3A_1512, %swap3A_1513] {strides = array<i32>} : memref<400x128xf32, #tpu.memory_space<vmem>>, vector<1x16xf32>,
        %swap3A_1515 = vector.shape_cast %swap3A_1514 : vector<1x16xf32> to vector<16xf32>
        %swap3A_1516 = vector.shape_cast %add3A_1509 : vector<16xf32> to vector<1x16xf32>
        tpu.vector_store %arg8[%swap3A_1512, %swap3A_1513], %swap3A_1516 {strides = array<i32>} : memref<400x128xf32, #tpu.memory_space<vmem>>, vector<1x16xf32>,
        %mul3A_1517 = vector.broadcast %squeeze3A_1496 : f32 to vector<16xf32>
        %mul3A_1518 = arith.mulf %mul3A_1517, %sub3A_58 : vector<16xf32>
        %add3A_1519 = arith.addf %get3A_16, %mul3A_1518 : vector<16xf32>
        %add3A_1520 = arith.constant 15 : i32
        %add3A_1521 = arith.addi %mul3A_263, %add3A_1520 : i32
        %swap3A_1522 = arith.index_cast %add3A_1521 : i32 to index
        %swap3A_1523 = arith.constant 32 : index
        %swap3A_1524 = tpu.vector_load %arg8[%swap3A_1522, %swap3A_1523] {strides = array<i32>} : memref<400x128xf32, #tpu.memory_space<vmem>>, vector<1x16xf32>,
        %swap3A_1525 = vector.shape_cast %swap3A_1524 : vector<1x16xf32> to vector<16xf32>
        %swap3A_1526 = vector.shape_cast %add3A_1519 : vector<16xf32> to vector<1x16xf32>
        tpu.vector_store %arg8[%swap3A_1522, %swap3A_1523], %swap3A_1526 {strides = array<i32>} : memref<400x128xf32, #tpu.memory_space<vmem>>, vector<1x16xf32>,
        %mul3A_1527 = vector.broadcast %squeeze3A_1496 : f32 to vector<16xf32>
        %mul3A_1528 = arith.mulf %mul3A_1527, %sub3A_64 : vector<16xf32>
        %add3A_1529 = arith.addf %get3A_21, %mul3A_1528 : vector<16xf32>
        %add3A_1530 = arith.constant 15 : i32
        %add3A_1531 = arith.addi %mul3A_263, %add3A_1530 : i32
        %swap3A_1532 = arith.index_cast %add3A_1531 : i32 to index
        %swap3A_1533 = arith.constant 48 : index
        %swap3A_1534 = tpu.vector_load %arg8[%swap3A_1532, %swap3A_1533] {strides = array<i32>} : memref<400x128xf32, #tpu.memory_space<vmem>>, vector<1x16xf32>,
        %swap3A_1535 = vector.shape_cast %swap3A_1534 : vector<1x16xf32> to vector<16xf32>
        %swap3A_1536 = vector.shape_cast %add3A_1529 : vector<16xf32> to vector<1x16xf32>
        tpu.vector_store %arg8[%swap3A_1532, %swap3A_1533], %swap3A_1536 {strides = array<i32>} : memref<400x128xf32, #tpu.memory_space<vmem>>, vector<1x16xf32>,
        %mul3A_1537 = vector.broadcast %squeeze3A_1496 : f32 to vector<16xf32>
        %mul3A_1538 = arith.mulf %mul3A_1537, %sub3A_70 : vector<16xf32>
        %add3A_1539 = arith.addf %get3A_26, %mul3A_1538 : vector<16xf32>
        %add3A_1540 = arith.constant 15 : i32
        %add3A_1541 = arith.addi %mul3A_263, %add3A_1540 : i32
        %swap3A_1542 = arith.index_cast %add3A_1541 : i32 to index
        %swap3A_1543 = arith.constant 64 : index
        %swap3A_1544 = tpu.vector_load %arg8[%swap3A_1542, %swap3A_1543] {strides = array<i32>} : memref<400x128xf32, #tpu.memory_space<vmem>>, vector<1x16xf32>,
        %swap3A_1545 = vector.shape_cast %swap3A_1544 : vector<1x16xf32> to vector<16xf32>
        %swap3A_1546 = vector.shape_cast %add3A_1539 : vector<16xf32> to vector<1x16xf32>
        tpu.vector_store %arg8[%swap3A_1542, %swap3A_1543], %swap3A_1546 {strides = array<i32>} : memref<400x128xf32, #tpu.memory_space<vmem>>, vector<1x16xf32>,
        %mul3A_1547 = vector.broadcast %squeeze3A_1496 : f32 to vector<16xf32>
        %mul3A_1548 = arith.mulf %mul3A_1547, %sub3A_76 : vector<16xf32>
        %add3A_1549 = arith.addf %get3A_31, %mul3A_1548 : vector<16xf32>
        %add3A_1550 = arith.constant 15 : i32
        %add3A_1551 = arith.addi %mul3A_263, %add3A_1550 : i32
        %swap3A_1552 = arith.index_cast %add3A_1551 : i32 to index
        %swap3A_1553 = arith.constant 80 : index
        %swap3A_1554 = tpu.vector_load %arg8[%swap3A_1552, %swap3A_1553] {strides = array<i32>} : memref<400x128xf32, #tpu.memory_space<vmem>>, vector<1x16xf32>,
        %swap3A_1555 = vector.shape_cast %swap3A_1554 : vector<1x16xf32> to vector<16xf32>
        %swap3A_1556 = vector.shape_cast %add3A_1549 : vector<16xf32> to vector<1x16xf32>
        tpu.vector_store %arg8[%swap3A_1552, %swap3A_1553], %swap3A_1556 {strides = array<i32>} : memref<400x128xf32, #tpu.memory_space<vmem>>, vector<1x16xf32>,
        %mul3A_1557 = vector.broadcast %squeeze3A_1496 : f32 to vector<16xf32>
        %mul3A_1558 = arith.mulf %mul3A_1557, %sub3A_82 : vector<16xf32>
        %add3A_1559 = arith.addf %get3A_36, %mul3A_1558 : vector<16xf32>
        %add3A_1560 = arith.constant 15 : i32
        %add3A_1561 = arith.addi %mul3A_263, %add3A_1560 : i32
        %swap3A_1562 = arith.index_cast %add3A_1561 : i32 to index
        %swap3A_1563 = arith.constant 96 : index
        %swap3A_1564 = tpu.vector_load %arg8[%swap3A_1562, %swap3A_1563] {strides = array<i32>} : memref<400x128xf32, #tpu.memory_space<vmem>>, vector<1x16xf32>,
        %swap3A_1565 = vector.shape_cast %swap3A_1564 : vector<1x16xf32> to vector<16xf32>
        %swap3A_1566 = vector.shape_cast %add3A_1559 : vector<16xf32> to vector<1x16xf32>
        tpu.vector_store %arg8[%swap3A_1562, %swap3A_1563], %swap3A_1566 {strides = array<i32>} : memref<400x128xf32, #tpu.memory_space<vmem>>, vector<1x16xf32>,
        %mul3A_1567 = vector.broadcast %squeeze3A_1496 : f32 to vector<16xf32>
        %mul3A_1568 = arith.mulf %mul3A_1567, %sub3A_88 : vector<16xf32>
        %add3A_1569 = arith.addf %get3A_41, %mul3A_1568 : vector<16xf32>
        %add3A_1570 = arith.constant 15 : i32
        %add3A_1571 = arith.addi %mul3A_263, %add3A_1570 : i32
        %swap3A_1572 = arith.index_cast %add3A_1571 : i32 to index
        %swap3A_1573 = arith.constant 112 : index
        %swap3A_1574 = tpu.vector_load %arg8[%swap3A_1572, %swap3A_1573] {strides = array<i32>} : memref<400x128xf32, #tpu.memory_space<vmem>>, vector<1x16xf32>,
        %swap3A_1575 = vector.shape_cast %swap3A_1574 : vector<1x16xf32> to vector<16xf32>
        %swap3A_1576 = vector.shape_cast %add3A_1569 : vector<16xf32> to vector<1x16xf32>
        tpu.vector_store %arg8[%swap3A_1572, %swap3A_1573], %swap3A_1576 {strides = array<i32>} : memref<400x128xf32, #tpu.memory_space<vmem>>, vector<1x16xf32>,
      }
      %scan3A_173 = arith.constant 25 : i32
      %mul3A_174 = arith.constant 400 : i32
      %mul3A_175 = arith.muli %add3A_160, %mul3A_174 : i32
      %add3A_176 = arith.addi %mul3A_2, %mul3A_175 : i32
      %add3A_177 = arith.constant 0 : i32
      %add3A_178 = arith.addi %add3A_176, %add3A_177 : i32
      %dma_start3A_179 = arith.constant 0 : i32
      %dma_start3A_180 = arith.constant 0 : i32
      %dma_start3A_181 = tpu.memref_slice %arg8[%dma_start3A_179, %dma_start3A_180] : memref<400x128xf32, #tpu.memory_space<vmem>> -> memref<200x128xf32, #tpu.memory_space<vmem>>
      %dma_start3A_182 = arith.constant 0 : i32
      %dma_start3A_183 = tpu.memref_slice %arg4[%add3A_178, %dma_start3A_182] : memref<3276800x128xf32, #tpu.memory_space<hbm>> -> memref<200x128xf32, #tpu.memory_space<hbm>>
      %dma_start3A_184 = arith.constant 0 : i32
      %dma_start3A_185 = tpu.memref_slice %arg4[%add3A_178, %dma_start3A_184] : memref<3276800x128xf32, #tpu.memory_space<hbm>> -> memref<200x128xf32, #tpu.memory_space<hbm>>
      %dma_start3A_186 = arith.constant 0 : i32
      %dma_start3A_187 = arith.constant 0 : i32
      %dma_start3A_188 = tpu.memref_slice %arg8[%dma_start3A_186, %dma_start3A_187] : memref<400x128xf32, #tpu.memory_space<vmem>> -> memref<200x128xf32, #tpu.memory_space<vmem>>
      tpu.enqueue_dma source(%dma_start3A_188 : memref<200x128xf32, #tpu.memory_space<vmem>>) target(%dma_start3A_185 : memref<200x128xf32, #tpu.memory_space<hbm>>) target_semaphore(%arg12 : memref<!tpu.dma_semaphore, #tpu.memory_space<semaphore_mem>>)
      %mul3A_189 = arith.constant 400 : i32
      %mul3A_190 = arith.muli %add3A_160, %mul3A_189 : i32
      %add3A_191 = arith.addi %mul3A_2, %mul3A_190 : i32
      %add3A_192 = arith.constant 200 : i32
      %add3A_193 = arith.addi %add3A_191, %add3A_192 : i32
      %dma_start3A_194 = arith.constant 200 : i32
      %dma_start3A_195 = arith.constant 0 : i32
      %dma_start3A_196 = tpu.memref_slice %arg8[%dma_start3A_194, %dma_start3A_195] : memref<400x128xf32, #tpu.memory_space<vmem>> -> memref<200x128xf32, #tpu.memory_space<vmem>>
      %dma_start3A_197 = arith.constant 0 : i32
      %dma_start3A_198 = tpu.memref_slice %arg4[%add3A_193, %dma_start3A_197] : memref<3276800x128xf32, #tpu.memory_space<hbm>> -> memref<200x128xf32, #tpu.memory_space<hbm>>
      %dma_start3A_199 = arith.constant 0 : i32
      %dma_start3A_200 = tpu.memref_slice %arg4[%add3A_193, %dma_start3A_199] : memref<3276800x128xf32, #tpu.memory_space<hbm>> -> memref<200x128xf32, #tpu.memory_space<hbm>>
      %dma_start3A_201 = arith.constant 200 : i32
      %dma_start3A_202 = arith.constant 0 : i32
      %dma_start3A_203 = tpu.memref_slice %arg8[%dma_start3A_201, %dma_start3A_202] : memref<400x128xf32, #tpu.memory_space<vmem>> -> memref<200x128xf32, #tpu.memory_space<vmem>>
      tpu.enqueue_dma source(%dma_start3A_203 : memref<200x128xf32, #tpu.memory_space<vmem>>) target(%dma_start3A_200 : memref<200x128xf32, #tpu.memory_space<hbm>>) target_semaphore(%arg13 : memref<!tpu.dma_semaphore, #tpu.memory_space<semaphore_mem>>)
      %lt3A = arith.constant 127 : i32
      %lt3A_204 = arith.cmpi slt, %scan3A_156, %lt3A : i32
      %convert_element_type3A_205 = arith.extui %lt3A_204 : i1 to i32
      %cond3A_206 = arith.constant 0 : i32
      %cond3A_207 = arith.cmpi ne, %convert_element_type3A_205, %cond3A_206 : i32
      scf.if %cond3A_207 {
        %add3A_261 = arith.constant 2 : i32
        %add3A_262 = arith.addi %add3A_160, %add3A_261 : i32
        %mul3A_263 = arith.constant 400 : i32
        %mul3A_264 = arith.muli %add3A_262, %mul3A_263 : i32
        %add3A_265 = arith.addi %mul3A_2, %mul3A_264 : i32
        %dma_start3A_266 = tpu.memref_slice %arg2[%add3A_265] : memref<3276800xi32, #tpu.memory_space<hbm>> -> memref<400xi32, #tpu.memory_space<hbm>>
        %dma_start3A_267 = tpu.memref_slice %arg2[%add3A_265] : memref<3276800xi32, #tpu.memory_space<hbm>> -> memref<400xi32, #tpu.memory_space<hbm>>
        tpu.enqueue_dma source(%dma_start3A_267 : memref<400xi32, #tpu.memory_space<hbm>>) target(%arg6 : memref<400xi32, #tpu.memory_space<vmem>>) target_semaphore(%arg10 : memref<!tpu.dma_semaphore, #tpu.memory_space<semaphore_mem>>)
      } else {
      }
      %add3A_208 = arith.constant 1 : i32
      %add3A_209 = arith.addi %mul3A_158, %add3A_208 : i32
      %mul3A_210 = arith.constant 400 : i32
      %mul3A_211 = arith.muli %add3A_209, %mul3A_210 : i32
      %add3A_212 = arith.addi %mul3A_2, %mul3A_211 : i32
      %dma_wait3A_213 = tpu.memref_slice %arg2[%add3A_212] : memref<3276800xi32, #tpu.memory_space<hbm>> -> memref<400xi32, #tpu.memory_space<hbm>>
      %dma_wait3A_214 = tpu.memref_slice %arg2[%add3A_212] : memref<3276800xi32, #tpu.memory_space<hbm>> -> memref<400xi32, #tpu.memory_space<hbm>>
      tpu.wait_dma2 semaphore(%arg11 : memref<!tpu.dma_semaphore, #tpu.memory_space<semaphore_mem>>) src(%dma_wait3A_214 : memref<400xi32, #tpu.memory_space<hbm>>) dst(%arg7 : memref<400xi32, #tpu.memory_space<vmem>>)
      %gt3A_215 = arith.constant 0 : i32
      %gt3A_216 = arith.cmpi sgt, %scan3A_156, %gt3A_215 : i32
      %convert_element_type3A_217 = arith.extui %gt3A_216 : i1 to i32
      %cond3A_218 = arith.constant 0 : i32
      %cond3A_219 = arith.cmpi ne, %convert_element_type3A_217, %cond3A_218 : i32
      scf.if %cond3A_219 {
        %sub3A_261 = arith.constant 2 : i32
        %sub3A_262 = arith.subi %add3A_209, %sub3A_261 : i32
        %mul3A_263 = arith.constant 400 : i32
        %mul3A_264 = arith.muli %sub3A_262, %mul3A_263 : i32
        %add3A_265 = arith.addi %mul3A_2, %mul3A_264 : i32
        %add3A_266 = arith.constant 0 : i32
        %add3A_267 = arith.addi %add3A_265, %add3A_266 : i32
        %dma_wait3A_268 = arith.constant 0 : i32
        %dma_wait3A_269 = arith.constant 0 : i32
        %dma_wait3A_270 = tpu.memref_slice %arg9[%dma_wait3A_268, %dma_wait3A_269] : memref<400x128xf32, #tpu.memory_space<vmem>> -> memref<200x128xf32, #tpu.memory_space<vmem>>
        %dma_wait3A_271 = arith.constant 0 : i32
        %dma_wait3A_272 = tpu.memref_slice %arg4[%add3A_267, %dma_wait3A_271] : memref<3276800x128xf32, #tpu.memory_space<hbm>> -> memref<200x128xf32, #tpu.memory_space<hbm>>
        %dma_wait3A_273 = arith.constant 0 : i32
        %dma_wait3A_274 = tpu.memref_slice %arg4[%add3A_267, %dma_wait3A_273] : memref<3276800x128xf32, #tpu.memory_space<hbm>> -> memref<200x128xf32, #tpu.memory_space<hbm>>
        %dma_wait3A_275 = arith.constant 0 : i32
        %dma_wait3A_276 = arith.constant 0 : i32
        %dma_wait3A_277 = tpu.memref_slice %arg9[%dma_wait3A_275, %dma_wait3A_276] : memref<400x128xf32, #tpu.memory_space<vmem>> -> memref<200x128xf32, #tpu.memory_space<vmem>>
        tpu.wait_dma2 semaphore(%arg14 : memref<!tpu.dma_semaphore, #tpu.memory_space<semaphore_mem>>) src(%dma_wait3A_277 : memref<200x128xf32, #tpu.memory_space<vmem>>) dst(%dma_wait3A_274 : memref<200x128xf32, #tpu.memory_space<hbm>>)
        %sub3A_278 = arith.constant 2 : i32
        %sub3A_279 = arith.subi %add3A_209, %sub3A_278 : i32
        %mul3A_280 = arith.constant 400 : i32
        %mul3A_281 = arith.muli %sub3A_279, %mul3A_280 : i32
        %add3A_282 = arith.addi %mul3A_2, %mul3A_281 : i32
        %add3A_283 = arith.constant 200 : i32
        %add3A_284 = arith.addi %add3A_282, %add3A_283 : i32
        %dma_wait3A_285 = arith.constant 200 : i32
        %dma_wait3A_286 = arith.constant 0 : i32
        %dma_wait3A_287 = tpu.memref_slice %arg9[%dma_wait3A_285, %dma_wait3A_286] : memref<400x128xf32, #tpu.memory_space<vmem>> -> memref<200x128xf32, #tpu.memory_space<vmem>>
        %dma_wait3A_288 = arith.constant 0 : i32
        %dma_wait3A_289 = tpu.memref_slice %arg4[%add3A_284, %dma_wait3A_288] : memref<3276800x128xf32, #tpu.memory_space<hbm>> -> memref<200x128xf32, #tpu.memory_space<hbm>>
        %dma_wait3A_290 = arith.constant 0 : i32
        %dma_wait3A_291 = tpu.memref_slice %arg4[%add3A_284, %dma_wait3A_290] : memref<3276800x128xf32, #tpu.memory_space<hbm>> -> memref<200x128xf32, #tpu.memory_space<hbm>>
        %dma_wait3A_292 = arith.constant 200 : i32
        %dma_wait3A_293 = arith.constant 0 : i32
        %dma_wait3A_294 = tpu.memref_slice %arg9[%dma_wait3A_292, %dma_wait3A_293] : memref<400x128xf32, #tpu.memory_space<vmem>> -> memref<200x128xf32, #tpu.memory_space<vmem>>
        tpu.wait_dma2 semaphore(%arg15 : memref<!tpu.dma_semaphore, #tpu.memory_space<semaphore_mem>>) src(%dma_wait3A_294 : memref<200x128xf32, #tpu.memory_space<vmem>>) dst(%dma_wait3A_291 : memref<200x128xf32, #tpu.memory_space<hbm>>)
      } else {
      }
      %scan3A_220 = arith.constant 0 : i32
      %scan3A_221 = arith.constant 0 : i32
      %scan3A_222 = arith.constant 25 : i32
      %scan3A_223 = arith.addi %scan3A_221, %scan3A_222 : i32
      %scan3A_224 = arith.constant 1 : i32
      scf.for %scan3A_261 = %scan3A_221 to %scan3A_223 step %scan3A_224  : i32 {
        %mul3A_262 = arith.constant 16 : i32
        %mul3A_263 = arith.muli %scan3A_261, %mul3A_262 : i32
        %get3A_264 = arith.index_cast %mul3A_263 : i32 to index
        %get3A_265 = tpu.vector_load %arg7[%get3A_264] {strides = array<i32>} : memref<400xi32, #tpu.memory_space<vmem>>, vector<16xi32>,
        %get3A_266 = vector.shape_cast %get3A_265 : vector<16xi32> to vector<16xi32>
        %convert_element_type3A_267 = arith.sitofp %get3A_266 : vector<16xi32> to vector<16xf32>
        %slice3A = vector.extract_strided_slice %convert_element_type3A_267 {offsets = [0], sizes = [1], strides = [1]} : vector<16xf32> to vector<1xf32>
        %squeeze3A = vector.extract %slice3A[0] : f32 from vector<1xf32>
        %mul3A_268 = vector.broadcast %squeeze3A : f32 to vector<16xf32>
        %mul3A_269 = arith.mulf %mul3A_268, %sub3A : vector<16xf32>
        %add3A_270 = arith.addf %get3A_6, %mul3A_269 : vector<16xf32>
        %add3A_271 = arith.constant 0 : i32
        %add3A_272 = arith.addi %mul3A_263, %add3A_271 : i32
        %swap3A = arith.index_cast %add3A_272 : i32 to index
        %swap3A_273 = arith.constant 0 : index
        %swap3A_274 = tpu.vector_load %arg9[%swap3A, %swap3A_273] {strides = array<i32>} : memref<400x128xf32, #tpu.memory_space<vmem>>, vector<1x16xf32>,
        %swap3A_275 = vector.shape_cast %swap3A_274 : vector<1x16xf32> to vector<16xf32>
        %swap3A_276 = vector.shape_cast %add3A_270 : vector<16xf32> to vector<1x16xf32>
        tpu.vector_store %arg9[%swap3A, %swap3A_273], %swap3A_276 {strides = array<i32>} : memref<400x128xf32, #tpu.memory_space<vmem>>, vector<1x16xf32>,
        %mul3A_277 = vector.broadcast %squeeze3A : f32 to vector<16xf32>
        %mul3A_278 = arith.mulf %mul3A_277, %sub3A_52 : vector<16xf32>
        %add3A_279 = arith.addf %get3A_11, %mul3A_278 : vector<16xf32>
        %add3A_280 = arith.constant 0 : i32
        %add3A_281 = arith.addi %mul3A_263, %add3A_280 : i32
        %swap3A_282 = arith.index_cast %add3A_281 : i32 to index
        %swap3A_283 = arith.constant 16 : index
        %swap3A_284 = tpu.vector_load %arg9[%swap3A_282, %swap3A_283] {strides = array<i32>} : memref<400x128xf32, #tpu.memory_space<vmem>>, vector<1x16xf32>,
        %swap3A_285 = vector.shape_cast %swap3A_284 : vector<1x16xf32> to vector<16xf32>
        %swap3A_286 = vector.shape_cast %add3A_279 : vector<16xf32> to vector<1x16xf32>
        tpu.vector_store %arg9[%swap3A_282, %swap3A_283], %swap3A_286 {strides = array<i32>} : memref<400x128xf32, #tpu.memory_space<vmem>>, vector<1x16xf32>,
        %mul3A_287 = vector.broadcast %squeeze3A : f32 to vector<16xf32>
        %mul3A_288 = arith.mulf %mul3A_287, %sub3A_58 : vector<16xf32>
        %add3A_289 = arith.addf %get3A_16, %mul3A_288 : vector<16xf32>
        %add3A_290 = arith.constant 0 : i32
        %add3A_291 = arith.addi %mul3A_263, %add3A_290 : i32
        %swap3A_292 = arith.index_cast %add3A_291 : i32 to index
        %swap3A_293 = arith.constant 32 : index
        %swap3A_294 = tpu.vector_load %arg9[%swap3A_292, %swap3A_293] {strides = array<i32>} : memref<400x128xf32, #tpu.memory_space<vmem>>, vector<1x16xf32>,
        %swap3A_295 = vector.shape_cast %swap3A_294 : vector<1x16xf32> to vector<16xf32>
        %swap3A_296 = vector.shape_cast %add3A_289 : vector<16xf32> to vector<1x16xf32>
        tpu.vector_store %arg9[%swap3A_292, %swap3A_293], %swap3A_296 {strides = array<i32>} : memref<400x128xf32, #tpu.memory_space<vmem>>, vector<1x16xf32>,
        %mul3A_297 = vector.broadcast %squeeze3A : f32 to vector<16xf32>
        %mul3A_298 = arith.mulf %mul3A_297, %sub3A_64 : vector<16xf32>
        %add3A_299 = arith.addf %get3A_21, %mul3A_298 : vector<16xf32>
        %add3A_300 = arith.constant 0 : i32
        %add3A_301 = arith.addi %mul3A_263, %add3A_300 : i32
        %swap3A_302 = arith.index_cast %add3A_301 : i32 to index
        %swap3A_303 = arith.constant 48 : index
        %swap3A_304 = tpu.vector_load %arg9[%swap3A_302, %swap3A_303] {strides = array<i32>} : memref<400x128xf32, #tpu.memory_space<vmem>>, vector<1x16xf32>,
        %swap3A_305 = vector.shape_cast %swap3A_304 : vector<1x16xf32> to vector<16xf32>
        %swap3A_306 = vector.shape_cast %add3A_299 : vector<16xf32> to vector<1x16xf32>
        tpu.vector_store %arg9[%swap3A_302, %swap3A_303], %swap3A_306 {strides = array<i32>} : memref<400x128xf32, #tpu.memory_space<vmem>>, vector<1x16xf32>,
        %mul3A_307 = vector.broadcast %squeeze3A : f32 to vector<16xf32>
        %mul3A_308 = arith.mulf %mul3A_307, %sub3A_70 : vector<16xf32>
        %add3A_309 = arith.addf %get3A_26, %mul3A_308 : vector<16xf32>
        %add3A_310 = arith.constant 0 : i32
        %add3A_311 = arith.addi %mul3A_263, %add3A_310 : i32
        %swap3A_312 = arith.index_cast %add3A_311 : i32 to index
        %swap3A_313 = arith.constant 64 : index
        %swap3A_314 = tpu.vector_load %arg9[%swap3A_312, %swap3A_313] {strides = array<i32>} : memref<400x128xf32, #tpu.memory_space<vmem>>, vector<1x16xf32>,
        %swap3A_315 = vector.shape_cast %swap3A_314 : vector<1x16xf32> to vector<16xf32>
        %swap3A_316 = vector.shape_cast %add3A_309 : vector<16xf32> to vector<1x16xf32>
        tpu.vector_store %arg9[%swap3A_312, %swap3A_313], %swap3A_316 {strides = array<i32>} : memref<400x128xf32, #tpu.memory_space<vmem>>, vector<1x16xf32>,
        %mul3A_317 = vector.broadcast %squeeze3A : f32 to vector<16xf32>
        %mul3A_318 = arith.mulf %mul3A_317, %sub3A_76 : vector<16xf32>
        %add3A_319 = arith.addf %get3A_31, %mul3A_318 : vector<16xf32>
        %add3A_320 = arith.constant 0 : i32
        %add3A_321 = arith.addi %mul3A_263, %add3A_320 : i32
        %swap3A_322 = arith.index_cast %add3A_321 : i32 to index
        %swap3A_323 = arith.constant 80 : index
        %swap3A_324 = tpu.vector_load %arg9[%swap3A_322, %swap3A_323] {strides = array<i32>} : memref<400x128xf32, #tpu.memory_space<vmem>>, vector<1x16xf32>,
        %swap3A_325 = vector.shape_cast %swap3A_324 : vector<1x16xf32> to vector<16xf32>
        %swap3A_326 = vector.shape_cast %add3A_319 : vector<16xf32> to vector<1x16xf32>
        tpu.vector_store %arg9[%swap3A_322, %swap3A_323], %swap3A_326 {strides = array<i32>} : memref<400x128xf32, #tpu.memory_space<vmem>>, vector<1x16xf32>,
        %mul3A_327 = vector.broadcast %squeeze3A : f32 to vector<16xf32>
        %mul3A_328 = arith.mulf %mul3A_327, %sub3A_82 : vector<16xf32>
        %add3A_329 = arith.addf %get3A_36, %mul3A_328 : vector<16xf32>
        %add3A_330 = arith.constant 0 : i32
        %add3A_331 = arith.addi %mul3A_263, %add3A_330 : i32
        %swap3A_332 = arith.index_cast %add3A_331 : i32 to index
        %swap3A_333 = arith.constant 96 : index
        %swap3A_334 = tpu.vector_load %arg9[%swap3A_332, %swap3A_333] {strides = array<i32>} : memref<400x128xf32, #tpu.memory_space<vmem>>, vector<1x16xf32>,
        %swap3A_335 = vector.shape_cast %swap3A_334 : vector<1x16xf32> to vector<16xf32>
        %swap3A_336 = vector.shape_cast %add3A_329 : vector<16xf32> to vector<1x16xf32>
        tpu.vector_store %arg9[%swap3A_332, %swap3A_333], %swap3A_336 {strides = array<i32>} : memref<400x128xf32, #tpu.memory_space<vmem>>, vector<1x16xf32>,
        %mul3A_337 = vector.broadcast %squeeze3A : f32 to vector<16xf32>
        %mul3A_338 = arith.mulf %mul3A_337, %sub3A_88 : vector<16xf32>
        %add3A_339 = arith.addf %get3A_41, %mul3A_338 : vector<16xf32>
        %add3A_340 = arith.constant 0 : i32
        %add3A_341 = arith.addi %mul3A_263, %add3A_340 : i32
        %swap3A_342 = arith.index_cast %add3A_341 : i32 to index
        %swap3A_343 = arith.constant 112 : index
        %swap3A_344 = tpu.vector_load %arg9[%swap3A_342, %swap3A_343] {strides = array<i32>} : memref<400x128xf32, #tpu.memory_space<vmem>>, vector<1x16xf32>,
        %swap3A_345 = vector.shape_cast %swap3A_344 : vector<1x16xf32> to vector<16xf32>
        %swap3A_346 = vector.shape_cast %add3A_339 : vector<16xf32> to vector<1x16xf32>
        tpu.vector_store %arg9[%swap3A_342, %swap3A_343], %swap3A_346 {strides = array<i32>} : memref<400x128xf32, #tpu.memory_space<vmem>>, vector<1x16xf32>,
        %slice3A_347 = vector.extract_strided_slice %convert_element_type3A_267 {offsets = [1], sizes = [1], strides = [1]} : vector<16xf32> to vector<1xf32>
        %squeeze3A_348 = vector.extract %slice3A_347[0] : f32 from vector<1xf32>
        %mul3A_349 = vector.broadcast %squeeze3A_348 : f32 to vector<16xf32>
        %mul3A_350 = arith.mulf %mul3A_349, %sub3A : vector<16xf32>
        %add3A_351 = arith.addf %get3A_6, %mul3A_350 : vector<16xf32>
        %add3A_352 = arith.constant 1 : i32
        %add3A_353 = arith.addi %mul3A_263, %add3A_352 : i32
        %swap3A_354 = arith.index_cast %add3A_353 : i32 to index
        %swap3A_355 = arith.constant 0 : index
        %swap3A_356 = tpu.vector_load %arg9[%swap3A_354, %swap3A_355] {strides = array<i32>} : memref<400x128xf32, #tpu.memory_space<vmem>>, vector<1x16xf32>,
        %swap3A_357 = vector.shape_cast %swap3A_356 : vector<1x16xf32> to vector<16xf32>
        %swap3A_358 = vector.shape_cast %add3A_351 : vector<16xf32> to vector<1x16xf32>
        tpu.vector_store %arg9[%swap3A_354, %swap3A_355], %swap3A_358 {strides = array<i32>} : memref<400x128xf32, #tpu.memory_space<vmem>>, vector<1x16xf32>,
        %mul3A_359 = vector.broadcast %squeeze3A_348 : f32 to vector<16xf32>
        %mul3A_360 = arith.mulf %mul3A_359, %sub3A_52 : vector<16xf32>
        %add3A_361 = arith.addf %get3A_11, %mul3A_360 : vector<16xf32>
        %add3A_362 = arith.constant 1 : i32
        %add3A_363 = arith.addi %mul3A_263, %add3A_362 : i32
        %swap3A_364 = arith.index_cast %add3A_363 : i32 to index
        %swap3A_365 = arith.constant 16 : index
        %swap3A_366 = tpu.vector_load %arg9[%swap3A_364, %swap3A_365] {strides = array<i32>} : memref<400x128xf32, #tpu.memory_space<vmem>>, vector<1x16xf32>,
        %swap3A_367 = vector.shape_cast %swap3A_366 : vector<1x16xf32> to vector<16xf32>
        %swap3A_368 = vector.shape_cast %add3A_361 : vector<16xf32> to vector<1x16xf32>
        tpu.vector_store %arg9[%swap3A_364, %swap3A_365], %swap3A_368 {strides = array<i32>} : memref<400x128xf32, #tpu.memory_space<vmem>>, vector<1x16xf32>,
        %mul3A_369 = vector.broadcast %squeeze3A_348 : f32 to vector<16xf32>
        %mul3A_370 = arith.mulf %mul3A_369, %sub3A_58 : vector<16xf32>
        %add3A_371 = arith.addf %get3A_16, %mul3A_370 : vector<16xf32>
        %add3A_372 = arith.constant 1 : i32
        %add3A_373 = arith.addi %mul3A_263, %add3A_372 : i32
        %swap3A_374 = arith.index_cast %add3A_373 : i32 to index
        %swap3A_375 = arith.constant 32 : index
        %swap3A_376 = tpu.vector_load %arg9[%swap3A_374, %swap3A_375] {strides = array<i32>} : memref<400x128xf32, #tpu.memory_space<vmem>>, vector<1x16xf32>,
        %swap3A_377 = vector.shape_cast %swap3A_376 : vector<1x16xf32> to vector<16xf32>
        %swap3A_378 = vector.shape_cast %add3A_371 : vector<16xf32> to vector<1x16xf32>
        tpu.vector_store %arg9[%swap3A_374, %swap3A_375], %swap3A_378 {strides = array<i32>} : memref<400x128xf32, #tpu.memory_space<vmem>>, vector<1x16xf32>,
        %mul3A_379 = vector.broadcast %squeeze3A_348 : f32 to vector<16xf32>
        %mul3A_380 = arith.mulf %mul3A_379, %sub3A_64 : vector<16xf32>
        %add3A_381 = arith.addf %get3A_21, %mul3A_380 : vector<16xf32>
        %add3A_382 = arith.constant 1 : i32
        %add3A_383 = arith.addi %mul3A_263, %add3A_382 : i32
        %swap3A_384 = arith.index_cast %add3A_383 : i32 to index
        %swap3A_385 = arith.constant 48 : index
        %swap3A_386 = tpu.vector_load %arg9[%swap3A_384, %swap3A_385] {strides = array<i32>} : memref<400x128xf32, #tpu.memory_space<vmem>>, vector<1x16xf32>,
        %swap3A_387 = vector.shape_cast %swap3A_386 : vector<1x16xf32> to vector<16xf32>
        %swap3A_388 = vector.shape_cast %add3A_381 : vector<16xf32> to vector<1x16xf32>
        tpu.vector_store %arg9[%swap3A_384, %swap3A_385], %swap3A_388 {strides = array<i32>} : memref<400x128xf32, #tpu.memory_space<vmem>>, vector<1x16xf32>,
        %mul3A_389 = vector.broadcast %squeeze3A_348 : f32 to vector<16xf32>
        %mul3A_390 = arith.mulf %mul3A_389, %sub3A_70 : vector<16xf32>
        %add3A_391 = arith.addf %get3A_26, %mul3A_390 : vector<16xf32>
        %add3A_392 = arith.constant 1 : i32
        %add3A_393 = arith.addi %mul3A_263, %add3A_392 : i32
        %swap3A_394 = arith.index_cast %add3A_393 : i32 to index
        %swap3A_395 = arith.constant 64 : index
        %swap3A_396 = tpu.vector_load %arg9[%swap3A_394, %swap3A_395] {strides = array<i32>} : memref<400x128xf32, #tpu.memory_space<vmem>>, vector<1x16xf32>,
        %swap3A_397 = vector.shape_cast %swap3A_396 : vector<1x16xf32> to vector<16xf32>
        %swap3A_398 = vector.shape_cast %add3A_391 : vector<16xf32> to vector<1x16xf32>
        tpu.vector_store %arg9[%swap3A_394, %swap3A_395], %swap3A_398 {strides = array<i32>} : memref<400x128xf32, #tpu.memory_space<vmem>>, vector<1x16xf32>,
        %mul3A_399 = vector.broadcast %squeeze3A_348 : f32 to vector<16xf32>
        %mul3A_400 = arith.mulf %mul3A_399, %sub3A_76 : vector<16xf32>
        %add3A_401 = arith.addf %get3A_31, %mul3A_400 : vector<16xf32>
        %add3A_402 = arith.constant 1 : i32
        %add3A_403 = arith.addi %mul3A_263, %add3A_402 : i32
        %swap3A_404 = arith.index_cast %add3A_403 : i32 to index
        %swap3A_405 = arith.constant 80 : index
        %swap3A_406 = tpu.vector_load %arg9[%swap3A_404, %swap3A_405] {strides = array<i32>} : memref<400x128xf32, #tpu.memory_space<vmem>>, vector<1x16xf32>,
        %swap3A_407 = vector.shape_cast %swap3A_406 : vector<1x16xf32> to vector<16xf32>
        %swap3A_408 = vector.shape_cast %add3A_401 : vector<16xf32> to vector<1x16xf32>
        tpu.vector_store %arg9[%swap3A_404, %swap3A_405], %swap3A_408 {strides = array<i32>} : memref<400x128xf32, #tpu.memory_space<vmem>>, vector<1x16xf32>,
        %mul3A_409 = vector.broadcast %squeeze3A_348 : f32 to vector<16xf32>
        %mul3A_410 = arith.mulf %mul3A_409, %sub3A_82 : vector<16xf32>
        %add3A_411 = arith.addf %get3A_36, %mul3A_410 : vector<16xf32>
        %add3A_412 = arith.constant 1 : i32
        %add3A_413 = arith.addi %mul3A_263, %add3A_412 : i32
        %swap3A_414 = arith.index_cast %add3A_413 : i32 to index
        %swap3A_415 = arith.constant 96 : index
        %swap3A_416 = tpu.vector_load %arg9[%swap3A_414, %swap3A_415] {strides = array<i32>} : memref<400x128xf32, #tpu.memory_space<vmem>>, vector<1x16xf32>,
        %swap3A_417 = vector.shape_cast %swap3A_416 : vector<1x16xf32> to vector<16xf32>
        %swap3A_418 = vector.shape_cast %add3A_411 : vector<16xf32> to vector<1x16xf32>
        tpu.vector_store %arg9[%swap3A_414, %swap3A_415], %swap3A_418 {strides = array<i32>} : memref<400x128xf32, #tpu.memory_space<vmem>>, vector<1x16xf32>,
        %mul3A_419 = vector.broadcast %squeeze3A_348 : f32 to vector<16xf32>
        %mul3A_420 = arith.mulf %mul3A_419, %sub3A_88 : vector<16xf32>
        %add3A_421 = arith.addf %get3A_41, %mul3A_420 : vector<16xf32>
        %add3A_422 = arith.constant 1 : i32
        %add3A_423 = arith.addi %mul3A_263, %add3A_422 : i32
        %swap3A_424 = arith.index_cast %add3A_423 : i32 to index
        %swap3A_425 = arith.constant 112 : index
        %swap3A_426 = tpu.vector_load %arg9[%swap3A_424, %swap3A_425] {strides = array<i32>} : memref<400x128xf32, #tpu.memory_space<vmem>>, vector<1x16xf32>,
        %swap3A_427 = vector.shape_cast %swap3A_426 : vector<1x16xf32> to vector<16xf32>
        %swap3A_428 = vector.shape_cast %add3A_421 : vector<16xf32> to vector<1x16xf32>
        tpu.vector_store %arg9[%swap3A_424, %swap3A_425], %swap3A_428 {strides = array<i32>} : memref<400x128xf32, #tpu.memory_space<vmem>>, vector<1x16xf32>,
        %slice3A_429 = vector.extract_strided_slice %convert_element_type3A_267 {offsets = [2], sizes = [1], strides = [1]} : vector<16xf32> to vector<1xf32>
        %squeeze3A_430 = vector.extract %slice3A_429[0] : f32 from vector<1xf32>
        %mul3A_431 = vector.broadcast %squeeze3A_430 : f32 to vector<16xf32>
        %mul3A_432 = arith.mulf %mul3A_431, %sub3A : vector<16xf32>
        %add3A_433 = arith.addf %get3A_6, %mul3A_432 : vector<16xf32>
        %add3A_434 = arith.constant 2 : i32
        %add3A_435 = arith.addi %mul3A_263, %add3A_434 : i32
        %swap3A_436 = arith.index_cast %add3A_435 : i32 to index
        %swap3A_437 = arith.constant 0 : index
        %swap3A_438 = tpu.vector_load %arg9[%swap3A_436, %swap3A_437] {strides = array<i32>} : memref<400x128xf32, #tpu.memory_space<vmem>>, vector<1x16xf32>,
        %swap3A_439 = vector.shape_cast %swap3A_438 : vector<1x16xf32> to vector<16xf32>
        %swap3A_440 = vector.shape_cast %add3A_433 : vector<16xf32> to vector<1x16xf32>
        tpu.vector_store %arg9[%swap3A_436, %swap3A_437], %swap3A_440 {strides = array<i32>} : memref<400x128xf32, #tpu.memory_space<vmem>>, vector<1x16xf32>,
        %mul3A_441 = vector.broadcast %squeeze3A_430 : f32 to vector<16xf32>
        %mul3A_442 = arith.mulf %mul3A_441, %sub3A_52 : vector<16xf32>
        %add3A_443 = arith.addf %get3A_11, %mul3A_442 : vector<16xf32>
        %add3A_444 = arith.constant 2 : i32
        %add3A_445 = arith.addi %mul3A_263, %add3A_444 : i32
        %swap3A_446 = arith.index_cast %add3A_445 : i32 to index
        %swap3A_447 = arith.constant 16 : index
        %swap3A_448 = tpu.vector_load %arg9[%swap3A_446, %swap3A_447] {strides = array<i32>} : memref<400x128xf32, #tpu.memory_space<vmem>>, vector<1x16xf32>,
        %swap3A_449 = vector.shape_cast %swap3A_448 : vector<1x16xf32> to vector<16xf32>
        %swap3A_450 = vector.shape_cast %add3A_443 : vector<16xf32> to vector<1x16xf32>
        tpu.vector_store %arg9[%swap3A_446, %swap3A_447], %swap3A_450 {strides = array<i32>} : memref<400x128xf32, #tpu.memory_space<vmem>>, vector<1x16xf32>,
        %mul3A_451 = vector.broadcast %squeeze3A_430 : f32 to vector<16xf32>
        %mul3A_452 = arith.mulf %mul3A_451, %sub3A_58 : vector<16xf32>
        %add3A_453 = arith.addf %get3A_16, %mul3A_452 : vector<16xf32>
        %add3A_454 = arith.constant 2 : i32
        %add3A_455 = arith.addi %mul3A_263, %add3A_454 : i32
        %swap3A_456 = arith.index_cast %add3A_455 : i32 to index
        %swap3A_457 = arith.constant 32 : index
        %swap3A_458 = tpu.vector_load %arg9[%swap3A_456, %swap3A_457] {strides = array<i32>} : memref<400x128xf32, #tpu.memory_space<vmem>>, vector<1x16xf32>,
        %swap3A_459 = vector.shape_cast %swap3A_458 : vector<1x16xf32> to vector<16xf32>
        %swap3A_460 = vector.shape_cast %add3A_453 : vector<16xf32> to vector<1x16xf32>
        tpu.vector_store %arg9[%swap3A_456, %swap3A_457], %swap3A_460 {strides = array<i32>} : memref<400x128xf32, #tpu.memory_space<vmem>>, vector<1x16xf32>,
        %mul3A_461 = vector.broadcast %squeeze3A_430 : f32 to vector<16xf32>
        %mul3A_462 = arith.mulf %mul3A_461, %sub3A_64 : vector<16xf32>
        %add3A_463 = arith.addf %get3A_21, %mul3A_462 : vector<16xf32>
        %add3A_464 = arith.constant 2 : i32
        %add3A_465 = arith.addi %mul3A_263, %add3A_464 : i32
        %swap3A_466 = arith.index_cast %add3A_465 : i32 to index
        %swap3A_467 = arith.constant 48 : index
        %swap3A_468 = tpu.vector_load %arg9[%swap3A_466, %swap3A_467] {strides = array<i32>} : memref<400x128xf32, #tpu.memory_space<vmem>>, vector<1x16xf32>,
        %swap3A_469 = vector.shape_cast %swap3A_468 : vector<1x16xf32> to vector<16xf32>
        %swap3A_470 = vector.shape_cast %add3A_463 : vector<16xf32> to vector<1x16xf32>
        tpu.vector_store %arg9[%swap3A_466, %swap3A_467], %swap3A_470 {strides = array<i32>} : memref<400x128xf32, #tpu.memory_space<vmem>>, vector<1x16xf32>,
        %mul3A_471 = vector.broadcast %squeeze3A_430 : f32 to vector<16xf32>
        %mul3A_472 = arith.mulf %mul3A_471, %sub3A_70 : vector<16xf32>
        %add3A_473 = arith.addf %get3A_26, %mul3A_472 : vector<16xf32>
        %add3A_474 = arith.constant 2 : i32
        %add3A_475 = arith.addi %mul3A_263, %add3A_474 : i32
        %swap3A_476 = arith.index_cast %add3A_475 : i32 to index
        %swap3A_477 = arith.constant 64 : index
        %swap3A_478 = tpu.vector_load %arg9[%swap3A_476, %swap3A_477] {strides = array<i32>} : memref<400x128xf32, #tpu.memory_space<vmem>>, vector<1x16xf32>,
        %swap3A_479 = vector.shape_cast %swap3A_478 : vector<1x16xf32> to vector<16xf32>
        %swap3A_480 = vector.shape_cast %add3A_473 : vector<16xf32> to vector<1x16xf32>
        tpu.vector_store %arg9[%swap3A_476, %swap3A_477], %swap3A_480 {strides = array<i32>} : memref<400x128xf32, #tpu.memory_space<vmem>>, vector<1x16xf32>,
        %mul3A_481 = vector.broadcast %squeeze3A_430 : f32 to vector<16xf32>
        %mul3A_482 = arith.mulf %mul3A_481, %sub3A_76 : vector<16xf32>
        %add3A_483 = arith.addf %get3A_31, %mul3A_482 : vector<16xf32>
        %add3A_484 = arith.constant 2 : i32
        %add3A_485 = arith.addi %mul3A_263, %add3A_484 : i32
        %swap3A_486 = arith.index_cast %add3A_485 : i32 to index
        %swap3A_487 = arith.constant 80 : index
        %swap3A_488 = tpu.vector_load %arg9[%swap3A_486, %swap3A_487] {strides = array<i32>} : memref<400x128xf32, #tpu.memory_space<vmem>>, vector<1x16xf32>,
        %swap3A_489 = vector.shape_cast %swap3A_488 : vector<1x16xf32> to vector<16xf32>
        %swap3A_490 = vector.shape_cast %add3A_483 : vector<16xf32> to vector<1x16xf32>
        tpu.vector_store %arg9[%swap3A_486, %swap3A_487], %swap3A_490 {strides = array<i32>} : memref<400x128xf32, #tpu.memory_space<vmem>>, vector<1x16xf32>,
        %mul3A_491 = vector.broadcast %squeeze3A_430 : f32 to vector<16xf32>
        %mul3A_492 = arith.mulf %mul3A_491, %sub3A_82 : vector<16xf32>
        %add3A_493 = arith.addf %get3A_36, %mul3A_492 : vector<16xf32>
        %add3A_494 = arith.constant 2 : i32
        %add3A_495 = arith.addi %mul3A_263, %add3A_494 : i32
        %swap3A_496 = arith.index_cast %add3A_495 : i32 to index
        %swap3A_497 = arith.constant 96 : index
        %swap3A_498 = tpu.vector_load %arg9[%swap3A_496, %swap3A_497] {strides = array<i32>} : memref<400x128xf32, #tpu.memory_space<vmem>>, vector<1x16xf32>,
        %swap3A_499 = vector.shape_cast %swap3A_498 : vector<1x16xf32> to vector<16xf32>
        %swap3A_500 = vector.shape_cast %add3A_493 : vector<16xf32> to vector<1x16xf32>
        tpu.vector_store %arg9[%swap3A_496, %swap3A_497], %swap3A_500 {strides = array<i32>} : memref<400x128xf32, #tpu.memory_space<vmem>>, vector<1x16xf32>,
        %mul3A_501 = vector.broadcast %squeeze3A_430 : f32 to vector<16xf32>
        %mul3A_502 = arith.mulf %mul3A_501, %sub3A_88 : vector<16xf32>
        %add3A_503 = arith.addf %get3A_41, %mul3A_502 : vector<16xf32>
        %add3A_504 = arith.constant 2 : i32
        %add3A_505 = arith.addi %mul3A_263, %add3A_504 : i32
        %swap3A_506 = arith.index_cast %add3A_505 : i32 to index
        %swap3A_507 = arith.constant 112 : index
        %swap3A_508 = tpu.vector_load %arg9[%swap3A_506, %swap3A_507] {strides = array<i32>} : memref<400x128xf32, #tpu.memory_space<vmem>>, vector<1x16xf32>,
        %swap3A_509 = vector.shape_cast %swap3A_508 : vector<1x16xf32> to vector<16xf32>
        %swap3A_510 = vector.shape_cast %add3A_503 : vector<16xf32> to vector<1x16xf32>
        tpu.vector_store %arg9[%swap3A_506, %swap3A_507], %swap3A_510 {strides = array<i32>} : memref<400x128xf32, #tpu.memory_space<vmem>>, vector<1x16xf32>,
        %slice3A_511 = vector.extract_strided_slice %convert_element_type3A_267 {offsets = [3], sizes = [1], strides = [1]} : vector<16xf32> to vector<1xf32>
        %squeeze3A_512 = vector.extract %slice3A_511[0] : f32 from vector<1xf32>
        %mul3A_513 = vector.broadcast %squeeze3A_512 : f32 to vector<16xf32>
        %mul3A_514 = arith.mulf %mul3A_513, %sub3A : vector<16xf32>
        %add3A_515 = arith.addf %get3A_6, %mul3A_514 : vector<16xf32>
        %add3A_516 = arith.constant 3 : i32
        %add3A_517 = arith.addi %mul3A_263, %add3A_516 : i32
        %swap3A_518 = arith.index_cast %add3A_517 : i32 to index
        %swap3A_519 = arith.constant 0 : index
        %swap3A_520 = tpu.vector_load %arg9[%swap3A_518, %swap3A_519] {strides = array<i32>} : memref<400x128xf32, #tpu.memory_space<vmem>>, vector<1x16xf32>,
        %swap3A_521 = vector.shape_cast %swap3A_520 : vector<1x16xf32> to vector<16xf32>
        %swap3A_522 = vector.shape_cast %add3A_515 : vector<16xf32> to vector<1x16xf32>
        tpu.vector_store %arg9[%swap3A_518, %swap3A_519], %swap3A_522 {strides = array<i32>} : memref<400x128xf32, #tpu.memory_space<vmem>>, vector<1x16xf32>,
        %mul3A_523 = vector.broadcast %squeeze3A_512 : f32 to vector<16xf32>
        %mul3A_524 = arith.mulf %mul3A_523, %sub3A_52 : vector<16xf32>
        %add3A_525 = arith.addf %get3A_11, %mul3A_524 : vector<16xf32>
        %add3A_526 = arith.constant 3 : i32
        %add3A_527 = arith.addi %mul3A_263, %add3A_526 : i32
        %swap3A_528 = arith.index_cast %add3A_527 : i32 to index
        %swap3A_529 = arith.constant 16 : index
        %swap3A_530 = tpu.vector_load %arg9[%swap3A_528, %swap3A_529] {strides = array<i32>} : memref<400x128xf32, #tpu.memory_space<vmem>>, vector<1x16xf32>,
        %swap3A_531 = vector.shape_cast %swap3A_530 : vector<1x16xf32> to vector<16xf32>
        %swap3A_532 = vector.shape_cast %add3A_525 : vector<16xf32> to vector<1x16xf32>
        tpu.vector_store %arg9[%swap3A_528, %swap3A_529], %swap3A_532 {strides = array<i32>} : memref<400x128xf32, #tpu.memory_space<vmem>>, vector<1x16xf32>,
        %mul3A_533 = vector.broadcast %squeeze3A_512 : f32 to vector<16xf32>
        %mul3A_534 = arith.mulf %mul3A_533, %sub3A_58 : vector<16xf32>
        %add3A_535 = arith.addf %get3A_16, %mul3A_534 : vector<16xf32>
        %add3A_536 = arith.constant 3 : i32
        %add3A_537 = arith.addi %mul3A_263, %add3A_536 : i32
        %swap3A_538 = arith.index_cast %add3A_537 : i32 to index
        %swap3A_539 = arith.constant 32 : index
        %swap3A_540 = tpu.vector_load %arg9[%swap3A_538, %swap3A_539] {strides = array<i32>} : memref<400x128xf32, #tpu.memory_space<vmem>>, vector<1x16xf32>,
        %swap3A_541 = vector.shape_cast %swap3A_540 : vector<1x16xf32> to vector<16xf32>
        %swap3A_542 = vector.shape_cast %add3A_535 : vector<16xf32> to vector<1x16xf32>
        tpu.vector_store %arg9[%swap3A_538, %swap3A_539], %swap3A_542 {strides = array<i32>} : memref<400x128xf32, #tpu.memory_space<vmem>>, vector<1x16xf32>,
        %mul3A_543 = vector.broadcast %squeeze3A_512 : f32 to vector<16xf32>
        %mul3A_544 = arith.mulf %mul3A_543, %sub3A_64 : vector<16xf32>
        %add3A_545 = arith.addf %get3A_21, %mul3A_544 : vector<16xf32>
        %add3A_546 = arith.constant 3 : i32
        %add3A_547 = arith.addi %mul3A_263, %add3A_546 : i32
        %swap3A_548 = arith.index_cast %add3A_547 : i32 to index
        %swap3A_549 = arith.constant 48 : index
        %swap3A_550 = tpu.vector_load %arg9[%swap3A_548, %swap3A_549] {strides = array<i32>} : memref<400x128xf32, #tpu.memory_space<vmem>>, vector<1x16xf32>,
        %swap3A_551 = vector.shape_cast %swap3A_550 : vector<1x16xf32> to vector<16xf32>
        %swap3A_552 = vector.shape_cast %add3A_545 : vector<16xf32> to vector<1x16xf32>
        tpu.vector_store %arg9[%swap3A_548, %swap3A_549], %swap3A_552 {strides = array<i32>} : memref<400x128xf32, #tpu.memory_space<vmem>>, vector<1x16xf32>,
        %mul3A_553 = vector.broadcast %squeeze3A_512 : f32 to vector<16xf32>
        %mul3A_554 = arith.mulf %mul3A_553, %sub3A_70 : vector<16xf32>
        %add3A_555 = arith.addf %get3A_26, %mul3A_554 : vector<16xf32>
        %add3A_556 = arith.constant 3 : i32
        %add3A_557 = arith.addi %mul3A_263, %add3A_556 : i32
        %swap3A_558 = arith.index_cast %add3A_557 : i32 to index
        %swap3A_559 = arith.constant 64 : index
        %swap3A_560 = tpu.vector_load %arg9[%swap3A_558, %swap3A_559] {strides = array<i32>} : memref<400x128xf32, #tpu.memory_space<vmem>>, vector<1x16xf32>,
        %swap3A_561 = vector.shape_cast %swap3A_560 : vector<1x16xf32> to vector<16xf32>
        %swap3A_562 = vector.shape_cast %add3A_555 : vector<16xf32> to vector<1x16xf32>
        tpu.vector_store %arg9[%swap3A_558, %swap3A_559], %swap3A_562 {strides = array<i32>} : memref<400x128xf32, #tpu.memory_space<vmem>>, vector<1x16xf32>,
        %mul3A_563 = vector.broadcast %squeeze3A_512 : f32 to vector<16xf32>
        %mul3A_564 = arith.mulf %mul3A_563, %sub3A_76 : vector<16xf32>
        %add3A_565 = arith.addf %get3A_31, %mul3A_564 : vector<16xf32>
        %add3A_566 = arith.constant 3 : i32
        %add3A_567 = arith.addi %mul3A_263, %add3A_566 : i32
        %swap3A_568 = arith.index_cast %add3A_567 : i32 to index
        %swap3A_569 = arith.constant 80 : index
        %swap3A_570 = tpu.vector_load %arg9[%swap3A_568, %swap3A_569] {strides = array<i32>} : memref<400x128xf32, #tpu.memory_space<vmem>>, vector<1x16xf32>,
        %swap3A_571 = vector.shape_cast %swap3A_570 : vector<1x16xf32> to vector<16xf32>
        %swap3A_572 = vector.shape_cast %add3A_565 : vector<16xf32> to vector<1x16xf32>
        tpu.vector_store %arg9[%swap3A_568, %swap3A_569], %swap3A_572 {strides = array<i32>} : memref<400x128xf32, #tpu.memory_space<vmem>>, vector<1x16xf32>,
        %mul3A_573 = vector.broadcast %squeeze3A_512 : f32 to vector<16xf32>
        %mul3A_574 = arith.mulf %mul3A_573, %sub3A_82 : vector<16xf32>
        %add3A_575 = arith.addf %get3A_36, %mul3A_574 : vector<16xf32>
        %add3A_576 = arith.constant 3 : i32
        %add3A_577 = arith.addi %mul3A_263, %add3A_576 : i32
        %swap3A_578 = arith.index_cast %add3A_577 : i32 to index
        %swap3A_579 = arith.constant 96 : index
        %swap3A_580 = tpu.vector_load %arg9[%swap3A_578, %swap3A_579] {strides = array<i32>} : memref<400x128xf32, #tpu.memory_space<vmem>>, vector<1x16xf32>,
        %swap3A_581 = vector.shape_cast %swap3A_580 : vector<1x16xf32> to vector<16xf32>
        %swap3A_582 = vector.shape_cast %add3A_575 : vector<16xf32> to vector<1x16xf32>
        tpu.vector_store %arg9[%swap3A_578, %swap3A_579], %swap3A_582 {strides = array<i32>} : memref<400x128xf32, #tpu.memory_space<vmem>>, vector<1x16xf32>,
        %mul3A_583 = vector.broadcast %squeeze3A_512 : f32 to vector<16xf32>
        %mul3A_584 = arith.mulf %mul3A_583, %sub3A_88 : vector<16xf32>
        %add3A_585 = arith.addf %get3A_41, %mul3A_584 : vector<16xf32>
        %add3A_586 = arith.constant 3 : i32
        %add3A_587 = arith.addi %mul3A_263, %add3A_586 : i32
        %swap3A_588 = arith.index_cast %add3A_587 : i32 to index
        %swap3A_589 = arith.constant 112 : index
        %swap3A_590 = tpu.vector_load %arg9[%swap3A_588, %swap3A_589] {strides = array<i32>} : memref<400x128xf32, #tpu.memory_space<vmem>>, vector<1x16xf32>,
        %swap3A_591 = vector.shape_cast %swap3A_590 : vector<1x16xf32> to vector<16xf32>
        %swap3A_592 = vector.shape_cast %add3A_585 : vector<16xf32> to vector<1x16xf32>
        tpu.vector_store %arg9[%swap3A_588, %swap3A_589], %swap3A_592 {strides = array<i32>} : memref<400x128xf32, #tpu.memory_space<vmem>>, vector<1x16xf32>,
        %slice3A_593 = vector.extract_strided_slice %convert_element_type3A_267 {offsets = [4], sizes = [1], strides = [1]} : vector<16xf32> to vector<1xf32>
        %squeeze3A_594 = vector.extract %slice3A_593[0] : f32 from vector<1xf32>
        %mul3A_595 = vector.broadcast %squeeze3A_594 : f32 to vector<16xf32>
        %mul3A_596 = arith.mulf %mul3A_595, %sub3A : vector<16xf32>
        %add3A_597 = arith.addf %get3A_6, %mul3A_596 : vector<16xf32>
        %add3A_598 = arith.constant 4 : i32
        %add3A_599 = arith.addi %mul3A_263, %add3A_598 : i32
        %swap3A_600 = arith.index_cast %add3A_599 : i32 to index
        %swap3A_601 = arith.constant 0 : index
        %swap3A_602 = tpu.vector_load %arg9[%swap3A_600, %swap3A_601] {strides = array<i32>} : memref<400x128xf32, #tpu.memory_space<vmem>>, vector<1x16xf32>,
        %swap3A_603 = vector.shape_cast %swap3A_602 : vector<1x16xf32> to vector<16xf32>
        %swap3A_604 = vector.shape_cast %add3A_597 : vector<16xf32> to vector<1x16xf32>
        tpu.vector_store %arg9[%swap3A_600, %swap3A_601], %swap3A_604 {strides = array<i32>} : memref<400x128xf32, #tpu.memory_space<vmem>>, vector<1x16xf32>,
        %mul3A_605 = vector.broadcast %squeeze3A_594 : f32 to vector<16xf32>
        %mul3A_606 = arith.mulf %mul3A_605, %sub3A_52 : vector<16xf32>
        %add3A_607 = arith.addf %get3A_11, %mul3A_606 : vector<16xf32>
        %add3A_608 = arith.constant 4 : i32
        %add3A_609 = arith.addi %mul3A_263, %add3A_608 : i32
        %swap3A_610 = arith.index_cast %add3A_609 : i32 to index
        %swap3A_611 = arith.constant 16 : index
        %swap3A_612 = tpu.vector_load %arg9[%swap3A_610, %swap3A_611] {strides = array<i32>} : memref<400x128xf32, #tpu.memory_space<vmem>>, vector<1x16xf32>,
        %swap3A_613 = vector.shape_cast %swap3A_612 : vector<1x16xf32> to vector<16xf32>
        %swap3A_614 = vector.shape_cast %add3A_607 : vector<16xf32> to vector<1x16xf32>
        tpu.vector_store %arg9[%swap3A_610, %swap3A_611], %swap3A_614 {strides = array<i32>} : memref<400x128xf32, #tpu.memory_space<vmem>>, vector<1x16xf32>,
        %mul3A_615 = vector.broadcast %squeeze3A_594 : f32 to vector<16xf32>
        %mul3A_616 = arith.mulf %mul3A_615, %sub3A_58 : vector<16xf32>
        %add3A_617 = arith.addf %get3A_16, %mul3A_616 : vector<16xf32>
        %add3A_618 = arith.constant 4 : i32
        %add3A_619 = arith.addi %mul3A_263, %add3A_618 : i32
        %swap3A_620 = arith.index_cast %add3A_619 : i32 to index
        %swap3A_621 = arith.constant 32 : index
        %swap3A_622 = tpu.vector_load %arg9[%swap3A_620, %swap3A_621] {strides = array<i32>} : memref<400x128xf32, #tpu.memory_space<vmem>>, vector<1x16xf32>,
        %swap3A_623 = vector.shape_cast %swap3A_622 : vector<1x16xf32> to vector<16xf32>
        %swap3A_624 = vector.shape_cast %add3A_617 : vector<16xf32> to vector<1x16xf32>
        tpu.vector_store %arg9[%swap3A_620, %swap3A_621], %swap3A_624 {strides = array<i32>} : memref<400x128xf32, #tpu.memory_space<vmem>>, vector<1x16xf32>,
        %mul3A_625 = vector.broadcast %squeeze3A_594 : f32 to vector<16xf32>
        %mul3A_626 = arith.mulf %mul3A_625, %sub3A_64 : vector<16xf32>
        %add3A_627 = arith.addf %get3A_21, %mul3A_626 : vector<16xf32>
        %add3A_628 = arith.constant 4 : i32
        %add3A_629 = arith.addi %mul3A_263, %add3A_628 : i32
        %swap3A_630 = arith.index_cast %add3A_629 : i32 to index
        %swap3A_631 = arith.constant 48 : index
        %swap3A_632 = tpu.vector_load %arg9[%swap3A_630, %swap3A_631] {strides = array<i32>} : memref<400x128xf32, #tpu.memory_space<vmem>>, vector<1x16xf32>,
        %swap3A_633 = vector.shape_cast %swap3A_632 : vector<1x16xf32> to vector<16xf32>
        %swap3A_634 = vector.shape_cast %add3A_627 : vector<16xf32> to vector<1x16xf32>
        tpu.vector_store %arg9[%swap3A_630, %swap3A_631], %swap3A_634 {strides = array<i32>} : memref<400x128xf32, #tpu.memory_space<vmem>>, vector<1x16xf32>,
        %mul3A_635 = vector.broadcast %squeeze3A_594 : f32 to vector<16xf32>
        %mul3A_636 = arith.mulf %mul3A_635, %sub3A_70 : vector<16xf32>
        %add3A_637 = arith.addf %get3A_26, %mul3A_636 : vector<16xf32>
        %add3A_638 = arith.constant 4 : i32
        %add3A_639 = arith.addi %mul3A_263, %add3A_638 : i32
        %swap3A_640 = arith.index_cast %add3A_639 : i32 to index
        %swap3A_641 = arith.constant 64 : index
        %swap3A_642 = tpu.vector_load %arg9[%swap3A_640, %swap3A_641] {strides = array<i32>} : memref<400x128xf32, #tpu.memory_space<vmem>>, vector<1x16xf32>,
        %swap3A_643 = vector.shape_cast %swap3A_642 : vector<1x16xf32> to vector<16xf32>
        %swap3A_644 = vector.shape_cast %add3A_637 : vector<16xf32> to vector<1x16xf32>
        tpu.vector_store %arg9[%swap3A_640, %swap3A_641], %swap3A_644 {strides = array<i32>} : memref<400x128xf32, #tpu.memory_space<vmem>>, vector<1x16xf32>,
        %mul3A_645 = vector.broadcast %squeeze3A_594 : f32 to vector<16xf32>
        %mul3A_646 = arith.mulf %mul3A_645, %sub3A_76 : vector<16xf32>
        %add3A_647 = arith.addf %get3A_31, %mul3A_646 : vector<16xf32>
        %add3A_648 = arith.constant 4 : i32
        %add3A_649 = arith.addi %mul3A_263, %add3A_648 : i32
        %swap3A_650 = arith.index_cast %add3A_649 : i32 to index
        %swap3A_651 = arith.constant 80 : index
        %swap3A_652 = tpu.vector_load %arg9[%swap3A_650, %swap3A_651] {strides = array<i32>} : memref<400x128xf32, #tpu.memory_space<vmem>>, vector<1x16xf32>,
        %swap3A_653 = vector.shape_cast %swap3A_652 : vector<1x16xf32> to vector<16xf32>
        %swap3A_654 = vector.shape_cast %add3A_647 : vector<16xf32> to vector<1x16xf32>
        tpu.vector_store %arg9[%swap3A_650, %swap3A_651], %swap3A_654 {strides = array<i32>} : memref<400x128xf32, #tpu.memory_space<vmem>>, vector<1x16xf32>,
        %mul3A_655 = vector.broadcast %squeeze3A_594 : f32 to vector<16xf32>
        %mul3A_656 = arith.mulf %mul3A_655, %sub3A_82 : vector<16xf32>
        %add3A_657 = arith.addf %get3A_36, %mul3A_656 : vector<16xf32>
        %add3A_658 = arith.constant 4 : i32
        %add3A_659 = arith.addi %mul3A_263, %add3A_658 : i32
        %swap3A_660 = arith.index_cast %add3A_659 : i32 to index
        %swap3A_661 = arith.constant 96 : index
        %swap3A_662 = tpu.vector_load %arg9[%swap3A_660, %swap3A_661] {strides = array<i32>} : memref<400x128xf32, #tpu.memory_space<vmem>>, vector<1x16xf32>,
        %swap3A_663 = vector.shape_cast %swap3A_662 : vector<1x16xf32> to vector<16xf32>
        %swap3A_664 = vector.shape_cast %add3A_657 : vector<16xf32> to vector<1x16xf32>
        tpu.vector_store %arg9[%swap3A_660, %swap3A_661], %swap3A_664 {strides = array<i32>} : memref<400x128xf32, #tpu.memory_space<vmem>>, vector<1x16xf32>,
        %mul3A_665 = vector.broadcast %squeeze3A_594 : f32 to vector<16xf32>
        %mul3A_666 = arith.mulf %mul3A_665, %sub3A_88 : vector<16xf32>
        %add3A_667 = arith.addf %get3A_41, %mul3A_666 : vector<16xf32>
        %add3A_668 = arith.constant 4 : i32
        %add3A_669 = arith.addi %mul3A_263, %add3A_668 : i32
        %swap3A_670 = arith.index_cast %add3A_669 : i32 to index
        %swap3A_671 = arith.constant 112 : index
        %swap3A_672 = tpu.vector_load %arg9[%swap3A_670, %swap3A_671] {strides = array<i32>} : memref<400x128xf32, #tpu.memory_space<vmem>>, vector<1x16xf32>,
        %swap3A_673 = vector.shape_cast %swap3A_672 : vector<1x16xf32> to vector<16xf32>
        %swap3A_674 = vector.shape_cast %add3A_667 : vector<16xf32> to vector<1x16xf32>
        tpu.vector_store %arg9[%swap3A_670, %swap3A_671], %swap3A_674 {strides = array<i32>} : memref<400x128xf32, #tpu.memory_space<vmem>>, vector<1x16xf32>,
        %slice3A_675 = vector.extract_strided_slice %convert_element_type3A_267 {offsets = [5], sizes = [1], strides = [1]} : vector<16xf32> to vector<1xf32>
        %squeeze3A_676 = vector.extract %slice3A_675[0] : f32 from vector<1xf32>
        %mul3A_677 = vector.broadcast %squeeze3A_676 : f32 to vector<16xf32>
        %mul3A_678 = arith.mulf %mul3A_677, %sub3A : vector<16xf32>
        %add3A_679 = arith.addf %get3A_6, %mul3A_678 : vector<16xf32>
        %add3A_680 = arith.constant 5 : i32
        %add3A_681 = arith.addi %mul3A_263, %add3A_680 : i32
        %swap3A_682 = arith.index_cast %add3A_681 : i32 to index
        %swap3A_683 = arith.constant 0 : index
        %swap3A_684 = tpu.vector_load %arg9[%swap3A_682, %swap3A_683] {strides = array<i32>} : memref<400x128xf32, #tpu.memory_space<vmem>>, vector<1x16xf32>,
        %swap3A_685 = vector.shape_cast %swap3A_684 : vector<1x16xf32> to vector<16xf32>
        %swap3A_686 = vector.shape_cast %add3A_679 : vector<16xf32> to vector<1x16xf32>
        tpu.vector_store %arg9[%swap3A_682, %swap3A_683], %swap3A_686 {strides = array<i32>} : memref<400x128xf32, #tpu.memory_space<vmem>>, vector<1x16xf32>,
        %mul3A_687 = vector.broadcast %squeeze3A_676 : f32 to vector<16xf32>
        %mul3A_688 = arith.mulf %mul3A_687, %sub3A_52 : vector<16xf32>
        %add3A_689 = arith.addf %get3A_11, %mul3A_688 : vector<16xf32>
        %add3A_690 = arith.constant 5 : i32
        %add3A_691 = arith.addi %mul3A_263, %add3A_690 : i32
        %swap3A_692 = arith.index_cast %add3A_691 : i32 to index
        %swap3A_693 = arith.constant 16 : index
        %swap3A_694 = tpu.vector_load %arg9[%swap3A_692, %swap3A_693] {strides = array<i32>} : memref<400x128xf32, #tpu.memory_space<vmem>>, vector<1x16xf32>,
        %swap3A_695 = vector.shape_cast %swap3A_694 : vector<1x16xf32> to vector<16xf32>
        %swap3A_696 = vector.shape_cast %add3A_689 : vector<16xf32> to vector<1x16xf32>
        tpu.vector_store %arg9[%swap3A_692, %swap3A_693], %swap3A_696 {strides = array<i32>} : memref<400x128xf32, #tpu.memory_space<vmem>>, vector<1x16xf32>,
        %mul3A_697 = vector.broadcast %squeeze3A_676 : f32 to vector<16xf32>
        %mul3A_698 = arith.mulf %mul3A_697, %sub3A_58 : vector<16xf32>
        %add3A_699 = arith.addf %get3A_16, %mul3A_698 : vector<16xf32>
        %add3A_700 = arith.constant 5 : i32
        %add3A_701 = arith.addi %mul3A_263, %add3A_700 : i32
        %swap3A_702 = arith.index_cast %add3A_701 : i32 to index
        %swap3A_703 = arith.constant 32 : index
        %swap3A_704 = tpu.vector_load %arg9[%swap3A_702, %swap3A_703] {strides = array<i32>} : memref<400x128xf32, #tpu.memory_space<vmem>>, vector<1x16xf32>,
        %swap3A_705 = vector.shape_cast %swap3A_704 : vector<1x16xf32> to vector<16xf32>
        %swap3A_706 = vector.shape_cast %add3A_699 : vector<16xf32> to vector<1x16xf32>
        tpu.vector_store %arg9[%swap3A_702, %swap3A_703], %swap3A_706 {strides = array<i32>} : memref<400x128xf32, #tpu.memory_space<vmem>>, vector<1x16xf32>,
        %mul3A_707 = vector.broadcast %squeeze3A_676 : f32 to vector<16xf32>
        %mul3A_708 = arith.mulf %mul3A_707, %sub3A_64 : vector<16xf32>
        %add3A_709 = arith.addf %get3A_21, %mul3A_708 : vector<16xf32>
        %add3A_710 = arith.constant 5 : i32
        %add3A_711 = arith.addi %mul3A_263, %add3A_710 : i32
        %swap3A_712 = arith.index_cast %add3A_711 : i32 to index
        %swap3A_713 = arith.constant 48 : index
        %swap3A_714 = tpu.vector_load %arg9[%swap3A_712, %swap3A_713] {strides = array<i32>} : memref<400x128xf32, #tpu.memory_space<vmem>>, vector<1x16xf32>,
        %swap3A_715 = vector.shape_cast %swap3A_714 : vector<1x16xf32> to vector<16xf32>
        %swap3A_716 = vector.shape_cast %add3A_709 : vector<16xf32> to vector<1x16xf32>
        tpu.vector_store %arg9[%swap3A_712, %swap3A_713], %swap3A_716 {strides = array<i32>} : memref<400x128xf32, #tpu.memory_space<vmem>>, vector<1x16xf32>,
        %mul3A_717 = vector.broadcast %squeeze3A_676 : f32 to vector<16xf32>
        %mul3A_718 = arith.mulf %mul3A_717, %sub3A_70 : vector<16xf32>
        %add3A_719 = arith.addf %get3A_26, %mul3A_718 : vector<16xf32>
        %add3A_720 = arith.constant 5 : i32
        %add3A_721 = arith.addi %mul3A_263, %add3A_720 : i32
        %swap3A_722 = arith.index_cast %add3A_721 : i32 to index
        %swap3A_723 = arith.constant 64 : index
        %swap3A_724 = tpu.vector_load %arg9[%swap3A_722, %swap3A_723] {strides = array<i32>} : memref<400x128xf32, #tpu.memory_space<vmem>>, vector<1x16xf32>,
        %swap3A_725 = vector.shape_cast %swap3A_724 : vector<1x16xf32> to vector<16xf32>
        %swap3A_726 = vector.shape_cast %add3A_719 : vector<16xf32> to vector<1x16xf32>
        tpu.vector_store %arg9[%swap3A_722, %swap3A_723], %swap3A_726 {strides = array<i32>} : memref<400x128xf32, #tpu.memory_space<vmem>>, vector<1x16xf32>,
        %mul3A_727 = vector.broadcast %squeeze3A_676 : f32 to vector<16xf32>
        %mul3A_728 = arith.mulf %mul3A_727, %sub3A_76 : vector<16xf32>
        %add3A_729 = arith.addf %get3A_31, %mul3A_728 : vector<16xf32>
        %add3A_730 = arith.constant 5 : i32
        %add3A_731 = arith.addi %mul3A_263, %add3A_730 : i32
        %swap3A_732 = arith.index_cast %add3A_731 : i32 to index
        %swap3A_733 = arith.constant 80 : index
        %swap3A_734 = tpu.vector_load %arg9[%swap3A_732, %swap3A_733] {strides = array<i32>} : memref<400x128xf32, #tpu.memory_space<vmem>>, vector<1x16xf32>,
        %swap3A_735 = vector.shape_cast %swap3A_734 : vector<1x16xf32> to vector<16xf32>
        %swap3A_736 = vector.shape_cast %add3A_729 : vector<16xf32> to vector<1x16xf32>
        tpu.vector_store %arg9[%swap3A_732, %swap3A_733], %swap3A_736 {strides = array<i32>} : memref<400x128xf32, #tpu.memory_space<vmem>>, vector<1x16xf32>,
        %mul3A_737 = vector.broadcast %squeeze3A_676 : f32 to vector<16xf32>
        %mul3A_738 = arith.mulf %mul3A_737, %sub3A_82 : vector<16xf32>
        %add3A_739 = arith.addf %get3A_36, %mul3A_738 : vector<16xf32>
        %add3A_740 = arith.constant 5 : i32
        %add3A_741 = arith.addi %mul3A_263, %add3A_740 : i32
        %swap3A_742 = arith.index_cast %add3A_741 : i32 to index
        %swap3A_743 = arith.constant 96 : index
        %swap3A_744 = tpu.vector_load %arg9[%swap3A_742, %swap3A_743] {strides = array<i32>} : memref<400x128xf32, #tpu.memory_space<vmem>>, vector<1x16xf32>,
        %swap3A_745 = vector.shape_cast %swap3A_744 : vector<1x16xf32> to vector<16xf32>
        %swap3A_746 = vector.shape_cast %add3A_739 : vector<16xf32> to vector<1x16xf32>
        tpu.vector_store %arg9[%swap3A_742, %swap3A_743], %swap3A_746 {strides = array<i32>} : memref<400x128xf32, #tpu.memory_space<vmem>>, vector<1x16xf32>,
        %mul3A_747 = vector.broadcast %squeeze3A_676 : f32 to vector<16xf32>
        %mul3A_748 = arith.mulf %mul3A_747, %sub3A_88 : vector<16xf32>
        %add3A_749 = arith.addf %get3A_41, %mul3A_748 : vector<16xf32>
        %add3A_750 = arith.constant 5 : i32
        %add3A_751 = arith.addi %mul3A_263, %add3A_750 : i32
        %swap3A_752 = arith.index_cast %add3A_751 : i32 to index
        %swap3A_753 = arith.constant 112 : index
        %swap3A_754 = tpu.vector_load %arg9[%swap3A_752, %swap3A_753] {strides = array<i32>} : memref<400x128xf32, #tpu.memory_space<vmem>>, vector<1x16xf32>,
        %swap3A_755 = vector.shape_cast %swap3A_754 : vector<1x16xf32> to vector<16xf32>
        %swap3A_756 = vector.shape_cast %add3A_749 : vector<16xf32> to vector<1x16xf32>
        tpu.vector_store %arg9[%swap3A_752, %swap3A_753], %swap3A_756 {strides = array<i32>} : memref<400x128xf32, #tpu.memory_space<vmem>>, vector<1x16xf32>,
        %slice3A_757 = vector.extract_strided_slice %convert_element_type3A_267 {offsets = [6], sizes = [1], strides = [1]} : vector<16xf32> to vector<1xf32>
        %squeeze3A_758 = vector.extract %slice3A_757[0] : f32 from vector<1xf32>
        %mul3A_759 = vector.broadcast %squeeze3A_758 : f32 to vector<16xf32>
        %mul3A_760 = arith.mulf %mul3A_759, %sub3A : vector<16xf32>
        %add3A_761 = arith.addf %get3A_6, %mul3A_760 : vector<16xf32>
        %add3A_762 = arith.constant 6 : i32
        %add3A_763 = arith.addi %mul3A_263, %add3A_762 : i32
        %swap3A_764 = arith.index_cast %add3A_763 : i32 to index
        %swap3A_765 = arith.constant 0 : index
        %swap3A_766 = tpu.vector_load %arg9[%swap3A_764, %swap3A_765] {strides = array<i32>} : memref<400x128xf32, #tpu.memory_space<vmem>>, vector<1x16xf32>,
        %swap3A_767 = vector.shape_cast %swap3A_766 : vector<1x16xf32> to vector<16xf32>
        %swap3A_768 = vector.shape_cast %add3A_761 : vector<16xf32> to vector<1x16xf32>
        tpu.vector_store %arg9[%swap3A_764, %swap3A_765], %swap3A_768 {strides = array<i32>} : memref<400x128xf32, #tpu.memory_space<vmem>>, vector<1x16xf32>,
        %mul3A_769 = vector.broadcast %squeeze3A_758 : f32 to vector<16xf32>
        %mul3A_770 = arith.mulf %mul3A_769, %sub3A_52 : vector<16xf32>
        %add3A_771 = arith.addf %get3A_11, %mul3A_770 : vector<16xf32>
        %add3A_772 = arith.constant 6 : i32
        %add3A_773 = arith.addi %mul3A_263, %add3A_772 : i32
        %swap3A_774 = arith.index_cast %add3A_773 : i32 to index
        %swap3A_775 = arith.constant 16 : index
        %swap3A_776 = tpu.vector_load %arg9[%swap3A_774, %swap3A_775] {strides = array<i32>} : memref<400x128xf32, #tpu.memory_space<vmem>>, vector<1x16xf32>,
        %swap3A_777 = vector.shape_cast %swap3A_776 : vector<1x16xf32> to vector<16xf32>
        %swap3A_778 = vector.shape_cast %add3A_771 : vector<16xf32> to vector<1x16xf32>
        tpu.vector_store %arg9[%swap3A_774, %swap3A_775], %swap3A_778 {strides = array<i32>} : memref<400x128xf32, #tpu.memory_space<vmem>>, vector<1x16xf32>,
        %mul3A_779 = vector.broadcast %squeeze3A_758 : f32 to vector<16xf32>
        %mul3A_780 = arith.mulf %mul3A_779, %sub3A_58 : vector<16xf32>
        %add3A_781 = arith.addf %get3A_16, %mul3A_780 : vector<16xf32>
        %add3A_782 = arith.constant 6 : i32
        %add3A_783 = arith.addi %mul3A_263, %add3A_782 : i32
        %swap3A_784 = arith.index_cast %add3A_783 : i32 to index
        %swap3A_785 = arith.constant 32 : index
        %swap3A_786 = tpu.vector_load %arg9[%swap3A_784, %swap3A_785] {strides = array<i32>} : memref<400x128xf32, #tpu.memory_space<vmem>>, vector<1x16xf32>,
        %swap3A_787 = vector.shape_cast %swap3A_786 : vector<1x16xf32> to vector<16xf32>
        %swap3A_788 = vector.shape_cast %add3A_781 : vector<16xf32> to vector<1x16xf32>
        tpu.vector_store %arg9[%swap3A_784, %swap3A_785], %swap3A_788 {strides = array<i32>} : memref<400x128xf32, #tpu.memory_space<vmem>>, vector<1x16xf32>,
        %mul3A_789 = vector.broadcast %squeeze3A_758 : f32 to vector<16xf32>
        %mul3A_790 = arith.mulf %mul3A_789, %sub3A_64 : vector<16xf32>
        %add3A_791 = arith.addf %get3A_21, %mul3A_790 : vector<16xf32>
        %add3A_792 = arith.constant 6 : i32
        %add3A_793 = arith.addi %mul3A_263, %add3A_792 : i32
        %swap3A_794 = arith.index_cast %add3A_793 : i32 to index
        %swap3A_795 = arith.constant 48 : index
        %swap3A_796 = tpu.vector_load %arg9[%swap3A_794, %swap3A_795] {strides = array<i32>} : memref<400x128xf32, #tpu.memory_space<vmem>>, vector<1x16xf32>,
        %swap3A_797 = vector.shape_cast %swap3A_796 : vector<1x16xf32> to vector<16xf32>
        %swap3A_798 = vector.shape_cast %add3A_791 : vector<16xf32> to vector<1x16xf32>
        tpu.vector_store %arg9[%swap3A_794, %swap3A_795], %swap3A_798 {strides = array<i32>} : memref<400x128xf32, #tpu.memory_space<vmem>>, vector<1x16xf32>,
        %mul3A_799 = vector.broadcast %squeeze3A_758 : f32 to vector<16xf32>
        %mul3A_800 = arith.mulf %mul3A_799, %sub3A_70 : vector<16xf32>
        %add3A_801 = arith.addf %get3A_26, %mul3A_800 : vector<16xf32>
        %add3A_802 = arith.constant 6 : i32
        %add3A_803 = arith.addi %mul3A_263, %add3A_802 : i32
        %swap3A_804 = arith.index_cast %add3A_803 : i32 to index
        %swap3A_805 = arith.constant 64 : index
        %swap3A_806 = tpu.vector_load %arg9[%swap3A_804, %swap3A_805] {strides = array<i32>} : memref<400x128xf32, #tpu.memory_space<vmem>>, vector<1x16xf32>,
        %swap3A_807 = vector.shape_cast %swap3A_806 : vector<1x16xf32> to vector<16xf32>
        %swap3A_808 = vector.shape_cast %add3A_801 : vector<16xf32> to vector<1x16xf32>
        tpu.vector_store %arg9[%swap3A_804, %swap3A_805], %swap3A_808 {strides = array<i32>} : memref<400x128xf32, #tpu.memory_space<vmem>>, vector<1x16xf32>,
        %mul3A_809 = vector.broadcast %squeeze3A_758 : f32 to vector<16xf32>
        %mul3A_810 = arith.mulf %mul3A_809, %sub3A_76 : vector<16xf32>
        %add3A_811 = arith.addf %get3A_31, %mul3A_810 : vector<16xf32>
        %add3A_812 = arith.constant 6 : i32
        %add3A_813 = arith.addi %mul3A_263, %add3A_812 : i32
        %swap3A_814 = arith.index_cast %add3A_813 : i32 to index
        %swap3A_815 = arith.constant 80 : index
        %swap3A_816 = tpu.vector_load %arg9[%swap3A_814, %swap3A_815] {strides = array<i32>} : memref<400x128xf32, #tpu.memory_space<vmem>>, vector<1x16xf32>,
        %swap3A_817 = vector.shape_cast %swap3A_816 : vector<1x16xf32> to vector<16xf32>
        %swap3A_818 = vector.shape_cast %add3A_811 : vector<16xf32> to vector<1x16xf32>
        tpu.vector_store %arg9[%swap3A_814, %swap3A_815], %swap3A_818 {strides = array<i32>} : memref<400x128xf32, #tpu.memory_space<vmem>>, vector<1x16xf32>,
        %mul3A_819 = vector.broadcast %squeeze3A_758 : f32 to vector<16xf32>
        %mul3A_820 = arith.mulf %mul3A_819, %sub3A_82 : vector<16xf32>
        %add3A_821 = arith.addf %get3A_36, %mul3A_820 : vector<16xf32>
        %add3A_822 = arith.constant 6 : i32
        %add3A_823 = arith.addi %mul3A_263, %add3A_822 : i32
        %swap3A_824 = arith.index_cast %add3A_823 : i32 to index
        %swap3A_825 = arith.constant 96 : index
        %swap3A_826 = tpu.vector_load %arg9[%swap3A_824, %swap3A_825] {strides = array<i32>} : memref<400x128xf32, #tpu.memory_space<vmem>>, vector<1x16xf32>,
        %swap3A_827 = vector.shape_cast %swap3A_826 : vector<1x16xf32> to vector<16xf32>
        %swap3A_828 = vector.shape_cast %add3A_821 : vector<16xf32> to vector<1x16xf32>
        tpu.vector_store %arg9[%swap3A_824, %swap3A_825], %swap3A_828 {strides = array<i32>} : memref<400x128xf32, #tpu.memory_space<vmem>>, vector<1x16xf32>,
        %mul3A_829 = vector.broadcast %squeeze3A_758 : f32 to vector<16xf32>
        %mul3A_830 = arith.mulf %mul3A_829, %sub3A_88 : vector<16xf32>
        %add3A_831 = arith.addf %get3A_41, %mul3A_830 : vector<16xf32>
        %add3A_832 = arith.constant 6 : i32
        %add3A_833 = arith.addi %mul3A_263, %add3A_832 : i32
        %swap3A_834 = arith.index_cast %add3A_833 : i32 to index
        %swap3A_835 = arith.constant 112 : index
        %swap3A_836 = tpu.vector_load %arg9[%swap3A_834, %swap3A_835] {strides = array<i32>} : memref<400x128xf32, #tpu.memory_space<vmem>>, vector<1x16xf32>,
        %swap3A_837 = vector.shape_cast %swap3A_836 : vector<1x16xf32> to vector<16xf32>
        %swap3A_838 = vector.shape_cast %add3A_831 : vector<16xf32> to vector<1x16xf32>
        tpu.vector_store %arg9[%swap3A_834, %swap3A_835], %swap3A_838 {strides = array<i32>} : memref<400x128xf32, #tpu.memory_space<vmem>>, vector<1x16xf32>,
        %slice3A_839 = vector.extract_strided_slice %convert_element_type3A_267 {offsets = [7], sizes = [1], strides = [1]} : vector<16xf32> to vector<1xf32>
        %squeeze3A_840 = vector.extract %slice3A_839[0] : f32 from vector<1xf32>
        %mul3A_841 = vector.broadcast %squeeze3A_840 : f32 to vector<16xf32>
        %mul3A_842 = arith.mulf %mul3A_841, %sub3A : vector<16xf32>
        %add3A_843 = arith.addf %get3A_6, %mul3A_842 : vector<16xf32>
        %add3A_844 = arith.constant 7 : i32
        %add3A_845 = arith.addi %mul3A_263, %add3A_844 : i32
        %swap3A_846 = arith.index_cast %add3A_845 : i32 to index
        %swap3A_847 = arith.constant 0 : index
        %swap3A_848 = tpu.vector_load %arg9[%swap3A_846, %swap3A_847] {strides = array<i32>} : memref<400x128xf32, #tpu.memory_space<vmem>>, vector<1x16xf32>,
        %swap3A_849 = vector.shape_cast %swap3A_848 : vector<1x16xf32> to vector<16xf32>
        %swap3A_850 = vector.shape_cast %add3A_843 : vector<16xf32> to vector<1x16xf32>
        tpu.vector_store %arg9[%swap3A_846, %swap3A_847], %swap3A_850 {strides = array<i32>} : memref<400x128xf32, #tpu.memory_space<vmem>>, vector<1x16xf32>,
        %mul3A_851 = vector.broadcast %squeeze3A_840 : f32 to vector<16xf32>
        %mul3A_852 = arith.mulf %mul3A_851, %sub3A_52 : vector<16xf32>
        %add3A_853 = arith.addf %get3A_11, %mul3A_852 : vector<16xf32>
        %add3A_854 = arith.constant 7 : i32
        %add3A_855 = arith.addi %mul3A_263, %add3A_854 : i32
        %swap3A_856 = arith.index_cast %add3A_855 : i32 to index
        %swap3A_857 = arith.constant 16 : index
        %swap3A_858 = tpu.vector_load %arg9[%swap3A_856, %swap3A_857] {strides = array<i32>} : memref<400x128xf32, #tpu.memory_space<vmem>>, vector<1x16xf32>,
        %swap3A_859 = vector.shape_cast %swap3A_858 : vector<1x16xf32> to vector<16xf32>
        %swap3A_860 = vector.shape_cast %add3A_853 : vector<16xf32> to vector<1x16xf32>
        tpu.vector_store %arg9[%swap3A_856, %swap3A_857], %swap3A_860 {strides = array<i32>} : memref<400x128xf32, #tpu.memory_space<vmem>>, vector<1x16xf32>,
        %mul3A_861 = vector.broadcast %squeeze3A_840 : f32 to vector<16xf32>
        %mul3A_862 = arith.mulf %mul3A_861, %sub3A_58 : vector<16xf32>
        %add3A_863 = arith.addf %get3A_16, %mul3A_862 : vector<16xf32>
        %add3A_864 = arith.constant 7 : i32
        %add3A_865 = arith.addi %mul3A_263, %add3A_864 : i32
        %swap3A_866 = arith.index_cast %add3A_865 : i32 to index
        %swap3A_867 = arith.constant 32 : index
        %swap3A_868 = tpu.vector_load %arg9[%swap3A_866, %swap3A_867] {strides = array<i32>} : memref<400x128xf32, #tpu.memory_space<vmem>>, vector<1x16xf32>,
        %swap3A_869 = vector.shape_cast %swap3A_868 : vector<1x16xf32> to vector<16xf32>
        %swap3A_870 = vector.shape_cast %add3A_863 : vector<16xf32> to vector<1x16xf32>
        tpu.vector_store %arg9[%swap3A_866, %swap3A_867], %swap3A_870 {strides = array<i32>} : memref<400x128xf32, #tpu.memory_space<vmem>>, vector<1x16xf32>,
        %mul3A_871 = vector.broadcast %squeeze3A_840 : f32 to vector<16xf32>
        %mul3A_872 = arith.mulf %mul3A_871, %sub3A_64 : vector<16xf32>
        %add3A_873 = arith.addf %get3A_21, %mul3A_872 : vector<16xf32>
        %add3A_874 = arith.constant 7 : i32
        %add3A_875 = arith.addi %mul3A_263, %add3A_874 : i32
        %swap3A_876 = arith.index_cast %add3A_875 : i32 to index
        %swap3A_877 = arith.constant 48 : index
        %swap3A_878 = tpu.vector_load %arg9[%swap3A_876, %swap3A_877] {strides = array<i32>} : memref<400x128xf32, #tpu.memory_space<vmem>>, vector<1x16xf32>,
        %swap3A_879 = vector.shape_cast %swap3A_878 : vector<1x16xf32> to vector<16xf32>
        %swap3A_880 = vector.shape_cast %add3A_873 : vector<16xf32> to vector<1x16xf32>
        tpu.vector_store %arg9[%swap3A_876, %swap3A_877], %swap3A_880 {strides = array<i32>} : memref<400x128xf32, #tpu.memory_space<vmem>>, vector<1x16xf32>,
        %mul3A_881 = vector.broadcast %squeeze3A_840 : f32 to vector<16xf32>
        %mul3A_882 = arith.mulf %mul3A_881, %sub3A_70 : vector<16xf32>
        %add3A_883 = arith.addf %get3A_26, %mul3A_882 : vector<16xf32>
        %add3A_884 = arith.constant 7 : i32
        %add3A_885 = arith.addi %mul3A_263, %add3A_884 : i32
        %swap3A_886 = arith.index_cast %add3A_885 : i32 to index
        %swap3A_887 = arith.constant 64 : index
        %swap3A_888 = tpu.vector_load %arg9[%swap3A_886, %swap3A_887] {strides = array<i32>} : memref<400x128xf32, #tpu.memory_space<vmem>>, vector<1x16xf32>,
        %swap3A_889 = vector.shape_cast %swap3A_888 : vector<1x16xf32> to vector<16xf32>
        %swap3A_890 = vector.shape_cast %add3A_883 : vector<16xf32> to vector<1x16xf32>
        tpu.vector_store %arg9[%swap3A_886, %swap3A_887], %swap3A_890 {strides = array<i32>} : memref<400x128xf32, #tpu.memory_space<vmem>>, vector<1x16xf32>,
        %mul3A_891 = vector.broadcast %squeeze3A_840 : f32 to vector<16xf32>
        %mul3A_892 = arith.mulf %mul3A_891, %sub3A_76 : vector<16xf32>
        %add3A_893 = arith.addf %get3A_31, %mul3A_892 : vector<16xf32>
        %add3A_894 = arith.constant 7 : i32
        %add3A_895 = arith.addi %mul3A_263, %add3A_894 : i32
        %swap3A_896 = arith.index_cast %add3A_895 : i32 to index
        %swap3A_897 = arith.constant 80 : index
        %swap3A_898 = tpu.vector_load %arg9[%swap3A_896, %swap3A_897] {strides = array<i32>} : memref<400x128xf32, #tpu.memory_space<vmem>>, vector<1x16xf32>,
        %swap3A_899 = vector.shape_cast %swap3A_898 : vector<1x16xf32> to vector<16xf32>
        %swap3A_900 = vector.shape_cast %add3A_893 : vector<16xf32> to vector<1x16xf32>
        tpu.vector_store %arg9[%swap3A_896, %swap3A_897], %swap3A_900 {strides = array<i32>} : memref<400x128xf32, #tpu.memory_space<vmem>>, vector<1x16xf32>,
        %mul3A_901 = vector.broadcast %squeeze3A_840 : f32 to vector<16xf32>
        %mul3A_902 = arith.mulf %mul3A_901, %sub3A_82 : vector<16xf32>
        %add3A_903 = arith.addf %get3A_36, %mul3A_902 : vector<16xf32>
        %add3A_904 = arith.constant 7 : i32
        %add3A_905 = arith.addi %mul3A_263, %add3A_904 : i32
        %swap3A_906 = arith.index_cast %add3A_905 : i32 to index
        %swap3A_907 = arith.constant 96 : index
        %swap3A_908 = tpu.vector_load %arg9[%swap3A_906, %swap3A_907] {strides = array<i32>} : memref<400x128xf32, #tpu.memory_space<vmem>>, vector<1x16xf32>,
        %swap3A_909 = vector.shape_cast %swap3A_908 : vector<1x16xf32> to vector<16xf32>
        %swap3A_910 = vector.shape_cast %add3A_903 : vector<16xf32> to vector<1x16xf32>
        tpu.vector_store %arg9[%swap3A_906, %swap3A_907], %swap3A_910 {strides = array<i32>} : memref<400x128xf32, #tpu.memory_space<vmem>>, vector<1x16xf32>,
        %mul3A_911 = vector.broadcast %squeeze3A_840 : f32 to vector<16xf32>
        %mul3A_912 = arith.mulf %mul3A_911, %sub3A_88 : vector<16xf32>
        %add3A_913 = arith.addf %get3A_41, %mul3A_912 : vector<16xf32>
        %add3A_914 = arith.constant 7 : i32
        %add3A_915 = arith.addi %mul3A_263, %add3A_914 : i32
        %swap3A_916 = arith.index_cast %add3A_915 : i32 to index
        %swap3A_917 = arith.constant 112 : index
        %swap3A_918 = tpu.vector_load %arg9[%swap3A_916, %swap3A_917] {strides = array<i32>} : memref<400x128xf32, #tpu.memory_space<vmem>>, vector<1x16xf32>,
        %swap3A_919 = vector.shape_cast %swap3A_918 : vector<1x16xf32> to vector<16xf32>
        %swap3A_920 = vector.shape_cast %add3A_913 : vector<16xf32> to vector<1x16xf32>
        tpu.vector_store %arg9[%swap3A_916, %swap3A_917], %swap3A_920 {strides = array<i32>} : memref<400x128xf32, #tpu.memory_space<vmem>>, vector<1x16xf32>,
        %slice3A_921 = vector.extract_strided_slice %convert_element_type3A_267 {offsets = [8], sizes = [1], strides = [1]} : vector<16xf32> to vector<1xf32>
        %squeeze3A_922 = vector.extract %slice3A_921[0] : f32 from vector<1xf32>
        %mul3A_923 = vector.broadcast %squeeze3A_922 : f32 to vector<16xf32>
        %mul3A_924 = arith.mulf %mul3A_923, %sub3A : vector<16xf32>
        %add3A_925 = arith.addf %get3A_6, %mul3A_924 : vector<16xf32>
        %add3A_926 = arith.constant 8 : i32
        %add3A_927 = arith.addi %mul3A_263, %add3A_926 : i32
        %swap3A_928 = arith.index_cast %add3A_927 : i32 to index
        %swap3A_929 = arith.constant 0 : index
        %swap3A_930 = tpu.vector_load %arg9[%swap3A_928, %swap3A_929] {strides = array<i32>} : memref<400x128xf32, #tpu.memory_space<vmem>>, vector<1x16xf32>,
        %swap3A_931 = vector.shape_cast %swap3A_930 : vector<1x16xf32> to vector<16xf32>
        %swap3A_932 = vector.shape_cast %add3A_925 : vector<16xf32> to vector<1x16xf32>
        tpu.vector_store %arg9[%swap3A_928, %swap3A_929], %swap3A_932 {strides = array<i32>} : memref<400x128xf32, #tpu.memory_space<vmem>>, vector<1x16xf32>,
        %mul3A_933 = vector.broadcast %squeeze3A_922 : f32 to vector<16xf32>
        %mul3A_934 = arith.mulf %mul3A_933, %sub3A_52 : vector<16xf32>
        %add3A_935 = arith.addf %get3A_11, %mul3A_934 : vector<16xf32>
        %add3A_936 = arith.constant 8 : i32
        %add3A_937 = arith.addi %mul3A_263, %add3A_936 : i32
        %swap3A_938 = arith.index_cast %add3A_937 : i32 to index
        %swap3A_939 = arith.constant 16 : index
        %swap3A_940 = tpu.vector_load %arg9[%swap3A_938, %swap3A_939] {strides = array<i32>} : memref<400x128xf32, #tpu.memory_space<vmem>>, vector<1x16xf32>,
        %swap3A_941 = vector.shape_cast %swap3A_940 : vector<1x16xf32> to vector<16xf32>
        %swap3A_942 = vector.shape_cast %add3A_935 : vector<16xf32> to vector<1x16xf32>
        tpu.vector_store %arg9[%swap3A_938, %swap3A_939], %swap3A_942 {strides = array<i32>} : memref<400x128xf32, #tpu.memory_space<vmem>>, vector<1x16xf32>,
        %mul3A_943 = vector.broadcast %squeeze3A_922 : f32 to vector<16xf32>
        %mul3A_944 = arith.mulf %mul3A_943, %sub3A_58 : vector<16xf32>
        %add3A_945 = arith.addf %get3A_16, %mul3A_944 : vector<16xf32>
        %add3A_946 = arith.constant 8 : i32
        %add3A_947 = arith.addi %mul3A_263, %add3A_946 : i32
        %swap3A_948 = arith.index_cast %add3A_947 : i32 to index
        %swap3A_949 = arith.constant 32 : index
        %swap3A_950 = tpu.vector_load %arg9[%swap3A_948, %swap3A_949] {strides = array<i32>} : memref<400x128xf32, #tpu.memory_space<vmem>>, vector<1x16xf32>,
        %swap3A_951 = vector.shape_cast %swap3A_950 : vector<1x16xf32> to vector<16xf32>
        %swap3A_952 = vector.shape_cast %add3A_945 : vector<16xf32> to vector<1x16xf32>
        tpu.vector_store %arg9[%swap3A_948, %swap3A_949], %swap3A_952 {strides = array<i32>} : memref<400x128xf32, #tpu.memory_space<vmem>>, vector<1x16xf32>,
        %mul3A_953 = vector.broadcast %squeeze3A_922 : f32 to vector<16xf32>
        %mul3A_954 = arith.mulf %mul3A_953, %sub3A_64 : vector<16xf32>
        %add3A_955 = arith.addf %get3A_21, %mul3A_954 : vector<16xf32>
        %add3A_956 = arith.constant 8 : i32
        %add3A_957 = arith.addi %mul3A_263, %add3A_956 : i32
        %swap3A_958 = arith.index_cast %add3A_957 : i32 to index
        %swap3A_959 = arith.constant 48 : index
        %swap3A_960 = tpu.vector_load %arg9[%swap3A_958, %swap3A_959] {strides = array<i32>} : memref<400x128xf32, #tpu.memory_space<vmem>>, vector<1x16xf32>,
        %swap3A_961 = vector.shape_cast %swap3A_960 : vector<1x16xf32> to vector<16xf32>
        %swap3A_962 = vector.shape_cast %add3A_955 : vector<16xf32> to vector<1x16xf32>
        tpu.vector_store %arg9[%swap3A_958, %swap3A_959], %swap3A_962 {strides = array<i32>} : memref<400x128xf32, #tpu.memory_space<vmem>>, vector<1x16xf32>,
        %mul3A_963 = vector.broadcast %squeeze3A_922 : f32 to vector<16xf32>
        %mul3A_964 = arith.mulf %mul3A_963, %sub3A_70 : vector<16xf32>
        %add3A_965 = arith.addf %get3A_26, %mul3A_964 : vector<16xf32>
        %add3A_966 = arith.constant 8 : i32
        %add3A_967 = arith.addi %mul3A_263, %add3A_966 : i32
        %swap3A_968 = arith.index_cast %add3A_967 : i32 to index
        %swap3A_969 = arith.constant 64 : index
        %swap3A_970 = tpu.vector_load %arg9[%swap3A_968, %swap3A_969] {strides = array<i32>} : memref<400x128xf32, #tpu.memory_space<vmem>>, vector<1x16xf32>,
        %swap3A_971 = vector.shape_cast %swap3A_970 : vector<1x16xf32> to vector<16xf32>
        %swap3A_972 = vector.shape_cast %add3A_965 : vector<16xf32> to vector<1x16xf32>
        tpu.vector_store %arg9[%swap3A_968, %swap3A_969], %swap3A_972 {strides = array<i32>} : memref<400x128xf32, #tpu.memory_space<vmem>>, vector<1x16xf32>,
        %mul3A_973 = vector.broadcast %squeeze3A_922 : f32 to vector<16xf32>
        %mul3A_974 = arith.mulf %mul3A_973, %sub3A_76 : vector<16xf32>
        %add3A_975 = arith.addf %get3A_31, %mul3A_974 : vector<16xf32>
        %add3A_976 = arith.constant 8 : i32
        %add3A_977 = arith.addi %mul3A_263, %add3A_976 : i32
        %swap3A_978 = arith.index_cast %add3A_977 : i32 to index
        %swap3A_979 = arith.constant 80 : index
        %swap3A_980 = tpu.vector_load %arg9[%swap3A_978, %swap3A_979] {strides = array<i32>} : memref<400x128xf32, #tpu.memory_space<vmem>>, vector<1x16xf32>,
        %swap3A_981 = vector.shape_cast %swap3A_980 : vector<1x16xf32> to vector<16xf32>
        %swap3A_982 = vector.shape_cast %add3A_975 : vector<16xf32> to vector<1x16xf32>
        tpu.vector_store %arg9[%swap3A_978, %swap3A_979], %swap3A_982 {strides = array<i32>} : memref<400x128xf32, #tpu.memory_space<vmem>>, vector<1x16xf32>,
        %mul3A_983 = vector.broadcast %squeeze3A_922 : f32 to vector<16xf32>
        %mul3A_984 = arith.mulf %mul3A_983, %sub3A_82 : vector<16xf32>
        %add3A_985 = arith.addf %get3A_36, %mul3A_984 : vector<16xf32>
        %add3A_986 = arith.constant 8 : i32
        %add3A_987 = arith.addi %mul3A_263, %add3A_986 : i32
        %swap3A_988 = arith.index_cast %add3A_987 : i32 to index
        %swap3A_989 = arith.constant 96 : index
        %swap3A_990 = tpu.vector_load %arg9[%swap3A_988, %swap3A_989] {strides = array<i32>} : memref<400x128xf32, #tpu.memory_space<vmem>>, vector<1x16xf32>,
        %swap3A_991 = vector.shape_cast %swap3A_990 : vector<1x16xf32> to vector<16xf32>
        %swap3A_992 = vector.shape_cast %add3A_985 : vector<16xf32> to vector<1x16xf32>
        tpu.vector_store %arg9[%swap3A_988, %swap3A_989], %swap3A_992 {strides = array<i32>} : memref<400x128xf32, #tpu.memory_space<vmem>>, vector<1x16xf32>,
        %mul3A_993 = vector.broadcast %squeeze3A_922 : f32 to vector<16xf32>
        %mul3A_994 = arith.mulf %mul3A_993, %sub3A_88 : vector<16xf32>
        %add3A_995 = arith.addf %get3A_41, %mul3A_994 : vector<16xf32>
        %add3A_996 = arith.constant 8 : i32
        %add3A_997 = arith.addi %mul3A_263, %add3A_996 : i32
        %swap3A_998 = arith.index_cast %add3A_997 : i32 to index
        %swap3A_999 = arith.constant 112 : index
        %swap3A_1000 = tpu.vector_load %arg9[%swap3A_998, %swap3A_999] {strides = array<i32>} : memref<400x128xf32, #tpu.memory_space<vmem>>, vector<1x16xf32>,
        %swap3A_1001 = vector.shape_cast %swap3A_1000 : vector<1x16xf32> to vector<16xf32>
        %swap3A_1002 = vector.shape_cast %add3A_995 : vector<16xf32> to vector<1x16xf32>
        tpu.vector_store %arg9[%swap3A_998, %swap3A_999], %swap3A_1002 {strides = array<i32>} : memref<400x128xf32, #tpu.memory_space<vmem>>, vector<1x16xf32>,
        %slice3A_1003 = vector.extract_strided_slice %convert_element_type3A_267 {offsets = [9], sizes = [1], strides = [1]} : vector<16xf32> to vector<1xf32>
        %squeeze3A_1004 = vector.extract %slice3A_1003[0] : f32 from vector<1xf32>
        %mul3A_1005 = vector.broadcast %squeeze3A_1004 : f32 to vector<16xf32>
        %mul3A_1006 = arith.mulf %mul3A_1005, %sub3A : vector<16xf32>
        %add3A_1007 = arith.addf %get3A_6, %mul3A_1006 : vector<16xf32>
        %add3A_1008 = arith.constant 9 : i32
        %add3A_1009 = arith.addi %mul3A_263, %add3A_1008 : i32
        %swap3A_1010 = arith.index_cast %add3A_1009 : i32 to index
        %swap3A_1011 = arith.constant 0 : index
        %swap3A_1012 = tpu.vector_load %arg9[%swap3A_1010, %swap3A_1011] {strides = array<i32>} : memref<400x128xf32, #tpu.memory_space<vmem>>, vector<1x16xf32>,
        %swap3A_1013 = vector.shape_cast %swap3A_1012 : vector<1x16xf32> to vector<16xf32>
        %swap3A_1014 = vector.shape_cast %add3A_1007 : vector<16xf32> to vector<1x16xf32>
        tpu.vector_store %arg9[%swap3A_1010, %swap3A_1011], %swap3A_1014 {strides = array<i32>} : memref<400x128xf32, #tpu.memory_space<vmem>>, vector<1x16xf32>,
        %mul3A_1015 = vector.broadcast %squeeze3A_1004 : f32 to vector<16xf32>
        %mul3A_1016 = arith.mulf %mul3A_1015, %sub3A_52 : vector<16xf32>
        %add3A_1017 = arith.addf %get3A_11, %mul3A_1016 : vector<16xf32>
        %add3A_1018 = arith.constant 9 : i32
        %add3A_1019 = arith.addi %mul3A_263, %add3A_1018 : i32
        %swap3A_1020 = arith.index_cast %add3A_1019 : i32 to index
        %swap3A_1021 = arith.constant 16 : index
        %swap3A_1022 = tpu.vector_load %arg9[%swap3A_1020, %swap3A_1021] {strides = array<i32>} : memref<400x128xf32, #tpu.memory_space<vmem>>, vector<1x16xf32>,
        %swap3A_1023 = vector.shape_cast %swap3A_1022 : vector<1x16xf32> to vector<16xf32>
        %swap3A_1024 = vector.shape_cast %add3A_1017 : vector<16xf32> to vector<1x16xf32>
        tpu.vector_store %arg9[%swap3A_1020, %swap3A_1021], %swap3A_1024 {strides = array<i32>} : memref<400x128xf32, #tpu.memory_space<vmem>>, vector<1x16xf32>,
        %mul3A_1025 = vector.broadcast %squeeze3A_1004 : f32 to vector<16xf32>
        %mul3A_1026 = arith.mulf %mul3A_1025, %sub3A_58 : vector<16xf32>
        %add3A_1027 = arith.addf %get3A_16, %mul3A_1026 : vector<16xf32>
        %add3A_1028 = arith.constant 9 : i32
        %add3A_1029 = arith.addi %mul3A_263, %add3A_1028 : i32
        %swap3A_1030 = arith.index_cast %add3A_1029 : i32 to index
        %swap3A_1031 = arith.constant 32 : index
        %swap3A_1032 = tpu.vector_load %arg9[%swap3A_1030, %swap3A_1031] {strides = array<i32>} : memref<400x128xf32, #tpu.memory_space<vmem>>, vector<1x16xf32>,
        %swap3A_1033 = vector.shape_cast %swap3A_1032 : vector<1x16xf32> to vector<16xf32>
        %swap3A_1034 = vector.shape_cast %add3A_1027 : vector<16xf32> to vector<1x16xf32>
        tpu.vector_store %arg9[%swap3A_1030, %swap3A_1031], %swap3A_1034 {strides = array<i32>} : memref<400x128xf32, #tpu.memory_space<vmem>>, vector<1x16xf32>,
        %mul3A_1035 = vector.broadcast %squeeze3A_1004 : f32 to vector<16xf32>
        %mul3A_1036 = arith.mulf %mul3A_1035, %sub3A_64 : vector<16xf32>
        %add3A_1037 = arith.addf %get3A_21, %mul3A_1036 : vector<16xf32>
        %add3A_1038 = arith.constant 9 : i32
        %add3A_1039 = arith.addi %mul3A_263, %add3A_1038 : i32
        %swap3A_1040 = arith.index_cast %add3A_1039 : i32 to index
        %swap3A_1041 = arith.constant 48 : index
        %swap3A_1042 = tpu.vector_load %arg9[%swap3A_1040, %swap3A_1041] {strides = array<i32>} : memref<400x128xf32, #tpu.memory_space<vmem>>, vector<1x16xf32>,
        %swap3A_1043 = vector.shape_cast %swap3A_1042 : vector<1x16xf32> to vector<16xf32>
        %swap3A_1044 = vector.shape_cast %add3A_1037 : vector<16xf32> to vector<1x16xf32>
        tpu.vector_store %arg9[%swap3A_1040, %swap3A_1041], %swap3A_1044 {strides = array<i32>} : memref<400x128xf32, #tpu.memory_space<vmem>>, vector<1x16xf32>,
        %mul3A_1045 = vector.broadcast %squeeze3A_1004 : f32 to vector<16xf32>
        %mul3A_1046 = arith.mulf %mul3A_1045, %sub3A_70 : vector<16xf32>
        %add3A_1047 = arith.addf %get3A_26, %mul3A_1046 : vector<16xf32>
        %add3A_1048 = arith.constant 9 : i32
        %add3A_1049 = arith.addi %mul3A_263, %add3A_1048 : i32
        %swap3A_1050 = arith.index_cast %add3A_1049 : i32 to index
        %swap3A_1051 = arith.constant 64 : index
        %swap3A_1052 = tpu.vector_load %arg9[%swap3A_1050, %swap3A_1051] {strides = array<i32>} : memref<400x128xf32, #tpu.memory_space<vmem>>, vector<1x16xf32>,
        %swap3A_1053 = vector.shape_cast %swap3A_1052 : vector<1x16xf32> to vector<16xf32>
        %swap3A_1054 = vector.shape_cast %add3A_1047 : vector<16xf32> to vector<1x16xf32>
        tpu.vector_store %arg9[%swap3A_1050, %swap3A_1051], %swap3A_1054 {strides = array<i32>} : memref<400x128xf32, #tpu.memory_space<vmem>>, vector<1x16xf32>,
        %mul3A_1055 = vector.broadcast %squeeze3A_1004 : f32 to vector<16xf32>
        %mul3A_1056 = arith.mulf %mul3A_1055, %sub3A_76 : vector<16xf32>
        %add3A_1057 = arith.addf %get3A_31, %mul3A_1056 : vector<16xf32>
        %add3A_1058 = arith.constant 9 : i32
        %add3A_1059 = arith.addi %mul3A_263, %add3A_1058 : i32
        %swap3A_1060 = arith.index_cast %add3A_1059 : i32 to index
        %swap3A_1061 = arith.constant 80 : index
        %swap3A_1062 = tpu.vector_load %arg9[%swap3A_1060, %swap3A_1061] {strides = array<i32>} : memref<400x128xf32, #tpu.memory_space<vmem>>, vector<1x16xf32>,
        %swap3A_1063 = vector.shape_cast %swap3A_1062 : vector<1x16xf32> to vector<16xf32>
        %swap3A_1064 = vector.shape_cast %add3A_1057 : vector<16xf32> to vector<1x16xf32>
        tpu.vector_store %arg9[%swap3A_1060, %swap3A_1061], %swap3A_1064 {strides = array<i32>} : memref<400x128xf32, #tpu.memory_space<vmem>>, vector<1x16xf32>,
        %mul3A_1065 = vector.broadcast %squeeze3A_1004 : f32 to vector<16xf32>
        %mul3A_1066 = arith.mulf %mul3A_1065, %sub3A_82 : vector<16xf32>
        %add3A_1067 = arith.addf %get3A_36, %mul3A_1066 : vector<16xf32>
        %add3A_1068 = arith.constant 9 : i32
        %add3A_1069 = arith.addi %mul3A_263, %add3A_1068 : i32
        %swap3A_1070 = arith.index_cast %add3A_1069 : i32 to index
        %swap3A_1071 = arith.constant 96 : index
        %swap3A_1072 = tpu.vector_load %arg9[%swap3A_1070, %swap3A_1071] {strides = array<i32>} : memref<400x128xf32, #tpu.memory_space<vmem>>, vector<1x16xf32>,
        %swap3A_1073 = vector.shape_cast %swap3A_1072 : vector<1x16xf32> to vector<16xf32>
        %swap3A_1074 = vector.shape_cast %add3A_1067 : vector<16xf32> to vector<1x16xf32>
        tpu.vector_store %arg9[%swap3A_1070, %swap3A_1071], %swap3A_1074 {strides = array<i32>} : memref<400x128xf32, #tpu.memory_space<vmem>>, vector<1x16xf32>,
        %mul3A_1075 = vector.broadcast %squeeze3A_1004 : f32 to vector<16xf32>
        %mul3A_1076 = arith.mulf %mul3A_1075, %sub3A_88 : vector<16xf32>
        %add3A_1077 = arith.addf %get3A_41, %mul3A_1076 : vector<16xf32>
        %add3A_1078 = arith.constant 9 : i32
        %add3A_1079 = arith.addi %mul3A_263, %add3A_1078 : i32
        %swap3A_1080 = arith.index_cast %add3A_1079 : i32 to index
        %swap3A_1081 = arith.constant 112 : index
        %swap3A_1082 = tpu.vector_load %arg9[%swap3A_1080, %swap3A_1081] {strides = array<i32>} : memref<400x128xf32, #tpu.memory_space<vmem>>, vector<1x16xf32>,
        %swap3A_1083 = vector.shape_cast %swap3A_1082 : vector<1x16xf32> to vector<16xf32>
        %swap3A_1084 = vector.shape_cast %add3A_1077 : vector<16xf32> to vector<1x16xf32>
        tpu.vector_store %arg9[%swap3A_1080, %swap3A_1081], %swap3A_1084 {strides = array<i32>} : memref<400x128xf32, #tpu.memory_space<vmem>>, vector<1x16xf32>,
        %slice3A_1085 = vector.extract_strided_slice %convert_element_type3A_267 {offsets = [10], sizes = [1], strides = [1]} : vector<16xf32> to vector<1xf32>
        %squeeze3A_1086 = vector.extract %slice3A_1085[0] : f32 from vector<1xf32>
        %mul3A_1087 = vector.broadcast %squeeze3A_1086 : f32 to vector<16xf32>
        %mul3A_1088 = arith.mulf %mul3A_1087, %sub3A : vector<16xf32>
        %add3A_1089 = arith.addf %get3A_6, %mul3A_1088 : vector<16xf32>
        %add3A_1090 = arith.constant 10 : i32
        %add3A_1091 = arith.addi %mul3A_263, %add3A_1090 : i32
        %swap3A_1092 = arith.index_cast %add3A_1091 : i32 to index
        %swap3A_1093 = arith.constant 0 : index
        %swap3A_1094 = tpu.vector_load %arg9[%swap3A_1092, %swap3A_1093] {strides = array<i32>} : memref<400x128xf32, #tpu.memory_space<vmem>>, vector<1x16xf32>,
        %swap3A_1095 = vector.shape_cast %swap3A_1094 : vector<1x16xf32> to vector<16xf32>
        %swap3A_1096 = vector.shape_cast %add3A_1089 : vector<16xf32> to vector<1x16xf32>
        tpu.vector_store %arg9[%swap3A_1092, %swap3A_1093], %swap3A_1096 {strides = array<i32>} : memref<400x128xf32, #tpu.memory_space<vmem>>, vector<1x16xf32>,
        %mul3A_1097 = vector.broadcast %squeeze3A_1086 : f32 to vector<16xf32>
        %mul3A_1098 = arith.mulf %mul3A_1097, %sub3A_52 : vector<16xf32>
        %add3A_1099 = arith.addf %get3A_11, %mul3A_1098 : vector<16xf32>
        %add3A_1100 = arith.constant 10 : i32
        %add3A_1101 = arith.addi %mul3A_263, %add3A_1100 : i32
        %swap3A_1102 = arith.index_cast %add3A_1101 : i32 to index
        %swap3A_1103 = arith.constant 16 : index
        %swap3A_1104 = tpu.vector_load %arg9[%swap3A_1102, %swap3A_1103] {strides = array<i32>} : memref<400x128xf32, #tpu.memory_space<vmem>>, vector<1x16xf32>,
        %swap3A_1105 = vector.shape_cast %swap3A_1104 : vector<1x16xf32> to vector<16xf32>
        %swap3A_1106 = vector.shape_cast %add3A_1099 : vector<16xf32> to vector<1x16xf32>
        tpu.vector_store %arg9[%swap3A_1102, %swap3A_1103], %swap3A_1106 {strides = array<i32>} : memref<400x128xf32, #tpu.memory_space<vmem>>, vector<1x16xf32>,
        %mul3A_1107 = vector.broadcast %squeeze3A_1086 : f32 to vector<16xf32>
        %mul3A_1108 = arith.mulf %mul3A_1107, %sub3A_58 : vector<16xf32>
        %add3A_1109 = arith.addf %get3A_16, %mul3A_1108 : vector<16xf32>
        %add3A_1110 = arith.constant 10 : i32
        %add3A_1111 = arith.addi %mul3A_263, %add3A_1110 : i32
        %swap3A_1112 = arith.index_cast %add3A_1111 : i32 to index
        %swap3A_1113 = arith.constant 32 : index
        %swap3A_1114 = tpu.vector_load %arg9[%swap3A_1112, %swap3A_1113] {strides = array<i32>} : memref<400x128xf32, #tpu.memory_space<vmem>>, vector<1x16xf32>,
        %swap3A_1115 = vector.shape_cast %swap3A_1114 : vector<1x16xf32> to vector<16xf32>
        %swap3A_1116 = vector.shape_cast %add3A_1109 : vector<16xf32> to vector<1x16xf32>
        tpu.vector_store %arg9[%swap3A_1112, %swap3A_1113], %swap3A_1116 {strides = array<i32>} : memref<400x128xf32, #tpu.memory_space<vmem>>, vector<1x16xf32>,
        %mul3A_1117 = vector.broadcast %squeeze3A_1086 : f32 to vector<16xf32>
        %mul3A_1118 = arith.mulf %mul3A_1117, %sub3A_64 : vector<16xf32>
        %add3A_1119 = arith.addf %get3A_21, %mul3A_1118 : vector<16xf32>
        %add3A_1120 = arith.constant 10 : i32
        %add3A_1121 = arith.addi %mul3A_263, %add3A_1120 : i32
        %swap3A_1122 = arith.index_cast %add3A_1121 : i32 to index
        %swap3A_1123 = arith.constant 48 : index
        %swap3A_1124 = tpu.vector_load %arg9[%swap3A_1122, %swap3A_1123] {strides = array<i32>} : memref<400x128xf32, #tpu.memory_space<vmem>>, vector<1x16xf32>,
        %swap3A_1125 = vector.shape_cast %swap3A_1124 : vector<1x16xf32> to vector<16xf32>
        %swap3A_1126 = vector.shape_cast %add3A_1119 : vector<16xf32> to vector<1x16xf32>
        tpu.vector_store %arg9[%swap3A_1122, %swap3A_1123], %swap3A_1126 {strides = array<i32>} : memref<400x128xf32, #tpu.memory_space<vmem>>, vector<1x16xf32>,
        %mul3A_1127 = vector.broadcast %squeeze3A_1086 : f32 to vector<16xf32>
        %mul3A_1128 = arith.mulf %mul3A_1127, %sub3A_70 : vector<16xf32>
        %add3A_1129 = arith.addf %get3A_26, %mul3A_1128 : vector<16xf32>
        %add3A_1130 = arith.constant 10 : i32
        %add3A_1131 = arith.addi %mul3A_263, %add3A_1130 : i32
        %swap3A_1132 = arith.index_cast %add3A_1131 : i32 to index
        %swap3A_1133 = arith.constant 64 : index
        %swap3A_1134 = tpu.vector_load %arg9[%swap3A_1132, %swap3A_1133] {strides = array<i32>} : memref<400x128xf32, #tpu.memory_space<vmem>>, vector<1x16xf32>,
        %swap3A_1135 = vector.shape_cast %swap3A_1134 : vector<1x16xf32> to vector<16xf32>
        %swap3A_1136 = vector.shape_cast %add3A_1129 : vector<16xf32> to vector<1x16xf32>
        tpu.vector_store %arg9[%swap3A_1132, %swap3A_1133], %swap3A_1136 {strides = array<i32>} : memref<400x128xf32, #tpu.memory_space<vmem>>, vector<1x16xf32>,
        %mul3A_1137 = vector.broadcast %squeeze3A_1086 : f32 to vector<16xf32>
        %mul3A_1138 = arith.mulf %mul3A_1137, %sub3A_76 : vector<16xf32>
        %add3A_1139 = arith.addf %get3A_31, %mul3A_1138 : vector<16xf32>
        %add3A_1140 = arith.constant 10 : i32
        %add3A_1141 = arith.addi %mul3A_263, %add3A_1140 : i32
        %swap3A_1142 = arith.index_cast %add3A_1141 : i32 to index
        %swap3A_1143 = arith.constant 80 : index
        %swap3A_1144 = tpu.vector_load %arg9[%swap3A_1142, %swap3A_1143] {strides = array<i32>} : memref<400x128xf32, #tpu.memory_space<vmem>>, vector<1x16xf32>,
        %swap3A_1145 = vector.shape_cast %swap3A_1144 : vector<1x16xf32> to vector<16xf32>
        %swap3A_1146 = vector.shape_cast %add3A_1139 : vector<16xf32> to vector<1x16xf32>
        tpu.vector_store %arg9[%swap3A_1142, %swap3A_1143], %swap3A_1146 {strides = array<i32>} : memref<400x128xf32, #tpu.memory_space<vmem>>, vector<1x16xf32>,
        %mul3A_1147 = vector.broadcast %squeeze3A_1086 : f32 to vector<16xf32>
        %mul3A_1148 = arith.mulf %mul3A_1147, %sub3A_82 : vector<16xf32>
        %add3A_1149 = arith.addf %get3A_36, %mul3A_1148 : vector<16xf32>
        %add3A_1150 = arith.constant 10 : i32
        %add3A_1151 = arith.addi %mul3A_263, %add3A_1150 : i32
        %swap3A_1152 = arith.index_cast %add3A_1151 : i32 to index
        %swap3A_1153 = arith.constant 96 : index
        %swap3A_1154 = tpu.vector_load %arg9[%swap3A_1152, %swap3A_1153] {strides = array<i32>} : memref<400x128xf32, #tpu.memory_space<vmem>>, vector<1x16xf32>,
        %swap3A_1155 = vector.shape_cast %swap3A_1154 : vector<1x16xf32> to vector<16xf32>
        %swap3A_1156 = vector.shape_cast %add3A_1149 : vector<16xf32> to vector<1x16xf32>
        tpu.vector_store %arg9[%swap3A_1152, %swap3A_1153], %swap3A_1156 {strides = array<i32>} : memref<400x128xf32, #tpu.memory_space<vmem>>, vector<1x16xf32>,
        %mul3A_1157 = vector.broadcast %squeeze3A_1086 : f32 to vector<16xf32>
        %mul3A_1158 = arith.mulf %mul3A_1157, %sub3A_88 : vector<16xf32>
        %add3A_1159 = arith.addf %get3A_41, %mul3A_1158 : vector<16xf32>
        %add3A_1160 = arith.constant 10 : i32
        %add3A_1161 = arith.addi %mul3A_263, %add3A_1160 : i32
        %swap3A_1162 = arith.index_cast %add3A_1161 : i32 to index
        %swap3A_1163 = arith.constant 112 : index
        %swap3A_1164 = tpu.vector_load %arg9[%swap3A_1162, %swap3A_1163] {strides = array<i32>} : memref<400x128xf32, #tpu.memory_space<vmem>>, vector<1x16xf32>,
        %swap3A_1165 = vector.shape_cast %swap3A_1164 : vector<1x16xf32> to vector<16xf32>
        %swap3A_1166 = vector.shape_cast %add3A_1159 : vector<16xf32> to vector<1x16xf32>
        tpu.vector_store %arg9[%swap3A_1162, %swap3A_1163], %swap3A_1166 {strides = array<i32>} : memref<400x128xf32, #tpu.memory_space<vmem>>, vector<1x16xf32>,
        %slice3A_1167 = vector.extract_strided_slice %convert_element_type3A_267 {offsets = [11], sizes = [1], strides = [1]} : vector<16xf32> to vector<1xf32>
        %squeeze3A_1168 = vector.extract %slice3A_1167[0] : f32 from vector<1xf32>
        %mul3A_1169 = vector.broadcast %squeeze3A_1168 : f32 to vector<16xf32>
        %mul3A_1170 = arith.mulf %mul3A_1169, %sub3A : vector<16xf32>
        %add3A_1171 = arith.addf %get3A_6, %mul3A_1170 : vector<16xf32>
        %add3A_1172 = arith.constant 11 : i32
        %add3A_1173 = arith.addi %mul3A_263, %add3A_1172 : i32
        %swap3A_1174 = arith.index_cast %add3A_1173 : i32 to index
        %swap3A_1175 = arith.constant 0 : index
        %swap3A_1176 = tpu.vector_load %arg9[%swap3A_1174, %swap3A_1175] {strides = array<i32>} : memref<400x128xf32, #tpu.memory_space<vmem>>, vector<1x16xf32>,
        %swap3A_1177 = vector.shape_cast %swap3A_1176 : vector<1x16xf32> to vector<16xf32>
        %swap3A_1178 = vector.shape_cast %add3A_1171 : vector<16xf32> to vector<1x16xf32>
        tpu.vector_store %arg9[%swap3A_1174, %swap3A_1175], %swap3A_1178 {strides = array<i32>} : memref<400x128xf32, #tpu.memory_space<vmem>>, vector<1x16xf32>,
        %mul3A_1179 = vector.broadcast %squeeze3A_1168 : f32 to vector<16xf32>
        %mul3A_1180 = arith.mulf %mul3A_1179, %sub3A_52 : vector<16xf32>
        %add3A_1181 = arith.addf %get3A_11, %mul3A_1180 : vector<16xf32>
        %add3A_1182 = arith.constant 11 : i32
        %add3A_1183 = arith.addi %mul3A_263, %add3A_1182 : i32
        %swap3A_1184 = arith.index_cast %add3A_1183 : i32 to index
        %swap3A_1185 = arith.constant 16 : index
        %swap3A_1186 = tpu.vector_load %arg9[%swap3A_1184, %swap3A_1185] {strides = array<i32>} : memref<400x128xf32, #tpu.memory_space<vmem>>, vector<1x16xf32>,
        %swap3A_1187 = vector.shape_cast %swap3A_1186 : vector<1x16xf32> to vector<16xf32>
        %swap3A_1188 = vector.shape_cast %add3A_1181 : vector<16xf32> to vector<1x16xf32>
        tpu.vector_store %arg9[%swap3A_1184, %swap3A_1185], %swap3A_1188 {strides = array<i32>} : memref<400x128xf32, #tpu.memory_space<vmem>>, vector<1x16xf32>,
        %mul3A_1189 = vector.broadcast %squeeze3A_1168 : f32 to vector<16xf32>
        %mul3A_1190 = arith.mulf %mul3A_1189, %sub3A_58 : vector<16xf32>
        %add3A_1191 = arith.addf %get3A_16, %mul3A_1190 : vector<16xf32>
        %add3A_1192 = arith.constant 11 : i32
        %add3A_1193 = arith.addi %mul3A_263, %add3A_1192 : i32
        %swap3A_1194 = arith.index_cast %add3A_1193 : i32 to index
        %swap3A_1195 = arith.constant 32 : index
        %swap3A_1196 = tpu.vector_load %arg9[%swap3A_1194, %swap3A_1195] {strides = array<i32>} : memref<400x128xf32, #tpu.memory_space<vmem>>, vector<1x16xf32>,
        %swap3A_1197 = vector.shape_cast %swap3A_1196 : vector<1x16xf32> to vector<16xf32>
        %swap3A_1198 = vector.shape_cast %add3A_1191 : vector<16xf32> to vector<1x16xf32>
        tpu.vector_store %arg9[%swap3A_1194, %swap3A_1195], %swap3A_1198 {strides = array<i32>} : memref<400x128xf32, #tpu.memory_space<vmem>>, vector<1x16xf32>,
        %mul3A_1199 = vector.broadcast %squeeze3A_1168 : f32 to vector<16xf32>
        %mul3A_1200 = arith.mulf %mul3A_1199, %sub3A_64 : vector<16xf32>
        %add3A_1201 = arith.addf %get3A_21, %mul3A_1200 : vector<16xf32>
        %add3A_1202 = arith.constant 11 : i32
        %add3A_1203 = arith.addi %mul3A_263, %add3A_1202 : i32
        %swap3A_1204 = arith.index_cast %add3A_1203 : i32 to index
        %swap3A_1205 = arith.constant 48 : index
        %swap3A_1206 = tpu.vector_load %arg9[%swap3A_1204, %swap3A_1205] {strides = array<i32>} : memref<400x128xf32, #tpu.memory_space<vmem>>, vector<1x16xf32>,
        %swap3A_1207 = vector.shape_cast %swap3A_1206 : vector<1x16xf32> to vector<16xf32>
        %swap3A_1208 = vector.shape_cast %add3A_1201 : vector<16xf32> to vector<1x16xf32>
        tpu.vector_store %arg9[%swap3A_1204, %swap3A_1205], %swap3A_1208 {strides = array<i32>} : memref<400x128xf32, #tpu.memory_space<vmem>>, vector<1x16xf32>,
        %mul3A_1209 = vector.broadcast %squeeze3A_1168 : f32 to vector<16xf32>
        %mul3A_1210 = arith.mulf %mul3A_1209, %sub3A_70 : vector<16xf32>
        %add3A_1211 = arith.addf %get3A_26, %mul3A_1210 : vector<16xf32>
        %add3A_1212 = arith.constant 11 : i32
        %add3A_1213 = arith.addi %mul3A_263, %add3A_1212 : i32
        %swap3A_1214 = arith.index_cast %add3A_1213 : i32 to index
        %swap3A_1215 = arith.constant 64 : index
        %swap3A_1216 = tpu.vector_load %arg9[%swap3A_1214, %swap3A_1215] {strides = array<i32>} : memref<400x128xf32, #tpu.memory_space<vmem>>, vector<1x16xf32>,
        %swap3A_1217 = vector.shape_cast %swap3A_1216 : vector<1x16xf32> to vector<16xf32>
        %swap3A_1218 = vector.shape_cast %add3A_1211 : vector<16xf32> to vector<1x16xf32>
        tpu.vector_store %arg9[%swap3A_1214, %swap3A_1215], %swap3A_1218 {strides = array<i32>} : memref<400x128xf32, #tpu.memory_space<vmem>>, vector<1x16xf32>,
        %mul3A_1219 = vector.broadcast %squeeze3A_1168 : f32 to vector<16xf32>
        %mul3A_1220 = arith.mulf %mul3A_1219, %sub3A_76 : vector<16xf32>
        %add3A_1221 = arith.addf %get3A_31, %mul3A_1220 : vector<16xf32>
        %add3A_1222 = arith.constant 11 : i32
        %add3A_1223 = arith.addi %mul3A_263, %add3A_1222 : i32
        %swap3A_1224 = arith.index_cast %add3A_1223 : i32 to index
        %swap3A_1225 = arith.constant 80 : index
        %swap3A_1226 = tpu.vector_load %arg9[%swap3A_1224, %swap3A_1225] {strides = array<i32>} : memref<400x128xf32, #tpu.memory_space<vmem>>, vector<1x16xf32>,
        %swap3A_1227 = vector.shape_cast %swap3A_1226 : vector<1x16xf32> to vector<16xf32>
        %swap3A_1228 = vector.shape_cast %add3A_1221 : vector<16xf32> to vector<1x16xf32>
        tpu.vector_store %arg9[%swap3A_1224, %swap3A_1225], %swap3A_1228 {strides = array<i32>} : memref<400x128xf32, #tpu.memory_space<vmem>>, vector<1x16xf32>,
        %mul3A_1229 = vector.broadcast %squeeze3A_1168 : f32 to vector<16xf32>
        %mul3A_1230 = arith.mulf %mul3A_1229, %sub3A_82 : vector<16xf32>
        %add3A_1231 = arith.addf %get3A_36, %mul3A_1230 : vector<16xf32>
        %add3A_1232 = arith.constant 11 : i32
        %add3A_1233 = arith.addi %mul3A_263, %add3A_1232 : i32
        %swap3A_1234 = arith.index_cast %add3A_1233 : i32 to index
        %swap3A_1235 = arith.constant 96 : index
        %swap3A_1236 = tpu.vector_load %arg9[%swap3A_1234, %swap3A_1235] {strides = array<i32>} : memref<400x128xf32, #tpu.memory_space<vmem>>, vector<1x16xf32>,
        %swap3A_1237 = vector.shape_cast %swap3A_1236 : vector<1x16xf32> to vector<16xf32>
        %swap3A_1238 = vector.shape_cast %add3A_1231 : vector<16xf32> to vector<1x16xf32>
        tpu.vector_store %arg9[%swap3A_1234, %swap3A_1235], %swap3A_1238 {strides = array<i32>} : memref<400x128xf32, #tpu.memory_space<vmem>>, vector<1x16xf32>,
        %mul3A_1239 = vector.broadcast %squeeze3A_1168 : f32 to vector<16xf32>
        %mul3A_1240 = arith.mulf %mul3A_1239, %sub3A_88 : vector<16xf32>
        %add3A_1241 = arith.addf %get3A_41, %mul3A_1240 : vector<16xf32>
        %add3A_1242 = arith.constant 11 : i32
        %add3A_1243 = arith.addi %mul3A_263, %add3A_1242 : i32
        %swap3A_1244 = arith.index_cast %add3A_1243 : i32 to index
        %swap3A_1245 = arith.constant 112 : index
        %swap3A_1246 = tpu.vector_load %arg9[%swap3A_1244, %swap3A_1245] {strides = array<i32>} : memref<400x128xf32, #tpu.memory_space<vmem>>, vector<1x16xf32>,
        %swap3A_1247 = vector.shape_cast %swap3A_1246 : vector<1x16xf32> to vector<16xf32>
        %swap3A_1248 = vector.shape_cast %add3A_1241 : vector<16xf32> to vector<1x16xf32>
        tpu.vector_store %arg9[%swap3A_1244, %swap3A_1245], %swap3A_1248 {strides = array<i32>} : memref<400x128xf32, #tpu.memory_space<vmem>>, vector<1x16xf32>,
        %slice3A_1249 = vector.extract_strided_slice %convert_element_type3A_267 {offsets = [12], sizes = [1], strides = [1]} : vector<16xf32> to vector<1xf32>
        %squeeze3A_1250 = vector.extract %slice3A_1249[0] : f32 from vector<1xf32>
        %mul3A_1251 = vector.broadcast %squeeze3A_1250 : f32 to vector<16xf32>
        %mul3A_1252 = arith.mulf %mul3A_1251, %sub3A : vector<16xf32>
        %add3A_1253 = arith.addf %get3A_6, %mul3A_1252 : vector<16xf32>
        %add3A_1254 = arith.constant 12 : i32
        %add3A_1255 = arith.addi %mul3A_263, %add3A_1254 : i32
        %swap3A_1256 = arith.index_cast %add3A_1255 : i32 to index
        %swap3A_1257 = arith.constant 0 : index
        %swap3A_1258 = tpu.vector_load %arg9[%swap3A_1256, %swap3A_1257] {strides = array<i32>} : memref<400x128xf32, #tpu.memory_space<vmem>>, vector<1x16xf32>,
        %swap3A_1259 = vector.shape_cast %swap3A_1258 : vector<1x16xf32> to vector<16xf32>
        %swap3A_1260 = vector.shape_cast %add3A_1253 : vector<16xf32> to vector<1x16xf32>
        tpu.vector_store %arg9[%swap3A_1256, %swap3A_1257], %swap3A_1260 {strides = array<i32>} : memref<400x128xf32, #tpu.memory_space<vmem>>, vector<1x16xf32>,
        %mul3A_1261 = vector.broadcast %squeeze3A_1250 : f32 to vector<16xf32>
        %mul3A_1262 = arith.mulf %mul3A_1261, %sub3A_52 : vector<16xf32>
        %add3A_1263 = arith.addf %get3A_11, %mul3A_1262 : vector<16xf32>
        %add3A_1264 = arith.constant 12 : i32
        %add3A_1265 = arith.addi %mul3A_263, %add3A_1264 : i32
        %swap3A_1266 = arith.index_cast %add3A_1265 : i32 to index
        %swap3A_1267 = arith.constant 16 : index
        %swap3A_1268 = tpu.vector_load %arg9[%swap3A_1266, %swap3A_1267] {strides = array<i32>} : memref<400x128xf32, #tpu.memory_space<vmem>>, vector<1x16xf32>,
        %swap3A_1269 = vector.shape_cast %swap3A_1268 : vector<1x16xf32> to vector<16xf32>
        %swap3A_1270 = vector.shape_cast %add3A_1263 : vector<16xf32> to vector<1x16xf32>
        tpu.vector_store %arg9[%swap3A_1266, %swap3A_1267], %swap3A_1270 {strides = array<i32>} : memref<400x128xf32, #tpu.memory_space<vmem>>, vector<1x16xf32>,
        %mul3A_1271 = vector.broadcast %squeeze3A_1250 : f32 to vector<16xf32>
        %mul3A_1272 = arith.mulf %mul3A_1271, %sub3A_58 : vector<16xf32>
        %add3A_1273 = arith.addf %get3A_16, %mul3A_1272 : vector<16xf32>
        %add3A_1274 = arith.constant 12 : i32
        %add3A_1275 = arith.addi %mul3A_263, %add3A_1274 : i32
        %swap3A_1276 = arith.index_cast %add3A_1275 : i32 to index
        %swap3A_1277 = arith.constant 32 : index
        %swap3A_1278 = tpu.vector_load %arg9[%swap3A_1276, %swap3A_1277] {strides = array<i32>} : memref<400x128xf32, #tpu.memory_space<vmem>>, vector<1x16xf32>,
        %swap3A_1279 = vector.shape_cast %swap3A_1278 : vector<1x16xf32> to vector<16xf32>
        %swap3A_1280 = vector.shape_cast %add3A_1273 : vector<16xf32> to vector<1x16xf32>
        tpu.vector_store %arg9[%swap3A_1276, %swap3A_1277], %swap3A_1280 {strides = array<i32>} : memref<400x128xf32, #tpu.memory_space<vmem>>, vector<1x16xf32>,
        %mul3A_1281 = vector.broadcast %squeeze3A_1250 : f32 to vector<16xf32>
        %mul3A_1282 = arith.mulf %mul3A_1281, %sub3A_64 : vector<16xf32>
        %add3A_1283 = arith.addf %get3A_21, %mul3A_1282 : vector<16xf32>
        %add3A_1284 = arith.constant 12 : i32
        %add3A_1285 = arith.addi %mul3A_263, %add3A_1284 : i32
        %swap3A_1286 = arith.index_cast %add3A_1285 : i32 to index
        %swap3A_1287 = arith.constant 48 : index
        %swap3A_1288 = tpu.vector_load %arg9[%swap3A_1286, %swap3A_1287] {strides = array<i32>} : memref<400x128xf32, #tpu.memory_space<vmem>>, vector<1x16xf32>,
        %swap3A_1289 = vector.shape_cast %swap3A_1288 : vector<1x16xf32> to vector<16xf32>
        %swap3A_1290 = vector.shape_cast %add3A_1283 : vector<16xf32> to vector<1x16xf32>
        tpu.vector_store %arg9[%swap3A_1286, %swap3A_1287], %swap3A_1290 {strides = array<i32>} : memref<400x128xf32, #tpu.memory_space<vmem>>, vector<1x16xf32>,
        %mul3A_1291 = vector.broadcast %squeeze3A_1250 : f32 to vector<16xf32>
        %mul3A_1292 = arith.mulf %mul3A_1291, %sub3A_70 : vector<16xf32>
        %add3A_1293 = arith.addf %get3A_26, %mul3A_1292 : vector<16xf32>
        %add3A_1294 = arith.constant 12 : i32
        %add3A_1295 = arith.addi %mul3A_263, %add3A_1294 : i32
        %swap3A_1296 = arith.index_cast %add3A_1295 : i32 to index
        %swap3A_1297 = arith.constant 64 : index
        %swap3A_1298 = tpu.vector_load %arg9[%swap3A_1296, %swap3A_1297] {strides = array<i32>} : memref<400x128xf32, #tpu.memory_space<vmem>>, vector<1x16xf32>,
        %swap3A_1299 = vector.shape_cast %swap3A_1298 : vector<1x16xf32> to vector<16xf32>
        %swap3A_1300 = vector.shape_cast %add3A_1293 : vector<16xf32> to vector<1x16xf32>
        tpu.vector_store %arg9[%swap3A_1296, %swap3A_1297], %swap3A_1300 {strides = array<i32>} : memref<400x128xf32, #tpu.memory_space<vmem>>, vector<1x16xf32>,
        %mul3A_1301 = vector.broadcast %squeeze3A_1250 : f32 to vector<16xf32>
        %mul3A_1302 = arith.mulf %mul3A_1301, %sub3A_76 : vector<16xf32>
        %add3A_1303 = arith.addf %get3A_31, %mul3A_1302 : vector<16xf32>
        %add3A_1304 = arith.constant 12 : i32
        %add3A_1305 = arith.addi %mul3A_263, %add3A_1304 : i32
        %swap3A_1306 = arith.index_cast %add3A_1305 : i32 to index
        %swap3A_1307 = arith.constant 80 : index
        %swap3A_1308 = tpu.vector_load %arg9[%swap3A_1306, %swap3A_1307] {strides = array<i32>} : memref<400x128xf32, #tpu.memory_space<vmem>>, vector<1x16xf32>,
        %swap3A_1309 = vector.shape_cast %swap3A_1308 : vector<1x16xf32> to vector<16xf32>
        %swap3A_1310 = vector.shape_cast %add3A_1303 : vector<16xf32> to vector<1x16xf32>
        tpu.vector_store %arg9[%swap3A_1306, %swap3A_1307], %swap3A_1310 {strides = array<i32>} : memref<400x128xf32, #tpu.memory_space<vmem>>, vector<1x16xf32>,
        %mul3A_1311 = vector.broadcast %squeeze3A_1250 : f32 to vector<16xf32>
        %mul3A_1312 = arith.mulf %mul3A_1311, %sub3A_82 : vector<16xf32>
        %add3A_1313 = arith.addf %get3A_36, %mul3A_1312 : vector<16xf32>
        %add3A_1314 = arith.constant 12 : i32
        %add3A_1315 = arith.addi %mul3A_263, %add3A_1314 : i32
        %swap3A_1316 = arith.index_cast %add3A_1315 : i32 to index
        %swap3A_1317 = arith.constant 96 : index
        %swap3A_1318 = tpu.vector_load %arg9[%swap3A_1316, %swap3A_1317] {strides = array<i32>} : memref<400x128xf32, #tpu.memory_space<vmem>>, vector<1x16xf32>,
        %swap3A_1319 = vector.shape_cast %swap3A_1318 : vector<1x16xf32> to vector<16xf32>
        %swap3A_1320 = vector.shape_cast %add3A_1313 : vector<16xf32> to vector<1x16xf32>
        tpu.vector_store %arg9[%swap3A_1316, %swap3A_1317], %swap3A_1320 {strides = array<i32>} : memref<400x128xf32, #tpu.memory_space<vmem>>, vector<1x16xf32>,
        %mul3A_1321 = vector.broadcast %squeeze3A_1250 : f32 to vector<16xf32>
        %mul3A_1322 = arith.mulf %mul3A_1321, %sub3A_88 : vector<16xf32>
        %add3A_1323 = arith.addf %get3A_41, %mul3A_1322 : vector<16xf32>
        %add3A_1324 = arith.constant 12 : i32
        %add3A_1325 = arith.addi %mul3A_263, %add3A_1324 : i32
        %swap3A_1326 = arith.index_cast %add3A_1325 : i32 to index
        %swap3A_1327 = arith.constant 112 : index
        %swap3A_1328 = tpu.vector_load %arg9[%swap3A_1326, %swap3A_1327] {strides = array<i32>} : memref<400x128xf32, #tpu.memory_space<vmem>>, vector<1x16xf32>,
        %swap3A_1329 = vector.shape_cast %swap3A_1328 : vector<1x16xf32> to vector<16xf32>
        %swap3A_1330 = vector.shape_cast %add3A_1323 : vector<16xf32> to vector<1x16xf32>
        tpu.vector_store %arg9[%swap3A_1326, %swap3A_1327], %swap3A_1330 {strides = array<i32>} : memref<400x128xf32, #tpu.memory_space<vmem>>, vector<1x16xf32>,
        %slice3A_1331 = vector.extract_strided_slice %convert_element_type3A_267 {offsets = [13], sizes = [1], strides = [1]} : vector<16xf32> to vector<1xf32>
        %squeeze3A_1332 = vector.extract %slice3A_1331[0] : f32 from vector<1xf32>
        %mul3A_1333 = vector.broadcast %squeeze3A_1332 : f32 to vector<16xf32>
        %mul3A_1334 = arith.mulf %mul3A_1333, %sub3A : vector<16xf32>
        %add3A_1335 = arith.addf %get3A_6, %mul3A_1334 : vector<16xf32>
        %add3A_1336 = arith.constant 13 : i32
        %add3A_1337 = arith.addi %mul3A_263, %add3A_1336 : i32
        %swap3A_1338 = arith.index_cast %add3A_1337 : i32 to index
        %swap3A_1339 = arith.constant 0 : index
        %swap3A_1340 = tpu.vector_load %arg9[%swap3A_1338, %swap3A_1339] {strides = array<i32>} : memref<400x128xf32, #tpu.memory_space<vmem>>, vector<1x16xf32>,
        %swap3A_1341 = vector.shape_cast %swap3A_1340 : vector<1x16xf32> to vector<16xf32>
        %swap3A_1342 = vector.shape_cast %add3A_1335 : vector<16xf32> to vector<1x16xf32>
        tpu.vector_store %arg9[%swap3A_1338, %swap3A_1339], %swap3A_1342 {strides = array<i32>} : memref<400x128xf32, #tpu.memory_space<vmem>>, vector<1x16xf32>,
        %mul3A_1343 = vector.broadcast %squeeze3A_1332 : f32 to vector<16xf32>
        %mul3A_1344 = arith.mulf %mul3A_1343, %sub3A_52 : vector<16xf32>
        %add3A_1345 = arith.addf %get3A_11, %mul3A_1344 : vector<16xf32>
        %add3A_1346 = arith.constant 13 : i32
        %add3A_1347 = arith.addi %mul3A_263, %add3A_1346 : i32
        %swap3A_1348 = arith.index_cast %add3A_1347 : i32 to index
        %swap3A_1349 = arith.constant 16 : index
        %swap3A_1350 = tpu.vector_load %arg9[%swap3A_1348, %swap3A_1349] {strides = array<i32>} : memref<400x128xf32, #tpu.memory_space<vmem>>, vector<1x16xf32>,
        %swap3A_1351 = vector.shape_cast %swap3A_1350 : vector<1x16xf32> to vector<16xf32>
        %swap3A_1352 = vector.shape_cast %add3A_1345 : vector<16xf32> to vector<1x16xf32>
        tpu.vector_store %arg9[%swap3A_1348, %swap3A_1349], %swap3A_1352 {strides = array<i32>} : memref<400x128xf32, #tpu.memory_space<vmem>>, vector<1x16xf32>,
        %mul3A_1353 = vector.broadcast %squeeze3A_1332 : f32 to vector<16xf32>
        %mul3A_1354 = arith.mulf %mul3A_1353, %sub3A_58 : vector<16xf32>
        %add3A_1355 = arith.addf %get3A_16, %mul3A_1354 : vector<16xf32>
        %add3A_1356 = arith.constant 13 : i32
        %add3A_1357 = arith.addi %mul3A_263, %add3A_1356 : i32
        %swap3A_1358 = arith.index_cast %add3A_1357 : i32 to index
        %swap3A_1359 = arith.constant 32 : index
        %swap3A_1360 = tpu.vector_load %arg9[%swap3A_1358, %swap3A_1359] {strides = array<i32>} : memref<400x128xf32, #tpu.memory_space<vmem>>, vector<1x16xf32>,
        %swap3A_1361 = vector.shape_cast %swap3A_1360 : vector<1x16xf32> to vector<16xf32>
        %swap3A_1362 = vector.shape_cast %add3A_1355 : vector<16xf32> to vector<1x16xf32>
        tpu.vector_store %arg9[%swap3A_1358, %swap3A_1359], %swap3A_1362 {strides = array<i32>} : memref<400x128xf32, #tpu.memory_space<vmem>>, vector<1x16xf32>,
        %mul3A_1363 = vector.broadcast %squeeze3A_1332 : f32 to vector<16xf32>
        %mul3A_1364 = arith.mulf %mul3A_1363, %sub3A_64 : vector<16xf32>
        %add3A_1365 = arith.addf %get3A_21, %mul3A_1364 : vector<16xf32>
        %add3A_1366 = arith.constant 13 : i32
        %add3A_1367 = arith.addi %mul3A_263, %add3A_1366 : i32
        %swap3A_1368 = arith.index_cast %add3A_1367 : i32 to index
        %swap3A_1369 = arith.constant 48 : index
        %swap3A_1370 = tpu.vector_load %arg9[%swap3A_1368, %swap3A_1369] {strides = array<i32>} : memref<400x128xf32, #tpu.memory_space<vmem>>, vector<1x16xf32>,
        %swap3A_1371 = vector.shape_cast %swap3A_1370 : vector<1x16xf32> to vector<16xf32>
        %swap3A_1372 = vector.shape_cast %add3A_1365 : vector<16xf32> to vector<1x16xf32>
        tpu.vector_store %arg9[%swap3A_1368, %swap3A_1369], %swap3A_1372 {strides = array<i32>} : memref<400x128xf32, #tpu.memory_space<vmem>>, vector<1x16xf32>,
        %mul3A_1373 = vector.broadcast %squeeze3A_1332 : f32 to vector<16xf32>
        %mul3A_1374 = arith.mulf %mul3A_1373, %sub3A_70 : vector<16xf32>
        %add3A_1375 = arith.addf %get3A_26, %mul3A_1374 : vector<16xf32>
        %add3A_1376 = arith.constant 13 : i32
        %add3A_1377 = arith.addi %mul3A_263, %add3A_1376 : i32
        %swap3A_1378 = arith.index_cast %add3A_1377 : i32 to index
        %swap3A_1379 = arith.constant 64 : index
        %swap3A_1380 = tpu.vector_load %arg9[%swap3A_1378, %swap3A_1379] {strides = array<i32>} : memref<400x128xf32, #tpu.memory_space<vmem>>, vector<1x16xf32>,
        %swap3A_1381 = vector.shape_cast %swap3A_1380 : vector<1x16xf32> to vector<16xf32>
        %swap3A_1382 = vector.shape_cast %add3A_1375 : vector<16xf32> to vector<1x16xf32>
        tpu.vector_store %arg9[%swap3A_1378, %swap3A_1379], %swap3A_1382 {strides = array<i32>} : memref<400x128xf32, #tpu.memory_space<vmem>>, vector<1x16xf32>,
        %mul3A_1383 = vector.broadcast %squeeze3A_1332 : f32 to vector<16xf32>
        %mul3A_1384 = arith.mulf %mul3A_1383, %sub3A_76 : vector<16xf32>
        %add3A_1385 = arith.addf %get3A_31, %mul3A_1384 : vector<16xf32>
        %add3A_1386 = arith.constant 13 : i32
        %add3A_1387 = arith.addi %mul3A_263, %add3A_1386 : i32
        %swap3A_1388 = arith.index_cast %add3A_1387 : i32 to index
        %swap3A_1389 = arith.constant 80 : index
        %swap3A_1390 = tpu.vector_load %arg9[%swap3A_1388, %swap3A_1389] {strides = array<i32>} : memref<400x128xf32, #tpu.memory_space<vmem>>, vector<1x16xf32>,
        %swap3A_1391 = vector.shape_cast %swap3A_1390 : vector<1x16xf32> to vector<16xf32>
        %swap3A_1392 = vector.shape_cast %add3A_1385 : vector<16xf32> to vector<1x16xf32>
        tpu.vector_store %arg9[%swap3A_1388, %swap3A_1389], %swap3A_1392 {strides = array<i32>} : memref<400x128xf32, #tpu.memory_space<vmem>>, vector<1x16xf32>,
        %mul3A_1393 = vector.broadcast %squeeze3A_1332 : f32 to vector<16xf32>
        %mul3A_1394 = arith.mulf %mul3A_1393, %sub3A_82 : vector<16xf32>
        %add3A_1395 = arith.addf %get3A_36, %mul3A_1394 : vector<16xf32>
        %add3A_1396 = arith.constant 13 : i32
        %add3A_1397 = arith.addi %mul3A_263, %add3A_1396 : i32
        %swap3A_1398 = arith.index_cast %add3A_1397 : i32 to index
        %swap3A_1399 = arith.constant 96 : index
        %swap3A_1400 = tpu.vector_load %arg9[%swap3A_1398, %swap3A_1399] {strides = array<i32>} : memref<400x128xf32, #tpu.memory_space<vmem>>, vector<1x16xf32>,
        %swap3A_1401 = vector.shape_cast %swap3A_1400 : vector<1x16xf32> to vector<16xf32>
        %swap3A_1402 = vector.shape_cast %add3A_1395 : vector<16xf32> to vector<1x16xf32>
        tpu.vector_store %arg9[%swap3A_1398, %swap3A_1399], %swap3A_1402 {strides = array<i32>} : memref<400x128xf32, #tpu.memory_space<vmem>>, vector<1x16xf32>,
        %mul3A_1403 = vector.broadcast %squeeze3A_1332 : f32 to vector<16xf32>
        %mul3A_1404 = arith.mulf %mul3A_1403, %sub3A_88 : vector<16xf32>
        %add3A_1405 = arith.addf %get3A_41, %mul3A_1404 : vector<16xf32>
        %add3A_1406 = arith.constant 13 : i32
        %add3A_1407 = arith.addi %mul3A_263, %add3A_1406 : i32
        %swap3A_1408 = arith.index_cast %add3A_1407 : i32 to index
        %swap3A_1409 = arith.constant 112 : index
        %swap3A_1410 = tpu.vector_load %arg9[%swap3A_1408, %swap3A_1409] {strides = array<i32>} : memref<400x128xf32, #tpu.memory_space<vmem>>, vector<1x16xf32>,
        %swap3A_1411 = vector.shape_cast %swap3A_1410 : vector<1x16xf32> to vector<16xf32>
        %swap3A_1412 = vector.shape_cast %add3A_1405 : vector<16xf32> to vector<1x16xf32>
        tpu.vector_store %arg9[%swap3A_1408, %swap3A_1409], %swap3A_1412 {strides = array<i32>} : memref<400x128xf32, #tpu.memory_space<vmem>>, vector<1x16xf32>,
        %slice3A_1413 = vector.extract_strided_slice %convert_element_type3A_267 {offsets = [14], sizes = [1], strides = [1]} : vector<16xf32> to vector<1xf32>
        %squeeze3A_1414 = vector.extract %slice3A_1413[0] : f32 from vector<1xf32>
        %mul3A_1415 = vector.broadcast %squeeze3A_1414 : f32 to vector<16xf32>
        %mul3A_1416 = arith.mulf %mul3A_1415, %sub3A : vector<16xf32>
        %add3A_1417 = arith.addf %get3A_6, %mul3A_1416 : vector<16xf32>
        %add3A_1418 = arith.constant 14 : i32
        %add3A_1419 = arith.addi %mul3A_263, %add3A_1418 : i32
        %swap3A_1420 = arith.index_cast %add3A_1419 : i32 to index
        %swap3A_1421 = arith.constant 0 : index
        %swap3A_1422 = tpu.vector_load %arg9[%swap3A_1420, %swap3A_1421] {strides = array<i32>} : memref<400x128xf32, #tpu.memory_space<vmem>>, vector<1x16xf32>,
        %swap3A_1423 = vector.shape_cast %swap3A_1422 : vector<1x16xf32> to vector<16xf32>
        %swap3A_1424 = vector.shape_cast %add3A_1417 : vector<16xf32> to vector<1x16xf32>
        tpu.vector_store %arg9[%swap3A_1420, %swap3A_1421], %swap3A_1424 {strides = array<i32>} : memref<400x128xf32, #tpu.memory_space<vmem>>, vector<1x16xf32>,
        %mul3A_1425 = vector.broadcast %squeeze3A_1414 : f32 to vector<16xf32>
        %mul3A_1426 = arith.mulf %mul3A_1425, %sub3A_52 : vector<16xf32>
        %add3A_1427 = arith.addf %get3A_11, %mul3A_1426 : vector<16xf32>
        %add3A_1428 = arith.constant 14 : i32
        %add3A_1429 = arith.addi %mul3A_263, %add3A_1428 : i32
        %swap3A_1430 = arith.index_cast %add3A_1429 : i32 to index
        %swap3A_1431 = arith.constant 16 : index
        %swap3A_1432 = tpu.vector_load %arg9[%swap3A_1430, %swap3A_1431] {strides = array<i32>} : memref<400x128xf32, #tpu.memory_space<vmem>>, vector<1x16xf32>,
        %swap3A_1433 = vector.shape_cast %swap3A_1432 : vector<1x16xf32> to vector<16xf32>
        %swap3A_1434 = vector.shape_cast %add3A_1427 : vector<16xf32> to vector<1x16xf32>
        tpu.vector_store %arg9[%swap3A_1430, %swap3A_1431], %swap3A_1434 {strides = array<i32>} : memref<400x128xf32, #tpu.memory_space<vmem>>, vector<1x16xf32>,
        %mul3A_1435 = vector.broadcast %squeeze3A_1414 : f32 to vector<16xf32>
        %mul3A_1436 = arith.mulf %mul3A_1435, %sub3A_58 : vector<16xf32>
        %add3A_1437 = arith.addf %get3A_16, %mul3A_1436 : vector<16xf32>
        %add3A_1438 = arith.constant 14 : i32
        %add3A_1439 = arith.addi %mul3A_263, %add3A_1438 : i32
        %swap3A_1440 = arith.index_cast %add3A_1439 : i32 to index
        %swap3A_1441 = arith.constant 32 : index
        %swap3A_1442 = tpu.vector_load %arg9[%swap3A_1440, %swap3A_1441] {strides = array<i32>} : memref<400x128xf32, #tpu.memory_space<vmem>>, vector<1x16xf32>,
        %swap3A_1443 = vector.shape_cast %swap3A_1442 : vector<1x16xf32> to vector<16xf32>
        %swap3A_1444 = vector.shape_cast %add3A_1437 : vector<16xf32> to vector<1x16xf32>
        tpu.vector_store %arg9[%swap3A_1440, %swap3A_1441], %swap3A_1444 {strides = array<i32>} : memref<400x128xf32, #tpu.memory_space<vmem>>, vector<1x16xf32>,
        %mul3A_1445 = vector.broadcast %squeeze3A_1414 : f32 to vector<16xf32>
        %mul3A_1446 = arith.mulf %mul3A_1445, %sub3A_64 : vector<16xf32>
        %add3A_1447 = arith.addf %get3A_21, %mul3A_1446 : vector<16xf32>
        %add3A_1448 = arith.constant 14 : i32
        %add3A_1449 = arith.addi %mul3A_263, %add3A_1448 : i32
        %swap3A_1450 = arith.index_cast %add3A_1449 : i32 to index
        %swap3A_1451 = arith.constant 48 : index
        %swap3A_1452 = tpu.vector_load %arg9[%swap3A_1450, %swap3A_1451] {strides = array<i32>} : memref<400x128xf32, #tpu.memory_space<vmem>>, vector<1x16xf32>,
        %swap3A_1453 = vector.shape_cast %swap3A_1452 : vector<1x16xf32> to vector<16xf32>
        %swap3A_1454 = vector.shape_cast %add3A_1447 : vector<16xf32> to vector<1x16xf32>
        tpu.vector_store %arg9[%swap3A_1450, %swap3A_1451], %swap3A_1454 {strides = array<i32>} : memref<400x128xf32, #tpu.memory_space<vmem>>, vector<1x16xf32>,
        %mul3A_1455 = vector.broadcast %squeeze3A_1414 : f32 to vector<16xf32>
        %mul3A_1456 = arith.mulf %mul3A_1455, %sub3A_70 : vector<16xf32>
        %add3A_1457 = arith.addf %get3A_26, %mul3A_1456 : vector<16xf32>
        %add3A_1458 = arith.constant 14 : i32
        %add3A_1459 = arith.addi %mul3A_263, %add3A_1458 : i32
        %swap3A_1460 = arith.index_cast %add3A_1459 : i32 to index
        %swap3A_1461 = arith.constant 64 : index
        %swap3A_1462 = tpu.vector_load %arg9[%swap3A_1460, %swap3A_1461] {strides = array<i32>} : memref<400x128xf32, #tpu.memory_space<vmem>>, vector<1x16xf32>,
        %swap3A_1463 = vector.shape_cast %swap3A_1462 : vector<1x16xf32> to vector<16xf32>
        %swap3A_1464 = vector.shape_cast %add3A_1457 : vector<16xf32> to vector<1x16xf32>
        tpu.vector_store %arg9[%swap3A_1460, %swap3A_1461], %swap3A_1464 {strides = array<i32>} : memref<400x128xf32, #tpu.memory_space<vmem>>, vector<1x16xf32>,
        %mul3A_1465 = vector.broadcast %squeeze3A_1414 : f32 to vector<16xf32>
        %mul3A_1466 = arith.mulf %mul3A_1465, %sub3A_76 : vector<16xf32>
        %add3A_1467 = arith.addf %get3A_31, %mul3A_1466 : vector<16xf32>
        %add3A_1468 = arith.constant 14 : i32
        %add3A_1469 = arith.addi %mul3A_263, %add3A_1468 : i32
        %swap3A_1470 = arith.index_cast %add3A_1469 : i32 to index
        %swap3A_1471 = arith.constant 80 : index
        %swap3A_1472 = tpu.vector_load %arg9[%swap3A_1470, %swap3A_1471] {strides = array<i32>} : memref<400x128xf32, #tpu.memory_space<vmem>>, vector<1x16xf32>,
        %swap3A_1473 = vector.shape_cast %swap3A_1472 : vector<1x16xf32> to vector<16xf32>
        %swap3A_1474 = vector.shape_cast %add3A_1467 : vector<16xf32> to vector<1x16xf32>
        tpu.vector_store %arg9[%swap3A_1470, %swap3A_1471], %swap3A_1474 {strides = array<i32>} : memref<400x128xf32, #tpu.memory_space<vmem>>, vector<1x16xf32>,
        %mul3A_1475 = vector.broadcast %squeeze3A_1414 : f32 to vector<16xf32>
        %mul3A_1476 = arith.mulf %mul3A_1475, %sub3A_82 : vector<16xf32>
        %add3A_1477 = arith.addf %get3A_36, %mul3A_1476 : vector<16xf32>
        %add3A_1478 = arith.constant 14 : i32
        %add3A_1479 = arith.addi %mul3A_263, %add3A_1478 : i32
        %swap3A_1480 = arith.index_cast %add3A_1479 : i32 to index
        %swap3A_1481 = arith.constant 96 : index
        %swap3A_1482 = tpu.vector_load %arg9[%swap3A_1480, %swap3A_1481] {strides = array<i32>} : memref<400x128xf32, #tpu.memory_space<vmem>>, vector<1x16xf32>,
        %swap3A_1483 = vector.shape_cast %swap3A_1482 : vector<1x16xf32> to vector<16xf32>
        %swap3A_1484 = vector.shape_cast %add3A_1477 : vector<16xf32> to vector<1x16xf32>
        tpu.vector_store %arg9[%swap3A_1480, %swap3A_1481], %swap3A_1484 {strides = array<i32>} : memref<400x128xf32, #tpu.memory_space<vmem>>, vector<1x16xf32>,
        %mul3A_1485 = vector.broadcast %squeeze3A_1414 : f32 to vector<16xf32>
        %mul3A_1486 = arith.mulf %mul3A_1485, %sub3A_88 : vector<16xf32>
        %add3A_1487 = arith.addf %get3A_41, %mul3A_1486 : vector<16xf32>
        %add3A_1488 = arith.constant 14 : i32
        %add3A_1489 = arith.addi %mul3A_263, %add3A_1488 : i32
        %swap3A_1490 = arith.index_cast %add3A_1489 : i32 to index
        %swap3A_1491 = arith.constant 112 : index
        %swap3A_1492 = tpu.vector_load %arg9[%swap3A_1490, %swap3A_1491] {strides = array<i32>} : memref<400x128xf32, #tpu.memory_space<vmem>>, vector<1x16xf32>,
        %swap3A_1493 = vector.shape_cast %swap3A_1492 : vector<1x16xf32> to vector<16xf32>
        %swap3A_1494 = vector.shape_cast %add3A_1487 : vector<16xf32> to vector<1x16xf32>
        tpu.vector_store %arg9[%swap3A_1490, %swap3A_1491], %swap3A_1494 {strides = array<i32>} : memref<400x128xf32, #tpu.memory_space<vmem>>, vector<1x16xf32>,
        %slice3A_1495 = vector.extract_strided_slice %convert_element_type3A_267 {offsets = [15], sizes = [1], strides = [1]} : vector<16xf32> to vector<1xf32>
        %squeeze3A_1496 = vector.extract %slice3A_1495[0] : f32 from vector<1xf32>
        %mul3A_1497 = vector.broadcast %squeeze3A_1496 : f32 to vector<16xf32>
        %mul3A_1498 = arith.mulf %mul3A_1497, %sub3A : vector<16xf32>
        %add3A_1499 = arith.addf %get3A_6, %mul3A_1498 : vector<16xf32>
        %add3A_1500 = arith.constant 15 : i32
        %add3A_1501 = arith.addi %mul3A_263, %add3A_1500 : i32
        %swap3A_1502 = arith.index_cast %add3A_1501 : i32 to index
        %swap3A_1503 = arith.constant 0 : index
        %swap3A_1504 = tpu.vector_load %arg9[%swap3A_1502, %swap3A_1503] {strides = array<i32>} : memref<400x128xf32, #tpu.memory_space<vmem>>, vector<1x16xf32>,
        %swap3A_1505 = vector.shape_cast %swap3A_1504 : vector<1x16xf32> to vector<16xf32>
        %swap3A_1506 = vector.shape_cast %add3A_1499 : vector<16xf32> to vector<1x16xf32>
        tpu.vector_store %arg9[%swap3A_1502, %swap3A_1503], %swap3A_1506 {strides = array<i32>} : memref<400x128xf32, #tpu.memory_space<vmem>>, vector<1x16xf32>,
        %mul3A_1507 = vector.broadcast %squeeze3A_1496 : f32 to vector<16xf32>
        %mul3A_1508 = arith.mulf %mul3A_1507, %sub3A_52 : vector<16xf32>
        %add3A_1509 = arith.addf %get3A_11, %mul3A_1508 : vector<16xf32>
        %add3A_1510 = arith.constant 15 : i32
        %add3A_1511 = arith.addi %mul3A_263, %add3A_1510 : i32
        %swap3A_1512 = arith.index_cast %add3A_1511 : i32 to index
        %swap3A_1513 = arith.constant 16 : index
        %swap3A_1514 = tpu.vector_load %arg9[%swap3A_1512, %swap3A_1513] {strides = array<i32>} : memref<400x128xf32, #tpu.memory_space<vmem>>, vector<1x16xf32>,
        %swap3A_1515 = vector.shape_cast %swap3A_1514 : vector<1x16xf32> to vector<16xf32>
        %swap3A_1516 = vector.shape_cast %add3A_1509 : vector<16xf32> to vector<1x16xf32>
        tpu.vector_store %arg9[%swap3A_1512, %swap3A_1513], %swap3A_1516 {strides = array<i32>} : memref<400x128xf32, #tpu.memory_space<vmem>>, vector<1x16xf32>,
        %mul3A_1517 = vector.broadcast %squeeze3A_1496 : f32 to vector<16xf32>
        %mul3A_1518 = arith.mulf %mul3A_1517, %sub3A_58 : vector<16xf32>
        %add3A_1519 = arith.addf %get3A_16, %mul3A_1518 : vector<16xf32>
        %add3A_1520 = arith.constant 15 : i32
        %add3A_1521 = arith.addi %mul3A_263, %add3A_1520 : i32
        %swap3A_1522 = arith.index_cast %add3A_1521 : i32 to index
        %swap3A_1523 = arith.constant 32 : index
        %swap3A_1524 = tpu.vector_load %arg9[%swap3A_1522, %swap3A_1523] {strides = array<i32>} : memref<400x128xf32, #tpu.memory_space<vmem>>, vector<1x16xf32>,
        %swap3A_1525 = vector.shape_cast %swap3A_1524 : vector<1x16xf32> to vector<16xf32>
        %swap3A_1526 = vector.shape_cast %add3A_1519 : vector<16xf32> to vector<1x16xf32>
        tpu.vector_store %arg9[%swap3A_1522, %swap3A_1523], %swap3A_1526 {strides = array<i32>} : memref<400x128xf32, #tpu.memory_space<vmem>>, vector<1x16xf32>,
        %mul3A_1527 = vector.broadcast %squeeze3A_1496 : f32 to vector<16xf32>
        %mul3A_1528 = arith.mulf %mul3A_1527, %sub3A_64 : vector<16xf32>
        %add3A_1529 = arith.addf %get3A_21, %mul3A_1528 : vector<16xf32>
        %add3A_1530 = arith.constant 15 : i32
        %add3A_1531 = arith.addi %mul3A_263, %add3A_1530 : i32
        %swap3A_1532 = arith.index_cast %add3A_1531 : i32 to index
        %swap3A_1533 = arith.constant 48 : index
        %swap3A_1534 = tpu.vector_load %arg9[%swap3A_1532, %swap3A_1533] {strides = array<i32>} : memref<400x128xf32, #tpu.memory_space<vmem>>, vector<1x16xf32>,
        %swap3A_1535 = vector.shape_cast %swap3A_1534 : vector<1x16xf32> to vector<16xf32>
        %swap3A_1536 = vector.shape_cast %add3A_1529 : vector<16xf32> to vector<1x16xf32>
        tpu.vector_store %arg9[%swap3A_1532, %swap3A_1533], %swap3A_1536 {strides = array<i32>} : memref<400x128xf32, #tpu.memory_space<vmem>>, vector<1x16xf32>,
        %mul3A_1537 = vector.broadcast %squeeze3A_1496 : f32 to vector<16xf32>
        %mul3A_1538 = arith.mulf %mul3A_1537, %sub3A_70 : vector<16xf32>
        %add3A_1539 = arith.addf %get3A_26, %mul3A_1538 : vector<16xf32>
        %add3A_1540 = arith.constant 15 : i32
        %add3A_1541 = arith.addi %mul3A_263, %add3A_1540 : i32
        %swap3A_1542 = arith.index_cast %add3A_1541 : i32 to index
        %swap3A_1543 = arith.constant 64 : index
        %swap3A_1544 = tpu.vector_load %arg9[%swap3A_1542, %swap3A_1543] {strides = array<i32>} : memref<400x128xf32, #tpu.memory_space<vmem>>, vector<1x16xf32>,
        %swap3A_1545 = vector.shape_cast %swap3A_1544 : vector<1x16xf32> to vector<16xf32>
        %swap3A_1546 = vector.shape_cast %add3A_1539 : vector<16xf32> to vector<1x16xf32>
        tpu.vector_store %arg9[%swap3A_1542, %swap3A_1543], %swap3A_1546 {strides = array<i32>} : memref<400x128xf32, #tpu.memory_space<vmem>>, vector<1x16xf32>,
        %mul3A_1547 = vector.broadcast %squeeze3A_1496 : f32 to vector<16xf32>
        %mul3A_1548 = arith.mulf %mul3A_1547, %sub3A_76 : vector<16xf32>
        %add3A_1549 = arith.addf %get3A_31, %mul3A_1548 : vector<16xf32>
        %add3A_1550 = arith.constant 15 : i32
        %add3A_1551 = arith.addi %mul3A_263, %add3A_1550 : i32
        %swap3A_1552 = arith.index_cast %add3A_1551 : i32 to index
        %swap3A_1553 = arith.constant 80 : index
        %swap3A_1554 = tpu.vector_load %arg9[%swap3A_1552, %swap3A_1553] {strides = array<i32>} : memref<400x128xf32, #tpu.memory_space<vmem>>, vector<1x16xf32>,
        %swap3A_1555 = vector.shape_cast %swap3A_1554 : vector<1x16xf32> to vector<16xf32>
        %swap3A_1556 = vector.shape_cast %add3A_1549 : vector<16xf32> to vector<1x16xf32>
        tpu.vector_store %arg9[%swap3A_1552, %swap3A_1553], %swap3A_1556 {strides = array<i32>} : memref<400x128xf32, #tpu.memory_space<vmem>>, vector<1x16xf32>,
        %mul3A_1557 = vector.broadcast %squeeze3A_1496 : f32 to vector<16xf32>
        %mul3A_1558 = arith.mulf %mul3A_1557, %sub3A_82 : vector<16xf32>
        %add3A_1559 = arith.addf %get3A_36, %mul3A_1558 : vector<16xf32>
        %add3A_1560 = arith.constant 15 : i32
        %add3A_1561 = arith.addi %mul3A_263, %add3A_1560 : i32
        %swap3A_1562 = arith.index_cast %add3A_1561 : i32 to index
        %swap3A_1563 = arith.constant 96 : index
        %swap3A_1564 = tpu.vector_load %arg9[%swap3A_1562, %swap3A_1563] {strides = array<i32>} : memref<400x128xf32, #tpu.memory_space<vmem>>, vector<1x16xf32>,
        %swap3A_1565 = vector.shape_cast %swap3A_1564 : vector<1x16xf32> to vector<16xf32>
        %swap3A_1566 = vector.shape_cast %add3A_1559 : vector<16xf32> to vector<1x16xf32>
        tpu.vector_store %arg9[%swap3A_1562, %swap3A_1563], %swap3A_1566 {strides = array<i32>} : memref<400x128xf32, #tpu.memory_space<vmem>>, vector<1x16xf32>,
        %mul3A_1567 = vector.broadcast %squeeze3A_1496 : f32 to vector<16xf32>
        %mul3A_1568 = arith.mulf %mul3A_1567, %sub3A_88 : vector<16xf32>
        %add3A_1569 = arith.addf %get3A_41, %mul3A_1568 : vector<16xf32>
        %add3A_1570 = arith.constant 15 : i32
        %add3A_1571 = arith.addi %mul3A_263, %add3A_1570 : i32
        %swap3A_1572 = arith.index_cast %add3A_1571 : i32 to index
        %swap3A_1573 = arith.constant 112 : index
        %swap3A_1574 = tpu.vector_load %arg9[%swap3A_1572, %swap3A_1573] {strides = array<i32>} : memref<400x128xf32, #tpu.memory_space<vmem>>, vector<1x16xf32>,
        %swap3A_1575 = vector.shape_cast %swap3A_1574 : vector<1x16xf32> to vector<16xf32>
        %swap3A_1576 = vector.shape_cast %add3A_1569 : vector<16xf32> to vector<1x16xf32>
        tpu.vector_store %arg9[%swap3A_1572, %swap3A_1573], %swap3A_1576 {strides = array<i32>} : memref<400x128xf32, #tpu.memory_space<vmem>>, vector<1x16xf32>,
      }
      %scan3A_225 = arith.constant 25 : i32
      %mul3A_226 = arith.constant 400 : i32
      %mul3A_227 = arith.muli %add3A_209, %mul3A_226 : i32
      %add3A_228 = arith.addi %mul3A_2, %mul3A_227 : i32
      %add3A_229 = arith.constant 0 : i32
      %add3A_230 = arith.addi %add3A_228, %add3A_229 : i32
      %dma_start3A_231 = arith.constant 0 : i32
      %dma_start3A_232 = arith.constant 0 : i32
      %dma_start3A_233 = tpu.memref_slice %arg9[%dma_start3A_231, %dma_start3A_232] : memref<400x128xf32, #tpu.memory_space<vmem>> -> memref<200x128xf32, #tpu.memory_space<vmem>>
      %dma_start3A_234 = arith.constant 0 : i32
      %dma_start3A_235 = tpu.memref_slice %arg4[%add3A_230, %dma_start3A_234] : memref<3276800x128xf32, #tpu.memory_space<hbm>> -> memref<200x128xf32, #tpu.memory_space<hbm>>
      %dma_start3A_236 = arith.constant 0 : i32
      %dma_start3A_237 = tpu.memref_slice %arg4[%add3A_230, %dma_start3A_236] : memref<3276800x128xf32, #tpu.memory_space<hbm>> -> memref<200x128xf32, #tpu.memory_space<hbm>>
      %dma_start3A_238 = arith.constant 0 : i32
      %dma_start3A_239 = arith.constant 0 : i32
      %dma_start3A_240 = tpu.memref_slice %arg9[%dma_start3A_238, %dma_start3A_239] : memref<400x128xf32, #tpu.memory_space<vmem>> -> memref<200x128xf32, #tpu.memory_space<vmem>>
      tpu.enqueue_dma source(%dma_start3A_240 : memref<200x128xf32, #tpu.memory_space<vmem>>) target(%dma_start3A_237 : memref<200x128xf32, #tpu.memory_space<hbm>>) target_semaphore(%arg14 : memref<!tpu.dma_semaphore, #tpu.memory_space<semaphore_mem>>)
      %mul3A_241 = arith.constant 400 : i32
      %mul3A_242 = arith.muli %add3A_209, %mul3A_241 : i32
      %add3A_243 = arith.addi %mul3A_2, %mul3A_242 : i32
      %add3A_244 = arith.constant 200 : i32
      %add3A_245 = arith.addi %add3A_243, %add3A_244 : i32
      %dma_start3A_246 = arith.constant 200 : i32
      %dma_start3A_247 = arith.constant 0 : i32
      %dma_start3A_248 = tpu.memref_slice %arg9[%dma_start3A_246, %dma_start3A_247] : memref<400x128xf32, #tpu.memory_space<vmem>> -> memref<200x128xf32, #tpu.memory_space<vmem>>
      %dma_start3A_249 = arith.constant 0 : i32
      %dma_start3A_250 = tpu.memref_slice %arg4[%add3A_245, %dma_start3A_249] : memref<3276800x128xf32, #tpu.memory_space<hbm>> -> memref<200x128xf32, #tpu.memory_space<hbm>>
      %dma_start3A_251 = arith.constant 0 : i32
      %dma_start3A_252 = tpu.memref_slice %arg4[%add3A_245, %dma_start3A_251] : memref<3276800x128xf32, #tpu.memory_space<hbm>> -> memref<200x128xf32, #tpu.memory_space<hbm>>
      %dma_start3A_253 = arith.constant 200 : i32
      %dma_start3A_254 = arith.constant 0 : i32
      %dma_start3A_255 = tpu.memref_slice %arg9[%dma_start3A_253, %dma_start3A_254] : memref<400x128xf32, #tpu.memory_space<vmem>> -> memref<200x128xf32, #tpu.memory_space<vmem>>
      tpu.enqueue_dma source(%dma_start3A_255 : memref<200x128xf32, #tpu.memory_space<vmem>>) target(%dma_start3A_252 : memref<200x128xf32, #tpu.memory_space<hbm>>) target_semaphore(%arg15 : memref<!tpu.dma_semaphore, #tpu.memory_space<semaphore_mem>>)
      %lt3A_256 = arith.constant 127 : i32
      %lt3A_257 = arith.cmpi slt, %scan3A_156, %lt3A_256 : i32
      %convert_element_type3A_258 = arith.extui %lt3A_257 : i1 to i32
      %cond3A_259 = arith.constant 0 : i32
      %cond3A_260 = arith.cmpi ne, %convert_element_type3A_258, %cond3A_259 : i32
      scf.if %cond3A_260 {
        %add3A_261 = arith.constant 2 : i32
        %add3A_262 = arith.addi %add3A_209, %add3A_261 : i32
        %mul3A_263 = arith.constant 400 : i32
        %mul3A_264 = arith.muli %add3A_262, %mul3A_263 : i32
        %add3A_265 = arith.addi %mul3A_2, %mul3A_264 : i32
        %dma_start3A_266 = tpu.memref_slice %arg2[%add3A_265] : memref<3276800xi32, #tpu.memory_space<hbm>> -> memref<400xi32, #tpu.memory_space<hbm>>
        %dma_start3A_267 = tpu.memref_slice %arg2[%add3A_265] : memref<3276800xi32, #tpu.memory_space<hbm>> -> memref<400xi32, #tpu.memory_space<hbm>>
        tpu.enqueue_dma source(%dma_start3A_267 : memref<400xi32, #tpu.memory_space<hbm>>) target(%arg7 : memref<400xi32, #tpu.memory_space<vmem>>) target_semaphore(%arg11 : memref<!tpu.dma_semaphore, #tpu.memory_space<semaphore_mem>>)
      } else {
      }
    }
    %scan3A_100 = arith.constant 128 : i32
    %add3A_101 = arith.constant 101600 : i32
    %add3A_102 = arith.addi %mul3A_2, %add3A_101 : i32
    %add3A_103 = arith.constant 0 : i32
    %add3A_104 = arith.addi %add3A_102, %add3A_103 : i32
    %dma_wait3A = arith.constant 0 : i32
    %dma_wait3A_105 = arith.constant 0 : i32
    %dma_wait3A_106 = tpu.memref_slice %arg8[%dma_wait3A, %dma_wait3A_105] : memref<400x128xf32, #tpu.memory_space<vmem>> -> memref<200x128xf32, #tpu.memory_space<vmem>>
    %dma_wait3A_107 = arith.constant 0 : i32
    %dma_wait3A_108 = tpu.memref_slice %arg4[%add3A_104, %dma_wait3A_107] : memref<3276800x128xf32, #tpu.memory_space<hbm>> -> memref<200x128xf32, #tpu.memory_space<hbm>>
    %dma_wait3A_109 = arith.constant 0 : i32
    %dma_wait3A_110 = tpu.memref_slice %arg4[%add3A_104, %dma_wait3A_109] : memref<3276800x128xf32, #tpu.memory_space<hbm>> -> memref<200x128xf32, #tpu.memory_space<hbm>>
    %dma_wait3A_111 = arith.constant 0 : i32
    %dma_wait3A_112 = arith.constant 0 : i32
    %dma_wait3A_113 = tpu.memref_slice %arg8[%dma_wait3A_111, %dma_wait3A_112] : memref<400x128xf32, #tpu.memory_space<vmem>> -> memref<200x128xf32, #tpu.memory_space<vmem>>
    tpu.wait_dma2 semaphore(%arg12 : memref<!tpu.dma_semaphore, #tpu.memory_space<semaphore_mem>>) src(%dma_wait3A_113 : memref<200x128xf32, #tpu.memory_space<vmem>>) dst(%dma_wait3A_110 : memref<200x128xf32, #tpu.memory_space<hbm>>)
    %add3A_114 = arith.constant 101600 : i32
    %add3A_115 = arith.addi %mul3A_2, %add3A_114 : i32
    %add3A_116 = arith.constant 200 : i32
    %add3A_117 = arith.addi %add3A_115, %add3A_116 : i32
    %dma_wait3A_118 = arith.constant 200 : i32
    %dma_wait3A_119 = arith.constant 0 : i32
    %dma_wait3A_120 = tpu.memref_slice %arg8[%dma_wait3A_118, %dma_wait3A_119] : memref<400x128xf32, #tpu.memory_space<vmem>> -> memref<200x128xf32, #tpu.memory_space<vmem>>
    %dma_wait3A_121 = arith.constant 0 : i32
    %dma_wait3A_122 = tpu.memref_slice %arg4[%add3A_117, %dma_wait3A_121] : memref<3276800x128xf32, #tpu.memory_space<hbm>> -> memref<200x128xf32, #tpu.memory_space<hbm>>
    %dma_wait3A_123 = arith.constant 0 : i32
    %dma_wait3A_124 = tpu.memref_slice %arg4[%add3A_117, %dma_wait3A_123] : memref<3276800x128xf32, #tpu.memory_space<hbm>> -> memref<200x128xf32, #tpu.memory_space<hbm>>
    %dma_wait3A_125 = arith.constant 200 : i32
    %dma_wait3A_126 = arith.constant 0 : i32
    %dma_wait3A_127 = tpu.memref_slice %arg8[%dma_wait3A_125, %dma_wait3A_126] : memref<400x128xf32, #tpu.memory_space<vmem>> -> memref<200x128xf32, #tpu.memory_space<vmem>>
    tpu.wait_dma2 semaphore(%arg13 : memref<!tpu.dma_semaphore, #tpu.memory_space<semaphore_mem>>) src(%dma_wait3A_127 : memref<200x128xf32, #tpu.memory_space<vmem>>) dst(%dma_wait3A_124 : memref<200x128xf32, #tpu.memory_space<hbm>>)
    %add3A_128 = arith.constant 102000 : i32
    %add3A_129 = arith.addi %mul3A_2, %add3A_128 : i32
    %add3A_130 = arith.constant 0 : i32
    %add3A_131 = arith.addi %add3A_129, %add3A_130 : i32
    %dma_wait3A_132 = arith.constant 0 : i32
    %dma_wait3A_133 = arith.constant 0 : i32
    %dma_wait3A_134 = tpu.memref_slice %arg9[%dma_wait3A_132, %dma_wait3A_133] : memref<400x128xf32, #tpu.memory_space<vmem>> -> memref<200x128xf32, #tpu.memory_space<vmem>>
    %dma_wait3A_135 = arith.constant 0 : i32
    %dma_wait3A_136 = tpu.memref_slice %arg4[%add3A_131, %dma_wait3A_135] : memref<3276800x128xf32, #tpu.memory_space<hbm>> -> memref<200x128xf32, #tpu.memory_space<hbm>>
    %dma_wait3A_137 = arith.constant 0 : i32
    %dma_wait3A_138 = tpu.memref_slice %arg4[%add3A_131, %dma_wait3A_137] : memref<3276800x128xf32, #tpu.memory_space<hbm>> -> memref<200x128xf32, #tpu.memory_space<hbm>>
    %dma_wait3A_139 = arith.constant 0 : i32
    %dma_wait3A_140 = arith.constant 0 : i32
    %dma_wait3A_141 = tpu.memref_slice %arg9[%dma_wait3A_139, %dma_wait3A_140] : memref<400x128xf32, #tpu.memory_space<vmem>> -> memref<200x128xf32, #tpu.memory_space<vmem>>
    tpu.wait_dma2 semaphore(%arg14 : memref<!tpu.dma_semaphore, #tpu.memory_space<semaphore_mem>>) src(%dma_wait3A_141 : memref<200x128xf32, #tpu.memory_space<vmem>>) dst(%dma_wait3A_138 : memref<200x128xf32, #tpu.memory_space<hbm>>)
    %add3A_142 = arith.constant 102000 : i32
    %add3A_143 = arith.addi %mul3A_2, %add3A_142 : i32
    %add3A_144 = arith.constant 200 : i32
    %add3A_145 = arith.addi %add3A_143, %add3A_144 : i32
    %dma_wait3A_146 = arith.constant 200 : i32
    %dma_wait3A_147 = arith.constant 0 : i32
    %dma_wait3A_148 = tpu.memref_slice %arg9[%dma_wait3A_146, %dma_wait3A_147] : memref<400x128xf32, #tpu.memory_space<vmem>> -> memref<200x128xf32, #tpu.memory_space<vmem>>
    %dma_wait3A_149 = arith.constant 0 : i32
    %dma_wait3A_150 = tpu.memref_slice %arg4[%add3A_145, %dma_wait3A_149] : memref<3276800x128xf32, #tpu.memory_space<hbm>> -> memref<200x128xf32, #tpu.memory_space<hbm>>
    %dma_wait3A_151 = arith.constant 0 : i32
    %dma_wait3A_152 = tpu.memref_slice %arg4[%add3A_145, %dma_wait3A_151] : memref<3276800x128xf32, #tpu.memory_space<hbm>> -> memref<200x128xf32, #tpu.memory_space<hbm>>
    %dma_wait3A_153 = arith.constant 200 : i32
    %dma_wait3A_154 = arith.constant 0 : i32
    %dma_wait3A_155 = tpu.memref_slice %arg9[%dma_wait3A_153, %dma_wait3A_154] : memref<400x128xf32, #tpu.memory_space<vmem>> -> memref<200x128xf32, #tpu.memory_space<vmem>>
    tpu.wait_dma2 semaphore(%arg15 : memref<!tpu.dma_semaphore, #tpu.memory_space<semaphore_mem>>) src(%dma_wait3A_155 : memref<200x128xf32, #tpu.memory_space<vmem>>) dst(%dma_wait3A_152 : memref<200x128xf32, #tpu.memory_space<hbm>>)
    return
  }
}

</mosaic_0001>

<sc_bundles>
// kernel: kernel.3.cloned.1.call-start
scs
__scs_entry_jumppad:
0x0: {  	(pc) =	sbr.rel $0x88, $3  }
0x1: {  	(tag) =	ssettag $0x0;
	lr =	simm.s32 $0x1  }
0x2: {  	[smem:$0x3F9F] =	sst lr;
	_ =	strace $0xD0000000  }
0x3: {  	_ = 	snop  }
0x4: {  	_ = 	snop  }
0x5: {  	_ = 	snop  }
0x6: {  	_ = 	snop  }
0x7: {  	_ = 	snop  }
__scs_overlays_trampoline_lowered:
0x8: {  	[smem:$0x3FAE] =	sst s0  }
0x9: {  	[smem:$0x3FAF] =	sst s1  }
0xa: {  	[smem:$0x3FB0] =	sst s2  }
0xb: {  	[smem:$0x3FB1] =	sst s3  }
0xc: {  	[smem:$0x3FB2] =	sst s4  }
0xd: {  	[smem:$0x3FB3] =	sst s5  }
0xe: {  	[smem:$0x3FB4] =	sst s6  }
0xf: {  	[smem:$0x3FB5] =	sst s7  }
0x10: {  	[smem:$0x3FB6] =	sst s8  }
0x11: {  	[smem:$0x3FB7] =	sst s9;
	s0 =	simm.s32 @!p0 $0x0  }
0x12: {  	s1 =	sld [smem:$0x3F9D];
	s0 =	simm.s32 @p0 $0x1  }
0x13: {  	[smem:$0x3FB8] =	sst s0;
	s0 =	simm.s32 @!p1 $0x0  }
0x14: {  	s2 =	sld [smem:$0x3F9C];
	s0 =	simm.s32 @p1 $0x1  }
0x15: {  	[smem:$0x3FB9] =	sst s0;
	s0 =	simm.s32 @!p2 $0x0  }
0x16: {  	s3 =	sld [smem:$0x3FDB];
	s0 =	simm.s32 @p2 $0x1  }
0x17: {  	s4 =	simm.s32 $0x1BF5;
	[smem:$0x3FBB] =	sst s0  }
0x18: {  	s0 =	sld [smem:$0x3F9E];
	_ =	swait.ge [sflag:s4], $0x0  }
0x19: {  	s7 =	sld [smem:$0x3F9F]  }
0x1a: {  	s8 =	sadd.s32 $0xFFFFE003, lr  }
0x1b: {  	s9 =	sadd.s32 $0xFFFFFEF7, lr;
	s5 =	simm.s32 $0xFFFFFFFF;
	p2 =	slt.u32 s8, $0xFFFFF086  }
0x1c: {  	p1 =	slt.u32 s9, $0xF7A;
	s5 =	simm.s32 @!p2 $0x0  }
0x1d: {  	s5 =	simm.s32 @p1 $0x1;
	p0 =	seq.s32 s7, s2  }
0x1e: {  	s7 =	smul.u32 @!p0 $0xF7A, s2;
	p2 =	seq.s32 @!p0 s5, $0x0  }
0x1f: {  	s9 =	smul.u32 $0xF7A, s1;
	s8 =	simm.s32 @!p0 $0x1BF5;
	p2 =	por !p2, p0  }
0x20: {  	[sflag:s8] =	ssyncset.s32 @!p0 $0xFFFFF086;
	s6 =	sadd.s32 @!p0 s3, s7;
	s7 =	simm.s32 @!p0 $0x108  }
0x21: {  	s3 =	sadd.s32 s3, s9;
	s6 =	sadd.s32 @!p0 $0x88, s6;
	s7 =	simm.s32 @p2 $0x1082  }
0x22: {  	[simem:s7], [sflag:s8] =	dma.local @!p0 [hbm:s6], $0xF7A  }
0x23: {  	s9 =	sor.u32 $0xD0000000, s2;
	s6 =	simm.s32 $0x108;
	_ =	swait.ge @!p0 [sflag:s8], $0x0  }
0x24: {  	s3 =	sadd.s32 $0x88, s3;
	s6 =	simm.s32 @!p1 $0x1082;
	[sflag:s4] =	ssyncset.s32 $0xFFFFF086  }
0x25: {  	[simem:s6], [sflag:s4] =	dma.local [hbm:s3], $0xF7A  }
0x26: {  	[smem:$0x3F9F] =	sst s1;
	(tag) =	ssettag s2;
	_ =	strace s9  }
0x27: {  	s1 =	sld [smem:$0x3FAF]  }
0x28: {  	s2 =	sld [smem:$0x3FB0]  }
0x29: {  	s4 =	sld [smem:$0x3FB2]  }
0x2a: {  	p0 =	seq.s32 s5, $0x0;
	s5 =	sld [smem:$0x3FB3]  }
0x2b: {  	s6 =	sld [smem:$0x3FB4]  }
0x2c: {  	s7 =	sld [smem:$0x3FB5]  }
0x2d: {  	s3 =	simm.s32 $0x108;
	s8 =	sld [smem:$0x3FB6]  }
0x2e: {  	s3 =	simm.s32 @!p0 $0x1082;
	s9 =	sld [smem:$0x3FB7]  }
0x2f: {  	lr =	sadd.s32 s0, s3;
	s0 =	sld [smem:$0x3FAE]  }
0x30: {  	s3 =	sld [smem:$0x3FB1]  }
0x31: {  	[smem:$0x3FBA] =	sst s10  }
0x32: {  	s10 =	sld [smem:$0x3FB8];
	_ =	sdelay $0x3  }
0x33: {  	p0 =	seq.s32 s10, $0x1;
	s10 =	sld [smem:$0x3FBA];
	_ =	sdelay $0x3  }
0x34: {  	[smem:$0x3FBA] =	sst s10  }
0x35: {  	s10 =	sld [smem:$0x3FB9];
	_ =	sdelay $0x3  }
0x36: {  	p1 =	seq.s32 s10, $0x1;
	s10 =	sld [smem:$0x3FBA];
	_ =	sdelay $0x3  }
0x37: {  	[smem:$0x3FBA] =	sst s10  }
0x38: {  	s10 =	sld [smem:$0x3FBB]  }
0x39: {  	_ = 	snop;
	(pc) =	sbr.ind lr, $3  }
0x3a: {  	_ = 	snop  }
0x3b: {  	_ = 	snop  }
0x3c: {  	p2 =	seq.s32 s10, $0x1;
	s10 =	sld [smem:$0x3FBA]  }
0x3d: {  	_ =	shalt  }
0x3e: {  	_ =	shalt  }
0x3f: {  	_ =	shalt  }
0x40: {  	_ =	shalt  }
0x41: {  	_ =	shalt  }
0x42: {  	_ =	shalt  }
0x43: {  	_ =	shalt  }
0x44: {  	_ =	shalt  }
0x45: {  	_ =	shalt  }
0x46: {  	_ =	shalt  }
0x47: {  	_ =	shalt  }
0x48: {  	_ =	shalt  }
0x49: {  	_ =	shalt  }
0x4a: {  	_ =	shalt  }
0x4b: {  	_ =	shalt  }
0x4c: {  	_ =	shalt  }
0x4d: {  	_ =	shalt  }
0x4e: {  	_ =	shalt  }
0x4f: {  	_ =	shalt  }
0x50: {  	_ =	shalt  }
0x51: {  	_ =	shalt  }
0x52: {  	_ =	shalt  }
0x53: {  	_ =	shalt  }
0x54: {  	_ =	shalt  }
0x55: {  	_ =	shalt  }
0x56: {  	_ =	shalt  }
0x57: {  	_ =	shalt  }
0x58: {  	_ =	shalt  }
0x59: {  	_ =	shalt  }
0x5a: {  	_ =	shalt  }
0x5b: {  	_ =	shalt  }
0x5c: {  	_ =	shalt  }
0x5d: {  	_ =	shalt  }
0x5e: {  	_ =	shalt  }
0x5f: {  	_ =	shalt  }
0x60: {  	_ =	shalt  }
0x61: {  	_ =	shalt  }
0x62: {  	_ =	shalt  }
0x63: {  	_ =	shalt  }
0x64: {  	_ =	shalt  }
0x65: {  	_ =	shalt  }
0x66: {  	_ =	shalt  }
0x67: {  	_ =	shalt  }
0x68: {  	_ =	shalt  }
0x69: {  	_ =	shalt  }
0x6a: {  	_ =	shalt  }
0x6b: {  	_ =	shalt  }
0x6c: {  	_ =	shalt  }
0x6d: {  	_ =	shalt  }
0x6e: {  	_ =	shalt  }
0x6f: {  	_ =	shalt  }
0x70: {  	_ =	shalt  }
0x71: {  	_ =	shalt  }
0x72: {  	_ =	shalt  }
0x73: {  	_ =	shalt  }
0x74: {  	_ =	shalt  }
0x75: {  	_ =	shalt  }
0x76: {  	_ =	shalt  }
0x77: {  	_ =	shalt  }
0x78: {  	_ =	shalt  }
0x79: {  	_ =	shalt  }
0x7a: {  	_ =	shalt  }
0x7b: {  	_ =	shalt  }
0x7c: {  	_ =	shalt  }
0x7d: {  	_ =	shalt  }
0x7e: {  	_ =	shalt  }
0x7f: {  	_ =	shalt  }
0x80: {  	_ =	shalt  }
0x81: {  	_ =	shalt  }
0x82: {  	_ =	shalt  }
0x83: {  	_ =	shalt  }
0x84: {  	_ =	shalt  }
0x85: {  	_ =	shalt  }
0x86: {  	_ =	shalt  }
0x87: {  	_ =	shalt  }
.Lfunc_end0:
.L_simem_size_0:
called_computation_lowered:
.L_overlay_start_0:
0x88: {  	s2 =	sld [smem:$0x3FD9]  }
0x89: {  	s3 =	sld [smem:$0x3FFE];
	_ =	sdelay $0x1  }
0x8a: {  	s1 =	srdreg.scid  }
0x8b: {  	s0 =	sand.u32 $0x1, s1  }
0x8c: {  	s17 =	sshll.u32 s0, $0xA;
	s2 =	sadd.s32 s3, s2  }
0x8d: {  	s2 =	sadd.s32 s2, s17  }
0x8e: {  	[smem:$0x3FC6] =	sst s2  }
0x8f: {  	_ = 	snop  }
0x90: {  	s2 =	sld [smem:$0x3FC8]  }
0x91: {  	s18 =	sld [smem:$0x3FD0];
	(tm) =	ssettm $0x1  }
0x92: {  	s4 =	sld [smem:$0x3FFB];
	_ =	sdelay $0x3  }
0x93: {  	_ =	strace s4  }
0x94: {  	s4 =	sld [smem:$0x3FFC];
	_ =	sdelay $0x3  }
0x95: {  	_ =	strace s4  }
0x96: {  	s4 =	sld [smem:$0x3FFD];
	_ =	sdelay $0x3  }
0x97: {  	_ =	strace s4  }
0x98: {  	_ =	strace $0x8FFFFFFF  }
0x99: {  	s19 =	sld [smem:$0x3FDB];
	_ =	sdelay $0x1  }
0x9a: {  	s5 =	simm.s32 $_scs_section_size  }
0x9b: {  	s6 =	simm.s32 $_size__tile_overlayer_lowered;
	s7 =	simm.s32 $_tile_overlayer_lowered  }
0x9c: {  	s22 =	simm.s32 $0x1BFF;
	s21 =	sshll.u32 s7, $0x1;
	s4 =	sadd.s32 s5, s19  }
0x9d: {  	s8 =	simm.s32 $0x0;
	s20 =	sshll.u32 s6, $0x1;
	s6 =	sadd.s32 s21, s4  }
0x9e: {  	[timem:s8], [sflag:s22] =	dma.local [hbm:s6], s20  }
0x9f: {  	_ =	swait.ge [sflag:s22], s20  }
0xa0: {  	s5 =	ssub.s32 $0x0, s20;
	[sflag:s22] =	ssyncset.done $0x0  }
0xa1: {  	[sflag:s22] =	ssyncadd.s32 s5;
	_ =	sdelay $0x1  }
0xa2: {  	s23 =	simm.s32 $0x1B8B  }
0xa3: {  	_ =	swait.ge [sflag:s23], $0x1  }
0xa4: {  	[sflag:s23] =	ssyncset.done $0x0  }
0xa5: {  	s25 =	simm.s32 $0x1B8E;
	s24 =	sld [smem:$0x3FFE];
	[sflag:s23] =	ssyncadd.s32 $0xFFFFFFFF  }
0xa6: {  	s26 =	simm.s32 $execute0_lowered;
	[smem:$0x3FD2] =	sst s25  }
0xa7: {  	s6 =	sshll.u32 s26, $0x1;
	_ =	strace $0x80000046;
	[dreg:$0x1] =	wrdreg $0xFFFFFFFF  }
0xa8: {  	s28 =	simm.s32 $_size_execute0_lowered;
	s4 =	sadd.s32 s4, s6;
	[dreg:$0x0] =	wrdreg $0x0  }
0xa9: {  	s6 =	sshll.u32 s28, $0x1;
	[dreg:$0x2] =	wrdreg s4  }
0xaa: {  	[dreg:$0x3] =	wrdreg s6  }
0xab: {  	[dreg:$0x4] =	wrdreg $0xC0  }
0xac: {  	_ =	task [dreg:s8], $0x5FFFF  }
0xad: {  	[dreg:$0x1] =	wrdreg $0xFFFFFFFF  }
0xae: {  	[dreg:$0x0] =	wrdreg $0x60  }
0xaf: {  	[dreg:$0x2] =	wrdreg s24  }
0xb0: {  	[dreg:$0x3] =	wrdreg s2  }
0xb1: {  	[dreg:$0x4] =	wrdreg s18  }
0xb2: {  	[dreg:$0x5] =	wrdreg $0x9  }
0xb3: {  	_ =	task.clear_ibuf [dreg:s8], $0x6FFFF;
	_ =	strace $0x90000046  }
0xb4: {  	s29 =	simm.s32 $0x9;
	_ =	strace $0x80000048  }
0xb5: {  	_ =	swait.ge [sflag:s29], $0x1  }
0xb6: {  	[sflag:s29] =	ssyncadd.s32 $0xFFFFFFFF  }
0xb7: {  	_ =	strace $0x90000048  }
0xb8: {  	_ =	sfence  }
0xb9: {  	s30 =	sld [smem:$0x0];
	_ =	sdelay $0x2  }
0xba: {  	s31 =	sshll.u32 s1, $0xD;
	s1 =	sshrl.u32 s1, $0x2  }
0xbb: {  	s3 =	sand.u32 $0x4000, s31;
	s1 =	sadd.s32 s1, s30  }
0xbc: {  	s0 =	sor.u32 s3, s0;
	s1 =	sshll.u32 s1, $0x11  }
0xbd: {  	s0 =	sor.u32 s1, s0  }
0xbe: {  	s0 =	sadd.s32 $0x8F2B, s0  }
0xbf: {  	[sflag:s0] =	ssyncadd.remote.s32 $0x1  }
0xc0: {  	_ =	sfence.sel $0xFFFF  }
0xc1: {  	[dreg:$0x0] =	wrdreg $0xFFFFFFFF;
	(pc) =	sbr.abs _section_cstart, $3  }
0xc2: {  	[dreg:$0x1] =	wrdreg $0xFFFFFFFF  }
0xc3: {  	_ =	task.clear_ibuf [dreg:s8], $0x2FFFF;
	_ =	strace $0x9FFFFFFF  }
0xc4: {  	(tm) =	ssettm $0x7FFFFFFF  }
0xc5: {  	_ =	shalt  }
tec
execute0_lowered:
.L_overlay_start_1:
0x0: {  	(tag) =	ssettag $0x1  }
0x1: {  	s0 =	rddreg [dreg:$0x0];
	s1 =	srdreg.scid  }
0x2: {  	s2 =	stileid.u32;
	s3 =	rddreg [dreg:$0x2];
	s4 =	simm.s32 $0x0  }
0x3: {  	s14 =	simm.s32 $0x7;
	s15 =	simm.s32 $0x100;
	s16 =	simm.s32 $0x300  }
0x4: {  	s17 =	simm.s32 $0x1;
	s18 =	simm.s32 $0x500;
	s19 =	simm.s32 $0x6900  }
0x5: {  	s20 =	simm.s32 $0x2;
	s21 =	simm.s32 $0xCD00;
	s22 =	simm.s32 $0x13100  }
0x6: {  	s23 =	simm.s32 $0x3;
	s1 =	sand.u32 $0x1, s1;
	s2 =	sshll.u32 s2, $0x1  }
0x7: {  	s24 =	simm.s32 $0x4;
	s25 =	simm.s32 $0x5;
	s2 =	sor.u32 s1, s2  }
0x8: {  	s26 =	simm.s32 $0x6;
	s28 =	simm.s32 $0x0;
	s5 =	smul.u32 $0x19000, s2  }
.Ltmp0:
0x9: {  	[smem:$0x7FF] =	sst s4;
	s29 =	ssub.s32 $0x2, s1;
	(pc) =	sbr.rel .LBB2_1-.Ltmp0, $4  }
0xa: {  	s6 =	sadd.s32 $0x400, s0;
	s9 =	sadd.s32 $0xC80, s3;
	s31 =	sshrl.u32 s29, $0x1  }
0xb: {  	_ =	strace $0x80000047;
	s0 =	ssub.s32 s29, s31;
	s30 =	sshrl.u32 s5, $0x3  }
0xc: {  	s10 =	sor.u32 $0x320, s5;
	s11 =	sor.u32 $0x190, s5;
	s7 =	sadd.s32 s6, s30  }
0xd: {  	s12 =	sor.u32 $0x4B0, s5;
	s13 =	smax.u32 s0, $0x1;
	s8 =	sadd.s32 $0x32, s7  }
.LBB2_8:
0xe: {  	_ =	swait.ge [sflag:s23], $0x6400  }
0xf: {  	[sflag:s23] =	ssyncset.done $0x0  }
0x10: {  	[sflag:s23] =	ssyncadd.s32 $0xFFFF9C00  }
0x11: {  	_ =	swait.ge [sflag:s24], $0x6400  }
0x12: {  	[sflag:s24] =	ssyncset.done $0x0  }
0x13: {  	s28 =	sadd.s32 $0x1, s28;
	[sflag:s24] =	ssyncadd.s32 $0xFFFF9C00  }
0x14: {  	p0 =	sne.s32 s28, s13;
	_ =	swait.ge [sflag:s25], $0x6400  }
.Ltmp1:
0x15: {  	[sflag:s25] =	ssyncset.done $0x0;
	(pc) =	sbr.rel @!p0 .LBB2_9-.Ltmp1, $4  }
0x16: {  	[sflag:s25] =	ssyncadd.s32 $0xFFFF9C00  }
0x17: {  	_ =	swait.ge [sflag:s26], $0x6400  }
0x18: {  	[sflag:s26] =	ssyncset.done $0x0  }
0x19: {  	[sflag:s26] =	ssyncadd.s32 $0xFFFF9C00  }
.LBB2_1:
0x1a: {  	s0 =	rddreg [dreg:$0x1]  }
0x1b: {  	[tilespmem:s4], [sflag:$0x7] =	stream.linear.gather [hbm4b:s0+s4], $0x100, $0x38;
	[tilespmem:$0x19500] =	vst v63  }
0x1c: {  	_ =	swait.ge [sflag:s14], $0x100  }
0x1d: {  	[sflag:s14] =	ssyncset.done $0x0  }
0x1e: {  	[sflag:s14] =	ssyncadd.s32 $0xFFFFFF00  }
0x1f: {  	v0 =	vld [tilespmem:$0x0]  }
0x20: {  	v1 =	vld [tilespmem:$0x10]  }
0x21: {  	v2 =	vld [tilespmem:$0x20]  }
0x22: {  	v3 =	vld [tilespmem:$0x30]  }
0x23: {  	v4 =	vld [tilespmem:$0x40]  }
0x24: {  	v5 =	vld [tilespmem:$0x50]  }
0x25: {  	v6 =	vld [tilespmem:$0x60]  }
0x26: {  	v7 =	vld [tilespmem:$0x70]  }
0x27: {  	v8 =	vld [tilespmem:$0x80]  }
0x28: {  	v9 =	vld [tilespmem:$0x90]  }
0x29: {  	v10 =	vld [tilespmem:$0xA0]  }
0x2a: {  	v11 =	vld [tilespmem:$0xB0]  }
0x2b: {  	v12 =	vld [tilespmem:$0xC0]  }
0x2c: {  	v13 =	vld [tilespmem:$0xD0]  }
0x2d: {  	v14 =	vld [tilespmem:$0xE0]  }
0x2e: {  	v15 =	vld [tilespmem:$0xF0];
	_ =	sdelay $0x1  }
0x2f: {  	v8 =	vsub.f32 v8, v0;
	v9 =	vsub.f32 v9, v1  }
0x30: {  	[tilespmem:s15], [sflag:$0x1] =	stream.linear.gather [hbm4b:s7+s4], $0x190, $0x38;
	v10 =	vsub.f32 v10, v2;
	v11 =	vsub.f32 v11, v3;
	[tilespmem:$0x19500] =	vst v63  }
0x31: {  	s29 =	simm.s32 $0x0;
	v12 =	vsub.f32 v12, v4;
	v13 =	vsub.f32 v13, v5  }
0x32: {  	[tilespmem:s16], [sflag:$0x2] =	stream.linear.gather [hbm4b:s8+s4], $0x190, $0x38;
	v14 =	vsub.f32 v14, v6;
	v15 =	vsub.f32 v15, v7;
	[tilespmem:$0x19500] =	vst v63  }
.LBB2_2:
0x33: {  	_ =	swait.ge [sflag:s17], $0x190  }
0x34: {  	p0 =	seq.s32 s29, $0x0;
	[sflag:s17] =	ssyncset.done $0x0  }
0x35: {  	s0 =	simm.s32 @!p0 $0x3;
	[sflag:s17] =	ssyncadd.s32 $0xFFFFFE70  }
0x36: {  	_ =	swait.ge @!p0 [sflag:s0], $0x6400  }
0x37: {  	[sflag:s0] =	ssyncset.done @!p0 $0x0  }
0x38: {  	[sflag:s0] =	ssyncadd.s32 @!p0 $0xFFFF9C00;
	s0 =	simm.s32 @!p0 $0x4  }
0x39: {  	_ =	swait.ge @!p0 [sflag:s0], $0x6400  }
0x3a: {  	[sflag:s0] =	ssyncset.done @!p0 $0x0  }
0x3b: {  	s2 =	simm.s32 $0x0;
	[sflag:s0] =	ssyncadd.s32 @!p0 $0xFFFF9C00  }
0x3c: {  	v16 =	vld [tilespmem:s2+$0x100];
	_ =	sdelay $0x4  }
0x3d: {  	v16 =	vcvt.s32.f32 v16;
	_ =	sdelay $0x1  }
0x3e: {  	v17 =	vbroadcast v16, $0x0;
	_ =	sdelay $0x1  }
0x3f: {  	v18 =	vmul.f32 v17, v8  }
0x40: {  	v19 =	vmul.f32 v17, v9  }
0x41: {  	v20 =	vmul.f32 v17, v10;
	v18 =	vadd.f32 v18, v0  }
0x42: {  	s31 =	simm.s32 $0x900;
	v21 =	vmul.f32 v17, v11;
	v19 =	vadd.f32 v19, v1  }
0x43: {  	v22 =	vmul.f32 v17, v12;
	v20 =	vadd.f32 v20, v2;
	[tilespmem:s31+$0xFFFFFC00] =	vst v18  }
0x44: {  	v50 =	vmul.f32 v17, v13;
	v49 =	vadd.f32 v21, v3;
	[tilespmem:s31+$0xFFFFFC10] =	vst v19  }
0x45: {  	v51 =	vbroadcast v16, $0x1;
	v23 =	vmul.f32 v17, v14;
	v22 =	vadd.f32 v22, v4;
	[tilespmem:s31+$0xFFFFFC20] =	vst v20  }
0x46: {  	v17 =	vmul.f32 v17, v15;
	v52 =	vadd.f32 v50, v5;
	[tilespmem:s31+$0xFFFFFC30] =	vst v49  }
0x47: {  	v61 =	vbroadcast v16, $0x2;
	v55 =	vmul.f32 v51, v9;
	v54 =	vadd.f32 v23, v6;
	[tilespmem:s31+$0xFFFFFC40] =	vst v22  }
0x48: {  	v62 =	vmul.f32 v51, v14;
	v17 =	vadd.f32 v17, v7;
	[tilespmem:s31+$0xFFFFFC50] =	vst v52  }
0x49: {  	v30 =	vbroadcast v16, $0x3;
	v63 =	vmul.f32 v61, v8;
	v57 =	vadd.f32 v55, v1;
	[tilespmem:s31+$0xFFFFFC60] =	vst v54  }
0x4a: {  	v31 =	vmul.f32 v61, v14;
	v24 =	vadd.f32 v62, v6;
	[tilespmem:s31+$0xFFFFFC70] =	vst v17  }
0x4b: {  	v36 =	vmul.f32 v30, v11;
	v26 =	vadd.f32 v63, v0;
	[tilespmem:s31+$0xFFFFFC90] =	vst v57  }
0x4c: {  	v38 =	vmul.f32 v30, v13;
	v33 =	vadd.f32 v31, v6;
	[tilespmem:s31+$0xFFFFFCE0] =	vst v24  }
0x4d: {  	v53 =	vmul.f32 v51, v8;
	v21 =	vadd.f32 v36, v3;
	[tilespmem:s31+$0xFFFFFD00] =	vst v26  }
0x4e: {  	v56 =	vmul.f32 v51, v10;
	v42 =	vadd.f32 v38, v5;
	[tilespmem:s31+$0xFFFFFD60] =	vst v33  }
0x4f: {  	v58 =	vmul.f32 v51, v11;
	v18 =	vadd.f32 v53, v0;
	[tilespmem:s31+$0xFFFFFDB0] =	vst v21  }
0x50: {  	v40 =	vbroadcast v16, $0x4;
	v59 =	vmul.f32 v51, v12;
	v17 =	vadd.f32 v56, v2;
	[tilespmem:s31+$0xFFFFFDD0] =	vst v42  }
0x51: {  	v27 =	vmul.f32 v61, v10;
	v22 =	vadd.f32 v58, v3;
	[tilespmem:s31+$0xFFFFFC80] =	vst v18  }
0x52: {  	v43 =	vmul.f32 v40, v8;
	v20 =	vadd.f32 v59, v4;
	[tilespmem:s31+$0xFFFFFCA0] =	vst v17  }
0x53: {  	v60 =	vmul.f32 v51, v13;
	v19 =	vadd.f32 v27, v2;
	[tilespmem:s31+$0xFFFFFCB0] =	vst v22  }
0x54: {  	v25 =	vmul.f32 v61, v9;
	v21 =	vadd.f32 v43, v0;
	[tilespmem:s31+$0xFFFFFCC0] =	vst v20  }
0x55: {  	v28 =	vmul.f32 v61, v11;
	v18 =	vadd.f32 v60, v5;
	[tilespmem:s31+$0xFFFFFD20] =	vst v19  }
0x56: {  	v32 =	vmul.f32 v61, v15;
	v20 =	vadd.f32 v25, v1;
	[tilespmem:s31+$0xFFFFFE00] =	vst v21  }
0x57: {  	v48 =	vbroadcast v16, $0x5;
	v47 =	vmul.f32 v40, v13;
	v22 =	vadd.f32 v28, v3;
	[tilespmem:s31+$0xFFFFFCD0] =	vst v18  }
0x58: {  	v17 =	vmul.f32 v51, v15;
	v19 =	vadd.f32 v32, v7;
	[tilespmem:s31+$0xFFFFFD10] =	vst v20  }
0x59: {  	v52 =	vmul.f32 v48, v10;
	v21 =	vadd.f32 v47, v5;
	[tilespmem:s31+$0xFFFFFD30] =	vst v22  }
0x5a: {  	v57 =	vmul.f32 v48, v14;
	v17 =	vadd.f32 v17, v7;
	[tilespmem:s31+$0xFFFFFD70] =	vst v19  }
0x5b: {  	v29 =	vmul.f32 v61, v13;
	v54 =	vadd.f32 v52, v2;
	[tilespmem:s31+$0xFFFFFE50] =	vst v21  }
0x5c: {  	v59 =	vadd.f32 v57, v6;
	[tilespmem:s31+$0xFFFFFCF0] =	vst v17;
	v17 =	vmul.f32 v61, v12  }
0x5d: {  	v34 =	vmul.f32 v30, v8;
	v18 =	vadd.f32 v29, v5;
	[tilespmem:s31+$0xFFFFFEA0] =	vst v54  }
0x5e: {  	v39 =	vmul.f32 v30, v14;
	[tilespmem:s31+$0xFFFFFEE0] =	vst v59;
	v17 =	vadd.f32 v17, v4  }
0x5f: {  	v45 =	vmul.f32 v40, v10;
	v22 =	vadd.f32 v34, v0;
	[tilespmem:s31+$0xFFFFFD50] =	vst v18  }
0x60: {  	v19 =	vadd.f32 v39, v6;
	[tilespmem:s31+$0xFFFFFD40] =	vst v17;
	v17 =	vmul.f32 v30, v9  }
0x61: {  	v55 =	vmul.f32 v48, v12;
	v20 =	vadd.f32 v45, v2;
	[tilespmem:s31+$0xFFFFFD80] =	vst v22  }
0x62: {  	v37 =	vmul.f32 v30, v12;
	[tilespmem:s31+$0xFFFFFDE0] =	vst v19;
	v17 =	vadd.f32 v17, v1  }
0x63: {  	v35 =	vmul.f32 v30, v10;
	v21 =	vadd.f32 v55, v4;
	[tilespmem:s31+$0xFFFFFE20] =	vst v20  }
0x64: {  	v41 =	vmul.f32 v30, v15;
	[tilespmem:s31+$0xFFFFFD90] =	vst v17;
	v17 =	vadd.f32 v37, v4  }
0x65: {  	v46 =	vmul.f32 v40, v11;
	v18 =	vadd.f32 v35, v2;
	[tilespmem:s31+$0xFFFFFEC0] =	vst v21  }
0x66: {  	v49 =	vmul.f32 v40, v14;
	[tilespmem:s31+$0xFFFFFDC0] =	vst v17;
	v17 =	vadd.f32 v41, v7  }
0x67: {  	v50 =	vmul.f32 v40, v15;
	v19 =	vadd.f32 v46, v3;
	[tilespmem:s31+$0xFFFFFDA0] =	vst v18  }
0x68: {  	v22 =	vadd.f32 v49, v6;
	[tilespmem:s31+$0xFFFFFDF0] =	vst v17;
	v17 =	vmul.f32 v40, v12  }
0x69: {  	v44 =	vmul.f32 v40, v9;
	v20 =	vadd.f32 v50, v7;
	[tilespmem:s31+$0xFFFFFE30] =	vst v19  }
0x6a: {  	v51 =	vmul.f32 v48, v8;
	[tilespmem:s31+$0xFFFFFE60] =	vst v22;
	v17 =	vadd.f32 v17, v4  }
0x6b: {  	v53 =	vmul.f32 v48, v11;
	v34 =	vbroadcast v16, $0x8;
	v18 =	vadd.f32 v44, v1;
	[tilespmem:s31+$0xFFFFFE70] =	vst v20  }
0x6c: {  	v19 =	vadd.f32 v51, v0;
	[tilespmem:s31+$0xFFFFFE40] =	vst v17;
	v17 =	vmul.f32 v48, v9  }
0x6d: {  	v42 =	vmul.f32 v34, v13;
	v22 =	vadd.f32 v53, v3;
	[tilespmem:s31+$0xFFFFFE10] =	vst v18  }
0x6e: {  	v43 =	vmul.f32 v34, v14;
	[tilespmem:s31+$0xFFFFFE80] =	vst v19;
	v17 =	vadd.f32 v17, v1  }
0x6f: {  	v56 =	vmul.f32 v48, v13;
	v44 =	vadd.f32 v42, v5;
	[tilespmem:s31+$0xFFFFFEB0] =	vst v22  }
0x70: {  	v46 =	vadd.f32 v43, v6;
	v18 =	vmul.f32 v48, v15;
	[tilespmem:s31+$0xFFFFFE90] =	vst v17;
	v17 =	vbroadcast v16, $0x6  }
0x71: {  	v38 =	vmul.f32 v34, v10;
	v19 =	vadd.f32 v56, v5;
	[tilespmem:s31+$0x50] =	vst v44  }
0x72: {  	[tilespmem:s31+$0x60] =	vst v46;
	v18 =	vadd.f32 v18, v7;
	v58 =	vmul.f32 v17, v8  }
0x73: {  	[tilespmem:s31+$0xFFFFFED0] =	vst v19;
	v40 =	vadd.f32 v38, v2;
	v60 =	vmul.f32 v17, v9  }
0x74: {  	[tilespmem:s31+$0xFFFFFEF0] =	vst v18;
	v62 =	vmul.f32 v17, v10;
	v61 =	vadd.f32 v58, v0  }
0x75: {  	[tilespmem:s31+$0x20] =	vst v40;
	v63 =	vmul.f32 v17, v11;
	v21 =	vadd.f32 v60, v1  }
0x76: {  	v24 =	vmul.f32 v17, v12;
	v20 =	vadd.f32 v62, v2;
	[tilespmem:s31+$0xFFFFFF00] =	vst v61  }
0x77: {  	v25 =	vmul.f32 v17, v13;
	v22 =	vadd.f32 v63, v3;
	[tilespmem:s31+$0xFFFFFF10] =	vst v21  }
0x78: {  	v27 =	vbroadcast v16, $0x7;
	v26 =	vmul.f32 v17, v14;
	v18 =	vadd.f32 v24, v4;
	[tilespmem:s31+$0xFFFFFF20] =	vst v20  }
0x79: {  	v17 =	vmul.f32 v17, v15;
	v19 =	vadd.f32 v25, v5;
	[tilespmem:s31+$0xFFFFFF30] =	vst v22  }
0x7a: {  	v29 =	vmul.f32 v27, v8;
	v28 =	vadd.f32 v26, v6;
	[tilespmem:s31+$0xFFFFFF40] =	vst v18  }
0x7b: {  	v30 =	vmul.f32 v27, v9;
	v17 =	vadd.f32 v17, v7;
	[tilespmem:s31+$0xFFFFFF50] =	vst v19  }
0x7c: {  	v31 =	vmul.f32 v27, v10;
	v21 =	vadd.f32 v29, v0;
	[tilespmem:s31+$0xFFFFFF60] =	vst v28  }
0x7d: {  	v32 =	vmul.f32 v27, v11;
	v18 =	vadd.f32 v30, v1;
	[tilespmem:s31+$0xFFFFFF70] =	vst v17  }
0x7e: {  	v35 =	vmul.f32 v27, v14;
	v53 =	vbroadcast v16, $0xA;
	v19 =	vadd.f32 v31, v2;
	[tilespmem:s31+$0xFFFFFF80] =	vst v21  }
0x7f: {  	v17 =	vmul.f32 v27, v12;
	v20 =	vadd.f32 v32, v3;
	[tilespmem:s31+$0xFFFFFF90] =	vst v18  }
0x80: {  	v60 =	vmul.f32 v53, v13;
	v22 =	vadd.f32 v35, v6;
	[tilespmem:s31+$0xFFFFFFA0] =	vst v19  }
0x81: {  	v33 =	vmul.f32 v27, v13;
	v17 =	vadd.f32 v17, v4;
	[tilespmem:s31+$0xFFFFFFB0] =	vst v20  }
0x82: {  	v36 =	vmul.f32 v27, v15;
	v24 =	vadd.f32 v60, v5;
	[tilespmem:s31+$0xFFFFFFE0] =	vst v22  }
0x83: {  	v21 =	vadd.f32 v33, v5;
	[tilespmem:s31+$0xFFFFFFC0] =	vst v17;
	v17 =	vmul.f32 v34, v9  }
0x84: {  	v37 =	vmul.f32 v34, v8;
	v19 =	vadd.f32 v36, v7;
	[tilespmem:s31+$0x150] =	vst v24  }
0x85: {  	v39 =	vmul.f32 v34, v11;
	[tilespmem:s31+$0xFFFFFFD0] =	vst v21;
	v17 =	vadd.f32 v17, v1  }
0x86: {  	v41 =	vmul.f32 v34, v12;
	v30 =	vbroadcast v16, $0xC;
	v20 =	vadd.f32 v37, v0;
	[tilespmem:s31+$0xFFFFFFF0] =	vst v19  }
0x87: {  	v22 =	vadd.f32 v39, v3;
	v18 =	vmul.f32 v34, v15;
	[tilespmem:s31+$0x10] =	vst v17;
	v17 =	vbroadcast v16, $0x9  }
0x88: {  	v38 =	vmul.f32 v30, v14;
	[tilespmem:s31+$0x0] =	vst v20;
	v21 =	vadd.f32 v41, v4  }
0x89: {  	[tilespmem:s31+$0x30] =	vst v22;
	v18 =	vadd.f32 v18, v7;
	v45 =	vmul.f32 v17, v8  }
0x8a: {  	v40 =	vadd.f32 v38, v6;
	[tilespmem:s31+$0x40] =	vst v21;
	v47 =	vmul.f32 v17, v9  }
0x8b: {  	[tilespmem:s31+$0x70] =	vst v18;
	v49 =	vmul.f32 v17, v10;
	v48 =	vadd.f32 v45, v0  }
0x8c: {  	[tilespmem:s31+$0x260] =	vst v40;
	v50 =	vmul.f32 v17, v11;
	v21 =	vadd.f32 v47, v1  }
0x8d: {  	v51 =	vmul.f32 v17, v12;
	v20 =	vadd.f32 v49, v2;
	[tilespmem:s31+$0x80] =	vst v48  }
0x8e: {  	v52 =	vmul.f32 v17, v13;
	v22 =	vadd.f32 v50, v3;
	[tilespmem:s31+$0x90] =	vst v21  }
0x8f: {  	v54 =	vmul.f32 v17, v14;
	v18 =	vadd.f32 v51, v4;
	[tilespmem:s31+$0xA0] =	vst v20  }
0x90: {  	v17 =	vmul.f32 v17, v15;
	v19 =	vadd.f32 v52, v5;
	[tilespmem:s31+$0xB0] =	vst v22  }
0x91: {  	v56 =	vmul.f32 v53, v8;
	v55 =	vadd.f32 v54, v6;
	[tilespmem:s31+$0xC0] =	vst v18  }
0x92: {  	v57 =	vmul.f32 v53, v9;
	v17 =	vadd.f32 v17, v7;
	[tilespmem:s31+$0xD0] =	vst v19  }
0x93: {  	v58 =	vmul.f32 v53, v10;
	v62 =	vbroadcast v16, $0xB;
	v22 =	vadd.f32 v56, v0;
	[tilespmem:s31+$0xE0] =	vst v55  }
0x94: {  	v59 =	vmul.f32 v53, v11;
	v18 =	vadd.f32 v57, v1;
	[tilespmem:s31+$0xF0] =	vst v17  }
0x95: {  	v27 =	vmul.f32 v62, v10;
	v19 =	vadd.f32 v58, v2;
	[tilespmem:s31+$0x100] =	vst v22  }
0x96: {  	v17 =	vmul.f32 v53, v12;
	v20 =	vadd.f32 v59, v3;
	[tilespmem:s31+$0x110] =	vst v18  }
0x97: {  	v61 =	vmul.f32 v53, v14;
	v21 =	vadd.f32 v27, v2;
	[tilespmem:s31+$0x120] =	vst v19  }
0x98: {  	v25 =	vmul.f32 v62, v8;
	v17 =	vadd.f32 v17, v4;
	[tilespmem:s31+$0x130] =	vst v20  }
0x99: {  	v63 =	vmul.f32 v53, v15;
	v18 =	vadd.f32 v61, v6;
	[tilespmem:s31+$0x1A0] =	vst v21  }
0x9a: {  	v26 =	vmul.f32 v62, v9;
	v20 =	vadd.f32 v25, v0;
	[tilespmem:s31+$0x140] =	vst v17  }
0x9b: {  	v31 =	vmul.f32 v62, v14;
	v17 =	vadd.f32 v63, v7;
	[tilespmem:s31+$0x160] =	vst v18  }
0x9c: {  	v32 =	vmul.f32 v62, v15;
	v19 =	vadd.f32 v26, v1;
	[tilespmem:s31+$0x180] =	vst v20  }
0x9d: {  	v22 =	vadd.f32 v31, v6;
	[tilespmem:s31+$0x170] =	vst v17;
	v17 =	vmul.f32 v62, v12  }
0x9e: {  	v28 =	vmul.f32 v62, v11;
	v21 =	vadd.f32 v32, v7;
	[tilespmem:s31+$0x190] =	vst v19  }
0x9f: {  	v29 =	vmul.f32 v62, v13;
	[tilespmem:s31+$0x1E0] =	vst v22;
	v17 =	vadd.f32 v17, v4  }
0xa0: {  	v35 =	vmul.f32 v30, v11;
	v18 =	vadd.f32 v28, v3;
	[tilespmem:s31+$0x1F0] =	vst v21  }
0xa1: {  	v20 =	vadd.f32 v29, v5;
	[tilespmem:s31+$0x1C0] =	vst v17;
	v17 =	vmul.f32 v30, v9  }
0xa2: {  	v36 =	vmul.f32 v30, v12;
	v22 =	vadd.f32 v35, v3;
	[tilespmem:s31+$0x1B0] =	vst v18  }
0xa3: {  	v33 =	vmul.f32 v30, v8;
	[tilespmem:s31+$0x1D0] =	vst v20;
	v17 =	vadd.f32 v17, v1  }
0xa4: {  	v34 =	vmul.f32 v30, v10;
	v21 =	vadd.f32 v36, v4;
	[tilespmem:s31+$0x230] =	vst v22  }
0xa5: {  	v19 =	vmul.f32 v30, v15;
	v18 =	vadd.f32 v33, v0;
	[tilespmem:s31+$0x210] =	vst v17;
	v17 =	vbroadcast v16, $0xD  }
0xa6: {  	v37 =	vmul.f32 v30, v13;
	v20 =	vadd.f32 v34, v2;
	[tilespmem:s31+$0x240] =	vst v21  }
0xa7: {  	v19 =	vadd.f32 v19, v7;
	[tilespmem:s31+$0x200] =	vst v18;
	v39 =	vmul.f32 v17, v8  }
0xa8: {  	[tilespmem:s31+$0x220] =	vst v20;
	v18 =	vadd.f32 v37, v5;
	v41 =	vmul.f32 v17, v9  }
0xa9: {  	[tilespmem:s31+$0x270] =	vst v19;
	v43 =	vmul.f32 v17, v10;
	v42 =	vadd.f32 v39, v0  }
0xaa: {  	[tilespmem:s31+$0x250] =	vst v18;
	v44 =	vmul.f32 v17, v11;
	v21 =	vadd.f32 v41, v1  }
0xab: {  	v45 =	vmul.f32 v17, v12;
	v20 =	vadd.f32 v43, v2;
	[tilespmem:s31+$0x280] =	vst v42  }
0xac: {  	v48 =	vbroadcast v16, $0xE;
	v46 =	vmul.f32 v17, v13;
	v22 =	vadd.f32 v44, v3;
	[tilespmem:s31+$0x290] =	vst v21  }
0xad: {  	v16 =	vbroadcast v16, $0xF;
	v47 =	vmul.f32 v17, v14;
	v19 =	vadd.f32 v45, v4;
	[tilespmem:s31+$0x2A0] =	vst v20  }
0xae: {  	v17 =	vmul.f32 v17, v15;
	v18 =	vadd.f32 v46, v5;
	[tilespmem:s31+$0x2B0] =	vst v22  }
0xaf: {  	v58 =	vmul.f32 v16, v10;
	v49 =	vadd.f32 v47, v6;
	[tilespmem:s31+$0x2C0] =	vst v19  }
0xb0: {  	v62 =	vmul.f32 v16, v13;
	v17 =	vadd.f32 v17, v7;
	[tilespmem:s31+$0x2D0] =	vst v18  }
0xb1: {  	v50 =	vmul.f32 v48, v8;
	v60 =	vadd.f32 v58, v2;
	[tilespmem:s31+$0x2E0] =	vst v49  }
0xb2: {  	v51 =	vmul.f32 v48, v9;
	v63 =	vadd.f32 v62, v5;
	[tilespmem:s31+$0x2F0] =	vst v17  }
0xb3: {  	v52 =	vmul.f32 v48, v10;
	v21 =	vadd.f32 v50, v0;
	[tilespmem:s31+$0x3A0] =	vst v60  }
0xb4: {  	v53 =	vmul.f32 v48, v11;
	v19 =	vadd.f32 v51, v1;
	[tilespmem:s31+$0x3D0] =	vst v63  }
0xb5: {  	v17 =	vmul.f32 v48, v12;
	v18 =	vadd.f32 v52, v2;
	[tilespmem:s31+$0x300] =	vst v21  }
0xb6: {  	v54 =	vmul.f32 v48, v13;
	v20 =	vadd.f32 v53, v3;
	[tilespmem:s31+$0x310] =	vst v19  }
0xb7: {  	v55 =	vmul.f32 v48, v14;
	v17 =	vadd.f32 v17, v4;
	[tilespmem:s31+$0x320] =	vst v18  }
0xb8: {  	v56 =	vmul.f32 v48, v15;
	v21 =	vadd.f32 v54, v5;
	[tilespmem:s31+$0x330] =	vst v20  }
0xb9: {  	v19 =	vadd.f32 v55, v6;
	[tilespmem:s31+$0x340] =	vst v17;
	v17 =	vmul.f32 v16, v9  }
0xba: {  	v57 =	vmul.f32 v16, v8;
	v18 =	vadd.f32 v56, v7;
	[tilespmem:s31+$0x350] =	vst v21  }
0xbb: {  	v59 =	vmul.f32 v16, v11;
	[tilespmem:s31+$0x360] =	vst v19;
	v17 =	vadd.f32 v17, v1  }
0xbc: {  	v61 =	vmul.f32 v16, v12;
	v20 =	vadd.f32 v57, v0;
	[tilespmem:s31+$0x370] =	vst v18  }
0xbd: {  	v19 =	vadd.f32 v59, v3;
	[tilespmem:s31+$0x390] =	vst v17;
	v17 =	vmul.f32 v16, v14  }
0xbe: {  	[tilespmem:s31+$0x380] =	vst v20;
	v21 =	vadd.f32 v61, v4;
	v16 =	vmul.f32 v16, v15  }
0xbf: {  	[tilespmem:s31+$0x3B0] =	vst v19;
	v17 =	vadd.f32 v17, v6  }
0xc0: {  	s30 =	smul.u32 $0x320, s29;
	[tilespmem:s31+$0x3C0] =	vst v21;
	v16 =	vadd.f32 v16, v7  }
0xc1: {  	[tilespmem:s31+$0x3E0] =	vst v17  }
0xc2: {  	s1 =	sadd.s32 s5, s30;
	s0 =	simm.s32 $0x80;
	s2 =	simm.s32 $0x10;
	[tilespmem:s31+$0x3F0] =	vst v16  }
.LBB2_3:
0xc3: {  	p1 =	sne.s32 s0, $0x600;
	v16 =	vld [tilespmem:s2+$0x100];
	_ =	sdelay $0x4  }
0xc4: {  	v16 =	vcvt.s32.f32 v16;
	_ =	sdelay $0x1  }
0xc5: {  	v17 =	vbroadcast v16, $0x0;
	v18 =	vbroadcast v16, $0x1  }
0xc6: {  	v19 =	vbroadcast v16, $0x2;
	v20 =	vbroadcast v16, $0x3  }
0xc7: {  	v21 =	vmul.f32 v17, v8;
	v22 =	vmul.f32 v17, v9  }
0xc8: {  	v23 =	vmul.f32 v17, v10;
	v24 =	vmul.f32 v17, v11  }
0xc9: {  	v25 =	vmul.f32 v17, v12;
	v21 =	vadd.f32 v21, v0;
	v22 =	vadd.f32 v22, v1  }
0xca: {  	s31 =	sadd.s32 $0x800, s31;
	v26 =	vmul.f32 v17, v13;
	v23 =	vadd.f32 v23, v2;
	v24 =	vadd.f32 v24, v3  }
0xcb: {  	[tilespmem:s31+$0xFFFFFC00] =	vst v21;
	v21 =	vadd.f32 v25, v4;
	v25 =	vmul.f32 v17, v14;
	v17 =	vmul.f32 v17, v15  }
0xcc: {  	v27 =	vmul.f32 v18, v9;
	[tilespmem:s31+$0xFFFFFC10] =	vst v22;
	v22 =	vadd.f32 v26, v5;
	v26 =	vmul.f32 v18, v8  }
0xcd: {  	[tilespmem:s31+$0xFFFFFC20] =	vst v23;
	v23 =	vadd.f32 v25, v6;
	v17 =	vadd.f32 v17, v7;
	v25 =	vmul.f32 v18, v10  }
0xce: {  	[tilespmem:s31+$0xFFFFFC30] =	vst v24;
	v24 =	vadd.f32 v26, v0;
	v26 =	vadd.f32 v27, v1;
	v27 =	vmul.f32 v18, v11  }
0xcf: {  	v28 =	vmul.f32 v18, v13;
	[tilespmem:s31+$0xFFFFFC40] =	vst v21;
	v21 =	vadd.f32 v25, v2;
	v25 =	vmul.f32 v18, v12  }
0xd0: {  	[tilespmem:s31+$0xFFFFFC50] =	vst v22;
	v22 =	vadd.f32 v27, v3;
	v27 =	vmul.f32 v18, v14;
	v18 =	vmul.f32 v18, v15  }
0xd1: {  	[tilespmem:s31+$0xFFFFFC60] =	vst v23;
	v23 =	vadd.f32 v25, v4;
	v25 =	vadd.f32 v28, v5;
	v28 =	vmul.f32 v19, v8  }
0xd2: {  	[tilespmem:s31+$0xFFFFFC70] =	vst v17;
	v17 =	vadd.f32 v27, v6;
	v18 =	vadd.f32 v18, v7;
	v27 =	vmul.f32 v19, v9  }
0xd3: {  	v29 =	vmul.f32 v19, v11;
	[tilespmem:s31+$0xFFFFFC80] =	vst v24;
	v24 =	vadd.f32 v28, v0;
	v28 =	vmul.f32 v19, v10  }
0xd4: {  	v30 =	vmul.f32 v19, v13;
	[tilespmem:s31+$0xFFFFFC90] =	vst v26;
	v26 =	vadd.f32 v27, v1;
	v27 =	vmul.f32 v19, v12  }
0xd5: {  	[tilespmem:s31+$0xFFFFFCA0] =	vst v21;
	v21 =	vadd.f32 v28, v2;
	v28 =	vadd.f32 v29, v3;
	v29 =	vmul.f32 v19, v14  }
0xd6: {  	v19 =	vmul.f32 v19, v15;
	[tilespmem:s31+$0xFFFFFCB0] =	vst v22;
	v22 =	vadd.f32 v27, v4;
	v27 =	vadd.f32 v30, v5  }
0xd7: {  	v30 =	vmul.f32 v20, v9;
	[tilespmem:s31+$0xFFFFFCC0] =	vst v23;
	v23 =	vadd.f32 v29, v6;
	v29 =	vmul.f32 v20, v8  }
0xd8: {  	v31 =	vmul.f32 v20, v11;
	v19 =	vadd.f32 v19, v7;
	[tilespmem:s31+$0xFFFFFCD0] =	vst v25;
	v25 =	vmul.f32 v20, v10  }
0xd9: {  	[tilespmem:s31+$0xFFFFFCE0] =	vst v17;
	v17 =	vadd.f32 v29, v0;
	v29 =	vadd.f32 v30, v1;
	v30 =	vmul.f32 v20, v12  }
0xda: {  	[tilespmem:s31+$0xFFFFFCF0] =	vst v18;
	v18 =	vadd.f32 v25, v2;
	v25 =	vadd.f32 v31, v3;
	v31 =	vmul.f32 v20, v13  }
0xdb: {  	[tilespmem:s31+$0xFFFFFD00] =	vst v24;
	v24 =	vadd.f32 v30, v4;
	v30 =	vmul.f32 v20, v14;
	v20 =	vmul.f32 v20, v15  }
0xdc: {  	v32 =	vbroadcast v16, $0x5;
	[tilespmem:s31+$0xFFFFFD10] =	vst v26;
	v26 =	vadd.f32 v31, v5;
	v31 =	vbroadcast v16, $0x4  }
0xdd: {  	[tilespmem:s31+$0xFFFFFD20] =	vst v21;
	v21 =	vadd.f32 v30, v6;
	v20 =	vadd.f32 v20, v7;
	v30 =	vbroadcast v16, $0x6  }
0xde: {  	[tilespmem:s31+$0xFFFFFD30] =	vst v28;
	v28 =	vmul.f32 v31, v8;
	v33 =	vmul.f32 v31, v9  }
0xdf: {  	v34 =	vmul.f32 v31, v11;
	[tilespmem:s31+$0xFFFFFD40] =	vst v22;
	v22 =	vmul.f32 v31, v10  }
0xe0: {  	[tilespmem:s31+$0xFFFFFD50] =	vst v27;
	v27 =	vadd.f32 v28, v0;
	v28 =	vadd.f32 v33, v1;
	v33 =	vmul.f32 v31, v12  }
0xe1: {  	[tilespmem:s31+$0xFFFFFD60] =	vst v23;
	v22 =	vadd.f32 v22, v2;
	v23 =	vadd.f32 v34, v3;
	v34 =	vmul.f32 v31, v13  }
0xe2: {  	[tilespmem:s31+$0xFFFFFD70] =	vst v19;
	v19 =	vadd.f32 v33, v4;
	v33 =	vmul.f32 v31, v14;
	v31 =	vmul.f32 v31, v15  }
0xe3: {  	v35 =	vmul.f32 v32, v9;
	[tilespmem:s31+$0xFFFFFD80] =	vst v17;
	v17 =	vadd.f32 v34, v5;
	v34 =	vmul.f32 v32, v8  }
0xe4: {  	[tilespmem:s31+$0xFFFFFD90] =	vst v29;
	v29 =	vadd.f32 v33, v6;
	v31 =	vadd.f32 v31, v7;
	v33 =	vmul.f32 v32, v10  }
0xe5: {  	[tilespmem:s31+$0xFFFFFDA0] =	vst v18;
	v18 =	vadd.f32 v34, v0;
	v34 =	vadd.f32 v35, v1;
	v35 =	vmul.f32 v32, v11  }
0xe6: {  	v36 =	vmul.f32 v32, v13;
	[tilespmem:s31+$0xFFFFFDB0] =	vst v25;
	v25 =	vadd.f32 v33, v2;
	v33 =	vmul.f32 v32, v12  }
0xe7: {  	[tilespmem:s31+$0xFFFFFDC0] =	vst v24;
	v24 =	vadd.f32 v35, v3;
	v35 =	vmul.f32 v32, v14;
	v32 =	vmul.f32 v32, v15  }
0xe8: {  	[tilespmem:s31+$0xFFFFFDD0] =	vst v26;
	v26 =	vadd.f32 v33, v4;
	v33 =	vadd.f32 v36, v5;
	v36 =	vmul.f32 v30, v8  }
0xe9: {  	[tilespmem:s31+$0xFFFFFDE0] =	vst v21;
	v21 =	vadd.f32 v35, v6;
	v32 =	vadd.f32 v32, v7;
	v35 =	vmul.f32 v30, v9  }
0xea: {  	v37 =	vmul.f32 v30, v11;
	[tilespmem:s31+$0xFFFFFDF0] =	vst v20;
	v20 =	vadd.f32 v36, v0;
	v36 =	vmul.f32 v30, v10  }
0xeb: {  	v38 =	vmul.f32 v30, v13;
	[tilespmem:s31+$0xFFFFFE00] =	vst v27;
	v27 =	vadd.f32 v35, v1;
	v35 =	vmul.f32 v30, v12  }
0xec: {  	[tilespmem:s31+$0xFFFFFE10] =	vst v28;
	v28 =	vadd.f32 v36, v2;
	v36 =	vadd.f32 v37, v3;
	v37 =	vmul.f32 v30, v14  }
0xed: {  	v30 =	vmul.f32 v30, v15;
	[tilespmem:s31+$0xFFFFFE20] =	vst v22;
	v22 =	vadd.f32 v35, v4;
	v35 =	vadd.f32 v38, v5  }
0xee: {  	v38 =	vbroadcast v16, $0x8;
	[tilespmem:s31+$0xFFFFFE30] =	vst v23;
	v23 =	vadd.f32 v37, v6;
	v37 =	vbroadcast v16, $0x7  }
0xef: {  	v39 =	vbroadcast v16, $0xA;
	[tilespmem:s31+$0xFFFFFE40] =	vst v19;
	v19 =	vadd.f32 v30, v7;
	v30 =	vbroadcast v16, $0x9  }
0xf0: {  	[tilespmem:s31+$0xFFFFFE50] =	vst v17;
	v17 =	vmul.f32 v37, v8;
	v40 =	vmul.f32 v37, v9  }
0xf1: {  	v41 =	vmul.f32 v37, v11;
	[tilespmem:s31+$0xFFFFFE60] =	vst v29;
	v29 =	vmul.f32 v37, v10  }
0xf2: {  	[tilespmem:s31+$0xFFFFFE70] =	vst v31;
	v17 =	vadd.f32 v17, v0;
	v31 =	vadd.f32 v40, v1;
	v40 =	vmul.f32 v37, v12  }
0xf3: {  	[tilespmem:s31+$0xFFFFFE80] =	vst v18;
	v18 =	vadd.f32 v29, v2;
	v29 =	vadd.f32 v41, v3;
	v41 =	vmul.f32 v37, v13  }
0xf4: {  	[tilespmem:s31+$0xFFFFFE90] =	vst v34;
	v34 =	vadd.f32 v40, v4;
	v40 =	vmul.f32 v37, v14;
	v37 =	vmul.f32 v37, v15  }
0xf5: {  	v42 =	vmul.f32 v38, v9;
	[tilespmem:s31+$0xFFFFFEA0] =	vst v25;
	v25 =	vadd.f32 v41, v5;
	v41 =	vmul.f32 v38, v8  }
0xf6: {  	[tilespmem:s31+$0xFFFFFEB0] =	vst v24;
	v24 =	vadd.f32 v40, v6;
	v37 =	vadd.f32 v37, v7;
	v40 =	vmul.f32 v38, v10  }
0xf7: {  	[tilespmem:s31+$0xFFFFFEC0] =	vst v26;
	v26 =	vadd.f32 v41, v0;
	v41 =	vadd.f32 v42, v1;
	v42 =	vmul.f32 v38, v11  }
0xf8: {  	v43 =	vmul.f32 v38, v13;
	[tilespmem:s31+$0xFFFFFED0] =	vst v33;
	v33 =	vadd.f32 v40, v2;
	v40 =	vmul.f32 v38, v12  }
0xf9: {  	[tilespmem:s31+$0xFFFFFEE0] =	vst v21;
	v21 =	vadd.f32 v42, v3;
	v42 =	vmul.f32 v38, v14;
	v38 =	vmul.f32 v38, v15  }
0xfa: {  	[tilespmem:s31+$0xFFFFFEF0] =	vst v32;
	v32 =	vadd.f32 v40, v4;
	v40 =	vadd.f32 v43, v5;
	v43 =	vmul.f32 v30, v8  }
0xfb: {  	[tilespmem:s31+$0xFFFFFF00] =	vst v20;
	v20 =	vadd.f32 v42, v6;
	v38 =	vadd.f32 v38, v7;
	v42 =	vmul.f32 v30, v9  }
0xfc: {  	v44 =	vmul.f32 v30, v11;
	[tilespmem:s31+$0xFFFFFF10] =	vst v27;
	v27 =	vadd.f32 v43, v0;
	v43 =	vmul.f32 v30, v10  }
0xfd: {  	v45 =	vmul.f32 v30, v13;
	[tilespmem:s31+$0xFFFFFF20] =	vst v28;
	v28 =	vadd.f32 v42, v1;
	v42 =	vmul.f32 v30, v12  }
0xfe: {  	[tilespmem:s31+$0xFFFFFF30] =	vst v36;
	v36 =	vadd.f32 v43, v2;
	v43 =	vadd.f32 v44, v3;
	v44 =	vmul.f32 v30, v14  }
0xff: {  	v30 =	vmul.f32 v30, v15;
	[tilespmem:s31+$0xFFFFFF40] =	vst v22;
	v22 =	vadd.f32 v42, v4;
	v42 =	vadd.f32 v45, v5  }
0x100: {  	v45 =	vmul.f32 v39, v9;
	[tilespmem:s31+$0xFFFFFF50] =	vst v35;
	v35 =	vadd.f32 v44, v6;
	v44 =	vmul.f32 v39, v8  }
0x101: {  	v46 =	vmul.f32 v39, v11;
	[tilespmem:s31+$0xFFFFFF60] =	vst v23;
	v23 =	vadd.f32 v30, v7;
	v30 =	vmul.f32 v39, v10  }
0x102: {  	[tilespmem:s31+$0xFFFFFF70] =	vst v19;
	v19 =	vadd.f32 v44, v0;
	v44 =	vadd.f32 v45, v1;
	v45 =	vmul.f32 v39, v12  }
0x103: {  	v46 =	vadd.f32 v46, v3;
	[tilespmem:s31+$0xFFFFFF80] =	vst v17;
	v30 =	vadd.f32 v30, v2;
	v17 =	vmul.f32 v39, v13  }
0x104: {  	[tilespmem:s31+$0xFFFFFF90] =	vst v31;
	v31 =	vadd.f32 v45, v4;
	v45 =	vmul.f32 v39, v14;
	v39 =	vmul.f32 v39, v15  }
0x105: {  	v48 =	vbroadcast v16, $0xB;
	v49 =	vbroadcast v16, $0xC;
	[tilespmem:s31+$0xFFFFFFA0] =	vst v18;
	v47 =	vadd.f32 v17, v5  }
0x106: {  	[tilespmem:s31+$0xFFFFFFB0] =	vst v29;
	v29 =	vadd.f32 v45, v6;
	v17 =	vadd.f32 v39, v7;
	v39 =	vbroadcast v16, $0xD  }
0x107: {  	v18 =	vmul.f32 v48, v8;
	[tilespmem:s31+$0xFFFFFFC0] =	vst v34;
	v34 =	vmul.f32 v48, v9  }
0x108: {  	v45 =	vmul.f32 v48, v11;
	[tilespmem:s31+$0xFFFFFFD0] =	vst v25;
	v25 =	vmul.f32 v48, v10  }
0x109: {  	v50 =	vmul.f32 v48, v12;
	[tilespmem:s31+$0xFFFFFFE0] =	vst v24;
	v24 =	vadd.f32 v18, v0;
	v34 =	vadd.f32 v34, v1  }
0x10a: {  	v18 =	vadd.f32 v45, v3;
	[tilespmem:s31+$0xFFFFFFF0] =	vst v37;
	v25 =	vadd.f32 v25, v2;
	v37 =	vmul.f32 v48, v13  }
0x10b: {  	v45 =	vmul.f32 v48, v14;
	v48 =	vmul.f32 v48, v15;
	[tilespmem:s31+$0x0] =	vst v26;
	v26 =	vadd.f32 v50, v4  }
0x10c: {  	v50 =	vmul.f32 v49, v9;
	[tilespmem:s31+$0x10] =	vst v41;
	v37 =	vadd.f32 v37, v5;
	v41 =	vmul.f32 v49, v8  }
0x10d: {  	[tilespmem:s31+$0x20] =	vst v33;
	v33 =	vadd.f32 v45, v6;
	v45 =	vadd.f32 v48, v7;
	v48 =	vmul.f32 v49, v10  }
0x10e: {  	[tilespmem:s31+$0x30] =	vst v21;
	v21 =	vadd.f32 v41, v0;
	v41 =	vadd.f32 v50, v1;
	v50 =	vmul.f32 v49, v11  }
0x10f: {  	v51 =	vmul.f32 v49, v13;
	[tilespmem:s31+$0x40] =	vst v32;
	v32 =	vadd.f32 v48, v2;
	v48 =	vmul.f32 v49, v12  }
0x110: {  	[tilespmem:s31+$0x50] =	vst v40;
	v40 =	vadd.f32 v50, v3;
	v50 =	vmul.f32 v49, v14;
	v49 =	vmul.f32 v49, v15  }
0x111: {  	[tilespmem:s31+$0x60] =	vst v20;
	v20 =	vadd.f32 v48, v4;
	v48 =	vadd.f32 v51, v5;
	v51 =	vmul.f32 v39, v8  }
0x112: {  	[tilespmem:s31+$0x70] =	vst v38;
	v38 =	vadd.f32 v50, v6;
	v49 =	vadd.f32 v49, v7;
	v50 =	vmul.f32 v39, v9  }
0x113: {  	v52 =	vmul.f32 v39, v11;
	[tilespmem:s31+$0x80] =	vst v27;
	v27 =	vadd.f32 v51, v0;
	v51 =	vmul.f32 v39, v10  }
0x114: {  	v53 =	vmul.f32 v39, v13;
	[tilespmem:s31+$0x90] =	vst v28;
	v28 =	vadd.f32 v50, v1;
	v50 =	vmul.f32 v39, v12  }
0x115: {  	[tilespmem:s31+$0xA0] =	vst v36;
	v36 =	vadd.f32 v51, v2;
	v51 =	vadd.f32 v52, v3;
	v52 =	vmul.f32 v39, v14  }
0x116: {  	v39 =	vmul.f32 v39, v15;
	[tilespmem:s31+$0xB0] =	vst v43;
	v43 =	vadd.f32 v50, v4;
	v50 =	vadd.f32 v53, v5  }
0x117: {  	[tilespmem:s31+$0xC0] =	vst v22;
	v22 =	vadd.f32 v52, v6;
	v52 =	vbroadcast v16, $0xE;
	v16 =	vbroadcast v16, $0xF  }
0x118: {  	v39 =	vadd.f32 v39, v7;
	[tilespmem:s31+$0xD0] =	vst v42  }
0x119: {  	[tilespmem:s31+$0xE0] =	vst v35;
	v35 =	vmul.f32 v52, v8;
	v42 =	vmul.f32 v52, v9  }
0x11a: {  	v53 =	vmul.f32 v52, v11;
	[tilespmem:s31+$0xF0] =	vst v23;
	v23 =	vmul.f32 v52, v10  }
0x11b: {  	[tilespmem:s31+$0x100] =	vst v19;
	v19 =	vadd.f32 v35, v0;
	v35 =	vadd.f32 v42, v1;
	v42 =	vmul.f32 v52, v12  }
0x11c: {  	[tilespmem:s31+$0x110] =	vst v44;
	v23 =	vadd.f32 v23, v2;
	v44 =	vadd.f32 v53, v3;
	v53 =	vmul.f32 v52, v13  }
0x11d: {  	[tilespmem:s31+$0x120] =	vst v30;
	v30 =	vadd.f32 v42, v4;
	v42 =	vmul.f32 v52, v14;
	v52 =	vmul.f32 v52, v15  }
0x11e: {  	v54 =	vmul.f32 v16, v9;
	[tilespmem:s31+$0x130] =	vst v46;
	v46 =	vadd.f32 v53, v5;
	v53 =	vmul.f32 v16, v8  }
0x11f: {  	[tilespmem:s31+$0x140] =	vst v31;
	v31 =	vadd.f32 v42, v6;
	v42 =	vadd.f32 v52, v7;
	v52 =	vmul.f32 v16, v10  }
0x120: {  	[tilespmem:s31+$0x150] =	vst v47;
	v47 =	vadd.f32 v53, v0;
	v53 =	vadd.f32 v54, v1;
	v54 =	vmul.f32 v16, v11  }
0x121: {  	v55 =	vmul.f32 v16, v13;
	[tilespmem:s31+$0x160] =	vst v29;
	v29 =	vadd.f32 v52, v2;
	v52 =	vmul.f32 v16, v12  }
0x122: {  	[tilespmem:s31+$0x170] =	vst v17;
	v17 =	vadd.f32 v54, v3;
	v54 =	vmul.f32 v16, v14;
	v16 =	vmul.f32 v16, v15  }
0x123: {  	[tilespmem:s31+$0x180] =	vst v24;
	v24 =	vadd.f32 v52, v4;
	v52 =	vadd.f32 v55, v5  }
0x124: {  	[tilespmem:s31+$0x190] =	vst v34;
	v34 =	vadd.f32 v54, v6;
	v16 =	vadd.f32 v16, v7  }
0x125: {  	[tilespmem:s31+$0x1A0] =	vst v25  }
0x126: {  	[tilespmem:s31+$0x1B0] =	vst v18  }
0x127: {  	[tilespmem:s31+$0x1C0] =	vst v26  }
0x128: {  	[tilespmem:s31+$0x1D0] =	vst v37  }
0x129: {  	[tilespmem:s31+$0x1E0] =	vst v33  }
0x12a: {  	[tilespmem:s31+$0x1F0] =	vst v45  }
0x12b: {  	[tilespmem:s31+$0x200] =	vst v21  }
0x12c: {  	[tilespmem:s31+$0x210] =	vst v41  }
0x12d: {  	[tilespmem:s31+$0x220] =	vst v32  }
0x12e: {  	[tilespmem:s31+$0x230] =	vst v40  }
0x12f: {  	[tilespmem:s31+$0x240] =	vst v20  }
0x130: {  	[tilespmem:s31+$0x250] =	vst v48  }
0x131: {  	[tilespmem:s31+$0x260] =	vst v38  }
0x132: {  	[tilespmem:s31+$0x270] =	vst v49  }
0x133: {  	[tilespmem:s31+$0x280] =	vst v27  }
0x134: {  	[tilespmem:s31+$0x290] =	vst v28  }
0x135: {  	[tilespmem:s31+$0x2A0] =	vst v36  }
0x136: {  	[tilespmem:s31+$0x2B0] =	vst v51  }
0x137: {  	[tilespmem:s31+$0x2C0] =	vst v43  }
0x138: {  	[tilespmem:s31+$0x2D0] =	vst v50  }
0x139: {  	[tilespmem:s31+$0x2E0] =	vst v22  }
0x13a: {  	[tilespmem:s31+$0x2F0] =	vst v39  }
0x13b: {  	[tilespmem:s31+$0x300] =	vst v19  }
0x13c: {  	[tilespmem:s31+$0x310] =	vst v35  }
0x13d: {  	[tilespmem:s31+$0x320] =	vst v23  }
0x13e: {  	[tilespmem:s31+$0x330] =	vst v44  }
0x13f: {  	[tilespmem:s31+$0x340] =	vst v30  }
0x140: {  	[tilespmem:s31+$0x350] =	vst v46  }
0x141: {  	[tilespmem:s31+$0x360] =	vst v31  }
0x142: {  	[tilespmem:s31+$0x370] =	vst v42  }
0x143: {  	[tilespmem:s31+$0x380] =	vst v47  }
0x144: {  	[tilespmem:s31+$0x390] =	vst v53  }
0x145: {  	[tilespmem:s31+$0x3A0] =	vst v29  }
.Ltmp2:
0x146: {  	[tilespmem:s31+$0x3B0] =	vst v17;
	(pc) =	sbr.rel @p1 .LBB2_3-.Ltmp2, $4  }
0x147: {  	[tilespmem:s31+$0x3C0] =	vst v24  }
0x148: {  	[tilespmem:s31+$0x3D0] =	vst v52  }
0x149: {  	[tilespmem:s31+$0x3E0] =	vst v34  }
0x14a: {  	s2 =	sshra.s32 s0, $0x2;
	s0 =	sadd.s32 $0x40, s0;
	[tilespmem:s31+$0x3F0] =	vst v16  }
0x14b: {  	v16 =	vld [tilespmem:s2+$0x100];
	_ =	sdelay $0x4  }
0x14c: {  	v16 =	vcvt.s32.f32 v16;
	_ =	sdelay $0x1  }
0x14d: {  	v17 =	vbroadcast v16, $0x0;
	_ =	sdelay $0x1  }
0x14e: {  	v18 =	vmul.f32 v17, v8  }
0x14f: {  	v19 =	vmul.f32 v17, v9  }
0x150: {  	v20 =	vmul.f32 v17, v10;
	v18 =	vadd.f32 v18, v0  }
0x151: {  	s0 =	sadd.s32 $0x800, s31;
	v21 =	vmul.f32 v17, v11;
	v19 =	vadd.f32 v19, v1  }
0x152: {  	v22 =	vmul.f32 v17, v12;
	v20 =	vadd.f32 v20, v2;
	[tilespmem:s0+$0xFFFFFC00] =	vst v18  }
0x153: {  	v29 =	vmul.f32 v17, v13;
	v28 =	vadd.f32 v21, v3;
	[tilespmem:s0+$0xFFFFFC10] =	vst v19  }
0x154: {  	v30 =	vbroadcast v16, $0x1;
	v23 =	vmul.f32 v17, v14;
	v22 =	vadd.f32 v22, v4;
	[tilespmem:s0+$0xFFFFFC20] =	vst v20  }
0x155: {  	v17 =	vmul.f32 v17, v15;
	v31 =	vadd.f32 v29, v5;
	[tilespmem:s0+$0xFFFFFC30] =	vst v28  }
0x156: {  	v40 =	vbroadcast v16, $0x2;
	v34 =	vmul.f32 v30, v9;
	v33 =	vadd.f32 v23, v6;
	[tilespmem:s0+$0xFFFFFC40] =	vst v22  }
0x157: {  	v41 =	vmul.f32 v30, v14;
	v17 =	vadd.f32 v17, v7;
	[tilespmem:s0+$0xFFFFFC50] =	vst v31  }
0x158: {  	v49 =	vbroadcast v16, $0x3;
	v42 =	vmul.f32 v40, v8;
	v36 =	vadd.f32 v34, v1;
	[tilespmem:s0+$0xFFFFFC60] =	vst v33  }
0x159: {  	v50 =	vmul.f32 v40, v14;
	v43 =	vadd.f32 v41, v6;
	[tilespmem:s0+$0xFFFFFC70] =	vst v17  }
0x15a: {  	v55 =	vmul.f32 v49, v11;
	v45 =	vadd.f32 v42, v0;
	[tilespmem:s0+$0xFFFFFC90] =	vst v36  }
0x15b: {  	v57 =	vmul.f32 v49, v13;
	v52 =	vadd.f32 v50, v6;
	[tilespmem:s0+$0xFFFFFCE0] =	vst v43  }
0x15c: {  	v32 =	vmul.f32 v30, v8;
	v21 =	vadd.f32 v55, v3;
	[tilespmem:s0+$0xFFFFFD00] =	vst v45  }
0x15d: {  	v35 =	vmul.f32 v30, v10;
	v61 =	vadd.f32 v57, v5;
	[tilespmem:s0+$0xFFFFFD60] =	vst v52  }
0x15e: {  	v37 =	vmul.f32 v30, v11;
	v18 =	vadd.f32 v32, v0;
	[tilespmem:s0+$0xFFFFFDB0] =	vst v21  }
0x15f: {  	v59 =	vbroadcast v16, $0x4;
	v38 =	vmul.f32 v30, v12;
	v17 =	vadd.f32 v35, v2;
	[tilespmem:s0+$0xFFFFFDD0] =	vst v61  }
0x160: {  	v46 =	vmul.f32 v40, v10;
	v22 =	vadd.f32 v37, v3;
	[tilespmem:s0+$0xFFFFFC80] =	vst v18  }
0x161: {  	v62 =	vmul.f32 v59, v8;
	v20 =	vadd.f32 v38, v4;
	[tilespmem:s0+$0xFFFFFCA0] =	vst v17  }
0x162: {  	v39 =	vmul.f32 v30, v13;
	v19 =	vadd.f32 v46, v2;
	[tilespmem:s0+$0xFFFFFCB0] =	vst v22  }
0x163: {  	v44 =	vmul.f32 v40, v9;
	v21 =	vadd.f32 v62, v0;
	[tilespmem:s0+$0xFFFFFCC0] =	vst v20  }
0x164: {  	v47 =	vmul.f32 v40, v11;
	v18 =	vadd.f32 v39, v5;
	[tilespmem:s0+$0xFFFFFD20] =	vst v19  }
0x165: {  	v51 =	vmul.f32 v40, v15;
	v20 =	vadd.f32 v44, v1;
	[tilespmem:s0+$0xFFFFFE00] =	vst v21  }
0x166: {  	v27 =	vbroadcast v16, $0x5;
	v26 =	vmul.f32 v59, v13;
	v22 =	vadd.f32 v47, v3;
	[tilespmem:s0+$0xFFFFFCD0] =	vst v18  }
0x167: {  	v17 =	vmul.f32 v30, v15;
	v19 =	vadd.f32 v51, v7;
	[tilespmem:s0+$0xFFFFFD10] =	vst v20  }
0x168: {  	v31 =	vmul.f32 v27, v10;
	v21 =	vadd.f32 v26, v5;
	[tilespmem:s0+$0xFFFFFD30] =	vst v22  }
0x169: {  	v36 =	vmul.f32 v27, v14;
	v17 =	vadd.f32 v17, v7;
	[tilespmem:s0+$0xFFFFFD70] =	vst v19  }
0x16a: {  	v48 =	vmul.f32 v40, v13;
	v33 =	vadd.f32 v31, v2;
	[tilespmem:s0+$0xFFFFFE50] =	vst v21  }
0x16b: {  	v38 =	vadd.f32 v36, v6;
	[tilespmem:s0+$0xFFFFFCF0] =	vst v17;
	v17 =	vmul.f32 v40, v12  }
0x16c: {  	v53 =	vmul.f32 v49, v8;
	v18 =	vadd.f32 v48, v5;
	[tilespmem:s0+$0xFFFFFEA0] =	vst v33  }
0x16d: {  	v58 =	vmul.f32 v49, v14;
	[tilespmem:s0+$0xFFFFFEE0] =	vst v38;
	v17 =	vadd.f32 v17, v4  }
0x16e: {  	v24 =	vmul.f32 v59, v10;
	v22 =	vadd.f32 v53, v0;
	[tilespmem:s0+$0xFFFFFD50] =	vst v18  }
0x16f: {  	v19 =	vadd.f32 v58, v6;
	[tilespmem:s0+$0xFFFFFD40] =	vst v17;
	v17 =	vmul.f32 v49, v9  }
0x170: {  	v34 =	vmul.f32 v27, v12;
	v20 =	vadd.f32 v24, v2;
	[tilespmem:s0+$0xFFFFFD80] =	vst v22  }
0x171: {  	v56 =	vmul.f32 v49, v12;
	[tilespmem:s0+$0xFFFFFDE0] =	vst v19;
	v17 =	vadd.f32 v17, v1  }
0x172: {  	v54 =	vmul.f32 v49, v10;
	v21 =	vadd.f32 v34, v4;
	[tilespmem:s0+$0xFFFFFE20] =	vst v20  }
0x173: {  	v60 =	vmul.f32 v49, v15;
	[tilespmem:s0+$0xFFFFFD90] =	vst v17;
	v17 =	vadd.f32 v56, v4  }
0x174: {  	v25 =	vmul.f32 v59, v11;
	v18 =	vadd.f32 v54, v2;
	[tilespmem:s0+$0xFFFFFEC0] =	vst v21  }
0x175: {  	v28 =	vmul.f32 v59, v14;
	[tilespmem:s0+$0xFFFFFDC0] =	vst v17;
	v17 =	vadd.f32 v60, v7  }
0x176: {  	v29 =	vmul.f32 v59, v15;
	v19 =	vadd.f32 v25, v3;
	[tilespmem:s0+$0xFFFFFDA0] =	vst v18  }
0x177: {  	v22 =	vadd.f32 v28, v6;
	[tilespmem:s0+$0xFFFFFDF0] =	vst v17;
	v17 =	vmul.f32 v59, v12  }
0x178: {  	v63 =	vmul.f32 v59, v9;
	v20 =	vadd.f32 v29, v7;
	[tilespmem:s0+$0xFFFFFE30] =	vst v19  }
0x179: {  	v30 =	vmul.f32 v27, v8;
	[tilespmem:s0+$0xFFFFFE60] =	vst v22;
	v17 =	vadd.f32 v17, v4  }
0x17a: {  	v32 =	vmul.f32 v27, v11;
	v53 =	vbroadcast v16, $0x8;
	v18 =	vadd.f32 v63, v1;
	[tilespmem:s0+$0xFFFFFE70] =	vst v20  }
0x17b: {  	v19 =	vadd.f32 v30, v0;
	[tilespmem:s0+$0xFFFFFE40] =	vst v17;
	v17 =	vmul.f32 v27, v9  }
0x17c: {  	v61 =	vmul.f32 v53, v13;
	v22 =	vadd.f32 v32, v3;
	[tilespmem:s0+$0xFFFFFE10] =	vst v18  }
0x17d: {  	v62 =	vmul.f32 v53, v14;
	[tilespmem:s0+$0xFFFFFE80] =	vst v19;
	v17 =	vadd.f32 v17, v1  }
0x17e: {  	v35 =	vmul.f32 v27, v13;
	v63 =	vadd.f32 v61, v5;
	[tilespmem:s0+$0xFFFFFEB0] =	vst v22  }
0x17f: {  	v25 =	vadd.f32 v62, v6;
	v18 =	vmul.f32 v27, v15;
	[tilespmem:s0+$0xFFFFFE90] =	vst v17;
	v17 =	vbroadcast v16, $0x6  }
0x180: {  	v57 =	vmul.f32 v53, v10;
	v19 =	vadd.f32 v35, v5;
	[tilespmem:s0+$0x50] =	vst v63  }
0x181: {  	[tilespmem:s0+$0x60] =	vst v25;
	v18 =	vadd.f32 v18, v7;
	v37 =	vmul.f32 v17, v8  }
0x182: {  	[tilespmem:s0+$0xFFFFFED0] =	vst v19;
	v59 =	vadd.f32 v57, v2;
	v39 =	vmul.f32 v17, v9  }
0x183: {  	[tilespmem:s0+$0xFFFFFEF0] =	vst v18;
	v41 =	vmul.f32 v17, v10;
	v40 =	vadd.f32 v37, v0  }
0x184: {  	[tilespmem:s0+$0x20] =	vst v59;
	v42 =	vmul.f32 v17, v11;
	v21 =	vadd.f32 v39, v1  }
0x185: {  	v43 =	vmul.f32 v17, v12;
	v20 =	vadd.f32 v41, v2;
	[tilespmem:s0+$0xFFFFFF00] =	vst v40  }
0x186: {  	v44 =	vmul.f32 v17, v13;
	v22 =	vadd.f32 v42, v3;
	[tilespmem:s0+$0xFFFFFF10] =	vst v21  }
0x187: {  	v46 =	vbroadcast v16, $0x7;
	v45 =	vmul.f32 v17, v14;
	v18 =	vadd.f32 v43, v4;
	[tilespmem:s0+$0xFFFFFF20] =	vst v20  }
0x188: {  	v17 =	vmul.f32 v17, v15;
	v19 =	vadd.f32 v44, v5;
	[tilespmem:s0+$0xFFFFFF30] =	vst v22  }
0x189: {  	v48 =	vmul.f32 v46, v8;
	v47 =	vadd.f32 v45, v6;
	[tilespmem:s0+$0xFFFFFF40] =	vst v18  }
0x18a: {  	v49 =	vmul.f32 v46, v9;
	v17 =	vadd.f32 v17, v7;
	[tilespmem:s0+$0xFFFFFF50] =	vst v19  }
0x18b: {  	v50 =	vmul.f32 v46, v10;
	v21 =	vadd.f32 v48, v0;
	[tilespmem:s0+$0xFFFFFF60] =	vst v47  }
0x18c: {  	v51 =	vmul.f32 v46, v11;
	v18 =	vadd.f32 v49, v1;
	[tilespmem:s0+$0xFFFFFF70] =	vst v17  }
0x18d: {  	v54 =	vmul.f32 v46, v14;
	v32 =	vbroadcast v16, $0xA;
	v19 =	vadd.f32 v50, v2;
	[tilespmem:s0+$0xFFFFFF80] =	vst v21  }
0x18e: {  	v17 =	vmul.f32 v46, v12;
	v20 =	vadd.f32 v51, v3;
	[tilespmem:s0+$0xFFFFFF90] =	vst v18  }
0x18f: {  	v39 =	vmul.f32 v32, v13;
	v22 =	vadd.f32 v54, v6;
	[tilespmem:s0+$0xFFFFFFA0] =	vst v19  }
0x190: {  	v52 =	vmul.f32 v46, v13;
	v17 =	vadd.f32 v17, v4;
	[tilespmem:s0+$0xFFFFFFB0] =	vst v20  }
0x191: {  	v55 =	vmul.f32 v46, v15;
	v43 =	vadd.f32 v39, v5;
	[tilespmem:s0+$0xFFFFFFE0] =	vst v22  }
0x192: {  	v21 =	vadd.f32 v52, v5;
	[tilespmem:s0+$0xFFFFFFC0] =	vst v17;
	v17 =	vmul.f32 v53, v9  }
0x193: {  	v56 =	vmul.f32 v53, v8;
	v19 =	vadd.f32 v55, v7;
	[tilespmem:s0+$0x150] =	vst v43  }
0x194: {  	v58 =	vmul.f32 v53, v11;
	[tilespmem:s0+$0xFFFFFFD0] =	vst v21;
	v17 =	vadd.f32 v17, v1  }
0x195: {  	v60 =	vmul.f32 v53, v12;
	v49 =	vbroadcast v16, $0xC;
	v20 =	vadd.f32 v56, v0;
	[tilespmem:s0+$0xFFFFFFF0] =	vst v19  }
0x196: {  	v22 =	vadd.f32 v58, v3;
	v18 =	vmul.f32 v53, v15;
	[tilespmem:s0+$0x10] =	vst v17;
	v17 =	vbroadcast v16, $0x9  }
0x197: {  	v57 =	vmul.f32 v49, v14;
	[tilespmem:s0+$0x0] =	vst v20;
	v21 =	vadd.f32 v60, v4  }
0x198: {  	[tilespmem:s0+$0x30] =	vst v22;
	v18 =	vadd.f32 v18, v7;
	v24 =	vmul.f32 v17, v8  }
0x199: {  	v59 =	vadd.f32 v57, v6;
	[tilespmem:s0+$0x40] =	vst v21;
	v26 =	vmul.f32 v17, v9  }
0x19a: {  	[tilespmem:s0+$0x70] =	vst v18;
	v28 =	vmul.f32 v17, v10;
	v27 =	vadd.f32 v24, v0  }
0x19b: {  	[tilespmem:s0+$0x260] =	vst v59;
	v29 =	vmul.f32 v17, v11;
	v21 =	vadd.f32 v26, v1  }
0x19c: {  	v30 =	vmul.f32 v17, v12;
	v20 =	vadd.f32 v28, v2;
	[tilespmem:s0+$0x80] =	vst v27  }
0x19d: {  	v31 =	vmul.f32 v17, v13;
	v22 =	vadd.f32 v29, v3;
	[tilespmem:s0+$0x90] =	vst v21  }
0x19e: {  	v33 =	vmul.f32 v17, v14;
	v18 =	vadd.f32 v30, v4;
	[tilespmem:s0+$0xA0] =	vst v20  }
0x19f: {  	v17 =	vmul.f32 v17, v15;
	v19 =	vadd.f32 v31, v5;
	[tilespmem:s0+$0xB0] =	vst v22  }
0x1a0: {  	v35 =	vmul.f32 v32, v8;
	v34 =	vadd.f32 v33, v6;
	[tilespmem:s0+$0xC0] =	vst v18  }
0x1a1: {  	v36 =	vmul.f32 v32, v9;
	v17 =	vadd.f32 v17, v7;
	[tilespmem:s0+$0xD0] =	vst v19  }
0x1a2: {  	v37 =	vmul.f32 v32, v10;
	v41 =	vbroadcast v16, $0xB;
	v22 =	vadd.f32 v35, v0;
	[tilespmem:s0+$0xE0] =	vst v34  }
0x1a3: {  	v38 =	vmul.f32 v32, v11;
	v18 =	vadd.f32 v36, v1;
	[tilespmem:s0+$0xF0] =	vst v17  }
0x1a4: {  	v46 =	vmul.f32 v41, v10;
	v19 =	vadd.f32 v37, v2;
	[tilespmem:s0+$0x100] =	vst v22  }
0x1a5: {  	v17 =	vmul.f32 v32, v12;
	v20 =	vadd.f32 v38, v3;
	[tilespmem:s0+$0x110] =	vst v18  }
0x1a6: {  	v40 =	vmul.f32 v32, v14;
	v21 =	vadd.f32 v46, v2;
	[tilespmem:s0+$0x120] =	vst v19  }
0x1a7: {  	v44 =	vmul.f32 v41, v8;
	v17 =	vadd.f32 v17, v4;
	[tilespmem:s0+$0x130] =	vst v20  }
0x1a8: {  	v42 =	vmul.f32 v32, v15;
	v18 =	vadd.f32 v40, v6;
	[tilespmem:s0+$0x1A0] =	vst v21  }
0x1a9: {  	v45 =	vmul.f32 v41, v9;
	v20 =	vadd.f32 v44, v0;
	[tilespmem:s0+$0x140] =	vst v17  }
0x1aa: {  	v50 =	vmul.f32 v41, v14;
	v17 =	vadd.f32 v42, v7;
	[tilespmem:s0+$0x160] =	vst v18  }
0x1ab: {  	v51 =	vmul.f32 v41, v15;
	v19 =	vadd.f32 v45, v1;
	[tilespmem:s0+$0x180] =	vst v20  }
0x1ac: {  	v22 =	vadd.f32 v50, v6;
	[tilespmem:s0+$0x170] =	vst v17;
	v17 =	vmul.f32 v41, v12  }
0x1ad: {  	v47 =	vmul.f32 v41, v11;
	v21 =	vadd.f32 v51, v7;
	[tilespmem:s0+$0x190] =	vst v19  }
0x1ae: {  	v48 =	vmul.f32 v41, v13;
	[tilespmem:s0+$0x1E0] =	vst v22;
	v17 =	vadd.f32 v17, v4  }
0x1af: {  	v54 =	vmul.f32 v49, v11;
	v18 =	vadd.f32 v47, v3;
	[tilespmem:s0+$0x1F0] =	vst v21  }
0x1b0: {  	v20 =	vadd.f32 v48, v5;
	[tilespmem:s0+$0x1C0] =	vst v17;
	v17 =	vmul.f32 v49, v9  }
0x1b1: {  	v55 =	vmul.f32 v49, v12;
	v22 =	vadd.f32 v54, v3;
	[tilespmem:s0+$0x1B0] =	vst v18  }
0x1b2: {  	v52 =	vmul.f32 v49, v8;
	[tilespmem:s0+$0x1D0] =	vst v20;
	v17 =	vadd.f32 v17, v1  }
0x1b3: {  	v53 =	vmul.f32 v49, v10;
	v21 =	vadd.f32 v55, v4;
	[tilespmem:s0+$0x230] =	vst v22  }
0x1b4: {  	v19 =	vmul.f32 v49, v15;
	v18 =	vadd.f32 v52, v0;
	[tilespmem:s0+$0x210] =	vst v17;
	v17 =	vbroadcast v16, $0xD  }
0x1b5: {  	v56 =	vmul.f32 v49, v13;
	v20 =	vadd.f32 v53, v2;
	[tilespmem:s0+$0x240] =	vst v21  }
0x1b6: {  	v19 =	vadd.f32 v19, v7;
	[tilespmem:s0+$0x200] =	vst v18;
	v58 =	vmul.f32 v17, v8  }
0x1b7: {  	[tilespmem:s0+$0x220] =	vst v20;
	v18 =	vadd.f32 v56, v5;
	v60 =	vmul.f32 v17, v9  }
0x1b8: {  	[tilespmem:s0+$0x270] =	vst v19;
	v62 =	vmul.f32 v17, v10;
	v61 =	vadd.f32 v58, v0  }
0x1b9: {  	[tilespmem:s0+$0x250] =	vst v18;
	v63 =	vmul.f32 v17, v11;
	v21 =	vadd.f32 v60, v1  }
0x1ba: {  	v24 =	vmul.f32 v17, v12;
	v20 =	vadd.f32 v62, v2;
	[tilespmem:s0+$0x280] =	vst v61  }
0x1bb: {  	v27 =	vbroadcast v16, $0xE;
	v25 =	vmul.f32 v17, v13;
	v22 =	vadd.f32 v63, v3;
	[tilespmem:s0+$0x290] =	vst v21  }
0x1bc: {  	v16 =	vbroadcast v16, $0xF;
	v26 =	vmul.f32 v17, v14;
	v19 =	vadd.f32 v24, v4;
	[tilespmem:s0+$0x2A0] =	vst v20  }
0x1bd: {  	v17 =	vmul.f32 v17, v15;
	v18 =	vadd.f32 v25, v5;
	[tilespmem:s0+$0x2B0] =	vst v22  }
0x1be: {  	v37 =	vmul.f32 v16, v10;
	v28 =	vadd.f32 v26, v6;
	[tilespmem:s0+$0x2C0] =	vst v19  }
0x1bf: {  	v41 =	vmul.f32 v16, v13;
	v17 =	vadd.f32 v17, v7;
	[tilespmem:s0+$0x2D0] =	vst v18  }
0x1c0: {  	v29 =	vmul.f32 v27, v8;
	v39 =	vadd.f32 v37, v2;
	[tilespmem:s0+$0x2E0] =	vst v28  }
0x1c1: {  	v30 =	vmul.f32 v27, v9;
	v42 =	vadd.f32 v41, v5;
	[tilespmem:s0+$0x2F0] =	vst v17  }
0x1c2: {  	v31 =	vmul.f32 v27, v10;
	v21 =	vadd.f32 v29, v0;
	[tilespmem:s0+$0x3A0] =	vst v39  }
0x1c3: {  	v32 =	vmul.f32 v27, v11;
	v19 =	vadd.f32 v30, v1;
	[tilespmem:s0+$0x3D0] =	vst v42  }
0x1c4: {  	v17 =	vmul.f32 v27, v12;
	v18 =	vadd.f32 v31, v2;
	[tilespmem:s0+$0x300] =	vst v21  }
0x1c5: {  	v33 =	vmul.f32 v27, v13;
	v20 =	vadd.f32 v32, v3;
	[tilespmem:s0+$0x310] =	vst v19  }
0x1c6: {  	v34 =	vmul.f32 v27, v14;
	v17 =	vadd.f32 v17, v4;
	[tilespmem:s0+$0x320] =	vst v18  }
0x1c7: {  	v35 =	vmul.f32 v27, v15;
	v21 =	vadd.f32 v33, v5;
	[tilespmem:s0+$0x330] =	vst v20  }
0x1c8: {  	v19 =	vadd.f32 v34, v6;
	[tilespmem:s0+$0x340] =	vst v17;
	v17 =	vmul.f32 v16, v9  }
0x1c9: {  	v36 =	vmul.f32 v16, v8;
	v18 =	vadd.f32 v35, v7;
	[tilespmem:s0+$0x350] =	vst v21  }
0x1ca: {  	v38 =	vmul.f32 v16, v11;
	[tilespmem:s0+$0x360] =	vst v19;
	v17 =	vadd.f32 v17, v1  }
0x1cb: {  	v40 =	vmul.f32 v16, v12;
	v20 =	vadd.f32 v36, v0;
	[tilespmem:s0+$0x370] =	vst v18  }
0x1cc: {  	v19 =	vadd.f32 v38, v3;
	[tilespmem:s0+$0x390] =	vst v17;
	v17 =	vmul.f32 v16, v14  }
0x1cd: {  	[tilespmem:s0+$0x380] =	vst v20;
	v21 =	vadd.f32 v40, v4;
	v16 =	vmul.f32 v16, v15  }
0x1ce: {  	[tilespmem:s0+$0x3B0] =	vst v19;
	v17 =	vadd.f32 v17, v6  }
0x1cf: {  	[tilespmem:s0+$0x3C0] =	vst v21;
	v16 =	vadd.f32 v16, v7  }
0x1d0: {  	s1 =	sshll.u32 s1, $0x4;
	p1 =	seq.s32 s29, $0x7F;
	[tilespmem:s0+$0x3E0] =	vst v17  }
0x1d1: {  	s2 =	sadd.s32 s3, s1;
	[tilespmem:s0+$0x3F0] =	vst v16;
	s0 =	sadd.s32 @!p1 s30, s10  }
0x1d2: {  	[hbm4b:s2+s4] =	stream.linear.scatter [tilespmem:s18], [sflag:$0x3], $0x6400, $0x38;
	[tilespmem:$0x19500] =	vst v63  }
0x1d3: {  	s1 =	sadd.s32 s1, s9;
	s0 =	sshrl.u32 @!p1 s0, $0x3  }
0x1d4: {  	[hbm4b:s1+s4] =	stream.linear.scatter [tilespmem:s19], [sflag:$0x4], $0x6400, $0x38;
	[tilespmem:$0x19500] =	vst v63  }
0x1d5: {  	s2 =	simm.s32 @!p1 $0x100;
	s0 =	sadd.s32 @!p1 s6, s0;
	s1 =	simm.s32 @!p1 $0x0  }
0x1d6: {  	[tilespmem:s2], [sflag:$0x1] =	stream.linear.gather @!p1 [hbm4b:s0+s1], $0x190, $0x38;
	[tilespmem:$0x19500] =	vst v63  }
0x1d7: {  	_ =	swait.ge [sflag:s20], $0x190  }
0x1d8: {  	[sflag:s20] =	ssyncset.done $0x0  }
0x1d9: {  	s0 =	simm.s32 @!p0 $0x5;
	[sflag:s20] =	ssyncadd.s32 $0xFFFFFE70  }
0x1da: {  	_ =	swait.ge @!p0 [sflag:s0], $0x6400  }
0x1db: {  	[sflag:s0] =	ssyncset.done @!p0 $0x0  }
0x1dc: {  	[sflag:s0] =	ssyncadd.s32 @!p0 $0xFFFF9C00;
	s0 =	simm.s32 @!p0 $0x6  }
0x1dd: {  	_ =	swait.ge @!p0 [sflag:s0], $0x6400  }
0x1de: {  	[sflag:s0] =	ssyncset.done @!p0 $0x0  }
0x1df: {  	s2 =	simm.s32 $0x0;
	[sflag:s0] =	ssyncadd.s32 @!p0 $0xFFFF9C00  }
0x1e0: {  	v16 =	vld [tilespmem:s2+$0x300];
	_ =	sdelay $0x4  }
0x1e1: {  	v16 =	vcvt.s32.f32 v16;
	_ =	sdelay $0x1  }
0x1e2: {  	v17 =	vbroadcast v16, $0x0;
	_ =	sdelay $0x1  }
0x1e3: {  	v43 =	vmul.f32 v17, v8  }
0x1e4: {  	v44 =	vmul.f32 v17, v9  }
0x1e5: {  	v45 =	vmul.f32 v17, v10;
	v18 =	vadd.f32 v43, v0  }
0x1e6: {  	s31 =	simm.s32 $0xD100;
	v46 =	vmul.f32 v17, v11;
	v19 =	vadd.f32 v44, v1  }
0x1e7: {  	v47 =	vmul.f32 v17, v12;
	v20 =	vadd.f32 v45, v2;
	[tilespmem:s31+$0xFFFFFC00] =	vst v18  }
0x1e8: {  	v49 =	vmul.f32 v17, v13;
	v48 =	vadd.f32 v46, v3;
	[tilespmem:s31+$0xFFFFFC10] =	vst v19  }
0x1e9: {  	v50 =	vbroadcast v16, $0x1;
	v51 =	vmul.f32 v17, v14;
	v22 =	vadd.f32 v47, v4;
	[tilespmem:s31+$0xFFFFFC20] =	vst v20  }
0x1ea: {  	v17 =	vmul.f32 v17, v15;
	v52 =	vadd.f32 v49, v5;
	[tilespmem:s31+$0xFFFFFC30] =	vst v48  }
0x1eb: {  	v61 =	vbroadcast v16, $0x2;
	v55 =	vmul.f32 v50, v9;
	v54 =	vadd.f32 v51, v6;
	[tilespmem:s31+$0xFFFFFC40] =	vst v22  }
0x1ec: {  	v62 =	vmul.f32 v50, v14;
	v17 =	vadd.f32 v17, v7;
	[tilespmem:s31+$0xFFFFFC50] =	vst v52  }
0x1ed: {  	v30 =	vbroadcast v16, $0x3;
	v63 =	vmul.f32 v61, v8;
	v57 =	vadd.f32 v55, v1;
	[tilespmem:s31+$0xFFFFFC60] =	vst v54  }
0x1ee: {  	v31 =	vmul.f32 v61, v14;
	v24 =	vadd.f32 v62, v6;
	[tilespmem:s31+$0xFFFFFC70] =	vst v17  }
0x1ef: {  	v36 =	vmul.f32 v30, v11;
	v26 =	vadd.f32 v63, v0;
	[tilespmem:s31+$0xFFFFFC90] =	vst v57  }
0x1f0: {  	v38 =	vmul.f32 v30, v13;
	v33 =	vadd.f32 v31, v6;
	[tilespmem:s31+$0xFFFFFCE0] =	vst v24  }
0x1f1: {  	v53 =	vmul.f32 v50, v8;
	v21 =	vadd.f32 v36, v3;
	[tilespmem:s31+$0xFFFFFD00] =	vst v26  }
0x1f2: {  	v56 =	vmul.f32 v50, v10;
	v42 =	vadd.f32 v38, v5;
	[tilespmem:s31+$0xFFFFFD60] =	vst v33  }
0x1f3: {  	v58 =	vmul.f32 v50, v11;
	v18 =	vadd.f32 v53, v0;
	[tilespmem:s31+$0xFFFFFDB0] =	vst v21  }
0x1f4: {  	v40 =	vbroadcast v16, $0x4;
	v59 =	vmul.f32 v50, v12;
	v17 =	vadd.f32 v56, v2;
	[tilespmem:s31+$0xFFFFFDD0] =	vst v42  }
0x1f5: {  	v27 =	vmul.f32 v61, v10;
	v22 =	vadd.f32 v58, v3;
	[tilespmem:s31+$0xFFFFFC80] =	vst v18  }
0x1f6: {  	v43 =	vmul.f32 v40, v8;
	v20 =	vadd.f32 v59, v4;
	[tilespmem:s31+$0xFFFFFCA0] =	vst v17  }
0x1f7: {  	v60 =	vmul.f32 v50, v13;
	v19 =	vadd.f32 v27, v2;
	[tilespmem:s31+$0xFFFFFCB0] =	vst v22  }
0x1f8: {  	v25 =	vmul.f32 v61, v9;
	v21 =	vadd.f32 v43, v0;
	[tilespmem:s31+$0xFFFFFCC0] =	vst v20  }
0x1f9: {  	v28 =	vmul.f32 v61, v11;
	v18 =	vadd.f32 v60, v5;
	[tilespmem:s31+$0xFFFFFD20] =	vst v19  }
0x1fa: {  	v32 =	vmul.f32 v61, v15;
	v20 =	vadd.f32 v25, v1;
	[tilespmem:s31+$0xFFFFFE00] =	vst v21  }
0x1fb: {  	v47 =	vmul.f32 v40, v13;
	v22 =	vadd.f32 v28, v3;
	[tilespmem:s31+$0xFFFFFCD0] =	vst v18  }
0x1fc: {  	v17 =	vmul.f32 v50, v15;
	v19 =	vadd.f32 v32, v7;
	[tilespmem:s31+$0xFFFFFD10] =	vst v20  }
0x1fd: {  	v29 =	vmul.f32 v61, v13;
	v21 =	vadd.f32 v47, v5;
	[tilespmem:s31+$0xFFFFFD30] =	vst v22  }
0x1fe: {  	v34 =	vmul.f32 v30, v8;
	v17 =	vadd.f32 v17, v7;
	[tilespmem:s31+$0xFFFFFD70] =	vst v19  }
0x1ff: {  	v39 =	vmul.f32 v30, v14;
	v18 =	vadd.f32 v29, v5;
	[tilespmem:s31+$0xFFFFFE50] =	vst v21  }
0x200: {  	v48 =	vbroadcast v16, $0x5;
	v22 =	vadd.f32 v34, v0;
	[tilespmem:s31+$0xFFFFFCF0] =	vst v17;
	v17 =	vmul.f32 v61, v12  }
0x201: {  	v45 =	vmul.f32 v40, v10;
	v19 =	vadd.f32 v39, v6;
	[tilespmem:s31+$0xFFFFFD50] =	vst v18  }
0x202: {  	v52 =	vmul.f32 v48, v10;
	[tilespmem:s31+$0xFFFFFD80] =	vst v22;
	v17 =	vadd.f32 v17, v4  }
0x203: {  	v55 =	vmul.f32 v48, v12;
	v20 =	vadd.f32 v45, v2;
	[tilespmem:s31+$0xFFFFFDE0] =	vst v19  }
0x204: {  	v54 =	vadd.f32 v52, v2;
	[tilespmem:s31+$0xFFFFFD40] =	vst v17;
	v17 =	vmul.f32 v30, v9  }
0x205: {  	v57 =	vmul.f32 v48, v14;
	v21 =	vadd.f32 v55, v4;
	[tilespmem:s31+$0xFFFFFE20] =	vst v20  }
0x206: {  	v37 =	vmul.f32 v30, v12;
	[tilespmem:s31+$0xFFFFFEA0] =	vst v54;
	v17 =	vadd.f32 v17, v1  }
0x207: {  	v35 =	vmul.f32 v30, v10;
	v59 =	vadd.f32 v57, v6;
	[tilespmem:s31+$0xFFFFFEC0] =	vst v21  }
0x208: {  	v41 =	vmul.f32 v30, v15;
	[tilespmem:s31+$0xFFFFFD90] =	vst v17;
	v17 =	vadd.f32 v37, v4  }
0x209: {  	v46 =	vmul.f32 v40, v11;
	v18 =	vadd.f32 v35, v2;
	[tilespmem:s31+$0xFFFFFEE0] =	vst v59  }
0x20a: {  	v49 =	vmul.f32 v40, v14;
	[tilespmem:s31+$0xFFFFFDC0] =	vst v17;
	v17 =	vadd.f32 v41, v7  }
0x20b: {  	v50 =	vmul.f32 v40, v15;
	v19 =	vadd.f32 v46, v3;
	[tilespmem:s31+$0xFFFFFDA0] =	vst v18  }
0x20c: {  	v22 =	vadd.f32 v49, v6;
	[tilespmem:s31+$0xFFFFFDF0] =	vst v17;
	v17 =	vmul.f32 v40, v12  }
0x20d: {  	v44 =	vmul.f32 v40, v9;
	v20 =	vadd.f32 v50, v7;
	[tilespmem:s31+$0xFFFFFE30] =	vst v19  }
0x20e: {  	v51 =	vmul.f32 v48, v8;
	[tilespmem:s31+$0xFFFFFE60] =	vst v22;
	v17 =	vadd.f32 v17, v4  }
0x20f: {  	v53 =	vmul.f32 v48, v11;
	v34 =	vbroadcast v16, $0x8;
	v18 =	vadd.f32 v44, v1;
	[tilespmem:s31+$0xFFFFFE70] =	vst v20  }
0x210: {  	v19 =	vadd.f32 v51, v0;
	[tilespmem:s31+$0xFFFFFE40] =	vst v17;
	v17 =	vmul.f32 v48, v9  }
0x211: {  	v42 =	vmul.f32 v34, v13;
	v22 =	vadd.f32 v53, v3;
	[tilespmem:s31+$0xFFFFFE10] =	vst v18  }
0x212: {  	v43 =	vmul.f32 v34, v14;
	[tilespmem:s31+$0xFFFFFE80] =	vst v19;
	v17 =	vadd.f32 v17, v1  }
0x213: {  	v56 =	vmul.f32 v48, v13;
	v44 =	vadd.f32 v42, v5;
	[tilespmem:s31+$0xFFFFFEB0] =	vst v22  }
0x214: {  	v46 =	vadd.f32 v43, v6;
	v18 =	vmul.f32 v48, v15;
	[tilespmem:s31+$0xFFFFFE90] =	vst v17;
	v17 =	vbroadcast v16, $0x6  }
0x215: {  	v38 =	vmul.f32 v34, v10;
	v19 =	vadd.f32 v56, v5;
	[tilespmem:s31+$0x50] =	vst v44  }
0x216: {  	[tilespmem:s31+$0x60] =	vst v46;
	v18 =	vadd.f32 v18, v7;
	v58 =	vmul.f32 v17, v8  }
0x217: {  	[tilespmem:s31+$0xFFFFFED0] =	vst v19;
	v40 =	vadd.f32 v38, v2;
	v60 =	vmul.f32 v17, v9  }
0x218: {  	[tilespmem:s31+$0xFFFFFEF0] =	vst v18;
	v62 =	vmul.f32 v17, v10;
	v61 =	vadd.f32 v58, v0  }
0x219: {  	[tilespmem:s31+$0x20] =	vst v40;
	v63 =	vmul.f32 v17, v11;
	v21 =	vadd.f32 v60, v1  }
0x21a: {  	v24 =	vmul.f32 v17, v12;
	v20 =	vadd.f32 v62, v2;
	[tilespmem:s31+$0xFFFFFF00] =	vst v61  }
0x21b: {  	v25 =	vmul.f32 v17, v13;
	v22 =	vadd.f32 v63, v3;
	[tilespmem:s31+$0xFFFFFF10] =	vst v21  }
0x21c: {  	v27 =	vbroadcast v16, $0x7;
	v26 =	vmul.f32 v17, v14;
	v18 =	vadd.f32 v24, v4;
	[tilespmem:s31+$0xFFFFFF20] =	vst v20  }
0x21d: {  	v17 =	vmul.f32 v17, v15;
	v19 =	vadd.f32 v25, v5;
	[tilespmem:s31+$0xFFFFFF30] =	vst v22  }
0x21e: {  	v29 =	vmul.f32 v27, v8;
	v28 =	vadd.f32 v26, v6;
	[tilespmem:s31+$0xFFFFFF40] =	vst v18  }
0x21f: {  	v30 =	vmul.f32 v27, v9;
	v17 =	vadd.f32 v17, v7;
	[tilespmem:s31+$0xFFFFFF50] =	vst v19  }
0x220: {  	v31 =	vmul.f32 v27, v10;
	v21 =	vadd.f32 v29, v0;
	[tilespmem:s31+$0xFFFFFF60] =	vst v28  }
0x221: {  	v32 =	vmul.f32 v27, v11;
	v18 =	vadd.f32 v30, v1;
	[tilespmem:s31+$0xFFFFFF70] =	vst v17  }
0x222: {  	v35 =	vmul.f32 v27, v14;
	v53 =	vbroadcast v16, $0xA;
	v19 =	vadd.f32 v31, v2;
	[tilespmem:s31+$0xFFFFFF80] =	vst v21  }
0x223: {  	v17 =	vmul.f32 v27, v12;
	v20 =	vadd.f32 v32, v3;
	[tilespmem:s31+$0xFFFFFF90] =	vst v18  }
0x224: {  	v60 =	vmul.f32 v53, v13;
	v22 =	vadd.f32 v35, v6;
	[tilespmem:s31+$0xFFFFFFA0] =	vst v19  }
0x225: {  	v33 =	vmul.f32 v27, v13;
	v17 =	vadd.f32 v17, v4;
	[tilespmem:s31+$0xFFFFFFB0] =	vst v20  }
0x226: {  	v36 =	vmul.f32 v27, v15;
	v24 =	vadd.f32 v60, v5;
	[tilespmem:s31+$0xFFFFFFE0] =	vst v22  }
0x227: {  	v21 =	vadd.f32 v33, v5;
	[tilespmem:s31+$0xFFFFFFC0] =	vst v17;
	v17 =	vmul.f32 v34, v9  }
0x228: {  	v37 =	vmul.f32 v34, v8;
	v19 =	vadd.f32 v36, v7;
	[tilespmem:s31+$0x150] =	vst v24  }
0x229: {  	v39 =	vmul.f32 v34, v11;
	[tilespmem:s31+$0xFFFFFFD0] =	vst v21;
	v17 =	vadd.f32 v17, v1  }
0x22a: {  	v41 =	vmul.f32 v34, v12;
	v30 =	vbroadcast v16, $0xC;
	v20 =	vadd.f32 v37, v0;
	[tilespmem:s31+$0xFFFFFFF0] =	vst v19  }
0x22b: {  	v22 =	vadd.f32 v39, v3;
	v18 =	vmul.f32 v34, v15;
	[tilespmem:s31+$0x10] =	vst v17;
	v17 =	vbroadcast v16, $0x9  }
0x22c: {  	v38 =	vmul.f32 v30, v14;
	[tilespmem:s31+$0x0] =	vst v20;
	v21 =	vadd.f32 v41, v4  }
0x22d: {  	[tilespmem:s31+$0x30] =	vst v22;
	v18 =	vadd.f32 v18, v7;
	v45 =	vmul.f32 v17, v8  }
0x22e: {  	v40 =	vadd.f32 v38, v6;
	[tilespmem:s31+$0x40] =	vst v21;
	v47 =	vmul.f32 v17, v9  }
0x22f: {  	[tilespmem:s31+$0x70] =	vst v18;
	v49 =	vmul.f32 v17, v10;
	v48 =	vadd.f32 v45, v0  }
0x230: {  	[tilespmem:s31+$0x260] =	vst v40;
	v50 =	vmul.f32 v17, v11;
	v21 =	vadd.f32 v47, v1  }
0x231: {  	v51 =	vmul.f32 v17, v12;
	v20 =	vadd.f32 v49, v2;
	[tilespmem:s31+$0x80] =	vst v48  }
0x232: {  	v52 =	vmul.f32 v17, v13;
	v22 =	vadd.f32 v50, v3;
	[tilespmem:s31+$0x90] =	vst v21  }
0x233: {  	v54 =	vmul.f32 v17, v14;
	v18 =	vadd.f32 v51, v4;
	[tilespmem:s31+$0xA0] =	vst v20  }
0x234: {  	v17 =	vmul.f32 v17, v15;
	v19 =	vadd.f32 v52, v5;
	[tilespmem:s31+$0xB0] =	vst v22  }
0x235: {  	v56 =	vmul.f32 v53, v8;
	v55 =	vadd.f32 v54, v6;
	[tilespmem:s31+$0xC0] =	vst v18  }
0x236: {  	v57 =	vmul.f32 v53, v9;
	v17 =	vadd.f32 v17, v7;
	[tilespmem:s31+$0xD0] =	vst v19  }
0x237: {  	v58 =	vmul.f32 v53, v10;
	v62 =	vbroadcast v16, $0xB;
	v22 =	vadd.f32 v56, v0;
	[tilespmem:s31+$0xE0] =	vst v55  }
0x238: {  	v59 =	vmul.f32 v53, v11;
	v18 =	vadd.f32 v57, v1;
	[tilespmem:s31+$0xF0] =	vst v17  }
0x239: {  	v27 =	vmul.f32 v62, v10;
	v19 =	vadd.f32 v58, v2;
	[tilespmem:s31+$0x100] =	vst v22  }
0x23a: {  	v17 =	vmul.f32 v53, v12;
	v20 =	vadd.f32 v59, v3;
	[tilespmem:s31+$0x110] =	vst v18  }
0x23b: {  	v61 =	vmul.f32 v53, v14;
	v21 =	vadd.f32 v27, v2;
	[tilespmem:s31+$0x120] =	vst v19  }
0x23c: {  	v25 =	vmul.f32 v62, v8;
	v17 =	vadd.f32 v17, v4;
	[tilespmem:s31+$0x130] =	vst v20  }
0x23d: {  	v63 =	vmul.f32 v53, v15;
	v18 =	vadd.f32 v61, v6;
	[tilespmem:s31+$0x1A0] =	vst v21  }
0x23e: {  	v26 =	vmul.f32 v62, v9;
	v20 =	vadd.f32 v25, v0;
	[tilespmem:s31+$0x140] =	vst v17  }
0x23f: {  	v31 =	vmul.f32 v62, v14;
	v17 =	vadd.f32 v63, v7;
	[tilespmem:s31+$0x160] =	vst v18  }
0x240: {  	v32 =	vmul.f32 v62, v15;
	v19 =	vadd.f32 v26, v1;
	[tilespmem:s31+$0x180] =	vst v20  }
0x241: {  	v22 =	vadd.f32 v31, v6;
	[tilespmem:s31+$0x170] =	vst v17;
	v17 =	vmul.f32 v62, v12  }
0x242: {  	v28 =	vmul.f32 v62, v11;
	v21 =	vadd.f32 v32, v7;
	[tilespmem:s31+$0x190] =	vst v19  }
0x243: {  	v29 =	vmul.f32 v62, v13;
	[tilespmem:s31+$0x1E0] =	vst v22;
	v17 =	vadd.f32 v17, v4  }
0x244: {  	v35 =	vmul.f32 v30, v11;
	v18 =	vadd.f32 v28, v3;
	[tilespmem:s31+$0x1F0] =	vst v21  }
0x245: {  	v20 =	vadd.f32 v29, v5;
	[tilespmem:s31+$0x1C0] =	vst v17;
	v17 =	vmul.f32 v30, v9  }
0x246: {  	v36 =	vmul.f32 v30, v12;
	v22 =	vadd.f32 v35, v3;
	[tilespmem:s31+$0x1B0] =	vst v18  }
0x247: {  	v33 =	vmul.f32 v30, v8;
	[tilespmem:s31+$0x1D0] =	vst v20;
	v17 =	vadd.f32 v17, v1  }
0x248: {  	v34 =	vmul.f32 v30, v10;
	v21 =	vadd.f32 v36, v4;
	[tilespmem:s31+$0x230] =	vst v22  }
0x249: {  	v19 =	vmul.f32 v30, v15;
	v18 =	vadd.f32 v33, v0;
	[tilespmem:s31+$0x210] =	vst v17;
	v17 =	vbroadcast v16, $0xD  }
0x24a: {  	v37 =	vmul.f32 v30, v13;
	v20 =	vadd.f32 v34, v2;
	[tilespmem:s31+$0x240] =	vst v21  }
0x24b: {  	v19 =	vadd.f32 v19, v7;
	[tilespmem:s31+$0x200] =	vst v18;
	v39 =	vmul.f32 v17, v8  }
0x24c: {  	[tilespmem:s31+$0x220] =	vst v20;
	v18 =	vadd.f32 v37, v5;
	v41 =	vmul.f32 v17, v9  }
0x24d: {  	[tilespmem:s31+$0x270] =	vst v19;
	v43 =	vmul.f32 v17, v10;
	v42 =	vadd.f32 v39, v0  }
0x24e: {  	[tilespmem:s31+$0x250] =	vst v18;
	v44 =	vmul.f32 v17, v11;
	v21 =	vadd.f32 v41, v1  }
0x24f: {  	v45 =	vmul.f32 v17, v12;
	v20 =	vadd.f32 v43, v2;
	[tilespmem:s31+$0x280] =	vst v42  }
0x250: {  	v48 =	vbroadcast v16, $0xE;
	v46 =	vmul.f32 v17, v13;
	v22 =	vadd.f32 v44, v3;
	[tilespmem:s31+$0x290] =	vst v21  }
0x251: {  	v16 =	vbroadcast v16, $0xF;
	v47 =	vmul.f32 v17, v14;
	v19 =	vadd.f32 v45, v4;
	[tilespmem:s31+$0x2A0] =	vst v20  }
0x252: {  	v17 =	vmul.f32 v17, v15;
	v18 =	vadd.f32 v46, v5;
	[tilespmem:s31+$0x2B0] =	vst v22  }
0x253: {  	v58 =	vmul.f32 v16, v10;
	v49 =	vadd.f32 v47, v6;
	[tilespmem:s31+$0x2C0] =	vst v19  }
0x254: {  	v62 =	vmul.f32 v16, v13;
	v17 =	vadd.f32 v17, v7;
	[tilespmem:s31+$0x2D0] =	vst v18  }
0x255: {  	v50 =	vmul.f32 v48, v8;
	v60 =	vadd.f32 v58, v2;
	[tilespmem:s31+$0x2E0] =	vst v49  }
0x256: {  	v51 =	vmul.f32 v48, v9;
	v63 =	vadd.f32 v62, v5;
	[tilespmem:s31+$0x2F0] =	vst v17  }
0x257: {  	v52 =	vmul.f32 v48, v10;
	v21 =	vadd.f32 v50, v0;
	[tilespmem:s31+$0x3A0] =	vst v60  }
0x258: {  	v53 =	vmul.f32 v48, v11;
	v19 =	vadd.f32 v51, v1;
	[tilespmem:s31+$0x3D0] =	vst v63  }
0x259: {  	v17 =	vmul.f32 v48, v12;
	v18 =	vadd.f32 v52, v2;
	[tilespmem:s31+$0x300] =	vst v21  }
0x25a: {  	v54 =	vmul.f32 v48, v13;
	v20 =	vadd.f32 v53, v3;
	[tilespmem:s31+$0x310] =	vst v19  }
0x25b: {  	v55 =	vmul.f32 v48, v14;
	v17 =	vadd.f32 v17, v4;
	[tilespmem:s31+$0x320] =	vst v18  }
0x25c: {  	v56 =	vmul.f32 v48, v15;
	v21 =	vadd.f32 v54, v5;
	[tilespmem:s31+$0x330] =	vst v20  }
0x25d: {  	v19 =	vadd.f32 v55, v6;
	[tilespmem:s31+$0x340] =	vst v17;
	v17 =	vmul.f32 v16, v9  }
0x25e: {  	v57 =	vmul.f32 v16, v8;
	v18 =	vadd.f32 v56, v7;
	[tilespmem:s31+$0x350] =	vst v21  }
0x25f: {  	v59 =	vmul.f32 v16, v11;
	[tilespmem:s31+$0x360] =	vst v19;
	v17 =	vadd.f32 v17, v1  }
0x260: {  	v61 =	vmul.f32 v16, v12;
	v20 =	vadd.f32 v57, v0;
	[tilespmem:s31+$0x370] =	vst v18  }
0x261: {  	v19 =	vadd.f32 v59, v3;
	[tilespmem:s31+$0x390] =	vst v17;
	v17 =	vmul.f32 v16, v14  }
0x262: {  	[tilespmem:s31+$0x380] =	vst v20;
	v21 =	vadd.f32 v61, v4;
	v16 =	vmul.f32 v16, v15  }
0x263: {  	[tilespmem:s31+$0x3B0] =	vst v19;
	v17 =	vadd.f32 v17, v6  }
0x264: {  	[tilespmem:s31+$0x3C0] =	vst v21;
	v16 =	vadd.f32 v16, v7  }
0x265: {  	[tilespmem:s31+$0x3E0] =	vst v17  }
0x266: {  	s1 =	sadd.s32 s30, s11;
	s0 =	simm.s32 $0x80;
	s2 =	simm.s32 $0x10;
	[tilespmem:s31+$0x3F0] =	vst v16  }
.LBB2_5:
0x267: {  	p0 =	sne.s32 s0, $0x600;
	v16 =	vld [tilespmem:s2+$0x300];
	_ =	sdelay $0x4  }
0x268: {  	v16 =	vcvt.s32.f32 v16;
	_ =	sdelay $0x1  }
0x269: {  	v17 =	vbroadcast v16, $0x0;
	v18 =	vbroadcast v16, $0x1  }
0x26a: {  	v19 =	vbroadcast v16, $0x2;
	v20 =	vbroadcast v16, $0x3  }
0x26b: {  	v21 =	vmul.f32 v17, v8;
	v22 =	vmul.f32 v17, v9  }
0x26c: {  	v23 =	vmul.f32 v17, v10;
	v24 =	vmul.f32 v17, v11  }
0x26d: {  	v25 =	vmul.f32 v17, v12;
	v21 =	vadd.f32 v21, v0;
	v22 =	vadd.f32 v22, v1  }
0x26e: {  	s31 =	sadd.s32 $0x800, s31;
	v26 =	vmul.f32 v17, v13;
	v23 =	vadd.f32 v23, v2;
	v24 =	vadd.f32 v24, v3  }
0x26f: {  	[tilespmem:s31+$0xFFFFFC00] =	vst v21;
	v21 =	vadd.f32 v25, v4;
	v25 =	vmul.f32 v17, v14;
	v17 =	vmul.f32 v17, v15  }
0x270: {  	v27 =	vmul.f32 v18, v9;
	[tilespmem:s31+$0xFFFFFC10] =	vst v22;
	v22 =	vadd.f32 v26, v5;
	v26 =	vmul.f32 v18, v8  }
0x271: {  	[tilespmem:s31+$0xFFFFFC20] =	vst v23;
	v23 =	vadd.f32 v25, v6;
	v17 =	vadd.f32 v17, v7;
	v25 =	vmul.f32 v18, v10  }
0x272: {  	[tilespmem:s31+$0xFFFFFC30] =	vst v24;
	v24 =	vadd.f32 v26, v0;
	v26 =	vadd.f32 v27, v1;
	v27 =	vmul.f32 v18, v11  }
0x273: {  	v28 =	vmul.f32 v18, v13;
	[tilespmem:s31+$0xFFFFFC40] =	vst v21;
	v21 =	vadd.f32 v25, v2;
	v25 =	vmul.f32 v18, v12  }
0x274: {  	[tilespmem:s31+$0xFFFFFC50] =	vst v22;
	v22 =	vadd.f32 v27, v3;
	v27 =	vmul.f32 v18, v14;
	v18 =	vmul.f32 v18, v15  }
0x275: {  	[tilespmem:s31+$0xFFFFFC60] =	vst v23;
	v23 =	vadd.f32 v25, v4;
	v25 =	vadd.f32 v28, v5;
	v28 =	vmul.f32 v19, v8  }
0x276: {  	[tilespmem:s31+$0xFFFFFC70] =	vst v17;
	v17 =	vadd.f32 v27, v6;
	v18 =	vadd.f32 v18, v7;
	v27 =	vmul.f32 v19, v9  }
0x277: {  	v29 =	vmul.f32 v19, v11;
	[tilespmem:s31+$0xFFFFFC80] =	vst v24;
	v24 =	vadd.f32 v28, v0;
	v28 =	vmul.f32 v19, v10  }
0x278: {  	v30 =	vmul.f32 v19, v13;
	[tilespmem:s31+$0xFFFFFC90] =	vst v26;
	v26 =	vadd.f32 v27, v1;
	v27 =	vmul.f32 v19, v12  }
0x279: {  	[tilespmem:s31+$0xFFFFFCA0] =	vst v21;
	v21 =	vadd.f32 v28, v2;
	v28 =	vadd.f32 v29, v3;
	v29 =	vmul.f32 v19, v14  }
0x27a: {  	v19 =	vmul.f32 v19, v15;
	[tilespmem:s31+$0xFFFFFCB0] =	vst v22;
	v22 =	vadd.f32 v27, v4;
	v27 =	vadd.f32 v30, v5  }
0x27b: {  	v30 =	vmul.f32 v20, v9;
	[tilespmem:s31+$0xFFFFFCC0] =	vst v23;
	v23 =	vadd.f32 v29, v6;
	v29 =	vmul.f32 v20, v8  }
0x27c: {  	v31 =	vmul.f32 v20, v11;
	v19 =	vadd.f32 v19, v7;
	[tilespmem:s31+$0xFFFFFCD0] =	vst v25;
	v25 =	vmul.f32 v20, v10  }
0x27d: {  	[tilespmem:s31+$0xFFFFFCE0] =	vst v17;
	v17 =	vadd.f32 v29, v0;
	v29 =	vadd.f32 v30, v1;
	v30 =	vmul.f32 v20, v12  }
0x27e: {  	[tilespmem:s31+$0xFFFFFCF0] =	vst v18;
	v18 =	vadd.f32 v25, v2;
	v25 =	vadd.f32 v31, v3;
	v31 =	vmul.f32 v20, v13  }
0x27f: {  	[tilespmem:s31+$0xFFFFFD00] =	vst v24;
	v24 =	vadd.f32 v30, v4;
	v30 =	vmul.f32 v20, v14;
	v20 =	vmul.f32 v20, v15  }
0x280: {  	v32 =	vbroadcast v16, $0x5;
	[tilespmem:s31+$0xFFFFFD10] =	vst v26;
	v26 =	vadd.f32 v31, v5;
	v31 =	vbroadcast v16, $0x4  }
0x281: {  	[tilespmem:s31+$0xFFFFFD20] =	vst v21;
	v21 =	vadd.f32 v30, v6;
	v20 =	vadd.f32 v20, v7;
	v30 =	vbroadcast v16, $0x6  }
0x282: {  	[tilespmem:s31+$0xFFFFFD30] =	vst v28;
	v28 =	vmul.f32 v31, v8;
	v33 =	vmul.f32 v31, v9  }
0x283: {  	v34 =	vmul.f32 v31, v11;
	[tilespmem:s31+$0xFFFFFD40] =	vst v22;
	v22 =	vmul.f32 v31, v10  }
0x284: {  	[tilespmem:s31+$0xFFFFFD50] =	vst v27;
	v27 =	vadd.f32 v28, v0;
	v28 =	vadd.f32 v33, v1;
	v33 =	vmul.f32 v31, v12  }
0x285: {  	[tilespmem:s31+$0xFFFFFD60] =	vst v23;
	v22 =	vadd.f32 v22, v2;
	v23 =	vadd.f32 v34, v3;
	v34 =	vmul.f32 v31, v13  }
0x286: {  	[tilespmem:s31+$0xFFFFFD70] =	vst v19;
	v19 =	vadd.f32 v33, v4;
	v33 =	vmul.f32 v31, v14;
	v31 =	vmul.f32 v31, v15  }
0x287: {  	v35 =	vmul.f32 v32, v9;
	[tilespmem:s31+$0xFFFFFD80] =	vst v17;
	v17 =	vadd.f32 v34, v5;
	v34 =	vmul.f32 v32, v8  }
0x288: {  	[tilespmem:s31+$0xFFFFFD90] =	vst v29;
	v29 =	vadd.f32 v33, v6;
	v31 =	vadd.f32 v31, v7;
	v33 =	vmul.f32 v32, v10  }
0x289: {  	[tilespmem:s31+$0xFFFFFDA0] =	vst v18;
	v18 =	vadd.f32 v34, v0;
	v34 =	vadd.f32 v35, v1;
	v35 =	vmul.f32 v32, v11  }
0x28a: {  	v36 =	vmul.f32 v32, v13;
	[tilespmem:s31+$0xFFFFFDB0] =	vst v25;
	v25 =	vadd.f32 v33, v2;
	v33 =	vmul.f32 v32, v12  }
0x28b: {  	[tilespmem:s31+$0xFFFFFDC0] =	vst v24;
	v24 =	vadd.f32 v35, v3;
	v35 =	vmul.f32 v32, v14;
	v32 =	vmul.f32 v32, v15  }
0x28c: {  	[tilespmem:s31+$0xFFFFFDD0] =	vst v26;
	v26 =	vadd.f32 v33, v4;
	v33 =	vadd.f32 v36, v5;
	v36 =	vmul.f32 v30, v8  }
0x28d: {  	[tilespmem:s31+$0xFFFFFDE0] =	vst v21;
	v21 =	vadd.f32 v35, v6;
	v32 =	vadd.f32 v32, v7;
	v35 =	vmul.f32 v30, v9  }
0x28e: {  	v37 =	vmul.f32 v30, v11;
	[tilespmem:s31+$0xFFFFFDF0] =	vst v20;
	v20 =	vadd.f32 v36, v0;
	v36 =	vmul.f32 v30, v10  }
0x28f: {  	v38 =	vmul.f32 v30, v13;
	[tilespmem:s31+$0xFFFFFE00] =	vst v27;
	v27 =	vadd.f32 v35, v1;
	v35 =	vmul.f32 v30, v12  }
0x290: {  	[tilespmem:s31+$0xFFFFFE10] =	vst v28;
	v28 =	vadd.f32 v36, v2;
	v36 =	vadd.f32 v37, v3;
	v37 =	vmul.f32 v30, v14  }
0x291: {  	v30 =	vmul.f32 v30, v15;
	[tilespmem:s31+$0xFFFFFE20] =	vst v22;
	v22 =	vadd.f32 v35, v4;
	v35 =	vadd.f32 v38, v5  }
0x292: {  	v38 =	vbroadcast v16, $0x8;
	[tilespmem:s31+$0xFFFFFE30] =	vst v23;
	v23 =	vadd.f32 v37, v6;
	v37 =	vbroadcast v16, $0x7  }
0x293: {  	v39 =	vbroadcast v16, $0xA;
	[tilespmem:s31+$0xFFFFFE40] =	vst v19;
	v19 =	vadd.f32 v30, v7;
	v30 =	vbroadcast v16, $0x9  }
0x294: {  	[tilespmem:s31+$0xFFFFFE50] =	vst v17;
	v17 =	vmul.f32 v37, v8;
	v40 =	vmul.f32 v37, v9  }
0x295: {  	v41 =	vmul.f32 v37, v11;
	[tilespmem:s31+$0xFFFFFE60] =	vst v29;
	v29 =	vmul.f32 v37, v10  }
0x296: {  	[tilespmem:s31+$0xFFFFFE70] =	vst v31;
	v17 =	vadd.f32 v17, v0;
	v31 =	vadd.f32 v40, v1;
	v40 =	vmul.f32 v37, v12  }
0x297: {  	[tilespmem:s31+$0xFFFFFE80] =	vst v18;
	v18 =	vadd.f32 v29, v2;
	v29 =	vadd.f32 v41, v3;
	v41 =	vmul.f32 v37, v13  }
0x298: {  	[tilespmem:s31+$0xFFFFFE90] =	vst v34;
	v34 =	vadd.f32 v40, v4;
	v40 =	vmul.f32 v37, v14;
	v37 =	vmul.f32 v37, v15  }
0x299: {  	v42 =	vmul.f32 v38, v9;
	[tilespmem:s31+$0xFFFFFEA0] =	vst v25;
	v25 =	vadd.f32 v41, v5;
	v41 =	vmul.f32 v38, v8  }
0x29a: {  	[tilespmem:s31+$0xFFFFFEB0] =	vst v24;
	v24 =	vadd.f32 v40, v6;
	v37 =	vadd.f32 v37, v7;
	v40 =	vmul.f32 v38, v10  }
0x29b: {  	[tilespmem:s31+$0xFFFFFEC0] =	vst v26;
	v26 =	vadd.f32 v41, v0;
	v41 =	vadd.f32 v42, v1;
	v42 =	vmul.f32 v38, v11  }
0x29c: {  	v43 =	vmul.f32 v38, v13;
	[tilespmem:s31+$0xFFFFFED0] =	vst v33;
	v33 =	vadd.f32 v40, v2;
	v40 =	vmul.f32 v38, v12  }
0x29d: {  	[tilespmem:s31+$0xFFFFFEE0] =	vst v21;
	v21 =	vadd.f32 v42, v3;
	v42 =	vmul.f32 v38, v14;
	v38 =	vmul.f32 v38, v15  }
0x29e: {  	[tilespmem:s31+$0xFFFFFEF0] =	vst v32;
	v32 =	vadd.f32 v40, v4;
	v40 =	vadd.f32 v43, v5;
	v43 =	vmul.f32 v30, v8  }
0x29f: {  	[tilespmem:s31+$0xFFFFFF00] =	vst v20;
	v20 =	vadd.f32 v42, v6;
	v38 =	vadd.f32 v38, v7;
	v42 =	vmul.f32 v30, v9  }
0x2a0: {  	v44 =	vmul.f32 v30, v11;
	[tilespmem:s31+$0xFFFFFF10] =	vst v27;
	v27 =	vadd.f32 v43, v0;
	v43 =	vmul.f32 v30, v10  }
0x2a1: {  	v45 =	vmul.f32 v30, v13;
	[tilespmem:s31+$0xFFFFFF20] =	vst v28;
	v28 =	vadd.f32 v42, v1;
	v42 =	vmul.f32 v30, v12  }
0x2a2: {  	[tilespmem:s31+$0xFFFFFF30] =	vst v36;
	v36 =	vadd.f32 v43, v2;
	v43 =	vadd.f32 v44, v3;
	v44 =	vmul.f32 v30, v14  }
0x2a3: {  	v30 =	vmul.f32 v30, v15;
	[tilespmem:s31+$0xFFFFFF40] =	vst v22;
	v22 =	vadd.f32 v42, v4;
	v42 =	vadd.f32 v45, v5  }
0x2a4: {  	v45 =	vmul.f32 v39, v9;
	[tilespmem:s31+$0xFFFFFF50] =	vst v35;
	v35 =	vadd.f32 v44, v6;
	v44 =	vmul.f32 v39, v8  }
0x2a5: {  	v46 =	vmul.f32 v39, v11;
	[tilespmem:s31+$0xFFFFFF60] =	vst v23;
	v23 =	vadd.f32 v30, v7;
	v30 =	vmul.f32 v39, v10  }
0x2a6: {  	[tilespmem:s31+$0xFFFFFF70] =	vst v19;
	v19 =	vadd.f32 v44, v0;
	v44 =	vadd.f32 v45, v1;
	v45 =	vmul.f32 v39, v12  }
0x2a7: {  	v46 =	vadd.f32 v46, v3;
	[tilespmem:s31+$0xFFFFFF80] =	vst v17;
	v30 =	vadd.f32 v30, v2;
	v17 =	vmul.f32 v39, v13  }
0x2a8: {  	[tilespmem:s31+$0xFFFFFF90] =	vst v31;
	v31 =	vadd.f32 v45, v4;
	v45 =	vmul.f32 v39, v14;
	v39 =	vmul.f32 v39, v15  }
0x2a9: {  	v48 =	vbroadcast v16, $0xB;
	v49 =	vbroadcast v16, $0xC;
	[tilespmem:s31+$0xFFFFFFA0] =	vst v18;
	v47 =	vadd.f32 v17, v5  }
0x2aa: {  	[tilespmem:s31+$0xFFFFFFB0] =	vst v29;
	v29 =	vadd.f32 v45, v6;
	v17 =	vadd.f32 v39, v7;
	v39 =	vbroadcast v16, $0xD  }
0x2ab: {  	v18 =	vmul.f32 v48, v8;
	[tilespmem:s31+$0xFFFFFFC0] =	vst v34;
	v34 =	vmul.f32 v48, v9  }
0x2ac: {  	v45 =	vmul.f32 v48, v11;
	[tilespmem:s31+$0xFFFFFFD0] =	vst v25;
	v25 =	vmul.f32 v48, v10  }
0x2ad: {  	v50 =	vmul.f32 v48, v12;
	[tilespmem:s31+$0xFFFFFFE0] =	vst v24;
	v24 =	vadd.f32 v18, v0;
	v34 =	vadd.f32 v34, v1  }
0x2ae: {  	v18 =	vadd.f32 v45, v3;
	[tilespmem:s31+$0xFFFFFFF0] =	vst v37;
	v25 =	vadd.f32 v25, v2;
	v37 =	vmul.f32 v48, v13  }
0x2af: {  	v45 =	vmul.f32 v48, v14;
	v48 =	vmul.f32 v48, v15;
	[tilespmem:s31+$0x0] =	vst v26;
	v26 =	vadd.f32 v50, v4  }
0x2b0: {  	v50 =	vmul.f32 v49, v9;
	[tilespmem:s31+$0x10] =	vst v41;
	v37 =	vadd.f32 v37, v5;
	v41 =	vmul.f32 v49, v8  }
0x2b1: {  	[tilespmem:s31+$0x20] =	vst v33;
	v33 =	vadd.f32 v45, v6;
	v45 =	vadd.f32 v48, v7;
	v48 =	vmul.f32 v49, v10  }
0x2b2: {  	[tilespmem:s31+$0x30] =	vst v21;
	v21 =	vadd.f32 v41, v0;
	v41 =	vadd.f32 v50, v1;
	v50 =	vmul.f32 v49, v11  }
0x2b3: {  	v51 =	vmul.f32 v49, v13;
	[tilespmem:s31+$0x40] =	vst v32;
	v32 =	vadd.f32 v48, v2;
	v48 =	vmul.f32 v49, v12  }
0x2b4: {  	[tilespmem:s31+$0x50] =	vst v40;
	v40 =	vadd.f32 v50, v3;
	v50 =	vmul.f32 v49, v14;
	v49 =	vmul.f32 v49, v15  }
0x2b5: {  	[tilespmem:s31+$0x60] =	vst v20;
	v20 =	vadd.f32 v48, v4;
	v48 =	vadd.f32 v51, v5;
	v51 =	vmul.f32 v39, v8  }
0x2b6: {  	[tilespmem:s31+$0x70] =	vst v38;
	v38 =	vadd.f32 v50, v6;
	v49 =	vadd.f32 v49, v7;
	v50 =	vmul.f32 v39, v9  }
0x2b7: {  	v52 =	vmul.f32 v39, v11;
	[tilespmem:s31+$0x80] =	vst v27;
	v27 =	vadd.f32 v51, v0;
	v51 =	vmul.f32 v39, v10  }
0x2b8: {  	v53 =	vmul.f32 v39, v13;
	[tilespmem:s31+$0x90] =	vst v28;
	v28 =	vadd.f32 v50, v1;
	v50 =	vmul.f32 v39, v12  }
0x2b9: {  	[tilespmem:s31+$0xA0] =	vst v36;
	v36 =	vadd.f32 v51, v2;
	v51 =	vadd.f32 v52, v3;
	v52 =	vmul.f32 v39, v14  }
0x2ba: {  	v39 =	vmul.f32 v39, v15;
	[tilespmem:s31+$0xB0] =	vst v43;
	v43 =	vadd.f32 v50, v4;
	v50 =	vadd.f32 v53, v5  }
0x2bb: {  	[tilespmem:s31+$0xC0] =	vst v22;
	v22 =	vadd.f32 v52, v6;
	v52 =	vbroadcast v16, $0xE;
	v16 =	vbroadcast v16, $0xF  }
0x2bc: {  	v39 =	vadd.f32 v39, v7;
	[tilespmem:s31+$0xD0] =	vst v42  }
0x2bd: {  	[tilespmem:s31+$0xE0] =	vst v35;
	v35 =	vmul.f32 v52, v8;
	v42 =	vmul.f32 v52, v9  }
0x2be: {  	v53 =	vmul.f32 v52, v11;
	[tilespmem:s31+$0xF0] =	vst v23;
	v23 =	vmul.f32 v52, v10  }
0x2bf: {  	[tilespmem:s31+$0x100] =	vst v19;
	v19 =	vadd.f32 v35, v0;
	v35 =	vadd.f32 v42, v1;
	v42 =	vmul.f32 v52, v12  }
0x2c0: {  	[tilespmem:s31+$0x110] =	vst v44;
	v23 =	vadd.f32 v23, v2;
	v44 =	vadd.f32 v53, v3;
	v53 =	vmul.f32 v52, v13  }
0x2c1: {  	[tilespmem:s31+$0x120] =	vst v30;
	v30 =	vadd.f32 v42, v4;
	v42 =	vmul.f32 v52, v14;
	v52 =	vmul.f32 v52, v15  }
0x2c2: {  	v54 =	vmul.f32 v16, v9;
	[tilespmem:s31+$0x130] =	vst v46;
	v46 =	vadd.f32 v53, v5;
	v53 =	vmul.f32 v16, v8  }
0x2c3: {  	[tilespmem:s31+$0x140] =	vst v31;
	v31 =	vadd.f32 v42, v6;
	v42 =	vadd.f32 v52, v7;
	v52 =	vmul.f32 v16, v10  }
0x2c4: {  	[tilespmem:s31+$0x150] =	vst v47;
	v47 =	vadd.f32 v53, v0;
	v53 =	vadd.f32 v54, v1;
	v54 =	vmul.f32 v16, v11  }
0x2c5: {  	v55 =	vmul.f32 v16, v13;
	[tilespmem:s31+$0x160] =	vst v29;
	v29 =	vadd.f32 v52, v2;
	v52 =	vmul.f32 v16, v12  }
0x2c6: {  	[tilespmem:s31+$0x170] =	vst v17;
	v17 =	vadd.f32 v54, v3;
	v54 =	vmul.f32 v16, v14;
	v16 =	vmul.f32 v16, v15  }
0x2c7: {  	[tilespmem:s31+$0x180] =	vst v24;
	v24 =	vadd.f32 v52, v4;
	v52 =	vadd.f32 v55, v5  }
0x2c8: {  	[tilespmem:s31+$0x190] =	vst v34;
	v34 =	vadd.f32 v54, v6;
	v16 =	vadd.f32 v16, v7  }
0x2c9: {  	[tilespmem:s31+$0x1A0] =	vst v25  }
0x2ca: {  	[tilespmem:s31+$0x1B0] =	vst v18  }
0x2cb: {  	[tilespmem:s31+$0x1C0] =	vst v26  }
0x2cc: {  	[tilespmem:s31+$0x1D0] =	vst v37  }
0x2cd: {  	[tilespmem:s31+$0x1E0] =	vst v33  }
0x2ce: {  	[tilespmem:s31+$0x1F0] =	vst v45  }
0x2cf: {  	[tilespmem:s31+$0x200] =	vst v21  }
0x2d0: {  	[tilespmem:s31+$0x210] =	vst v41  }
0x2d1: {  	[tilespmem:s31+$0x220] =	vst v32  }
0x2d2: {  	[tilespmem:s31+$0x230] =	vst v40  }
0x2d3: {  	[tilespmem:s31+$0x240] =	vst v20  }
0x2d4: {  	[tilespmem:s31+$0x250] =	vst v48  }
0x2d5: {  	[tilespmem:s31+$0x260] =	vst v38  }
0x2d6: {  	[tilespmem:s31+$0x270] =	vst v49  }
0x2d7: {  	[tilespmem:s31+$0x280] =	vst v27  }
0x2d8: {  	[tilespmem:s31+$0x290] =	vst v28  }
0x2d9: {  	[tilespmem:s31+$0x2A0] =	vst v36  }
0x2da: {  	[tilespmem:s31+$0x2B0] =	vst v51  }
0x2db: {  	[tilespmem:s31+$0x2C0] =	vst v43  }
0x2dc: {  	[tilespmem:s31+$0x2D0] =	vst v50  }
0x2dd: {  	[tilespmem:s31+$0x2E0] =	vst v22  }
0x2de: {  	[tilespmem:s31+$0x2F0] =	vst v39  }
0x2df: {  	[tilespmem:s31+$0x300] =	vst v19  }
0x2e0: {  	[tilespmem:s31+$0x310] =	vst v35  }
0x2e1: {  	[tilespmem:s31+$0x320] =	vst v23  }
0x2e2: {  	[tilespmem:s31+$0x330] =	vst v44  }
0x2e3: {  	[tilespmem:s31+$0x340] =	vst v30  }
0x2e4: {  	[tilespmem:s31+$0x350] =	vst v46  }
0x2e5: {  	[tilespmem:s31+$0x360] =	vst v31  }
0x2e6: {  	[tilespmem:s31+$0x370] =	vst v42  }
0x2e7: {  	[tilespmem:s31+$0x380] =	vst v47  }
0x2e8: {  	[tilespmem:s31+$0x390] =	vst v53  }
0x2e9: {  	[tilespmem:s31+$0x3A0] =	vst v29  }
.Ltmp3:
0x2ea: {  	[tilespmem:s31+$0x3B0] =	vst v17;
	(pc) =	sbr.rel @p0 .LBB2_5-.Ltmp3, $4  }
0x2eb: {  	[tilespmem:s31+$0x3C0] =	vst v24  }
0x2ec: {  	[tilespmem:s31+$0x3D0] =	vst v52  }
0x2ed: {  	[tilespmem:s31+$0x3E0] =	vst v34  }
0x2ee: {  	s2 =	sshra.s32 s0, $0x2;
	s0 =	sadd.s32 $0x40, s0;
	[tilespmem:s31+$0x3F0] =	vst v16  }
0x2ef: {  	v16 =	vld [tilespmem:s2+$0x300];
	_ =	sdelay $0x4  }
0x2f0: {  	v16 =	vcvt.s32.f32 v16;
	_ =	sdelay $0x1  }
0x2f1: {  	v17 =	vbroadcast v16, $0x0;
	_ =	sdelay $0x1  }
0x2f2: {  	v18 =	vmul.f32 v17, v8  }
0x2f3: {  	v19 =	vmul.f32 v17, v9  }
0x2f4: {  	v20 =	vmul.f32 v17, v10;
	v18 =	vadd.f32 v18, v0  }
0x2f5: {  	s0 =	sadd.s32 $0x800, s31;
	v21 =	vmul.f32 v17, v11;
	v19 =	vadd.f32 v19, v1  }
0x2f6: {  	v22 =	vmul.f32 v17, v12;
	v20 =	vadd.f32 v20, v2;
	[tilespmem:s0+$0xFFFFFC00] =	vst v18  }
0x2f7: {  	v50 =	vmul.f32 v17, v13;
	v49 =	vadd.f32 v21, v3;
	[tilespmem:s0+$0xFFFFFC10] =	vst v19  }
0x2f8: {  	v51 =	vbroadcast v16, $0x1;
	v23 =	vmul.f32 v17, v14;
	v22 =	vadd.f32 v22, v4;
	[tilespmem:s0+$0xFFFFFC20] =	vst v20  }
0x2f9: {  	v17 =	vmul.f32 v17, v15;
	v52 =	vadd.f32 v50, v5;
	[tilespmem:s0+$0xFFFFFC30] =	vst v49  }
0x2fa: {  	v61 =	vbroadcast v16, $0x2;
	v55 =	vmul.f32 v51, v9;
	v54 =	vadd.f32 v23, v6;
	[tilespmem:s0+$0xFFFFFC40] =	vst v22  }
0x2fb: {  	v62 =	vmul.f32 v51, v14;
	v17 =	vadd.f32 v17, v7;
	[tilespmem:s0+$0xFFFFFC50] =	vst v52  }
0x2fc: {  	v30 =	vbroadcast v16, $0x3;
	v63 =	vmul.f32 v61, v8;
	v57 =	vadd.f32 v55, v1;
	[tilespmem:s0+$0xFFFFFC60] =	vst v54  }
0x2fd: {  	v31 =	vmul.f32 v61, v14;
	v24 =	vadd.f32 v62, v6;
	[tilespmem:s0+$0xFFFFFC70] =	vst v17  }
0x2fe: {  	v36 =	vmul.f32 v30, v11;
	v26 =	vadd.f32 v63, v0;
	[tilespmem:s0+$0xFFFFFC90] =	vst v57  }
0x2ff: {  	v38 =	vmul.f32 v30, v13;
	v33 =	vadd.f32 v31, v6;
	[tilespmem:s0+$0xFFFFFCE0] =	vst v24  }
0x300: {  	v53 =	vmul.f32 v51, v8;
	v21 =	vadd.f32 v36, v3;
	[tilespmem:s0+$0xFFFFFD00] =	vst v26  }
0x301: {  	v56 =	vmul.f32 v51, v10;
	v42 =	vadd.f32 v38, v5;
	[tilespmem:s0+$0xFFFFFD60] =	vst v33  }
0x302: {  	v58 =	vmul.f32 v51, v11;
	v18 =	vadd.f32 v53, v0;
	[tilespmem:s0+$0xFFFFFDB0] =	vst v21  }
0x303: {  	v40 =	vbroadcast v16, $0x4;
	v59 =	vmul.f32 v51, v12;
	v17 =	vadd.f32 v56, v2;
	[tilespmem:s0+$0xFFFFFDD0] =	vst v42  }
0x304: {  	v27 =	vmul.f32 v61, v10;
	v22 =	vadd.f32 v58, v3;
	[tilespmem:s0+$0xFFFFFC80] =	vst v18  }
0x305: {  	v43 =	vmul.f32 v40, v8;
	v20 =	vadd.f32 v59, v4;
	[tilespmem:s0+$0xFFFFFCA0] =	vst v17  }
0x306: {  	v60 =	vmul.f32 v51, v13;
	v19 =	vadd.f32 v27, v2;
	[tilespmem:s0+$0xFFFFFCB0] =	vst v22  }
0x307: {  	v25 =	vmul.f32 v61, v9;
	v21 =	vadd.f32 v43, v0;
	[tilespmem:s0+$0xFFFFFCC0] =	vst v20  }
0x308: {  	v28 =	vmul.f32 v61, v11;
	v18 =	vadd.f32 v60, v5;
	[tilespmem:s0+$0xFFFFFD20] =	vst v19  }
0x309: {  	v32 =	vmul.f32 v61, v15;
	v20 =	vadd.f32 v25, v1;
	[tilespmem:s0+$0xFFFFFE00] =	vst v21  }
0x30a: {  	v48 =	vbroadcast v16, $0x5;
	v47 =	vmul.f32 v40, v13;
	v22 =	vadd.f32 v28, v3;
	[tilespmem:s0+$0xFFFFFCD0] =	vst v18  }
0x30b: {  	v17 =	vmul.f32 v51, v15;
	v19 =	vadd.f32 v32, v7;
	[tilespmem:s0+$0xFFFFFD10] =	vst v20  }
0x30c: {  	v52 =	vmul.f32 v48, v10;
	v21 =	vadd.f32 v47, v5;
	[tilespmem:s0+$0xFFFFFD30] =	vst v22  }
0x30d: {  	v57 =	vmul.f32 v48, v14;
	v17 =	vadd.f32 v17, v7;
	[tilespmem:s0+$0xFFFFFD70] =	vst v19  }
0x30e: {  	v29 =	vmul.f32 v61, v13;
	v54 =	vadd.f32 v52, v2;
	[tilespmem:s0+$0xFFFFFE50] =	vst v21  }
0x30f: {  	v59 =	vadd.f32 v57, v6;
	[tilespmem:s0+$0xFFFFFCF0] =	vst v17;
	v17 =	vmul.f32 v61, v12  }
0x310: {  	v34 =	vmul.f32 v30, v8;
	v18 =	vadd.f32 v29, v5;
	[tilespmem:s0+$0xFFFFFEA0] =	vst v54  }
0x311: {  	v39 =	vmul.f32 v30, v14;
	[tilespmem:s0+$0xFFFFFEE0] =	vst v59;
	v17 =	vadd.f32 v17, v4  }
0x312: {  	v45 =	vmul.f32 v40, v10;
	v22 =	vadd.f32 v34, v0;
	[tilespmem:s0+$0xFFFFFD50] =	vst v18  }
0x313: {  	v19 =	vadd.f32 v39, v6;
	[tilespmem:s0+$0xFFFFFD40] =	vst v17;
	v17 =	vmul.f32 v30, v9  }
0x314: {  	v55 =	vmul.f32 v48, v12;
	v20 =	vadd.f32 v45, v2;
	[tilespmem:s0+$0xFFFFFD80] =	vst v22  }
0x315: {  	v37 =	vmul.f32 v30, v12;
	[tilespmem:s0+$0xFFFFFDE0] =	vst v19;
	v17 =	vadd.f32 v17, v1  }
0x316: {  	v35 =	vmul.f32 v30, v10;
	v21 =	vadd.f32 v55, v4;
	[tilespmem:s0+$0xFFFFFE20] =	vst v20  }
0x317: {  	v41 =	vmul.f32 v30, v15;
	[tilespmem:s0+$0xFFFFFD90] =	vst v17;
	v17 =	vadd.f32 v37, v4  }
0x318: {  	v46 =	vmul.f32 v40, v11;
	v18 =	vadd.f32 v35, v2;
	[tilespmem:s0+$0xFFFFFEC0] =	vst v21  }
0x319: {  	v49 =	vmul.f32 v40, v14;
	[tilespmem:s0+$0xFFFFFDC0] =	vst v17;
	v17 =	vadd.f32 v41, v7  }
0x31a: {  	v50 =	vmul.f32 v40, v15;
	v19 =	vadd.f32 v46, v3;
	[tilespmem:s0+$0xFFFFFDA0] =	vst v18  }
0x31b: {  	v22 =	vadd.f32 v49, v6;
	[tilespmem:s0+$0xFFFFFDF0] =	vst v17;
	v17 =	vmul.f32 v40, v12  }
0x31c: {  	v44 =	vmul.f32 v40, v9;
	v20 =	vadd.f32 v50, v7;
	[tilespmem:s0+$0xFFFFFE30] =	vst v19  }
0x31d: {  	v51 =	vmul.f32 v48, v8;
	[tilespmem:s0+$0xFFFFFE60] =	vst v22;
	v17 =	vadd.f32 v17, v4  }
0x31e: {  	v53 =	vmul.f32 v48, v11;
	v34 =	vbroadcast v16, $0x8;
	v18 =	vadd.f32 v44, v1;
	[tilespmem:s0+$0xFFFFFE70] =	vst v20  }
0x31f: {  	v19 =	vadd.f32 v51, v0;
	[tilespmem:s0+$0xFFFFFE40] =	vst v17;
	v17 =	vmul.f32 v48, v9  }
0x320: {  	v42 =	vmul.f32 v34, v13;
	v22 =	vadd.f32 v53, v3;
	[tilespmem:s0+$0xFFFFFE10] =	vst v18  }
0x321: {  	v43 =	vmul.f32 v34, v14;
	[tilespmem:s0+$0xFFFFFE80] =	vst v19;
	v17 =	vadd.f32 v17, v1  }
0x322: {  	v56 =	vmul.f32 v48, v13;
	v44 =	vadd.f32 v42, v5;
	[tilespmem:s0+$0xFFFFFEB0] =	vst v22  }
0x323: {  	v46 =	vadd.f32 v43, v6;
	v18 =	vmul.f32 v48, v15;
	[tilespmem:s0+$0xFFFFFE90] =	vst v17;
	v17 =	vbroadcast v16, $0x6  }
0x324: {  	v38 =	vmul.f32 v34, v10;
	v19 =	vadd.f32 v56, v5;
	[tilespmem:s0+$0x50] =	vst v44  }
0x325: {  	[tilespmem:s0+$0x60] =	vst v46;
	v18 =	vadd.f32 v18, v7;
	v58 =	vmul.f32 v17, v8  }
0x326: {  	[tilespmem:s0+$0xFFFFFED0] =	vst v19;
	v40 =	vadd.f32 v38, v2;
	v60 =	vmul.f32 v17, v9  }
0x327: {  	[tilespmem:s0+$0xFFFFFEF0] =	vst v18;
	v62 =	vmul.f32 v17, v10;
	v61 =	vadd.f32 v58, v0  }
0x328: {  	[tilespmem:s0+$0x20] =	vst v40;
	v63 =	vmul.f32 v17, v11;
	v21 =	vadd.f32 v60, v1  }
0x329: {  	v24 =	vmul.f32 v17, v12;
	v20 =	vadd.f32 v62, v2;
	[tilespmem:s0+$0xFFFFFF00] =	vst v61  }
0x32a: {  	v25 =	vmul.f32 v17, v13;
	v22 =	vadd.f32 v63, v3;
	[tilespmem:s0+$0xFFFFFF10] =	vst v21  }
0x32b: {  	v27 =	vbroadcast v16, $0x7;
	v26 =	vmul.f32 v17, v14;
	v18 =	vadd.f32 v24, v4;
	[tilespmem:s0+$0xFFFFFF20] =	vst v20  }
0x32c: {  	v17 =	vmul.f32 v17, v15;
	v19 =	vadd.f32 v25, v5;
	[tilespmem:s0+$0xFFFFFF30] =	vst v22  }
0x32d: {  	v29 =	vmul.f32 v27, v8;
	v28 =	vadd.f32 v26, v6;
	[tilespmem:s0+$0xFFFFFF40] =	vst v18  }
0x32e: {  	v30 =	vmul.f32 v27, v9;
	v17 =	vadd.f32 v17, v7;
	[tilespmem:s0+$0xFFFFFF50] =	vst v19  }
0x32f: {  	v31 =	vmul.f32 v27, v10;
	v21 =	vadd.f32 v29, v0;
	[tilespmem:s0+$0xFFFFFF60] =	vst v28  }
0x330: {  	v32 =	vmul.f32 v27, v11;
	v18 =	vadd.f32 v30, v1;
	[tilespmem:s0+$0xFFFFFF70] =	vst v17  }
0x331: {  	v35 =	vmul.f32 v27, v14;
	v53 =	vbroadcast v16, $0xA;
	v19 =	vadd.f32 v31, v2;
	[tilespmem:s0+$0xFFFFFF80] =	vst v21  }
0x332: {  	v17 =	vmul.f32 v27, v12;
	v20 =	vadd.f32 v32, v3;
	[tilespmem:s0+$0xFFFFFF90] =	vst v18  }
0x333: {  	v60 =	vmul.f32 v53, v13;
	v22 =	vadd.f32 v35, v6;
	[tilespmem:s0+$0xFFFFFFA0] =	vst v19  }
0x334: {  	v33 =	vmul.f32 v27, v13;
	v17 =	vadd.f32 v17, v4;
	[tilespmem:s0+$0xFFFFFFB0] =	vst v20  }
0x335: {  	v36 =	vmul.f32 v27, v15;
	v24 =	vadd.f32 v60, v5;
	[tilespmem:s0+$0xFFFFFFE0] =	vst v22  }
0x336: {  	v21 =	vadd.f32 v33, v5;
	[tilespmem:s0+$0xFFFFFFC0] =	vst v17;
	v17 =	vmul.f32 v34, v9  }
0x337: {  	v37 =	vmul.f32 v34, v8;
	v19 =	vadd.f32 v36, v7;
	[tilespmem:s0+$0x150] =	vst v24  }
0x338: {  	v39 =	vmul.f32 v34, v11;
	[tilespmem:s0+$0xFFFFFFD0] =	vst v21;
	v17 =	vadd.f32 v17, v1  }
0x339: {  	v41 =	vmul.f32 v34, v12;
	v30 =	vbroadcast v16, $0xC;
	v20 =	vadd.f32 v37, v0;
	[tilespmem:s0+$0xFFFFFFF0] =	vst v19  }
0x33a: {  	v22 =	vadd.f32 v39, v3;
	v18 =	vmul.f32 v34, v15;
	[tilespmem:s0+$0x10] =	vst v17;
	v17 =	vbroadcast v16, $0x9  }
0x33b: {  	v38 =	vmul.f32 v30, v14;
	[tilespmem:s0+$0x0] =	vst v20;
	v21 =	vadd.f32 v41, v4  }
0x33c: {  	[tilespmem:s0+$0x30] =	vst v22;
	v18 =	vadd.f32 v18, v7;
	v45 =	vmul.f32 v17, v8  }
0x33d: {  	v40 =	vadd.f32 v38, v6;
	[tilespmem:s0+$0x40] =	vst v21;
	v47 =	vmul.f32 v17, v9  }
0x33e: {  	[tilespmem:s0+$0x70] =	vst v18;
	v49 =	vmul.f32 v17, v10;
	v48 =	vadd.f32 v45, v0  }
0x33f: {  	[tilespmem:s0+$0x260] =	vst v40;
	v50 =	vmul.f32 v17, v11;
	v21 =	vadd.f32 v47, v1  }
0x340: {  	v51 =	vmul.f32 v17, v12;
	v20 =	vadd.f32 v49, v2;
	[tilespmem:s0+$0x80] =	vst v48  }
0x341: {  	v52 =	vmul.f32 v17, v13;
	v22 =	vadd.f32 v50, v3;
	[tilespmem:s0+$0x90] =	vst v21  }
0x342: {  	v54 =	vmul.f32 v17, v14;
	v18 =	vadd.f32 v51, v4;
	[tilespmem:s0+$0xA0] =	vst v20  }
0x343: {  	v17 =	vmul.f32 v17, v15;
	v19 =	vadd.f32 v52, v5;
	[tilespmem:s0+$0xB0] =	vst v22  }
0x344: {  	v56 =	vmul.f32 v53, v8;
	v55 =	vadd.f32 v54, v6;
	[tilespmem:s0+$0xC0] =	vst v18  }
0x345: {  	v57 =	vmul.f32 v53, v9;
	v17 =	vadd.f32 v17, v7;
	[tilespmem:s0+$0xD0] =	vst v19  }
0x346: {  	v58 =	vmul.f32 v53, v10;
	v62 =	vbroadcast v16, $0xB;
	v22 =	vadd.f32 v56, v0;
	[tilespmem:s0+$0xE0] =	vst v55  }
0x347: {  	v59 =	vmul.f32 v53, v11;
	v18 =	vadd.f32 v57, v1;
	[tilespmem:s0+$0xF0] =	vst v17  }
0x348: {  	v27 =	vmul.f32 v62, v10;
	v19 =	vadd.f32 v58, v2;
	[tilespmem:s0+$0x100] =	vst v22  }
0x349: {  	v17 =	vmul.f32 v53, v12;
	v20 =	vadd.f32 v59, v3;
	[tilespmem:s0+$0x110] =	vst v18  }
0x34a: {  	v61 =	vmul.f32 v53, v14;
	v21 =	vadd.f32 v27, v2;
	[tilespmem:s0+$0x120] =	vst v19  }
0x34b: {  	v25 =	vmul.f32 v62, v8;
	v17 =	vadd.f32 v17, v4;
	[tilespmem:s0+$0x130] =	vst v20  }
0x34c: {  	v63 =	vmul.f32 v53, v15;
	v18 =	vadd.f32 v61, v6;
	[tilespmem:s0+$0x1A0] =	vst v21  }
0x34d: {  	v26 =	vmul.f32 v62, v9;
	v20 =	vadd.f32 v25, v0;
	[tilespmem:s0+$0x140] =	vst v17  }
0x34e: {  	v31 =	vmul.f32 v62, v14;
	v17 =	vadd.f32 v63, v7;
	[tilespmem:s0+$0x160] =	vst v18  }
0x34f: {  	v32 =	vmul.f32 v62, v15;
	v19 =	vadd.f32 v26, v1;
	[tilespmem:s0+$0x180] =	vst v20  }
0x350: {  	v22 =	vadd.f32 v31, v6;
	[tilespmem:s0+$0x170] =	vst v17;
	v17 =	vmul.f32 v62, v12  }
0x351: {  	v28 =	vmul.f32 v62, v11;
	v21 =	vadd.f32 v32, v7;
	[tilespmem:s0+$0x190] =	vst v19  }
0x352: {  	v29 =	vmul.f32 v62, v13;
	[tilespmem:s0+$0x1E0] =	vst v22;
	v17 =	vadd.f32 v17, v4  }
0x353: {  	v35 =	vmul.f32 v30, v11;
	v18 =	vadd.f32 v28, v3;
	[tilespmem:s0+$0x1F0] =	vst v21  }
0x354: {  	v20 =	vadd.f32 v29, v5;
	[tilespmem:s0+$0x1C0] =	vst v17;
	v17 =	vmul.f32 v30, v9  }
0x355: {  	v36 =	vmul.f32 v30, v12;
	v22 =	vadd.f32 v35, v3;
	[tilespmem:s0+$0x1B0] =	vst v18  }
0x356: {  	v33 =	vmul.f32 v30, v8;
	[tilespmem:s0+$0x1D0] =	vst v20;
	v17 =	vadd.f32 v17, v1  }
0x357: {  	v34 =	vmul.f32 v30, v10;
	v21 =	vadd.f32 v36, v4;
	[tilespmem:s0+$0x230] =	vst v22  }
0x358: {  	v19 =	vmul.f32 v30, v15;
	v18 =	vadd.f32 v33, v0;
	[tilespmem:s0+$0x210] =	vst v17;
	v17 =	vbroadcast v16, $0xD  }
0x359: {  	v37 =	vmul.f32 v30, v13;
	v20 =	vadd.f32 v34, v2;
	[tilespmem:s0+$0x240] =	vst v21  }
0x35a: {  	v19 =	vadd.f32 v19, v7;
	[tilespmem:s0+$0x200] =	vst v18;
	v39 =	vmul.f32 v17, v8  }
0x35b: {  	[tilespmem:s0+$0x220] =	vst v20;
	v18 =	vadd.f32 v37, v5;
	v41 =	vmul.f32 v17, v9  }
0x35c: {  	[tilespmem:s0+$0x270] =	vst v19;
	v43 =	vmul.f32 v17, v10;
	v42 =	vadd.f32 v39, v0  }
0x35d: {  	[tilespmem:s0+$0x250] =	vst v18;
	v44 =	vmul.f32 v17, v11;
	v21 =	vadd.f32 v41, v1  }
0x35e: {  	v45 =	vmul.f32 v17, v12;
	v20 =	vadd.f32 v43, v2;
	[tilespmem:s0+$0x280] =	vst v42  }
0x35f: {  	v48 =	vbroadcast v16, $0xE;
	v46 =	vmul.f32 v17, v13;
	v22 =	vadd.f32 v44, v3;
	[tilespmem:s0+$0x290] =	vst v21  }
0x360: {  	v16 =	vbroadcast v16, $0xF;
	v47 =	vmul.f32 v17, v14;
	v19 =	vadd.f32 v45, v4;
	[tilespmem:s0+$0x2A0] =	vst v20  }
0x361: {  	v17 =	vmul.f32 v17, v15;
	v18 =	vadd.f32 v46, v5;
	[tilespmem:s0+$0x2B0] =	vst v22  }
0x362: {  	v58 =	vmul.f32 v16, v10;
	v49 =	vadd.f32 v47, v6;
	[tilespmem:s0+$0x2C0] =	vst v19  }
0x363: {  	v62 =	vmul.f32 v16, v13;
	v17 =	vadd.f32 v17, v7;
	[tilespmem:s0+$0x2D0] =	vst v18  }
0x364: {  	v50 =	vmul.f32 v48, v8;
	v60 =	vadd.f32 v58, v2;
	[tilespmem:s0+$0x2E0] =	vst v49  }
0x365: {  	v51 =	vmul.f32 v48, v9;
	v63 =	vadd.f32 v62, v5;
	[tilespmem:s0+$0x2F0] =	vst v17  }
0x366: {  	v52 =	vmul.f32 v48, v10;
	v21 =	vadd.f32 v50, v0;
	[tilespmem:s0+$0x3A0] =	vst v60  }
0x367: {  	v53 =	vmul.f32 v48, v11;
	v19 =	vadd.f32 v51, v1;
	[tilespmem:s0+$0x3D0] =	vst v63  }
0x368: {  	v17 =	vmul.f32 v48, v12;
	v18 =	vadd.f32 v52, v2;
	[tilespmem:s0+$0x300] =	vst v21  }
0x369: {  	v54 =	vmul.f32 v48, v13;
	v20 =	vadd.f32 v53, v3;
	[tilespmem:s0+$0x310] =	vst v19  }
0x36a: {  	v55 =	vmul.f32 v48, v14;
	v17 =	vadd.f32 v17, v4;
	[tilespmem:s0+$0x320] =	vst v18  }
0x36b: {  	v56 =	vmul.f32 v48, v15;
	v21 =	vadd.f32 v54, v5;
	[tilespmem:s0+$0x330] =	vst v20  }
0x36c: {  	v19 =	vadd.f32 v55, v6;
	[tilespmem:s0+$0x340] =	vst v17;
	v17 =	vmul.f32 v16, v9  }
0x36d: {  	v57 =	vmul.f32 v16, v8;
	v18 =	vadd.f32 v56, v7;
	[tilespmem:s0+$0x350] =	vst v21  }
0x36e: {  	v59 =	vmul.f32 v16, v11;
	[tilespmem:s0+$0x360] =	vst v19;
	v17 =	vadd.f32 v17, v1  }
0x36f: {  	v61 =	vmul.f32 v16, v12;
	v20 =	vadd.f32 v57, v0;
	[tilespmem:s0+$0x370] =	vst v18  }
0x370: {  	v19 =	vadd.f32 v59, v3;
	[tilespmem:s0+$0x390] =	vst v17;
	v17 =	vmul.f32 v16, v14  }
0x371: {  	[tilespmem:s0+$0x380] =	vst v20;
	v21 =	vadd.f32 v61, v4;
	v16 =	vmul.f32 v16, v15  }
0x372: {  	[tilespmem:s0+$0x3B0] =	vst v19;
	v17 =	vadd.f32 v17, v6  }
0x373: {  	[tilespmem:s0+$0x3C0] =	vst v21;
	v16 =	vadd.f32 v16, v7  }
.Ltmp4:
0x374: {  	s1 =	sshll.u32 s1, $0x4;
	[tilespmem:s0+$0x3E0] =	vst v17;
	(pc) =	sbr.rel @p1 .LBB2_8-.Ltmp4, $4  }
0x375: {  	s2 =	sadd.s32 s3, s1;
	[tilespmem:s0+$0x3F0] =	vst v16  }
0x376: {  	[hbm4b:s2+s4] =	stream.linear.scatter [tilespmem:s21], [sflag:$0x5], $0x6400, $0x38;
	[tilespmem:$0x19500] =	vst v63  }
0x377: {  	s31 =	sadd.s32 s1, s9  }
0x378: {  	[hbm4b:s31+s4] =	stream.linear.scatter [tilespmem:s22], [sflag:$0x6], $0x6400, $0x38;
	[tilespmem:$0x19500] =	vst v63  }
.Ltmp5:
0x379: {  	(pc) =	sbr.rel .LBB2_2-.Ltmp5, $4  }
0x37a: {  	s0 =	sadd.s32 s30, s12  }
0x37b: {  	s0 =	sshrl.u32 s0, $0x3  }
0x37c: {  	s29 =	sadd.s32 $0x1, s29;
	s0 =	sadd.s32 s6, s0  }
0x37d: {  	[tilespmem:s16], [sflag:$0x2] =	stream.linear.gather [hbm4b:s0+s4], $0x190, $0x38;
	[tilespmem:$0x19500] =	vst v63  }
.LBB2_9:
0x37e: {  	_ =	sfence.sel $0x180000  }
0x37f: {  	[bflag:$0x0] =	sbarrier.arrive $0xFFFF  }
0x380: {  	_ =	strace $0x90000047  }
0x381: {  	s0 =	stileid.u32;
	[bflag:$0x2] =	sbarrier.arrive $0xFFFF  }
0x382: {  	p0 =	sne.s32 s0, $0x0;
	s0 =	rddreg [dreg:$0x3]  }
0x383: {  	s0 =	sadd.s32 @!p0 $0x100000, s0  }
0x384: {  	[sflag:s0] =	ssyncadd.tile.s32 @!p0 $0x1;
	_ =	shalt  }
.Lfunc_end2:
_tile_overlayer_lowered:
.L_overlay_start_2:
0x385: {  	(tag) =	ssettag $0x2  }
0x386: {  	s0 =	rddreg [dreg:$0x0];
	s2 =	stileid.u32  }
0x387: {  	s1 =	rddreg [dreg:$0x1];
	p0 =	sne.s32 s2, $0x0  }
0x388: {  	s3 =	rddreg [dreg:$0x2];
	[bflag:$0x3] =	sbarrier.arrive $0xFFFF;
	s2 =	simm.s32 @!p0 $0x1C07  }
0x389: {  	[timem:s3], [sflag:s2] =	dma.local @!p0 [hbm:s0], s1  }
0x38a: {  	s0 =	simm.s32 @!p0 $0x7  }
0x38b: {  	_ =	swait.ge @!p0 [sflag:s0], s1  }
0x38c: {  	s1 =	ssub.s32 @!p0 $0x0, s1;
	[sflag:s0] =	ssyncset.done @!p0 $0x0  }
0x38d: {  	[sflag:s0] =	ssyncadd.s32 @!p0 s1  }
0x38e: {  	[bflag:$0x3] =	sbarrier.arrive $0xFFFF  }
0x38f: {  	_ =	shalt  }

</sc_bundles>
